<compile_context>
chip_gen: v7x
topology: tpu7x:2x2x1
jax: 0.10.2.dev20260603
libtpu: 0.0.44.dev20260713+nightly
codegen_flags: <defaults>
</compile_context>

<pallas_src>
import functools

import jax
import jax.numpy as jnp
from jax import lax
from jax.experimental import pallas as pl
from jax.experimental.pallas import tpu as pltpu
from jax.experimental.pallas import tpu_sc as plsc

N = 10000
EMB = 256
EXT = 288
NE = 160000
RB = 1000
GRID = N // RB

HALF = EXT // 2
VPR = HALF // 16
NSUB = 16
NPAD = 10240
RPT = NPAD // NSUB
EK = 48
EPT = 10176
NCH = EPT // EK
NE_P = NSUB * EPT

_f32 = jnp.float32


def _dot(a, b):
    return jnp.dot(a, b, preferred_element_type=_f32)



def _embed_body(x_ref, w1_ref, b1_ref, w2_ref, b2_ref, emb_ref):
    h = jnp.maximum(_dot(x_ref[...], w1_ref[...]) + b1_ref[...], 0.0)
    emb_ref[...] = jnp.maximum(_dot(h, w2_ref[...]) + b2_ref[...], 0.0)


def _embed(x, w1, b1, w2, b2):
    full = lambda shape: pl.BlockSpec(shape, lambda i: (0, 0))
    return pl.pallas_call(
        _embed_body,
        grid=(GRID,),
        in_specs=[pl.BlockSpec((RB, EMB), lambda i: (i, 0)),
                  full((EMB, EMB)), full((1, EMB)), full((EMB, EMB)), full((1, EMB))],
        out_specs=pl.BlockSpec((RB, EMB), lambda i: (i, 0)),
        out_shape=jax.ShapeDtypeStruct((N, EMB), _f32),
    )(x, w1, b1.reshape(1, EMB), w2, b2.reshape(1, EMB))


def _tables_body(nt, x_ref, *refs):
    x = x_ref[...]
    for t in range(nt):
        w_ref, b_ref, o_ref = refs[t], refs[nt + t], refs[2 * nt + t]
        o_ref[...] = _dot(x, w_ref[0]) + b_ref[0]


def _split_tables(x, wbs):
    nt = len(wbs)
    ws = [w.reshape(EMB, 2, HALF).transpose(1, 0, 2) for w, _ in wbs]
    bs = [b.reshape(2, 1, HALF) for _, b in wbs]
    full3 = lambda shape: pl.BlockSpec(shape, lambda i, c: (c, 0, 0))
    outs = pl.pallas_call(
        functools.partial(_tables_body, nt),
        grid=(GRID, 2),
        in_specs=([pl.BlockSpec((RB, EMB), lambda i, c: (i, 0))]
                  + [full3((1, EMB, HALF))] * nt + [full3((1, 1, HALF))] * nt),
        out_specs=[pl.BlockSpec((RB, HALF), lambda i, c: (c * GRID + i, 0))] * nt,
        out_shape=[jax.ShapeDtypeStruct((2 * N, HALF), _f32)] * nt,
    )(x, *ws, *bs)
    return list(outs)


def _escal_body(x_ref, wb_ref, o_ref):
    o_ref[...] = jnp.maximum(x_ref[...] * wb_ref[0, 0] + wb_ref[0, 1], 0.0)


def _edge_scalars(ef, ew, eb):
    x = ef.reshape(NE // 128, 128)
    wb = jnp.stack([ew.reshape(()), eb.reshape(())]).reshape(1, 2)
    o = pl.pallas_call(
        _escal_body,
        in_specs=[pl.BlockSpec(x.shape, lambda: (0, 0)),
                  pl.BlockSpec((1, 2), lambda: (0, 0))],
        out_specs=pl.BlockSpec(x.shape, lambda: (0, 0)),
        out_shape=jax.ShapeDtypeStruct(x.shape, _f32),
    )(x, wb)
    return o.reshape(NE)


def _post_body(want_y, s0_ref, s1_ref, r_ref, fw_ref, fb_ref, pw_ref, pb_ref,
               o1a_ref, o1b_ref, o1bias_ref, o2w_ref, o2b_ref,
               zw_ref, zb_ref, *out_refs):
    s0 = s0_ref[0]
    s1 = s1_ref[0]
    fw = fw_ref[...]
    nfb = EMB - HALF
    agg = (_dot(s0, fw[:HALF]) + _dot(s1[:, :nfb], fw[HALF:])
           + s1[:, nfb:nfb + 1] * fb_ref[...])
    post = _dot(jnp.maximum(agg, 0.0), pw_ref[...]) + pb_ref[...]
    h = jnp.maximum(_dot(post, o1a_ref[...]) + _dot(r_ref[...], o1b_ref[...])
                    + o1bias_ref[...], 0.0)
    y = _dot(h, o2w_ref[...]) + o2b_ref[...]
    out_refs[0][...] = jnp.maximum(_dot(y, zw_ref[...]) + zb_ref[...], 0.0)
    if want_y:
        out_refs[1][...] = y


def _post(s_raw, right, p, zw, zb, want_y):
    (lw, lb, ew, rw, fw, fb, pw, pb, o1w, o1b, o2w, o2b) = p
    full = lambda shape: pl.BlockSpec(shape, lambda i: (0, 0))
    in_specs = [pl.BlockSpec((1, RB, HALF), lambda i: (0, i, 0)),
                pl.BlockSpec((1, RB, HALF), lambda i: (1, i, 0)),
                pl.BlockSpec((RB, EMB), lambda i: (i, 0)),
                full((EMB, EMB)), full((1, EMB)),
                full((EMB, EMB)), full((1, EMB)),
                full((EMB, EMB)), full((EMB, EMB)), full((1, EMB)),
                full((EMB, EMB)), full((1, EMB)),
                full((EMB, EMB)), full((1, EMB))]
    nout = 2 if want_y else 1
    outs = pl.pallas_call(
        functools.partial(_post_body, want_y),
        grid=(GRID,), in_specs=in_specs,
        out_specs=[pl.BlockSpec((RB, EMB), lambda i: (i, 0))] * nout,
        out_shape=[jax.ShapeDtypeStruct((N, EMB), _f32)] * nout,
    )(s_raw, s_raw, right,
      fw, fb.reshape(1, EMB), pw, pb.reshape(1, EMB),
      o1w[:EMB], o1w[EMB:], o1b.reshape(1, EMB),
      o2w, o2b.reshape(1, EMB), zw, zb.reshape(1, EMB))
    return outs if want_y else (outs[0],)



def _ext_w(w):
    return jnp.pad(w, ((0, 0), (0, EXT - EMB)))


def _ext_b(b_or_none):
    b = jnp.zeros((EMB,), _f32) if b_or_none is None else b_or_none
    return jnp.concatenate([b, jnp.full((1,), 0.5, _f32),
                            jnp.zeros((EXT - EMB - 1,), _f32)])


def _ext_ew(ew):
    return jnp.concatenate([ew.reshape(EMB), jnp.zeros((EXT - EMB,), _f32)])


def _pad_edges(idx):
    pad = N + (jnp.arange(NE_P - NE, dtype=jnp.int32) % (NPAD - N))
    return jnp.concatenate([idx.astype(jnp.int32), pad])



def _edge_sc_body(a_hbm, b_hbm, src_hbm, dst_hbm, esc_hbm, ew_hbm, out_hbm,
                  ia0, ia1, ib0, ib1, io0, io1, es0, es1,
                  ab0, ab1, bb0, bb1, ewv, s_sp,
                  sa0, sa1, sb0, sb1, si0, si1):
    cid = lax.axis_index("c")
    sid = lax.axis_index("s")
    cofs = cid * N

    pltpu.sync_copy(ew_hbm.at[pl.ds(cid * HALF, HALF)], ewv)

    def zrow(k, c):
        for r in range(VPR):
            ab0[k, pl.ds(r * 16, 16)] = jnp.zeros((16,), _f32)
        return c
    lax.fori_loop(0, EK, zrow, 0)
    rbase = sid * RPT
    for t in range(RPT // EK):
        pltpu.sync_copy(ab0, s_sp.at[pl.ds(rbase + t * EK, EK), :])
    rem = RPT % EK
    if rem:
        pltpu.sync_copy(ab0.at[pl.ds(0, rem), :],
                        s_sp.at[pl.ds(rbase + RPT - rem, rem), :])
    plsc.subcore_barrier()

    ebase = sid * EPT
    slots = ((ia0, ib0, io0, es0, ab0, bb0, sa0, sb0, si0),
             (ia1, ib1, io1, es1, ab1, bb1, sa1, sb1, si1))

    def fire(j, slot):
        ia, ib, io, es, ab, bb, sa, sb, si = slot
        base = ebase + j * EK
        c1 = pltpu.async_copy(src_hbm.at[pl.ds(base, EK)], ia, si)
        c2 = pltpu.async_copy(dst_hbm.at[pl.ds(base, EK)], ib, si)
        c3 = pltpu.async_copy(esc_hbm.at[pl.ds(base, EK), :], es, si)
        c1.wait()
        c2.wait()
        c3.wait()
        for q in range(EK // 16):
            sl = pl.ds(q * 16, 16)
            ia[sl] = jnp.minimum(ia[sl], N - 1) + cofs
            io[sl] = jnp.minimum(ib[sl], N - 1) + cofs
        return (pltpu.async_copy(a_hbm.at[ia], ab, sa),
                pltpu.async_copy(b_hbm.at[io], bb, sb))

    def consume(slot, descs):
        ia, ib, io, es, ab, bb, sa, sb, si = slot
        descs[0].wait()
        descs[1].wait()

        @plsc.parallel_loop(0, EK, 1, unroll=4)
        def edge(k):
            ev = es[k, :]
            for r in range(VPR):
                sl = pl.ds(r * 16, 16)
                ab[k, sl] = jnp.maximum(
                    ab[k, sl] + bb[k, sl] + ev * ewv[sl], 0.0)
        pltpu.sync_copy(ab, s_sp.at[ib], add=True)

    def pair(jj, c):
        j0 = 2 * jj
        d0 = fire(j0, slots[0])
        d1 = fire(j0 + 1, slots[1])
        consume(slots[0], d0)
        consume(slots[1], d1)
        return c
    lax.fori_loop(0, NCH // 2, pair, 0)

    plsc.subcore_barrier()
    pltpu.sync_copy(s_sp.at[pl.ds(rbase, RPT), :],
                    out_hbm.at[cid, pl.ds(rbase, RPT), :])


def _edge_stage(a_tab, b_tab, src_p, dst_p, esc_p, ew_ext):
    fn = pl.kernel(
        _edge_sc_body,
        out_type=jax.ShapeDtypeStruct((2, NPAD, HALF), _f32),
        mesh=plsc.VectorSubcoreMesh(core_axis_name="c", subcore_axis_name="s",
                                    num_cores=2, num_subcores=NSUB),
        scratch_types=(
            [pltpu.VMEM((EK,), jnp.int32)] * 6
            + [pltpu.VMEM((EK, 16), _f32)] * 2
            + [pltpu.VMEM((EK, HALF), _f32)] * 4
            + [pltpu.VMEM((HALF,), _f32),
               pltpu.VMEM_SHARED((NPAD, HALF), _f32)]
            + [pltpu.SemaphoreType.DMA] * 6
        ),
        compiler_params=pltpu.CompilerParams(use_tc_tiling_on_sc=False),
    )
    return fn(a_tab, b_tab, src_p, dst_p, esc_p, ew_ext)



def kernel(constraint_features, edge_indices, edge_features, variable_features,
           ce, ee, ve, vc, cv, ov, oc):
    (vc_lw, vc_lb, vc_ew, vc_rw, vc_fw, vc_fb, vc_pw, vc_pb,
     vc_o1w, vc_o1b, vc_o2w, vc_o2b) = vc
    (cv_lw, cv_lb, cv_ew, cv_rw, cv_fw, cv_fb, cv_pw, cv_pb,
     cv_o1w, cv_o1b, cv_o2w, cv_o2b) = cv

    src_c = _pad_edges(edge_indices[0])
    src_v = _pad_edges(edge_indices[1])

    c1 = _embed(constraint_features, ce[0], ce[1], ce[2], ce[3])
    v1 = _embed(variable_features, ve[0], ve[1], ve[2], ve[3])
    (tb1,) = _split_tables(c1, [(_ext_w(vc_rw), _ext_b(None))])
    ta1, tb2 = _split_tables(v1, [(_ext_w(vc_lw), _ext_b(vc_lb)),
                                  (_ext_w(cv_rw), _ext_b(None))])
    esc = _edge_scalars(edge_features, ee[0], ee[1])
    esc_p = jnp.broadcast_to(
        jnp.concatenate([esc, jnp.zeros((NE_P - NE,), _f32)])[:, None],
        (NE_P, 16))

    s1 = _edge_stage(ta1, tb1, src_v, src_c, esc_p, _ext_ew(vc_ew))
    z_c, c2 = _post(s1, c1, vc, oc[0], oc[1], want_y=True)
    (ta2,) = _split_tables(c2, [(_ext_w(cv_lw), _ext_b(cv_lb))])

    s2 = _edge_stage(ta2, tb2, src_c, src_v, esc_p, _ext_ew(cv_ew))
    (z_v,) = _post(s2, v1, cv, ov[0], ov[1], want_y=False)

    return (z_v, z_c)

# --- scband reference (transcript-rebuilt; emitter-appended) ---
"""Pipeline reference for scband-gnnpolicy-60610578481388 (READ-ONLY COPY).

The authoritative reference and input builder live on the scoring server;
editing this copy changes nothing except your own understanding.
"""

import jax, jax.numpy as jnp
import numpy as np

EMB = 256
NC = 10000
NV = 10000
NE = 160000

def _lin(key, i, o, bias=True):
    k1, k2 = jax.random.split(key)
    W = jax.random.normal(k1, (i, o), jnp.float32) / np.sqrt(i)
    if bias:
        b = jax.random.normal(k2, (o,), jnp.float32) * 0.01
        return (W, b)
    return (W,)

def _conv_params(key):
    kk = jax.random.split(key, 7)
    return (_lin(kk[0], EMB, EMB)
            + _lin(kk[1], 1, EMB, bias=False)
            + _lin(kk[2], EMB, EMB, bias=False)
            + _lin(kk[3], EMB, EMB)
            + _lin(kk[4], EMB, EMB)
            + _lin(kk[5], 2 * EMB, EMB)
            + _lin(kk[6], EMB, EMB))

def setup_inputs(seed: int = 0):
    key = jax.random.key(seed)
    ks = jax.random.split(key, 16)
    constraint_features = jax.random.normal(ks[0], (NC, EMB), jnp.float32)
    variable_features = jax.random.normal(ks[1], (NV, EMB), jnp.float32)
    edge_indices = jax.random.randint(ks[2], (2, NE), 0, NC)
    edge_features = jax.random.normal(ks[3], (NE, 1), jnp.float32)
    ce = _lin(ks[4], EMB, EMB) + _lin(ks[5], EMB, EMB)
    ee = _lin(ks[6], 1, 1)
    ve = _lin(ks[7], EMB, EMB) + _lin(ks[8], EMB, EMB)
    vc = _conv_params(ks[9])
    cv = _conv_params(ks[10])
    ov = _lin(ks[11], EMB, EMB)
    oc = _lin(ks[12], EMB, EMB)
    return {"constraint_features": constraint_features, "edge_indices": edge_indices,
            "edge_features": edge_features, "variable_features": variable_features,
            "ce": ce, "ee": ee, "ve": ve, "vc": vc, "cv": cv, "ov": ov, "oc": oc}

def _bipartite_conv(left, left_idx, right_idx, ef, right, p):
    lw, lb, ew, rw, fw, fb, pw, pb, o1w, o1b, o2w, o2b = p
    msg = jax.nn.relu(left[left_idx] @ lw + lb + ef @ ew + right[right_idx] @ rw) @ fw + fb
    agg = jnp.zeros((right.shape[0], msg.shape[1]), msg.dtype).at[right_idx].add(msg)
    post = jax.nn.relu(agg) @ pw + pb
    h = jax.nn.relu(jnp.concatenate([post, right], axis=-1) @ o1w + o1b)
    return h @ o2w + o2b

def reference(constraint_features, edge_indices, edge_features, variable_features, ce, ee, ve, vc, cv, ov, oc):
    c = jax.nn.relu(jax.nn.relu(constraint_features @ ce[0] + ce[1]) @ ce[2] + ce[3])
    e = jax.nn.relu(edge_features @ ee[0] + ee[1])
    v = jax.nn.relu(jax.nn.relu(variable_features @ ve[0] + ve[1]) @ ve[2] + ve[3])
    c = _bipartite_conv(v, edge_indices[1], edge_indices[0], e, c, vc)
    v = _bipartite_conv(c, edge_indices[0], edge_indices[1], e, v, cv)
    return (jax.nn.relu(v @ ov[0] + ov[1]), jax.nn.relu(c @ oc[0] + oc[1]))

if __name__ == "__main__":
    import jax
    _d = setup_inputs()
    print(jax.jit(kernel)(*tuple(_d.values())))

</pallas_src>

<mosaic_0001>
#map = affine_map<(d0, d1) -> (0, 0)>
#map1 = affine_map<(d0, d1) -> (0)>
#map2 = affine_map<(d0, d1) -> (0, 0, 0)>
module attributes {stable_mosaic.version = 14 : i64} {
  func.func @_edge_sc_body(%arg0: i32, %arg1: i32, %arg2: memref<20000x144xf32, #tpu.memory_space<hbm>>, %arg3: memref<20000x144xf32, #tpu.memory_space<hbm>>, %arg4: memref<162816xi32, #tpu.memory_space<hbm>>, %arg5: memref<162816xi32, #tpu.memory_space<hbm>>, %arg6: memref<162816x16xf32, #tpu.memory_space<hbm>>, %arg7: memref<288xf32, #tpu.memory_space<hbm>>, %arg8: memref<2x10240x144xf32, #tpu.memory_space<hbm>>, %arg9: memref<48xi32, #tpu.memory_space<vmem>>, %arg10: memref<48xi32, #tpu.memory_space<vmem>>, %arg11: memref<48xi32, #tpu.memory_space<vmem>>, %arg12: memref<48xi32, #tpu.memory_space<vmem>>, %arg13: memref<48xi32, #tpu.memory_space<vmem>>, %arg14: memref<48xi32, #tpu.memory_space<vmem>>, %arg15: memref<48x16xf32, #tpu.memory_space<vmem>>, %arg16: memref<48x16xf32, #tpu.memory_space<vmem>>, %arg17: memref<48x144xf32, #tpu.memory_space<vmem>>, %arg18: memref<48x144xf32, #tpu.memory_space<vmem>>, %arg19: memref<48x144xf32, #tpu.memory_space<vmem>>, %arg20: memref<48x144xf32, #tpu.memory_space<vmem>>, %arg21: memref<144xf32, #tpu.memory_space<vmem>>, %arg22: memref<10240x144xf32, #tpu.memory_space<vmem_shared>>, %arg23: memref<!tpu.dma_semaphore, #tpu.memory_space<semaphore_mem>>, %arg24: memref<!tpu.dma_semaphore, #tpu.memory_space<semaphore_mem>>, %arg25: memref<!tpu.dma_semaphore, #tpu.memory_space<semaphore_mem>>, %arg26: memref<!tpu.dma_semaphore, #tpu.memory_space<semaphore_mem>>, %arg27: memref<!tpu.dma_semaphore, #tpu.memory_space<semaphore_mem>>, %arg28: memref<!tpu.dma_semaphore, #tpu.memory_space<semaphore_mem>>) attributes {dimension_semantics = [#tpu.dimension_semantics<core_parallel>, #tpu.dimension_semantics<subcore_parallel>], iteration_bounds = array<i64: 2, 16>, scalar_prefetch = 0 : i64, scratch_operands = 20 : i64, tpu.core_type = #tpu.core_type<sc_vector_subcore>, window_params = [{transform_indices = #map}, {transform_indices = #map}, {transform_indices = #map1}, {transform_indices = #map1}, {transform_indices = #map}, {transform_indices = #map1}, {transform_indices = #map2}]} {
    %mul3A = arith.constant 10000 : i32
    %mul3A_0 = arith.muli %arg0, %mul3A : i32
    %mul3A_1 = arith.constant 144 : i32
    %mul3A_2 = arith.muli %arg0, %mul3A_1 : i32
    "tpu.region"() ({
      %run_scoped3A = tpu.sem_alloc : memref<!tpu.dma_semaphore, #tpu.memory_space<semaphore_mem>>
      %dma_start3A = tpu.memref_slice %arg7[%mul3A_2] : memref<288xf32, #tpu.memory_space<hbm>> -> memref<144xf32, #tpu.memory_space<hbm>>
      %dma_start3A_47 = tpu.memref_slice %arg7[%mul3A_2] : memref<288xf32, #tpu.memory_space<hbm>> -> memref<144xf32, #tpu.memory_space<hbm>>
      tpu.enqueue_dma source(%dma_start3A_47 : memref<144xf32, #tpu.memory_space<hbm>>) target(%arg21 : memref<144xf32, #tpu.memory_space<vmem>>) target_semaphore(%run_scoped3A : memref<!tpu.dma_semaphore, #tpu.memory_space<semaphore_mem>>)
      %dma_wait3A = tpu.memref_slice %arg7[%mul3A_2] : memref<288xf32, #tpu.memory_space<hbm>> -> memref<144xf32, #tpu.memory_space<hbm>>
      %dma_wait3A_48 = tpu.memref_slice %arg7[%mul3A_2] : memref<288xf32, #tpu.memory_space<hbm>> -> memref<144xf32, #tpu.memory_space<hbm>>
      tpu.wait_dma2 semaphore(%run_scoped3A : memref<!tpu.dma_semaphore, #tpu.memory_space<semaphore_mem>>) src(%dma_wait3A_48 : memref<144xf32, #tpu.memory_space<hbm>>) dst(%arg21 : memref<144xf32, #tpu.memory_space<vmem>>)
      tpu.yield
    }) : () -> ()
    %scan3A = arith.constant 0 : i32
    %scan3A_3 = arith.constant 0 : i32
    %scan3A_4 = arith.constant 48 : i32
    %scan3A_5 = arith.addi %scan3A_3, %scan3A_4 : i32
    %scan3A_6 = arith.constant 1 : i32
    scf.for %scan3A_47 = %scan3A_3 to %scan3A_5 step %scan3A_6  : i32 {
      %broadcast_in_dim3A = arith.constant 0.000000e+00 : f32
      %broadcast_in_dim3A_48 = vector.broadcast %broadcast_in_dim3A : f32 to vector<16xf32>
      %swap3A = arith.index_cast %scan3A_47 : i32 to index
      %swap3A_49 = arith.constant 0 : index
      %swap3A_50 = tpu.vector_load %arg17[%swap3A, %swap3A_49] {strides = array<i32>} : memref<48x144xf32, #tpu.memory_space<vmem>>, vector<1x16xf32>,
      %swap3A_51 = vector.shape_cast %swap3A_50 : vector<1x16xf32> to vector<16xf32>
      %swap3A_52 = vector.shape_cast %broadcast_in_dim3A_48 : vector<16xf32> to vector<1x16xf32>
      tpu.vector_store %arg17[%swap3A, %swap3A_49], %swap3A_52 {strides = array<i32>} : memref<48x144xf32, #tpu.memory_space<vmem>>, vector<1x16xf32>,
      %broadcast_in_dim3A_53 = arith.constant 0.000000e+00 : f32
      %broadcast_in_dim3A_54 = vector.broadcast %broadcast_in_dim3A_53 : f32 to vector<16xf32>
      %swap3A_55 = arith.index_cast %scan3A_47 : i32 to index
      %swap3A_56 = arith.constant 16 : index
      %swap3A_57 = tpu.vector_load %arg17[%swap3A_55, %swap3A_56] {strides = array<i32>} : memref<48x144xf32, #tpu.memory_space<vmem>>, vector<1x16xf32>,
      %swap3A_58 = vector.shape_cast %swap3A_57 : vector<1x16xf32> to vector<16xf32>
      %swap3A_59 = vector.shape_cast %broadcast_in_dim3A_54 : vector<16xf32> to vector<1x16xf32>
      tpu.vector_store %arg17[%swap3A_55, %swap3A_56], %swap3A_59 {strides = array<i32>} : memref<48x144xf32, #tpu.memory_space<vmem>>, vector<1x16xf32>,
      %broadcast_in_dim3A_60 = arith.constant 0.000000e+00 : f32
      %broadcast_in_dim3A_61 = vector.broadcast %broadcast_in_dim3A_60 : f32 to vector<16xf32>
      %swap3A_62 = arith.index_cast %scan3A_47 : i32 to index
      %swap3A_63 = arith.constant 32 : index
      %swap3A_64 = tpu.vector_load %arg17[%swap3A_62, %swap3A_63] {strides = array<i32>} : memref<48x144xf32, #tpu.memory_space<vmem>>, vector<1x16xf32>,
      %swap3A_65 = vector.shape_cast %swap3A_64 : vector<1x16xf32> to vector<16xf32>
      %swap3A_66 = vector.shape_cast %broadcast_in_dim3A_61 : vector<16xf32> to vector<1x16xf32>
      tpu.vector_store %arg17[%swap3A_62, %swap3A_63], %swap3A_66 {strides = array<i32>} : memref<48x144xf32, #tpu.memory_space<vmem>>, vector<1x16xf32>,
      %broadcast_in_dim3A_67 = arith.constant 0.000000e+00 : f32
      %broadcast_in_dim3A_68 = vector.broadcast %broadcast_in_dim3A_67 : f32 to vector<16xf32>
      %swap3A_69 = arith.index_cast %scan3A_47 : i32 to index
      %swap3A_70 = arith.constant 48 : index
      %swap3A_71 = tpu.vector_load %arg17[%swap3A_69, %swap3A_70] {strides = array<i32>} : memref<48x144xf32, #tpu.memory_space<vmem>>, vector<1x16xf32>,
      %swap3A_72 = vector.shape_cast %swap3A_71 : vector<1x16xf32> to vector<16xf32>
      %swap3A_73 = vector.shape_cast %broadcast_in_dim3A_68 : vector<16xf32> to vector<1x16xf32>
      tpu.vector_store %arg17[%swap3A_69, %swap3A_70], %swap3A_73 {strides = array<i32>} : memref<48x144xf32, #tpu.memory_space<vmem>>, vector<1x16xf32>,
      %broadcast_in_dim3A_74 = arith.constant 0.000000e+00 : f32
      %broadcast_in_dim3A_75 = vector.broadcast %broadcast_in_dim3A_74 : f32 to vector<16xf32>
      %swap3A_76 = arith.index_cast %scan3A_47 : i32 to index
      %swap3A_77 = arith.constant 64 : index
      %swap3A_78 = tpu.vector_load %arg17[%swap3A_76, %swap3A_77] {strides = array<i32>} : memref<48x144xf32, #tpu.memory_space<vmem>>, vector<1x16xf32>,
      %swap3A_79 = vector.shape_cast %swap3A_78 : vector<1x16xf32> to vector<16xf32>
      %swap3A_80 = vector.shape_cast %broadcast_in_dim3A_75 : vector<16xf32> to vector<1x16xf32>
      tpu.vector_store %arg17[%swap3A_76, %swap3A_77], %swap3A_80 {strides = array<i32>} : memref<48x144xf32, #tpu.memory_space<vmem>>, vector<1x16xf32>,
      %broadcast_in_dim3A_81 = arith.constant 0.000000e+00 : f32
      %broadcast_in_dim3A_82 = vector.broadcast %broadcast_in_dim3A_81 : f32 to vector<16xf32>
      %swap3A_83 = arith.index_cast %scan3A_47 : i32 to index
      %swap3A_84 = arith.constant 80 : index
      %swap3A_85 = tpu.vector_load %arg17[%swap3A_83, %swap3A_84] {strides = array<i32>} : memref<48x144xf32, #tpu.memory_space<vmem>>, vector<1x16xf32>,
      %swap3A_86 = vector.shape_cast %swap3A_85 : vector<1x16xf32> to vector<16xf32>
      %swap3A_87 = vector.shape_cast %broadcast_in_dim3A_82 : vector<16xf32> to vector<1x16xf32>
      tpu.vector_store %arg17[%swap3A_83, %swap3A_84], %swap3A_87 {strides = array<i32>} : memref<48x144xf32, #tpu.memory_space<vmem>>, vector<1x16xf32>,
      %broadcast_in_dim3A_88 = arith.constant 0.000000e+00 : f32
      %broadcast_in_dim3A_89 = vector.broadcast %broadcast_in_dim3A_88 : f32 to vector<16xf32>
      %swap3A_90 = arith.index_cast %scan3A_47 : i32 to index
      %swap3A_91 = arith.constant 96 : index
      %swap3A_92 = tpu.vector_load %arg17[%swap3A_90, %swap3A_91] {strides = array<i32>} : memref<48x144xf32, #tpu.memory_space<vmem>>, vector<1x16xf32>,
      %swap3A_93 = vector.shape_cast %swap3A_92 : vector<1x16xf32> to vector<16xf32>
      %swap3A_94 = vector.shape_cast %broadcast_in_dim3A_89 : vector<16xf32> to vector<1x16xf32>
      tpu.vector_store %arg17[%swap3A_90, %swap3A_91], %swap3A_94 {strides = array<i32>} : memref<48x144xf32, #tpu.memory_space<vmem>>, vector<1x16xf32>,
      %broadcast_in_dim3A_95 = arith.constant 0.000000e+00 : f32
      %broadcast_in_dim3A_96 = vector.broadcast %broadcast_in_dim3A_95 : f32 to vector<16xf32>
      %swap3A_97 = arith.index_cast %scan3A_47 : i32 to index
      %swap3A_98 = arith.constant 112 : index
      %swap3A_99 = tpu.vector_load %arg17[%swap3A_97, %swap3A_98] {strides = array<i32>} : memref<48x144xf32, #tpu.memory_space<vmem>>, vector<1x16xf32>,
      %swap3A_100 = vector.shape_cast %swap3A_99 : vector<1x16xf32> to vector<16xf32>
      %swap3A_101 = vector.shape_cast %broadcast_in_dim3A_96 : vector<16xf32> to vector<1x16xf32>
      tpu.vector_store %arg17[%swap3A_97, %swap3A_98], %swap3A_101 {strides = array<i32>} : memref<48x144xf32, #tpu.memory_space<vmem>>, vector<1x16xf32>,
      %broadcast_in_dim3A_102 = arith.constant 0.000000e+00 : f32
      %broadcast_in_dim3A_103 = vector.broadcast %broadcast_in_dim3A_102 : f32 to vector<16xf32>
      %swap3A_104 = arith.index_cast %scan3A_47 : i32 to index
      %swap3A_105 = arith.constant 128 : index
      %swap3A_106 = tpu.vector_load %arg17[%swap3A_104, %swap3A_105] {strides = array<i32>} : memref<48x144xf32, #tpu.memory_space<vmem>>, vector<1x16xf32>,
      %swap3A_107 = vector.shape_cast %swap3A_106 : vector<1x16xf32> to vector<16xf32>
      %swap3A_108 = vector.shape_cast %broadcast_in_dim3A_103 : vector<16xf32> to vector<1x16xf32>
      tpu.vector_store %arg17[%swap3A_104, %swap3A_105], %swap3A_108 {strides = array<i32>} : memref<48x144xf32, #tpu.memory_space<vmem>>, vector<1x16xf32>,
    }
    %scan3A_7 = arith.constant 48 : i32
    %mul3A_8 = arith.constant 640 : i32
    %mul3A_9 = arith.muli %arg1, %mul3A_8 : i32
    %add3A = arith.constant 0 : i32
    %add3A_10 = arith.addi %mul3A_9, %add3A : i32
    "tpu.region"() ({
      %run_scoped3A = tpu.sem_alloc : memref<!tpu.dma_semaphore, #tpu.memory_space<semaphore_mem>>
      %dma_start3A = arith.constant 0 : i32
      %dma_start3A_47 = tpu.memref_slice %arg22[%add3A_10, %dma_start3A] : memref<10240x144xf32, #tpu.memory_space<vmem_shared>> -> memref<48x144xf32, #tpu.memory_space<vmem_shared>>
      %dma_start3A_48 = arith.constant 0 : i32
      %dma_start3A_49 = tpu.memref_slice %arg22[%add3A_10, %dma_start3A_48] : memref<10240x144xf32, #tpu.memory_space<vmem_shared>> -> memref<48x144xf32, #tpu.memory_space<vmem_shared>>
      tpu.enqueue_dma source(%arg17 : memref<48x144xf32, #tpu.memory_space<vmem>>) target(%dma_start3A_49 : memref<48x144xf32, #tpu.memory_space<vmem_shared>>) target_semaphore(%run_scoped3A : memref<!tpu.dma_semaphore, #tpu.memory_space<semaphore_mem>>)
      %dma_wait3A = arith.constant 0 : i32
      %dma_wait3A_50 = tpu.memref_slice %arg22[%add3A_10, %dma_wait3A] : memref<10240x144xf32, #tpu.memory_space<vmem_shared>> -> memref<48x144xf32, #tpu.memory_space<vmem_shared>>
      %dma_wait3A_51 = arith.constant 0 : i32
      %dma_wait3A_52 = tpu.memref_slice %arg22[%add3A_10, %dma_wait3A_51] : memref<10240x144xf32, #tpu.memory_space<vmem_shared>> -> memref<48x144xf32, #tpu.memory_space<vmem_shared>>
      tpu.wait_dma2 semaphore(%run_scoped3A : memref<!tpu.dma_semaphore, #tpu.memory_space<semaphore_mem>>) src(%arg17 : memref<48x144xf32, #tpu.memory_space<vmem>>) dst(%dma_wait3A_52 : memref<48x144xf32, #tpu.memory_space<vmem_shared>>)
      tpu.yield
    }) : () -> ()
    %add3A_11 = arith.constant 48 : i32
    %add3A_12 = arith.addi %mul3A_9, %add3A_11 : i32
    "tpu.region"() ({
      %run_scoped3A = tpu.sem_alloc : memref<!tpu.dma_semaphore, #tpu.memory_space<semaphore_mem>>
      %dma_start3A = arith.constant 0 : i32
      %dma_start3A_47 = tpu.memref_slice %arg22[%add3A_12, %dma_start3A] : memref<10240x144xf32, #tpu.memory_space<vmem_shared>> -> memref<48x144xf32, #tpu.memory_space<vmem_shared>>
      %dma_start3A_48 = arith.constant 0 : i32
      %dma_start3A_49 = tpu.memref_slice %arg22[%add3A_12, %dma_start3A_48] : memref<10240x144xf32, #tpu.memory_space<vmem_shared>> -> memref<48x144xf32, #tpu.memory_space<vmem_shared>>
      tpu.enqueue_dma source(%arg17 : memref<48x144xf32, #tpu.memory_space<vmem>>) target(%dma_start3A_49 : memref<48x144xf32, #tpu.memory_space<vmem_shared>>) target_semaphore(%run_scoped3A : memref<!tpu.dma_semaphore, #tpu.memory_space<semaphore_mem>>)
      %dma_wait3A = arith.constant 0 : i32
      %dma_wait3A_50 = tpu.memref_slice %arg22[%add3A_12, %dma_wait3A] : memref<10240x144xf32, #tpu.memory_space<vmem_shared>> -> memref<48x144xf32, #tpu.memory_space<vmem_shared>>
      %dma_wait3A_51 = arith.constant 0 : i32
      %dma_wait3A_52 = tpu.memref_slice %arg22[%add3A_12, %dma_wait3A_51] : memref<10240x144xf32, #tpu.memory_space<vmem_shared>> -> memref<48x144xf32, #tpu.memory_space<vmem_shared>>
      tpu.wait_dma2 semaphore(%run_scoped3A : memref<!tpu.dma_semaphore, #tpu.memory_space<semaphore_mem>>) src(%arg17 : memref<48x144xf32, #tpu.memory_space<vmem>>) dst(%dma_wait3A_52 : memref<48x144xf32, #tpu.memory_space<vmem_shared>>)
      tpu.yield
    }) : () -> ()
    %add3A_13 = arith.constant 96 : i32
    %add3A_14 = arith.addi %mul3A_9, %add3A_13 : i32
    "tpu.region"() ({
      %run_scoped3A = tpu.sem_alloc : memref<!tpu.dma_semaphore, #tpu.memory_space<semaphore_mem>>
      %dma_start3A = arith.constant 0 : i32
      %dma_start3A_47 = tpu.memref_slice %arg22[%add3A_14, %dma_start3A] : memref<10240x144xf32, #tpu.memory_space<vmem_shared>> -> memref<48x144xf32, #tpu.memory_space<vmem_shared>>
      %dma_start3A_48 = arith.constant 0 : i32
      %dma_start3A_49 = tpu.memref_slice %arg22[%add3A_14, %dma_start3A_48] : memref<10240x144xf32, #tpu.memory_space<vmem_shared>> -> memref<48x144xf32, #tpu.memory_space<vmem_shared>>
      tpu.enqueue_dma source(%arg17 : memref<48x144xf32, #tpu.memory_space<vmem>>) target(%dma_start3A_49 : memref<48x144xf32, #tpu.memory_space<vmem_shared>>) target_semaphore(%run_scoped3A : memref<!tpu.dma_semaphore, #tpu.memory_space<semaphore_mem>>)
      %dma_wait3A = arith.constant 0 : i32
      %dma_wait3A_50 = tpu.memref_slice %arg22[%add3A_14, %dma_wait3A] : memref<10240x144xf32, #tpu.memory_space<vmem_shared>> -> memref<48x144xf32, #tpu.memory_space<vmem_shared>>
      %dma_wait3A_51 = arith.constant 0 : i32
      %dma_wait3A_52 = tpu.memref_slice %arg22[%add3A_14, %dma_wait3A_51] : memref<10240x144xf32, #tpu.memory_space<vmem_shared>> -> memref<48x144xf32, #tpu.memory_space<vmem_shared>>
      tpu.wait_dma2 semaphore(%run_scoped3A : memref<!tpu.dma_semaphore, #tpu.memory_space<semaphore_mem>>) src(%arg17 : memref<48x144xf32, #tpu.memory_space<vmem>>) dst(%dma_wait3A_52 : memref<48x144xf32, #tpu.memory_space<vmem_shared>>)
      tpu.yield
    }) : () -> ()
    %add3A_15 = arith.constant 144 : i32
    %add3A_16 = arith.addi %mul3A_9, %add3A_15 : i32
    "tpu.region"() ({
      %run_scoped3A = tpu.sem_alloc : memref<!tpu.dma_semaphore, #tpu.memory_space<semaphore_mem>>
      %dma_start3A = arith.constant 0 : i32
      %dma_start3A_47 = tpu.memref_slice %arg22[%add3A_16, %dma_start3A] : memref<10240x144xf32, #tpu.memory_space<vmem_shared>> -> memref<48x144xf32, #tpu.memory_space<vmem_shared>>
      %dma_start3A_48 = arith.constant 0 : i32
      %dma_start3A_49 = tpu.memref_slice %arg22[%add3A_16, %dma_start3A_48] : memref<10240x144xf32, #tpu.memory_space<vmem_shared>> -> memref<48x144xf32, #tpu.memory_space<vmem_shared>>
      tpu.enqueue_dma source(%arg17 : memref<48x144xf32, #tpu.memory_space<vmem>>) target(%dma_start3A_49 : memref<48x144xf32, #tpu.memory_space<vmem_shared>>) target_semaphore(%run_scoped3A : memref<!tpu.dma_semaphore, #tpu.memory_space<semaphore_mem>>)
      %dma_wait3A = arith.constant 0 : i32
      %dma_wait3A_50 = tpu.memref_slice %arg22[%add3A_16, %dma_wait3A] : memref<10240x144xf32, #tpu.memory_space<vmem_shared>> -> memref<48x144xf32, #tpu.memory_space<vmem_shared>>
      %dma_wait3A_51 = arith.constant 0 : i32
      %dma_wait3A_52 = tpu.memref_slice %arg22[%add3A_16, %dma_wait3A_51] : memref<10240x144xf32, #tpu.memory_space<vmem_shared>> -> memref<48x144xf32, #tpu.memory_space<vmem_shared>>
      tpu.wait_dma2 semaphore(%run_scoped3A : memref<!tpu.dma_semaphore, #tpu.memory_space<semaphore_mem>>) src(%arg17 : memref<48x144xf32, #tpu.memory_space<vmem>>) dst(%dma_wait3A_52 : memref<48x144xf32, #tpu.memory_space<vmem_shared>>)
      tpu.yield
    }) : () -> ()
    %add3A_17 = arith.constant 192 : i32
    %add3A_18 = arith.addi %mul3A_9, %add3A_17 : i32
    "tpu.region"() ({
      %run_scoped3A = tpu.sem_alloc : memref<!tpu.dma_semaphore, #tpu.memory_space<semaphore_mem>>
      %dma_start3A = arith.constant 0 : i32
      %dma_start3A_47 = tpu.memref_slice %arg22[%add3A_18, %dma_start3A] : memref<10240x144xf32, #tpu.memory_space<vmem_shared>> -> memref<48x144xf32, #tpu.memory_space<vmem_shared>>
      %dma_start3A_48 = arith.constant 0 : i32
      %dma_start3A_49 = tpu.memref_slice %arg22[%add3A_18, %dma_start3A_48] : memref<10240x144xf32, #tpu.memory_space<vmem_shared>> -> memref<48x144xf32, #tpu.memory_space<vmem_shared>>
      tpu.enqueue_dma source(%arg17 : memref<48x144xf32, #tpu.memory_space<vmem>>) target(%dma_start3A_49 : memref<48x144xf32, #tpu.memory_space<vmem_shared>>) target_semaphore(%run_scoped3A : memref<!tpu.dma_semaphore, #tpu.memory_space<semaphore_mem>>)
      %dma_wait3A = arith.constant 0 : i32
      %dma_wait3A_50 = tpu.memref_slice %arg22[%add3A_18, %dma_wait3A] : memref<10240x144xf32, #tpu.memory_space<vmem_shared>> -> memref<48x144xf32, #tpu.memory_space<vmem_shared>>
      %dma_wait3A_51 = arith.constant 0 : i32
      %dma_wait3A_52 = tpu.memref_slice %arg22[%add3A_18, %dma_wait3A_51] : memref<10240x144xf32, #tpu.memory_space<vmem_shared>> -> memref<48x144xf32, #tpu.memory_space<vmem_shared>>
      tpu.wait_dma2 semaphore(%run_scoped3A : memref<!tpu.dma_semaphore, #tpu.memory_space<semaphore_mem>>) src(%arg17 : memref<48x144xf32, #tpu.memory_space<vmem>>) dst(%dma_wait3A_52 : memref<48x144xf32, #tpu.memory_space<vmem_shared>>)
      tpu.yield
    }) : () -> ()
    %add3A_19 = arith.constant 240 : i32
    %add3A_20 = arith.addi %mul3A_9, %add3A_19 : i32
    "tpu.region"() ({
      %run_scoped3A = tpu.sem_alloc : memref<!tpu.dma_semaphore, #tpu.memory_space<semaphore_mem>>
      %dma_start3A = arith.constant 0 : i32
      %dma_start3A_47 = tpu.memref_slice %arg22[%add3A_20, %dma_start3A] : memref<10240x144xf32, #tpu.memory_space<vmem_shared>> -> memref<48x144xf32, #tpu.memory_space<vmem_shared>>
      %dma_start3A_48 = arith.constant 0 : i32
      %dma_start3A_49 = tpu.memref_slice %arg22[%add3A_20, %dma_start3A_48] : memref<10240x144xf32, #tpu.memory_space<vmem_shared>> -> memref<48x144xf32, #tpu.memory_space<vmem_shared>>
      tpu.enqueue_dma source(%arg17 : memref<48x144xf32, #tpu.memory_space<vmem>>) target(%dma_start3A_49 : memref<48x144xf32, #tpu.memory_space<vmem_shared>>) target_semaphore(%run_scoped3A : memref<!tpu.dma_semaphore, #tpu.memory_space<semaphore_mem>>)
      %dma_wait3A = arith.constant 0 : i32
      %dma_wait3A_50 = tpu.memref_slice %arg22[%add3A_20, %dma_wait3A] : memref<10240x144xf32, #tpu.memory_space<vmem_shared>> -> memref<48x144xf32, #tpu.memory_space<vmem_shared>>
      %dma_wait3A_51 = arith.constant 0 : i32
      %dma_wait3A_52 = tpu.memref_slice %arg22[%add3A_20, %dma_wait3A_51] : memref<10240x144xf32, #tpu.memory_space<vmem_shared>> -> memref<48x144xf32, #tpu.memory_space<vmem_shared>>
      tpu.wait_dma2 semaphore(%run_scoped3A : memref<!tpu.dma_semaphore, #tpu.memory_space<semaphore_mem>>) src(%arg17 : memref<48x144xf32, #tpu.memory_space<vmem>>) dst(%dma_wait3A_52 : memref<48x144xf32, #tpu.memory_space<vmem_shared>>)
      tpu.yield
    }) : () -> ()
    %add3A_21 = arith.constant 288 : i32
    %add3A_22 = arith.addi %mul3A_9, %add3A_21 : i32
    "tpu.region"() ({
      %run_scoped3A = tpu.sem_alloc : memref<!tpu.dma_semaphore, #tpu.memory_space<semaphore_mem>>
      %dma_start3A = arith.constant 0 : i32
      %dma_start3A_47 = tpu.memref_slice %arg22[%add3A_22, %dma_start3A] : memref<10240x144xf32, #tpu.memory_space<vmem_shared>> -> memref<48x144xf32, #tpu.memory_space<vmem_shared>>
      %dma_start3A_48 = arith.constant 0 : i32
      %dma_start3A_49 = tpu.memref_slice %arg22[%add3A_22, %dma_start3A_48] : memref<10240x144xf32, #tpu.memory_space<vmem_shared>> -> memref<48x144xf32, #tpu.memory_space<vmem_shared>>
      tpu.enqueue_dma source(%arg17 : memref<48x144xf32, #tpu.memory_space<vmem>>) target(%dma_start3A_49 : memref<48x144xf32, #tpu.memory_space<vmem_shared>>) target_semaphore(%run_scoped3A : memref<!tpu.dma_semaphore, #tpu.memory_space<semaphore_mem>>)
      %dma_wait3A = arith.constant 0 : i32
      %dma_wait3A_50 = tpu.memref_slice %arg22[%add3A_22, %dma_wait3A] : memref<10240x144xf32, #tpu.memory_space<vmem_shared>> -> memref<48x144xf32, #tpu.memory_space<vmem_shared>>
      %dma_wait3A_51 = arith.constant 0 : i32
      %dma_wait3A_52 = tpu.memref_slice %arg22[%add3A_22, %dma_wait3A_51] : memref<10240x144xf32, #tpu.memory_space<vmem_shared>> -> memref<48x144xf32, #tpu.memory_space<vmem_shared>>
      tpu.wait_dma2 semaphore(%run_scoped3A : memref<!tpu.dma_semaphore, #tpu.memory_space<semaphore_mem>>) src(%arg17 : memref<48x144xf32, #tpu.memory_space<vmem>>) dst(%dma_wait3A_52 : memref<48x144xf32, #tpu.memory_space<vmem_shared>>)
      tpu.yield
    }) : () -> ()
    %add3A_23 = arith.constant 336 : i32
    %add3A_24 = arith.addi %mul3A_9, %add3A_23 : i32
    "tpu.region"() ({
      %run_scoped3A = tpu.sem_alloc : memref<!tpu.dma_semaphore, #tpu.memory_space<semaphore_mem>>
      %dma_start3A = arith.constant 0 : i32
      %dma_start3A_47 = tpu.memref_slice %arg22[%add3A_24, %dma_start3A] : memref<10240x144xf32, #tpu.memory_space<vmem_shared>> -> memref<48x144xf32, #tpu.memory_space<vmem_shared>>
      %dma_start3A_48 = arith.constant 0 : i32
      %dma_start3A_49 = tpu.memref_slice %arg22[%add3A_24, %dma_start3A_48] : memref<10240x144xf32, #tpu.memory_space<vmem_shared>> -> memref<48x144xf32, #tpu.memory_space<vmem_shared>>
      tpu.enqueue_dma source(%arg17 : memref<48x144xf32, #tpu.memory_space<vmem>>) target(%dma_start3A_49 : memref<48x144xf32, #tpu.memory_space<vmem_shared>>) target_semaphore(%run_scoped3A : memref<!tpu.dma_semaphore, #tpu.memory_space<semaphore_mem>>)
      %dma_wait3A = arith.constant 0 : i32
      %dma_wait3A_50 = tpu.memref_slice %arg22[%add3A_24, %dma_wait3A] : memref<10240x144xf32, #tpu.memory_space<vmem_shared>> -> memref<48x144xf32, #tpu.memory_space<vmem_shared>>
      %dma_wait3A_51 = arith.constant 0 : i32
      %dma_wait3A_52 = tpu.memref_slice %arg22[%add3A_24, %dma_wait3A_51] : memref<10240x144xf32, #tpu.memory_space<vmem_shared>> -> memref<48x144xf32, #tpu.memory_space<vmem_shared>>
      tpu.wait_dma2 semaphore(%run_scoped3A : memref<!tpu.dma_semaphore, #tpu.memory_space<semaphore_mem>>) src(%arg17 : memref<48x144xf32, #tpu.memory_space<vmem>>) dst(%dma_wait3A_52 : memref<48x144xf32, #tpu.memory_space<vmem_shared>>)
      tpu.yield
    }) : () -> ()
    %add3A_25 = arith.constant 384 : i32
    %add3A_26 = arith.addi %mul3A_9, %add3A_25 : i32
    "tpu.region"() ({
      %run_scoped3A = tpu.sem_alloc : memref<!tpu.dma_semaphore, #tpu.memory_space<semaphore_mem>>
      %dma_start3A = arith.constant 0 : i32
      %dma_start3A_47 = tpu.memref_slice %arg22[%add3A_26, %dma_start3A] : memref<10240x144xf32, #tpu.memory_space<vmem_shared>> -> memref<48x144xf32, #tpu.memory_space<vmem_shared>>
      %dma_start3A_48 = arith.constant 0 : i32
      %dma_start3A_49 = tpu.memref_slice %arg22[%add3A_26, %dma_start3A_48] : memref<10240x144xf32, #tpu.memory_space<vmem_shared>> -> memref<48x144xf32, #tpu.memory_space<vmem_shared>>
      tpu.enqueue_dma source(%arg17 : memref<48x144xf32, #tpu.memory_space<vmem>>) target(%dma_start3A_49 : memref<48x144xf32, #tpu.memory_space<vmem_shared>>) target_semaphore(%run_scoped3A : memref<!tpu.dma_semaphore, #tpu.memory_space<semaphore_mem>>)
      %dma_wait3A = arith.constant 0 : i32
      %dma_wait3A_50 = tpu.memref_slice %arg22[%add3A_26, %dma_wait3A] : memref<10240x144xf32, #tpu.memory_space<vmem_shared>> -> memref<48x144xf32, #tpu.memory_space<vmem_shared>>
      %dma_wait3A_51 = arith.constant 0 : i32
      %dma_wait3A_52 = tpu.memref_slice %arg22[%add3A_26, %dma_wait3A_51] : memref<10240x144xf32, #tpu.memory_space<vmem_shared>> -> memref<48x144xf32, #tpu.memory_space<vmem_shared>>
      tpu.wait_dma2 semaphore(%run_scoped3A : memref<!tpu.dma_semaphore, #tpu.memory_space<semaphore_mem>>) src(%arg17 : memref<48x144xf32, #tpu.memory_space<vmem>>) dst(%dma_wait3A_52 : memref<48x144xf32, #tpu.memory_space<vmem_shared>>)
      tpu.yield
    }) : () -> ()
    %add3A_27 = arith.constant 432 : i32
    %add3A_28 = arith.addi %mul3A_9, %add3A_27 : i32
    "tpu.region"() ({
      %run_scoped3A = tpu.sem_alloc : memref<!tpu.dma_semaphore, #tpu.memory_space<semaphore_mem>>
      %dma_start3A = arith.constant 0 : i32
      %dma_start3A_47 = tpu.memref_slice %arg22[%add3A_28, %dma_start3A] : memref<10240x144xf32, #tpu.memory_space<vmem_shared>> -> memref<48x144xf32, #tpu.memory_space<vmem_shared>>
      %dma_start3A_48 = arith.constant 0 : i32
      %dma_start3A_49 = tpu.memref_slice %arg22[%add3A_28, %dma_start3A_48] : memref<10240x144xf32, #tpu.memory_space<vmem_shared>> -> memref<48x144xf32, #tpu.memory_space<vmem_shared>>
      tpu.enqueue_dma source(%arg17 : memref<48x144xf32, #tpu.memory_space<vmem>>) target(%dma_start3A_49 : memref<48x144xf32, #tpu.memory_space<vmem_shared>>) target_semaphore(%run_scoped3A : memref<!tpu.dma_semaphore, #tpu.memory_space<semaphore_mem>>)
      %dma_wait3A = arith.constant 0 : i32
      %dma_wait3A_50 = tpu.memref_slice %arg22[%add3A_28, %dma_wait3A] : memref<10240x144xf32, #tpu.memory_space<vmem_shared>> -> memref<48x144xf32, #tpu.memory_space<vmem_shared>>
      %dma_wait3A_51 = arith.constant 0 : i32
      %dma_wait3A_52 = tpu.memref_slice %arg22[%add3A_28, %dma_wait3A_51] : memref<10240x144xf32, #tpu.memory_space<vmem_shared>> -> memref<48x144xf32, #tpu.memory_space<vmem_shared>>
      tpu.wait_dma2 semaphore(%run_scoped3A : memref<!tpu.dma_semaphore, #tpu.memory_space<semaphore_mem>>) src(%arg17 : memref<48x144xf32, #tpu.memory_space<vmem>>) dst(%dma_wait3A_52 : memref<48x144xf32, #tpu.memory_space<vmem_shared>>)
      tpu.yield
    }) : () -> ()
    %add3A_29 = arith.constant 480 : i32
    %add3A_30 = arith.addi %mul3A_9, %add3A_29 : i32
    "tpu.region"() ({
      %run_scoped3A = tpu.sem_alloc : memref<!tpu.dma_semaphore, #tpu.memory_space<semaphore_mem>>
      %dma_start3A = arith.constant 0 : i32
      %dma_start3A_47 = tpu.memref_slice %arg22[%add3A_30, %dma_start3A] : memref<10240x144xf32, #tpu.memory_space<vmem_shared>> -> memref<48x144xf32, #tpu.memory_space<vmem_shared>>
      %dma_start3A_48 = arith.constant 0 : i32
      %dma_start3A_49 = tpu.memref_slice %arg22[%add3A_30, %dma_start3A_48] : memref<10240x144xf32, #tpu.memory_space<vmem_shared>> -> memref<48x144xf32, #tpu.memory_space<vmem_shared>>
      tpu.enqueue_dma source(%arg17 : memref<48x144xf32, #tpu.memory_space<vmem>>) target(%dma_start3A_49 : memref<48x144xf32, #tpu.memory_space<vmem_shared>>) target_semaphore(%run_scoped3A : memref<!tpu.dma_semaphore, #tpu.memory_space<semaphore_mem>>)
      %dma_wait3A = arith.constant 0 : i32
      %dma_wait3A_50 = tpu.memref_slice %arg22[%add3A_30, %dma_wait3A] : memref<10240x144xf32, #tpu.memory_space<vmem_shared>> -> memref<48x144xf32, #tpu.memory_space<vmem_shared>>
      %dma_wait3A_51 = arith.constant 0 : i32
      %dma_wait3A_52 = tpu.memref_slice %arg22[%add3A_30, %dma_wait3A_51] : memref<10240x144xf32, #tpu.memory_space<vmem_shared>> -> memref<48x144xf32, #tpu.memory_space<vmem_shared>>
      tpu.wait_dma2 semaphore(%run_scoped3A : memref<!tpu.dma_semaphore, #tpu.memory_space<semaphore_mem>>) src(%arg17 : memref<48x144xf32, #tpu.memory_space<vmem>>) dst(%dma_wait3A_52 : memref<48x144xf32, #tpu.memory_space<vmem_shared>>)
      tpu.yield
    }) : () -> ()
    %add3A_31 = arith.constant 528 : i32
    %add3A_32 = arith.addi %mul3A_9, %add3A_31 : i32
    "tpu.region"() ({
      %run_scoped3A = tpu.sem_alloc : memref<!tpu.dma_semaphore, #tpu.memory_space<semaphore_mem>>
      %dma_start3A = arith.constant 0 : i32
      %dma_start3A_47 = tpu.memref_slice %arg22[%add3A_32, %dma_start3A] : memref<10240x144xf32, #tpu.memory_space<vmem_shared>> -> memref<48x144xf32, #tpu.memory_space<vmem_shared>>
      %dma_start3A_48 = arith.constant 0 : i32
      %dma_start3A_49 = tpu.memref_slice %arg22[%add3A_32, %dma_start3A_48] : memref<10240x144xf32, #tpu.memory_space<vmem_shared>> -> memref<48x144xf32, #tpu.memory_space<vmem_shared>>
      tpu.enqueue_dma source(%arg17 : memref<48x144xf32, #tpu.memory_space<vmem>>) target(%dma_start3A_49 : memref<48x144xf32, #tpu.memory_space<vmem_shared>>) target_semaphore(%run_scoped3A : memref<!tpu.dma_semaphore, #tpu.memory_space<semaphore_mem>>)
      %dma_wait3A = arith.constant 0 : i32
      %dma_wait3A_50 = tpu.memref_slice %arg22[%add3A_32, %dma_wait3A] : memref<10240x144xf32, #tpu.memory_space<vmem_shared>> -> memref<48x144xf32, #tpu.memory_space<vmem_shared>>
      %dma_wait3A_51 = arith.constant 0 : i32
      %dma_wait3A_52 = tpu.memref_slice %arg22[%add3A_32, %dma_wait3A_51] : memref<10240x144xf32, #tpu.memory_space<vmem_shared>> -> memref<48x144xf32, #tpu.memory_space<vmem_shared>>
      tpu.wait_dma2 semaphore(%run_scoped3A : memref<!tpu.dma_semaphore, #tpu.memory_space<semaphore_mem>>) src(%arg17 : memref<48x144xf32, #tpu.memory_space<vmem>>) dst(%dma_wait3A_52 : memref<48x144xf32, #tpu.memory_space<vmem_shared>>)
      tpu.yield
    }) : () -> ()
    %add3A_33 = arith.constant 576 : i32
    %add3A_34 = arith.addi %mul3A_9, %add3A_33 : i32
    "tpu.region"() ({
      %run_scoped3A = tpu.sem_alloc : memref<!tpu.dma_semaphore, #tpu.memory_space<semaphore_mem>>
      %dma_start3A = arith.constant 0 : i32
      %dma_start3A_47 = tpu.memref_slice %arg22[%add3A_34, %dma_start3A] : memref<10240x144xf32, #tpu.memory_space<vmem_shared>> -> memref<48x144xf32, #tpu.memory_space<vmem_shared>>
      %dma_start3A_48 = arith.constant 0 : i32
      %dma_start3A_49 = tpu.memref_slice %arg22[%add3A_34, %dma_start3A_48] : memref<10240x144xf32, #tpu.memory_space<vmem_shared>> -> memref<48x144xf32, #tpu.memory_space<vmem_shared>>
      tpu.enqueue_dma source(%arg17 : memref<48x144xf32, #tpu.memory_space<vmem>>) target(%dma_start3A_49 : memref<48x144xf32, #tpu.memory_space<vmem_shared>>) target_semaphore(%run_scoped3A : memref<!tpu.dma_semaphore, #tpu.memory_space<semaphore_mem>>)
      %dma_wait3A = arith.constant 0 : i32
      %dma_wait3A_50 = tpu.memref_slice %arg22[%add3A_34, %dma_wait3A] : memref<10240x144xf32, #tpu.memory_space<vmem_shared>> -> memref<48x144xf32, #tpu.memory_space<vmem_shared>>
      %dma_wait3A_51 = arith.constant 0 : i32
      %dma_wait3A_52 = tpu.memref_slice %arg22[%add3A_34, %dma_wait3A_51] : memref<10240x144xf32, #tpu.memory_space<vmem_shared>> -> memref<48x144xf32, #tpu.memory_space<vmem_shared>>
      tpu.wait_dma2 semaphore(%run_scoped3A : memref<!tpu.dma_semaphore, #tpu.memory_space<semaphore_mem>>) src(%arg17 : memref<48x144xf32, #tpu.memory_space<vmem>>) dst(%dma_wait3A_52 : memref<48x144xf32, #tpu.memory_space<vmem_shared>>)
      tpu.yield
    }) : () -> ()
    %add3A_35 = arith.constant 640 : i32
    %add3A_36 = arith.addi %mul3A_9, %add3A_35 : i32
    %sub3A = arith.constant 16 : i32
    %sub3A_37 = arith.subi %add3A_36, %sub3A : i32
    "tpu.region"() ({
      %run_scoped3A = tpu.sem_alloc : memref<!tpu.dma_semaphore, #tpu.memory_space<semaphore_mem>>
      %dma_start3A = arith.constant 0 : i32
      %dma_start3A_47 = arith.constant 0 : i32
      %dma_start3A_48 = tpu.memref_slice %arg17[%dma_start3A, %dma_start3A_47] : memref<48x144xf32, #tpu.memory_space<vmem>> -> memref<16x144xf32, #tpu.memory_space<vmem>>
      %dma_start3A_49 = arith.constant 0 : i32
      %dma_start3A_50 = tpu.memref_slice %arg22[%sub3A_37, %dma_start3A_49] : memref<10240x144xf32, #tpu.memory_space<vmem_shared>> -> memref<16x144xf32, #tpu.memory_space<vmem_shared>>
      %dma_start3A_51 = arith.constant 0 : i32
      %dma_start3A_52 = tpu.memref_slice %arg22[%sub3A_37, %dma_start3A_51] : memref<10240x144xf32, #tpu.memory_space<vmem_shared>> -> memref<16x144xf32, #tpu.memory_space<vmem_shared>>
      %dma_start3A_53 = arith.constant 0 : i32
      %dma_start3A_54 = arith.constant 0 : i32
      %dma_start3A_55 = tpu.memref_slice %arg17[%dma_start3A_53, %dma_start3A_54] : memref<48x144xf32, #tpu.memory_space<vmem>> -> memref<16x144xf32, #tpu.memory_space<vmem>>
      tpu.enqueue_dma source(%dma_start3A_55 : memref<16x144xf32, #tpu.memory_space<vmem>>) target(%dma_start3A_52 : memref<16x144xf32, #tpu.memory_space<vmem_shared>>) target_semaphore(%run_scoped3A : memref<!tpu.dma_semaphore, #tpu.memory_space<semaphore_mem>>)
      %dma_wait3A = arith.constant 0 : i32
      %dma_wait3A_56 = arith.constant 0 : i32
      %dma_wait3A_57 = tpu.memref_slice %arg17[%dma_wait3A, %dma_wait3A_56] : memref<48x144xf32, #tpu.memory_space<vmem>> -> memref<16x144xf32, #tpu.memory_space<vmem>>
      %dma_wait3A_58 = arith.constant 0 : i32
      %dma_wait3A_59 = tpu.memref_slice %arg22[%sub3A_37, %dma_wait3A_58] : memref<10240x144xf32, #tpu.memory_space<vmem_shared>> -> memref<16x144xf32, #tpu.memory_space<vmem_shared>>
      %dma_wait3A_60 = arith.constant 0 : i32
      %dma_wait3A_61 = tpu.memref_slice %arg22[%sub3A_37, %dma_wait3A_60] : memref<10240x144xf32, #tpu.memory_space<vmem_shared>> -> memref<16x144xf32, #tpu.memory_space<vmem_shared>>
      %dma_wait3A_62 = arith.constant 0 : i32
      %dma_wait3A_63 = arith.constant 0 : i32
      %dma_wait3A_64 = tpu.memref_slice %arg17[%dma_wait3A_62, %dma_wait3A_63] : memref<48x144xf32, #tpu.memory_space<vmem>> -> memref<16x144xf32, #tpu.memory_space<vmem>>
      tpu.wait_dma2 semaphore(%run_scoped3A : memref<!tpu.dma_semaphore, #tpu.memory_space<semaphore_mem>>) src(%dma_wait3A_64 : memref<16x144xf32, #tpu.memory_space<vmem>>) dst(%dma_wait3A_61 : memref<16x144xf32, #tpu.memory_space<vmem_shared>>)
      tpu.yield
    }) : () -> ()
    %barrier3A = arith.constant 0 : index
    tpu.barrier barrier_id(%barrier3A)
    %mul3A_38 = arith.constant 10176 : i32
    %mul3A_39 = arith.muli %arg1, %mul3A_38 : i32
    %scan3A_40 = arith.constant 0 : i32
    %scan3A_41 = arith.constant 0 : i32
    %scan3A_42 = arith.constant 106 : i32
    %scan3A_43 = arith.addi %scan3A_41, %scan3A_42 : i32
    %scan3A_44 = arith.constant 1 : i32
    scf.for %scan3A_47 = %scan3A_41 to %scan3A_43 step %scan3A_44  : i32 {
      %mul3A_48 = arith.constant 2 : i32
      %mul3A_49 = arith.muli %mul3A_48, %scan3A_47 : i32
      %mul3A_50 = arith.constant 48 : i32
      %mul3A_51 = arith.muli %mul3A_49, %mul3A_50 : i32
      %add3A_52 = arith.addi %mul3A_39, %mul3A_51 : i32
      %dma_start3A = tpu.memref_slice %arg4[%add3A_52] : memref<162816xi32, #tpu.memory_space<hbm>> -> memref<48xi32, #tpu.memory_space<hbm>>
      %dma_start3A_53 = tpu.memref_slice %arg4[%add3A_52] : memref<162816xi32, #tpu.memory_space<hbm>> -> memref<48xi32, #tpu.memory_space<hbm>>
      tpu.enqueue_dma source(%dma_start3A_53 : memref<48xi32, #tpu.memory_space<hbm>>) target(%arg9 : memref<48xi32, #tpu.memory_space<vmem>>) target_semaphore(%arg27 : memref<!tpu.dma_semaphore, #tpu.memory_space<semaphore_mem>>)
      %dma_start3A_54 = tpu.memref_slice %arg5[%add3A_52] : memref<162816xi32, #tpu.memory_space<hbm>> -> memref<48xi32, #tpu.memory_space<hbm>>
      %dma_start3A_55 = tpu.memref_slice %arg5[%add3A_52] : memref<162816xi32, #tpu.memory_space<hbm>> -> memref<48xi32, #tpu.memory_space<hbm>>
      tpu.enqueue_dma source(%dma_start3A_55 : memref<48xi32, #tpu.memory_space<hbm>>) target(%arg11 : memref<48xi32, #tpu.memory_space<vmem>>) target_semaphore(%arg27 : memref<!tpu.dma_semaphore, #tpu.memory_space<semaphore_mem>>)
      %dma_start3A_56 = arith.constant 0 : i32
      %dma_start3A_57 = tpu.memref_slice %arg6[%add3A_52, %dma_start3A_56] : memref<162816x16xf32, #tpu.memory_space<hbm>> -> memref<48x16xf32, #tpu.memory_space<hbm>>
      %dma_start3A_58 = arith.constant 0 : i32
      %dma_start3A_59 = tpu.memref_slice %arg6[%add3A_52, %dma_start3A_58] : memref<162816x16xf32, #tpu.memory_space<hbm>> -> memref<48x16xf32, #tpu.memory_space<hbm>>
      tpu.enqueue_dma source(%dma_start3A_59 : memref<48x16xf32, #tpu.memory_space<hbm>>) target(%arg15 : memref<48x16xf32, #tpu.memory_space<vmem>>) target_semaphore(%arg27 : memref<!tpu.dma_semaphore, #tpu.memory_space<semaphore_mem>>)
      %dma_wait3A = tpu.memref_slice %arg4[%add3A_52] : memref<162816xi32, #tpu.memory_space<hbm>> -> memref<48xi32, #tpu.memory_space<hbm>>
      %dma_wait3A_60 = tpu.memref_slice %arg4[%add3A_52] : memref<162816xi32, #tpu.memory_space<hbm>> -> memref<48xi32, #tpu.memory_space<hbm>>
      tpu.wait_dma2 semaphore(%arg27 : memref<!tpu.dma_semaphore, #tpu.memory_space<semaphore_mem>>) src(%dma_wait3A_60 : memref<48xi32, #tpu.memory_space<hbm>>) dst(%arg9 : memref<48xi32, #tpu.memory_space<vmem>>)
      %dma_wait3A_61 = tpu.memref_slice %arg5[%add3A_52] : memref<162816xi32, #tpu.memory_space<hbm>> -> memref<48xi32, #tpu.memory_space<hbm>>
      %dma_wait3A_62 = tpu.memref_slice %arg5[%add3A_52] : memref<162816xi32, #tpu.memory_space<hbm>> -> memref<48xi32, #tpu.memory_space<hbm>>
      tpu.wait_dma2 semaphore(%arg27 : memref<!tpu.dma_semaphore, #tpu.memory_space<semaphore_mem>>) src(%dma_wait3A_62 : memref<48xi32, #tpu.memory_space<hbm>>) dst(%arg11 : memref<48xi32, #tpu.memory_space<vmem>>)
      %dma_wait3A_63 = arith.constant 0 : i32
      %dma_wait3A_64 = tpu.memref_slice %arg6[%add3A_52, %dma_wait3A_63] : memref<162816x16xf32, #tpu.memory_space<hbm>> -> memref<48x16xf32, #tpu.memory_space<hbm>>
      %dma_wait3A_65 = arith.constant 0 : i32
      %dma_wait3A_66 = tpu.memref_slice %arg6[%add3A_52, %dma_wait3A_65] : memref<162816x16xf32, #tpu.memory_space<hbm>> -> memref<48x16xf32, #tpu.memory_space<hbm>>
      tpu.wait_dma2 semaphore(%arg27 : memref<!tpu.dma_semaphore, #tpu.memory_space<semaphore_mem>>) src(%dma_wait3A_66 : memref<48x16xf32, #tpu.memory_space<hbm>>) dst(%arg15 : memref<48x16xf32, #tpu.memory_space<vmem>>)
      %get3A = arith.constant 0 : index
      %get3A_67 = tpu.vector_load %arg9[%get3A] {strides = array<i32>} : memref<48xi32, #tpu.memory_space<vmem>>, vector<16xi32>,
      %get3A_68 = vector.shape_cast %get3A_67 : vector<16xi32> to vector<16xi32>
      %min3A = arith.constant 9999 : i32
      %min3A_69 = vector.broadcast %min3A : i32 to vector<16xi32>
      %min3A_70 = arith.minsi %get3A_68, %min3A_69 : vector<16xi32>
      %add3A_71 = vector.broadcast %mul3A_0 : i32 to vector<16xi32>
      %add3A_72 = arith.addi %min3A_70, %add3A_71 : vector<16xi32>
      %swap3A = arith.constant 0 : index
      %swap3A_73 = tpu.vector_load %arg9[%swap3A] {strides = array<i32>} : memref<48xi32, #tpu.memory_space<vmem>>, vector<16xi32>,
      %swap3A_74 = vector.shape_cast %swap3A_73 : vector<16xi32> to vector<16xi32>
      %swap3A_75 = vector.shape_cast %add3A_72 : vector<16xi32> to vector<16xi32>
      tpu.vector_store %arg9[%swap3A], %swap3A_75 {strides = array<i32>} : memref<48xi32, #tpu.memory_space<vmem>>, vector<16xi32>,
      %get3A_76 = arith.constant 0 : index
      %get3A_77 = tpu.vector_load %arg11[%get3A_76] {strides = array<i32>} : memref<48xi32, #tpu.memory_space<vmem>>, vector<16xi32>,
      %get3A_78 = vector.shape_cast %get3A_77 : vector<16xi32> to vector<16xi32>
      %min3A_79 = arith.constant 9999 : i32
      %min3A_80 = vector.broadcast %min3A_79 : i32 to vector<16xi32>
      %min3A_81 = arith.minsi %get3A_78, %min3A_80 : vector<16xi32>
      %add3A_82 = vector.broadcast %mul3A_0 : i32 to vector<16xi32>
      %add3A_83 = arith.addi %min3A_81, %add3A_82 : vector<16xi32>
      %swap3A_84 = arith.constant 0 : index
      %swap3A_85 = tpu.vector_load %arg13[%swap3A_84] {strides = array<i32>} : memref<48xi32, #tpu.memory_space<vmem>>, vector<16xi32>,
      %swap3A_86 = vector.shape_cast %swap3A_85 : vector<16xi32> to vector<16xi32>
      %swap3A_87 = vector.shape_cast %add3A_83 : vector<16xi32> to vector<16xi32>
      tpu.vector_store %arg13[%swap3A_84], %swap3A_87 {strides = array<i32>} : memref<48xi32, #tpu.memory_space<vmem>>, vector<16xi32>,
      %get3A_88 = arith.constant 16 : index
      %get3A_89 = tpu.vector_load %arg9[%get3A_88] {strides = array<i32>} : memref<48xi32, #tpu.memory_space<vmem>>, vector<16xi32>,
      %get3A_90 = vector.shape_cast %get3A_89 : vector<16xi32> to vector<16xi32>
      %min3A_91 = arith.constant 9999 : i32
      %min3A_92 = vector.broadcast %min3A_91 : i32 to vector<16xi32>
      %min3A_93 = arith.minsi %get3A_90, %min3A_92 : vector<16xi32>
      %add3A_94 = vector.broadcast %mul3A_0 : i32 to vector<16xi32>
      %add3A_95 = arith.addi %min3A_93, %add3A_94 : vector<16xi32>
      %swap3A_96 = arith.constant 16 : index
      %swap3A_97 = tpu.vector_load %arg9[%swap3A_96] {strides = array<i32>} : memref<48xi32, #tpu.memory_space<vmem>>, vector<16xi32>,
      %swap3A_98 = vector.shape_cast %swap3A_97 : vector<16xi32> to vector<16xi32>
      %swap3A_99 = vector.shape_cast %add3A_95 : vector<16xi32> to vector<16xi32>
      tpu.vector_store %arg9[%swap3A_96], %swap3A_99 {strides = array<i32>} : memref<48xi32, #tpu.memory_space<vmem>>, vector<16xi32>,
      %get3A_100 = arith.constant 16 : index
      %get3A_101 = tpu.vector_load %arg11[%get3A_100] {strides = array<i32>} : memref<48xi32, #tpu.memory_space<vmem>>, vector<16xi32>,
      %get3A_102 = vector.shape_cast %get3A_101 : vector<16xi32> to vector<16xi32>
      %min3A_103 = arith.constant 9999 : i32
      %min3A_104 = vector.broadcast %min3A_103 : i32 to vector<16xi32>
      %min3A_105 = arith.minsi %get3A_102, %min3A_104 : vector<16xi32>
      %add3A_106 = vector.broadcast %mul3A_0 : i32 to vector<16xi32>
      %add3A_107 = arith.addi %min3A_105, %add3A_106 : vector<16xi32>
      %swap3A_108 = arith.constant 16 : index
      %swap3A_109 = tpu.vector_load %arg13[%swap3A_108] {strides = array<i32>} : memref<48xi32, #tpu.memory_space<vmem>>, vector<16xi32>,
      %swap3A_110 = vector.shape_cast %swap3A_109 : vector<16xi32> to vector<16xi32>
      %swap3A_111 = vector.shape_cast %add3A_107 : vector<16xi32> to vector<16xi32>
      tpu.vector_store %arg13[%swap3A_108], %swap3A_111 {strides = array<i32>} : memref<48xi32, #tpu.memory_space<vmem>>, vector<16xi32>,
      %get3A_112 = arith.constant 32 : index
      %get3A_113 = tpu.vector_load %arg9[%get3A_112] {strides = array<i32>} : memref<48xi32, #tpu.memory_space<vmem>>, vector<16xi32>,
      %get3A_114 = vector.shape_cast %get3A_113 : vector<16xi32> to vector<16xi32>
      %min3A_115 = arith.constant 9999 : i32
      %min3A_116 = vector.broadcast %min3A_115 : i32 to vector<16xi32>
      %min3A_117 = arith.minsi %get3A_114, %min3A_116 : vector<16xi32>
      %add3A_118 = vector.broadcast %mul3A_0 : i32 to vector<16xi32>
      %add3A_119 = arith.addi %min3A_117, %add3A_118 : vector<16xi32>
      %swap3A_120 = arith.constant 32 : index
      %swap3A_121 = tpu.vector_load %arg9[%swap3A_120] {strides = array<i32>} : memref<48xi32, #tpu.memory_space<vmem>>, vector<16xi32>,
      %swap3A_122 = vector.shape_cast %swap3A_121 : vector<16xi32> to vector<16xi32>
      %swap3A_123 = vector.shape_cast %add3A_119 : vector<16xi32> to vector<16xi32>
      tpu.vector_store %arg9[%swap3A_120], %swap3A_123 {strides = array<i32>} : memref<48xi32, #tpu.memory_space<vmem>>, vector<16xi32>,
      %get3A_124 = arith.constant 32 : index
      %get3A_125 = tpu.vector_load %arg11[%get3A_124] {strides = array<i32>} : memref<48xi32, #tpu.memory_space<vmem>>, vector<16xi32>,
      %get3A_126 = vector.shape_cast %get3A_125 : vector<16xi32> to vector<16xi32>
      %min3A_127 = arith.constant 9999 : i32
      %min3A_128 = vector.broadcast %min3A_127 : i32 to vector<16xi32>
      %min3A_129 = arith.minsi %get3A_126, %min3A_128 : vector<16xi32>
      %add3A_130 = vector.broadcast %mul3A_0 : i32 to vector<16xi32>
      %add3A_131 = arith.addi %min3A_129, %add3A_130 : vector<16xi32>
      %swap3A_132 = arith.constant 32 : index
      %swap3A_133 = tpu.vector_load %arg13[%swap3A_132] {strides = array<i32>} : memref<48xi32, #tpu.memory_space<vmem>>, vector<16xi32>,
      %swap3A_134 = vector.shape_cast %swap3A_133 : vector<16xi32> to vector<16xi32>
      %swap3A_135 = vector.shape_cast %add3A_131 : vector<16xi32> to vector<16xi32>
      tpu.vector_store %arg13[%swap3A_132], %swap3A_135 {strides = array<i32>} : memref<48xi32, #tpu.memory_space<vmem>>, vector<16xi32>,
      %dma_start3A_136 = arith.constant 0 : i32
      %dma_start3A_137 = arith.constant 0 : i32
      %dma_start3A_138 = tpu.memref_slice %arg2[%dma_start3A_136, %dma_start3A_137] : memref<20000x144xf32, #tpu.memory_space<hbm>> -> memref<20000x144xf32, #tpu.memory_space<hbm>>
      tpu.enqueue_indirect_dma source(%dma_start3A_138 : memref<20000x144xf32, #tpu.memory_space<hbm>>) target(%arg17 : memref<48x144xf32, #tpu.memory_space<vmem>>) offsets(%arg9 : memref<48xi32, #tpu.memory_space<vmem>>) semaphore(%arg23 : memref<!tpu.dma_semaphore, #tpu.memory_space<semaphore_mem>>)
      %dma_start3A_139 = arith.constant 0 : i32
      %dma_start3A_140 = arith.constant 0 : i32
      %dma_start3A_141 = tpu.memref_slice %arg3[%dma_start3A_139, %dma_start3A_140] : memref<20000x144xf32, #tpu.memory_space<hbm>> -> memref<20000x144xf32, #tpu.memory_space<hbm>>
      tpu.enqueue_indirect_dma source(%dma_start3A_141 : memref<20000x144xf32, #tpu.memory_space<hbm>>) target(%arg19 : memref<48x144xf32, #tpu.memory_space<vmem>>) offsets(%arg13 : memref<48xi32, #tpu.memory_space<vmem>>) semaphore(%arg25 : memref<!tpu.dma_semaphore, #tpu.memory_space<semaphore_mem>>)
      %add3A_142 = arith.constant 1 : i32
      %add3A_143 = arith.addi %mul3A_49, %add3A_142 : i32
      %mul3A_144 = arith.constant 48 : i32
      %mul3A_145 = arith.muli %add3A_143, %mul3A_144 : i32
      %add3A_146 = arith.addi %mul3A_39, %mul3A_145 : i32
      %dma_start3A_147 = tpu.memref_slice %arg4[%add3A_146] : memref<162816xi32, #tpu.memory_space<hbm>> -> memref<48xi32, #tpu.memory_space<hbm>>
      %dma_start3A_148 = tpu.memref_slice %arg4[%add3A_146] : memref<162816xi32, #tpu.memory_space<hbm>> -> memref<48xi32, #tpu.memory_space<hbm>>
      tpu.enqueue_dma source(%dma_start3A_148 : memref<48xi32, #tpu.memory_space<hbm>>) target(%arg10 : memref<48xi32, #tpu.memory_space<vmem>>) target_semaphore(%arg28 : memref<!tpu.dma_semaphore, #tpu.memory_space<semaphore_mem>>)
      %dma_start3A_149 = tpu.memref_slice %arg5[%add3A_146] : memref<162816xi32, #tpu.memory_space<hbm>> -> memref<48xi32, #tpu.memory_space<hbm>>
      %dma_start3A_150 = tpu.memref_slice %arg5[%add3A_146] : memref<162816xi32, #tpu.memory_space<hbm>> -> memref<48xi32, #tpu.memory_space<hbm>>
      tpu.enqueue_dma source(%dma_start3A_150 : memref<48xi32, #tpu.memory_space<hbm>>) target(%arg12 : memref<48xi32, #tpu.memory_space<vmem>>) target_semaphore(%arg28 : memref<!tpu.dma_semaphore, #tpu.memory_space<semaphore_mem>>)
      %dma_start3A_151 = arith.constant 0 : i32
      %dma_start3A_152 = tpu.memref_slice %arg6[%add3A_146, %dma_start3A_151] : memref<162816x16xf32, #tpu.memory_space<hbm>> -> memref<48x16xf32, #tpu.memory_space<hbm>>
      %dma_start3A_153 = arith.constant 0 : i32
      %dma_start3A_154 = tpu.memref_slice %arg6[%add3A_146, %dma_start3A_153] : memref<162816x16xf32, #tpu.memory_space<hbm>> -> memref<48x16xf32, #tpu.memory_space<hbm>>
      tpu.enqueue_dma source(%dma_start3A_154 : memref<48x16xf32, #tpu.memory_space<hbm>>) target(%arg16 : memref<48x16xf32, #tpu.memory_space<vmem>>) target_semaphore(%arg28 : memref<!tpu.dma_semaphore, #tpu.memory_space<semaphore_mem>>)
      %dma_wait3A_155 = tpu.memref_slice %arg4[%add3A_146] : memref<162816xi32, #tpu.memory_space<hbm>> -> memref<48xi32, #tpu.memory_space<hbm>>
      %dma_wait3A_156 = tpu.memref_slice %arg4[%add3A_146] : memref<162816xi32, #tpu.memory_space<hbm>> -> memref<48xi32, #tpu.memory_space<hbm>>
      tpu.wait_dma2 semaphore(%arg28 : memref<!tpu.dma_semaphore, #tpu.memory_space<semaphore_mem>>) src(%dma_wait3A_156 : memref<48xi32, #tpu.memory_space<hbm>>) dst(%arg10 : memref<48xi32, #tpu.memory_space<vmem>>)
      %dma_wait3A_157 = tpu.memref_slice %arg5[%add3A_146] : memref<162816xi32, #tpu.memory_space<hbm>> -> memref<48xi32, #tpu.memory_space<hbm>>
      %dma_wait3A_158 = tpu.memref_slice %arg5[%add3A_146] : memref<162816xi32, #tpu.memory_space<hbm>> -> memref<48xi32, #tpu.memory_space<hbm>>
      tpu.wait_dma2 semaphore(%arg28 : memref<!tpu.dma_semaphore, #tpu.memory_space<semaphore_mem>>) src(%dma_wait3A_158 : memref<48xi32, #tpu.memory_space<hbm>>) dst(%arg12 : memref<48xi32, #tpu.memory_space<vmem>>)
      %dma_wait3A_159 = arith.constant 0 : i32
      %dma_wait3A_160 = tpu.memref_slice %arg6[%add3A_146, %dma_wait3A_159] : memref<162816x16xf32, #tpu.memory_space<hbm>> -> memref<48x16xf32, #tpu.memory_space<hbm>>
      %dma_wait3A_161 = arith.constant 0 : i32
      %dma_wait3A_162 = tpu.memref_slice %arg6[%add3A_146, %dma_wait3A_161] : memref<162816x16xf32, #tpu.memory_space<hbm>> -> memref<48x16xf32, #tpu.memory_space<hbm>>
      tpu.wait_dma2 semaphore(%arg28 : memref<!tpu.dma_semaphore, #tpu.memory_space<semaphore_mem>>) src(%dma_wait3A_162 : memref<48x16xf32, #tpu.memory_space<hbm>>) dst(%arg16 : memref<48x16xf32, #tpu.memory_space<vmem>>)
      %get3A_163 = arith.constant 0 : index
      %get3A_164 = tpu.vector_load %arg10[%get3A_163] {strides = array<i32>} : memref<48xi32, #tpu.memory_space<vmem>>, vector<16xi32>,
      %get3A_165 = vector.shape_cast %get3A_164 : vector<16xi32> to vector<16xi32>
      %min3A_166 = arith.constant 9999 : i32
      %min3A_167 = vector.broadcast %min3A_166 : i32 to vector<16xi32>
      %min3A_168 = arith.minsi %get3A_165, %min3A_167 : vector<16xi32>
      %add3A_169 = vector.broadcast %mul3A_0 : i32 to vector<16xi32>
      %add3A_170 = arith.addi %min3A_168, %add3A_169 : vector<16xi32>
      %swap3A_171 = arith.constant 0 : index
      %swap3A_172 = tpu.vector_load %arg10[%swap3A_171] {strides = array<i32>} : memref<48xi32, #tpu.memory_space<vmem>>, vector<16xi32>,
      %swap3A_173 = vector.shape_cast %swap3A_172 : vector<16xi32> to vector<16xi32>
      %swap3A_174 = vector.shape_cast %add3A_170 : vector<16xi32> to vector<16xi32>
      tpu.vector_store %arg10[%swap3A_171], %swap3A_174 {strides = array<i32>} : memref<48xi32, #tpu.memory_space<vmem>>, vector<16xi32>,
      %get3A_175 = arith.constant 0 : index
      %get3A_176 = tpu.vector_load %arg12[%get3A_175] {strides = array<i32>} : memref<48xi32, #tpu.memory_space<vmem>>, vector<16xi32>,
      %get3A_177 = vector.shape_cast %get3A_176 : vector<16xi32> to vector<16xi32>
      %min3A_178 = arith.constant 9999 : i32
      %min3A_179 = vector.broadcast %min3A_178 : i32 to vector<16xi32>
      %min3A_180 = arith.minsi %get3A_177, %min3A_179 : vector<16xi32>
      %add3A_181 = vector.broadcast %mul3A_0 : i32 to vector<16xi32>
      %add3A_182 = arith.addi %min3A_180, %add3A_181 : vector<16xi32>
      %swap3A_183 = arith.constant 0 : index
      %swap3A_184 = tpu.vector_load %arg14[%swap3A_183] {strides = array<i32>} : memref<48xi32, #tpu.memory_space<vmem>>, vector<16xi32>,
      %swap3A_185 = vector.shape_cast %swap3A_184 : vector<16xi32> to vector<16xi32>
      %swap3A_186 = vector.shape_cast %add3A_182 : vector<16xi32> to vector<16xi32>
      tpu.vector_store %arg14[%swap3A_183], %swap3A_186 {strides = array<i32>} : memref<48xi32, #tpu.memory_space<vmem>>, vector<16xi32>,
      %get3A_187 = arith.constant 16 : index
      %get3A_188 = tpu.vector_load %arg10[%get3A_187] {strides = array<i32>} : memref<48xi32, #tpu.memory_space<vmem>>, vector<16xi32>,
      %get3A_189 = vector.shape_cast %get3A_188 : vector<16xi32> to vector<16xi32>
      %min3A_190 = arith.constant 9999 : i32
      %min3A_191 = vector.broadcast %min3A_190 : i32 to vector<16xi32>
      %min3A_192 = arith.minsi %get3A_189, %min3A_191 : vector<16xi32>
      %add3A_193 = vector.broadcast %mul3A_0 : i32 to vector<16xi32>
      %add3A_194 = arith.addi %min3A_192, %add3A_193 : vector<16xi32>
      %swap3A_195 = arith.constant 16 : index
      %swap3A_196 = tpu.vector_load %arg10[%swap3A_195] {strides = array<i32>} : memref<48xi32, #tpu.memory_space<vmem>>, vector<16xi32>,
      %swap3A_197 = vector.shape_cast %swap3A_196 : vector<16xi32> to vector<16xi32>
      %swap3A_198 = vector.shape_cast %add3A_194 : vector<16xi32> to vector<16xi32>
      tpu.vector_store %arg10[%swap3A_195], %swap3A_198 {strides = array<i32>} : memref<48xi32, #tpu.memory_space<vmem>>, vector<16xi32>,
      %get3A_199 = arith.constant 16 : index
      %get3A_200 = tpu.vector_load %arg12[%get3A_199] {strides = array<i32>} : memref<48xi32, #tpu.memory_space<vmem>>, vector<16xi32>,
      %get3A_201 = vector.shape_cast %get3A_200 : vector<16xi32> to vector<16xi32>
      %min3A_202 = arith.constant 9999 : i32
      %min3A_203 = vector.broadcast %min3A_202 : i32 to vector<16xi32>
      %min3A_204 = arith.minsi %get3A_201, %min3A_203 : vector<16xi32>
      %add3A_205 = vector.broadcast %mul3A_0 : i32 to vector<16xi32>
      %add3A_206 = arith.addi %min3A_204, %add3A_205 : vector<16xi32>
      %swap3A_207 = arith.constant 16 : index
      %swap3A_208 = tpu.vector_load %arg14[%swap3A_207] {strides = array<i32>} : memref<48xi32, #tpu.memory_space<vmem>>, vector<16xi32>,
      %swap3A_209 = vector.shape_cast %swap3A_208 : vector<16xi32> to vector<16xi32>
      %swap3A_210 = vector.shape_cast %add3A_206 : vector<16xi32> to vector<16xi32>
      tpu.vector_store %arg14[%swap3A_207], %swap3A_210 {strides = array<i32>} : memref<48xi32, #tpu.memory_space<vmem>>, vector<16xi32>,
      %get3A_211 = arith.constant 32 : index
      %get3A_212 = tpu.vector_load %arg10[%get3A_211] {strides = array<i32>} : memref<48xi32, #tpu.memory_space<vmem>>, vector<16xi32>,
      %get3A_213 = vector.shape_cast %get3A_212 : vector<16xi32> to vector<16xi32>
      %min3A_214 = arith.constant 9999 : i32
      %min3A_215 = vector.broadcast %min3A_214 : i32 to vector<16xi32>
      %min3A_216 = arith.minsi %get3A_213, %min3A_215 : vector<16xi32>
      %add3A_217 = vector.broadcast %mul3A_0 : i32 to vector<16xi32>
      %add3A_218 = arith.addi %min3A_216, %add3A_217 : vector<16xi32>
      %swap3A_219 = arith.constant 32 : index
      %swap3A_220 = tpu.vector_load %arg10[%swap3A_219] {strides = array<i32>} : memref<48xi32, #tpu.memory_space<vmem>>, vector<16xi32>,
      %swap3A_221 = vector.shape_cast %swap3A_220 : vector<16xi32> to vector<16xi32>
      %swap3A_222 = vector.shape_cast %add3A_218 : vector<16xi32> to vector<16xi32>
      tpu.vector_store %arg10[%swap3A_219], %swap3A_222 {strides = array<i32>} : memref<48xi32, #tpu.memory_space<vmem>>, vector<16xi32>,
      %get3A_223 = arith.constant 32 : index
      %get3A_224 = tpu.vector_load %arg12[%get3A_223] {strides = array<i32>} : memref<48xi32, #tpu.memory_space<vmem>>, vector<16xi32>,
      %get3A_225 = vector.shape_cast %get3A_224 : vector<16xi32> to vector<16xi32>
      %min3A_226 = arith.constant 9999 : i32
      %min3A_227 = vector.broadcast %min3A_226 : i32 to vector<16xi32>
      %min3A_228 = arith.minsi %get3A_225, %min3A_227 : vector<16xi32>
      %add3A_229 = vector.broadcast %mul3A_0 : i32 to vector<16xi32>
      %add3A_230 = arith.addi %min3A_228, %add3A_229 : vector<16xi32>
      %swap3A_231 = arith.constant 32 : index
      %swap3A_232 = tpu.vector_load %arg14[%swap3A_231] {strides = array<i32>} : memref<48xi32, #tpu.memory_space<vmem>>, vector<16xi32>,
      %swap3A_233 = vector.shape_cast %swap3A_232 : vector<16xi32> to vector<16xi32>
      %swap3A_234 = vector.shape_cast %add3A_230 : vector<16xi32> to vector<16xi32>
      tpu.vector_store %arg14[%swap3A_231], %swap3A_234 {strides = array<i32>} : memref<48xi32, #tpu.memory_space<vmem>>, vector<16xi32>,
      %dma_start3A_235 = arith.constant 0 : i32
      %dma_start3A_236 = arith.constant 0 : i32
      %dma_start3A_237 = tpu.memref_slice %arg2[%dma_start3A_235, %dma_start3A_236] : memref<20000x144xf32, #tpu.memory_space<hbm>> -> memref<20000x144xf32, #tpu.memory_space<hbm>>
      tpu.enqueue_indirect_dma source(%dma_start3A_237 : memref<20000x144xf32, #tpu.memory_space<hbm>>) target(%arg18 : memref<48x144xf32, #tpu.memory_space<vmem>>) offsets(%arg10 : memref<48xi32, #tpu.memory_space<vmem>>) semaphore(%arg24 : memref<!tpu.dma_semaphore, #tpu.memory_space<semaphore_mem>>)
      %dma_start3A_238 = arith.constant 0 : i32
      %dma_start3A_239 = arith.constant 0 : i32
      %dma_start3A_240 = tpu.memref_slice %arg3[%dma_start3A_238, %dma_start3A_239] : memref<20000x144xf32, #tpu.memory_space<hbm>> -> memref<20000x144xf32, #tpu.memory_space<hbm>>
      tpu.enqueue_indirect_dma source(%dma_start3A_240 : memref<20000x144xf32, #tpu.memory_space<hbm>>) target(%arg20 : memref<48x144xf32, #tpu.memory_space<vmem>>) offsets(%arg14 : memref<48xi32, #tpu.memory_space<vmem>>) semaphore(%arg26 : memref<!tpu.dma_semaphore, #tpu.memory_space<semaphore_mem>>)
      %dma_wait3A_241 = arith.constant 0 : i32
      %dma_wait3A_242 = arith.constant 0 : i32
      %dma_wait3A_243 = tpu.memref_slice %arg2[%dma_wait3A_241, %dma_wait3A_242] : memref<20000x144xf32, #tpu.memory_space<hbm>> -> memref<20000x144xf32, #tpu.memory_space<hbm>>
      tpu.wait_indirect_dma semaphore(%arg23 : memref<!tpu.dma_semaphore, #tpu.memory_space<semaphore_mem>>) src(%dma_wait3A_243 : memref<20000x144xf32, #tpu.memory_space<hbm>>) dst(%arg17 : memref<48x144xf32, #tpu.memory_space<vmem>>)
      %dma_wait3A_244 = arith.constant 0 : i32
      %dma_wait3A_245 = arith.constant 0 : i32
      %dma_wait3A_246 = tpu.memref_slice %arg3[%dma_wait3A_244, %dma_wait3A_245] : memref<20000x144xf32, #tpu.memory_space<hbm>> -> memref<20000x144xf32, #tpu.memory_space<hbm>>
      tpu.wait_indirect_dma semaphore(%arg25 : memref<!tpu.dma_semaphore, #tpu.memory_space<semaphore_mem>>) src(%dma_wait3A_246 : memref<20000x144xf32, #tpu.memory_space<hbm>>) dst(%arg19 : memref<48x144xf32, #tpu.memory_space<vmem>>)
      %parallel_loop3A = arith.constant 0 : i32
      %parallel_loop3A_247 = arith.constant 48 : i32
      %parallel_loop3A_248 = arith.constant 1 : i32
      scf.for %parallel_loop3A_258 = %parallel_loop3A to %parallel_loop3A_247 step %parallel_loop3A_248  : i32 {
        %parallel_loop3A_259 = arith.index_cast %parallel_loop3A_258 : i32 to index
        %parallel_loop3A_260 = arith.constant 0 : index
        %parallel_loop3A_261 = tpu.vector_load %arg15[%parallel_loop3A_259, %parallel_loop3A_260] {strides = array<i32>} : memref<48x16xf32, #tpu.memory_space<vmem>>, vector<1x16xf32>,
        %parallel_loop3A_262 = vector.shape_cast %parallel_loop3A_261 : vector<1x16xf32> to vector<16xf32>
        %parallel_loop3A_263 = arith.index_cast %parallel_loop3A_258 : i32 to index
        %parallel_loop3A_264 = arith.constant 0 : index
        %parallel_loop3A_265 = tpu.vector_load %arg17[%parallel_loop3A_263, %parallel_loop3A_264] {strides = array<i32>} : memref<48x144xf32, #tpu.memory_space<vmem>>, vector<1x16xf32>,
        %parallel_loop3A_266 = vector.shape_cast %parallel_loop3A_265 : vector<1x16xf32> to vector<16xf32>
        %parallel_loop3A_267 = arith.index_cast %parallel_loop3A_258 : i32 to index
        %parallel_loop3A_268 = arith.constant 0 : index
        %parallel_loop3A_269 = tpu.vector_load %arg19[%parallel_loop3A_267, %parallel_loop3A_268] {strides = array<i32>} : memref<48x144xf32, #tpu.memory_space<vmem>>, vector<1x16xf32>,
        %parallel_loop3A_270 = vector.shape_cast %parallel_loop3A_269 : vector<1x16xf32> to vector<16xf32>
        %parallel_loop3A_271 = arith.addf %parallel_loop3A_266, %parallel_loop3A_270 : vector<16xf32>
        %parallel_loop3A_272 = arith.constant 0 : index
        %parallel_loop3A_273 = tpu.vector_load %arg21[%parallel_loop3A_272] {strides = array<i32>} : memref<144xf32, #tpu.memory_space<vmem>>, vector<16xf32>,
        %parallel_loop3A_274 = vector.shape_cast %parallel_loop3A_273 : vector<16xf32> to vector<16xf32>
        %parallel_loop3A_275 = arith.mulf %parallel_loop3A_262, %parallel_loop3A_274 : vector<16xf32>
        %parallel_loop3A_276 = arith.addf %parallel_loop3A_271, %parallel_loop3A_275 : vector<16xf32>
        %parallel_loop3A_277 = arith.constant 0.000000e+00 : f32
        %parallel_loop3A_278 = vector.broadcast %parallel_loop3A_277 : f32 to vector<16xf32>
        %parallel_loop3A_279 = arith.maximumf %parallel_loop3A_276, %parallel_loop3A_278 : vector<16xf32>
        %parallel_loop3A_280 = arith.index_cast %parallel_loop3A_258 : i32 to index
        %parallel_loop3A_281 = arith.constant 0 : index
        %parallel_loop3A_282 = tpu.vector_load %arg17[%parallel_loop3A_280, %parallel_loop3A_281] {strides = array<i32>} : memref<48x144xf32, #tpu.memory_space<vmem>>, vector<1x16xf32>,
        %parallel_loop3A_283 = vector.shape_cast %parallel_loop3A_282 : vector<1x16xf32> to vector<16xf32>
        %parallel_loop3A_284 = vector.shape_cast %parallel_loop3A_279 : vector<16xf32> to vector<1x16xf32>
        tpu.vector_store %arg17[%parallel_loop3A_280, %parallel_loop3A_281], %parallel_loop3A_284 {strides = array<i32>} : memref<48x144xf32, #tpu.memory_space<vmem>>, vector<1x16xf32>,
        %parallel_loop3A_285 = arith.index_cast %parallel_loop3A_258 : i32 to index
        %parallel_loop3A_286 = arith.constant 16 : index
        %parallel_loop3A_287 = tpu.vector_load %arg17[%parallel_loop3A_285, %parallel_loop3A_286] {strides = array<i32>} : memref<48x144xf32, #tpu.memory_space<vmem>>, vector<1x16xf32>,
        %parallel_loop3A_288 = vector.shape_cast %parallel_loop3A_287 : vector<1x16xf32> to vector<16xf32>
        %parallel_loop3A_289 = arith.index_cast %parallel_loop3A_258 : i32 to index
        %parallel_loop3A_290 = arith.constant 16 : index
        %parallel_loop3A_291 = tpu.vector_load %arg19[%parallel_loop3A_289, %parallel_loop3A_290] {strides = array<i32>} : memref<48x144xf32, #tpu.memory_space<vmem>>, vector<1x16xf32>,
        %parallel_loop3A_292 = vector.shape_cast %parallel_loop3A_291 : vector<1x16xf32> to vector<16xf32>
        %parallel_loop3A_293 = arith.addf %parallel_loop3A_288, %parallel_loop3A_292 : vector<16xf32>
        %parallel_loop3A_294 = arith.constant 16 : index
        %parallel_loop3A_295 = tpu.vector_load %arg21[%parallel_loop3A_294] {strides = array<i32>} : memref<144xf32, #tpu.memory_space<vmem>>, vector<16xf32>,
        %parallel_loop3A_296 = vector.shape_cast %parallel_loop3A_295 : vector<16xf32> to vector<16xf32>
        %parallel_loop3A_297 = arith.mulf %parallel_loop3A_262, %parallel_loop3A_296 : vector<16xf32>
        %parallel_loop3A_298 = arith.addf %parallel_loop3A_293, %parallel_loop3A_297 : vector<16xf32>
        %parallel_loop3A_299 = arith.constant 0.000000e+00 : f32
        %parallel_loop3A_300 = vector.broadcast %parallel_loop3A_299 : f32 to vector<16xf32>
        %parallel_loop3A_301 = arith.maximumf %parallel_loop3A_298, %parallel_loop3A_300 : vector<16xf32>
        %parallel_loop3A_302 = arith.index_cast %parallel_loop3A_258 : i32 to index
        %parallel_loop3A_303 = arith.constant 16 : index
        %parallel_loop3A_304 = tpu.vector_load %arg17[%parallel_loop3A_302, %parallel_loop3A_303] {strides = array<i32>} : memref<48x144xf32, #tpu.memory_space<vmem>>, vector<1x16xf32>,
        %parallel_loop3A_305 = vector.shape_cast %parallel_loop3A_304 : vector<1x16xf32> to vector<16xf32>
        %parallel_loop3A_306 = vector.shape_cast %parallel_loop3A_301 : vector<16xf32> to vector<1x16xf32>
        tpu.vector_store %arg17[%parallel_loop3A_302, %parallel_loop3A_303], %parallel_loop3A_306 {strides = array<i32>} : memref<48x144xf32, #tpu.memory_space<vmem>>, vector<1x16xf32>,
        %parallel_loop3A_307 = arith.index_cast %parallel_loop3A_258 : i32 to index
        %parallel_loop3A_308 = arith.constant 32 : index
        %parallel_loop3A_309 = tpu.vector_load %arg17[%parallel_loop3A_307, %parallel_loop3A_308] {strides = array<i32>} : memref<48x144xf32, #tpu.memory_space<vmem>>, vector<1x16xf32>,
        %parallel_loop3A_310 = vector.shape_cast %parallel_loop3A_309 : vector<1x16xf32> to vector<16xf32>
        %parallel_loop3A_311 = arith.index_cast %parallel_loop3A_258 : i32 to index
        %parallel_loop3A_312 = arith.constant 32 : index
        %parallel_loop3A_313 = tpu.vector_load %arg19[%parallel_loop3A_311, %parallel_loop3A_312] {strides = array<i32>} : memref<48x144xf32, #tpu.memory_space<vmem>>, vector<1x16xf32>,
        %parallel_loop3A_314 = vector.shape_cast %parallel_loop3A_313 : vector<1x16xf32> to vector<16xf32>
        %parallel_loop3A_315 = arith.addf %parallel_loop3A_310, %parallel_loop3A_314 : vector<16xf32>
        %parallel_loop3A_316 = arith.constant 32 : index
        %parallel_loop3A_317 = tpu.vector_load %arg21[%parallel_loop3A_316] {strides = array<i32>} : memref<144xf32, #tpu.memory_space<vmem>>, vector<16xf32>,
        %parallel_loop3A_318 = vector.shape_cast %parallel_loop3A_317 : vector<16xf32> to vector<16xf32>
        %parallel_loop3A_319 = arith.mulf %parallel_loop3A_262, %parallel_loop3A_318 : vector<16xf32>
        %parallel_loop3A_320 = arith.addf %parallel_loop3A_315, %parallel_loop3A_319 : vector<16xf32>
        %parallel_loop3A_321 = arith.constant 0.000000e+00 : f32
        %parallel_loop3A_322 = vector.broadcast %parallel_loop3A_321 : f32 to vector<16xf32>
        %parallel_loop3A_323 = arith.maximumf %parallel_loop3A_320, %parallel_loop3A_322 : vector<16xf32>
        %parallel_loop3A_324 = arith.index_cast %parallel_loop3A_258 : i32 to index
        %parallel_loop3A_325 = arith.constant 32 : index
        %parallel_loop3A_326 = tpu.vector_load %arg17[%parallel_loop3A_324, %parallel_loop3A_325] {strides = array<i32>} : memref<48x144xf32, #tpu.memory_space<vmem>>, vector<1x16xf32>,
        %parallel_loop3A_327 = vector.shape_cast %parallel_loop3A_326 : vector<1x16xf32> to vector<16xf32>
        %parallel_loop3A_328 = vector.shape_cast %parallel_loop3A_323 : vector<16xf32> to vector<1x16xf32>
        tpu.vector_store %arg17[%parallel_loop3A_324, %parallel_loop3A_325], %parallel_loop3A_328 {strides = array<i32>} : memref<48x144xf32, #tpu.memory_space<vmem>>, vector<1x16xf32>,
        %parallel_loop3A_329 = arith.index_cast %parallel_loop3A_258 : i32 to index
        %parallel_loop3A_330 = arith.constant 48 : index
        %parallel_loop3A_331 = tpu.vector_load %arg17[%parallel_loop3A_329, %parallel_loop3A_330] {strides = array<i32>} : memref<48x144xf32, #tpu.memory_space<vmem>>, vector<1x16xf32>,
        %parallel_loop3A_332 = vector.shape_cast %parallel_loop3A_331 : vector<1x16xf32> to vector<16xf32>
        %parallel_loop3A_333 = arith.index_cast %parallel_loop3A_258 : i32 to index
        %parallel_loop3A_334 = arith.constant 48 : index
        %parallel_loop3A_335 = tpu.vector_load %arg19[%parallel_loop3A_333, %parallel_loop3A_334] {strides = array<i32>} : memref<48x144xf32, #tpu.memory_space<vmem>>, vector<1x16xf32>,
        %parallel_loop3A_336 = vector.shape_cast %parallel_loop3A_335 : vector<1x16xf32> to vector<16xf32>
        %parallel_loop3A_337 = arith.addf %parallel_loop3A_332, %parallel_loop3A_336 : vector<16xf32>
        %parallel_loop3A_338 = arith.constant 48 : index
        %parallel_loop3A_339 = tpu.vector_load %arg21[%parallel_loop3A_338] {strides = array<i32>} : memref<144xf32, #tpu.memory_space<vmem>>, vector<16xf32>,
        %parallel_loop3A_340 = vector.shape_cast %parallel_loop3A_339 : vector<16xf32> to vector<16xf32>
        %parallel_loop3A_341 = arith.mulf %parallel_loop3A_262, %parallel_loop3A_340 : vector<16xf32>
        %parallel_loop3A_342 = arith.addf %parallel_loop3A_337, %parallel_loop3A_341 : vector<16xf32>
        %parallel_loop3A_343 = arith.constant 0.000000e+00 : f32
        %parallel_loop3A_344 = vector.broadcast %parallel_loop3A_343 : f32 to vector<16xf32>
        %parallel_loop3A_345 = arith.maximumf %parallel_loop3A_342, %parallel_loop3A_344 : vector<16xf32>
        %parallel_loop3A_346 = arith.index_cast %parallel_loop3A_258 : i32 to index
        %parallel_loop3A_347 = arith.constant 48 : index
        %parallel_loop3A_348 = tpu.vector_load %arg17[%parallel_loop3A_346, %parallel_loop3A_347] {strides = array<i32>} : memref<48x144xf32, #tpu.memory_space<vmem>>, vector<1x16xf32>,
        %parallel_loop3A_349 = vector.shape_cast %parallel_loop3A_348 : vector<1x16xf32> to vector<16xf32>
        %parallel_loop3A_350 = vector.shape_cast %parallel_loop3A_345 : vector<16xf32> to vector<1x16xf32>
        tpu.vector_store %arg17[%parallel_loop3A_346, %parallel_loop3A_347], %parallel_loop3A_350 {strides = array<i32>} : memref<48x144xf32, #tpu.memory_space<vmem>>, vector<1x16xf32>,
        %parallel_loop3A_351 = arith.index_cast %parallel_loop3A_258 : i32 to index
        %parallel_loop3A_352 = arith.constant 64 : index
        %parallel_loop3A_353 = tpu.vector_load %arg17[%parallel_loop3A_351, %parallel_loop3A_352] {strides = array<i32>} : memref<48x144xf32, #tpu.memory_space<vmem>>, vector<1x16xf32>,
        %parallel_loop3A_354 = vector.shape_cast %parallel_loop3A_353 : vector<1x16xf32> to vector<16xf32>
        %parallel_loop3A_355 = arith.index_cast %parallel_loop3A_258 : i32 to index
        %parallel_loop3A_356 = arith.constant 64 : index
        %parallel_loop3A_357 = tpu.vector_load %arg19[%parallel_loop3A_355, %parallel_loop3A_356] {strides = array<i32>} : memref<48x144xf32, #tpu.memory_space<vmem>>, vector<1x16xf32>,
        %parallel_loop3A_358 = vector.shape_cast %parallel_loop3A_357 : vector<1x16xf32> to vector<16xf32>
        %parallel_loop3A_359 = arith.addf %parallel_loop3A_354, %parallel_loop3A_358 : vector<16xf32>
        %parallel_loop3A_360 = arith.constant 64 : index
        %parallel_loop3A_361 = tpu.vector_load %arg21[%parallel_loop3A_360] {strides = array<i32>} : memref<144xf32, #tpu.memory_space<vmem>>, vector<16xf32>,
        %parallel_loop3A_362 = vector.shape_cast %parallel_loop3A_361 : vector<16xf32> to vector<16xf32>
        %parallel_loop3A_363 = arith.mulf %parallel_loop3A_262, %parallel_loop3A_362 : vector<16xf32>
        %parallel_loop3A_364 = arith.addf %parallel_loop3A_359, %parallel_loop3A_363 : vector<16xf32>
        %parallel_loop3A_365 = arith.constant 0.000000e+00 : f32
        %parallel_loop3A_366 = vector.broadcast %parallel_loop3A_365 : f32 to vector<16xf32>
        %parallel_loop3A_367 = arith.maximumf %parallel_loop3A_364, %parallel_loop3A_366 : vector<16xf32>
        %parallel_loop3A_368 = arith.index_cast %parallel_loop3A_258 : i32 to index
        %parallel_loop3A_369 = arith.constant 64 : index
        %parallel_loop3A_370 = tpu.vector_load %arg17[%parallel_loop3A_368, %parallel_loop3A_369] {strides = array<i32>} : memref<48x144xf32, #tpu.memory_space<vmem>>, vector<1x16xf32>,
        %parallel_loop3A_371 = vector.shape_cast %parallel_loop3A_370 : vector<1x16xf32> to vector<16xf32>
        %parallel_loop3A_372 = vector.shape_cast %parallel_loop3A_367 : vector<16xf32> to vector<1x16xf32>
        tpu.vector_store %arg17[%parallel_loop3A_368, %parallel_loop3A_369], %parallel_loop3A_372 {strides = array<i32>} : memref<48x144xf32, #tpu.memory_space<vmem>>, vector<1x16xf32>,
        %parallel_loop3A_373 = arith.index_cast %parallel_loop3A_258 : i32 to index
        %parallel_loop3A_374 = arith.constant 80 : index
        %parallel_loop3A_375 = tpu.vector_load %arg17[%parallel_loop3A_373, %parallel_loop3A_374] {strides = array<i32>} : memref<48x144xf32, #tpu.memory_space<vmem>>, vector<1x16xf32>,
        %parallel_loop3A_376 = vector.shape_cast %parallel_loop3A_375 : vector<1x16xf32> to vector<16xf32>
        %parallel_loop3A_377 = arith.index_cast %parallel_loop3A_258 : i32 to index
        %parallel_loop3A_378 = arith.constant 80 : index
        %parallel_loop3A_379 = tpu.vector_load %arg19[%parallel_loop3A_377, %parallel_loop3A_378] {strides = array<i32>} : memref<48x144xf32, #tpu.memory_space<vmem>>, vector<1x16xf32>,
        %parallel_loop3A_380 = vector.shape_cast %parallel_loop3A_379 : vector<1x16xf32> to vector<16xf32>
        %parallel_loop3A_381 = arith.addf %parallel_loop3A_376, %parallel_loop3A_380 : vector<16xf32>
        %parallel_loop3A_382 = arith.constant 80 : index
        %parallel_loop3A_383 = tpu.vector_load %arg21[%parallel_loop3A_382] {strides = array<i32>} : memref<144xf32, #tpu.memory_space<vmem>>, vector<16xf32>,
        %parallel_loop3A_384 = vector.shape_cast %parallel_loop3A_383 : vector<16xf32> to vector<16xf32>
        %parallel_loop3A_385 = arith.mulf %parallel_loop3A_262, %parallel_loop3A_384 : vector<16xf32>
        %parallel_loop3A_386 = arith.addf %parallel_loop3A_381, %parallel_loop3A_385 : vector<16xf32>
        %parallel_loop3A_387 = arith.constant 0.000000e+00 : f32
        %parallel_loop3A_388 = vector.broadcast %parallel_loop3A_387 : f32 to vector<16xf32>
        %parallel_loop3A_389 = arith.maximumf %parallel_loop3A_386, %parallel_loop3A_388 : vector<16xf32>
        %parallel_loop3A_390 = arith.index_cast %parallel_loop3A_258 : i32 to index
        %parallel_loop3A_391 = arith.constant 80 : index
        %parallel_loop3A_392 = tpu.vector_load %arg17[%parallel_loop3A_390, %parallel_loop3A_391] {strides = array<i32>} : memref<48x144xf32, #tpu.memory_space<vmem>>, vector<1x16xf32>,
        %parallel_loop3A_393 = vector.shape_cast %parallel_loop3A_392 : vector<1x16xf32> to vector<16xf32>
        %parallel_loop3A_394 = vector.shape_cast %parallel_loop3A_389 : vector<16xf32> to vector<1x16xf32>
        tpu.vector_store %arg17[%parallel_loop3A_390, %parallel_loop3A_391], %parallel_loop3A_394 {strides = array<i32>} : memref<48x144xf32, #tpu.memory_space<vmem>>, vector<1x16xf32>,
        %parallel_loop3A_395 = arith.index_cast %parallel_loop3A_258 : i32 to index
        %parallel_loop3A_396 = arith.constant 96 : index
        %parallel_loop3A_397 = tpu.vector_load %arg17[%parallel_loop3A_395, %parallel_loop3A_396] {strides = array<i32>} : memref<48x144xf32, #tpu.memory_space<vmem>>, vector<1x16xf32>,
        %parallel_loop3A_398 = vector.shape_cast %parallel_loop3A_397 : vector<1x16xf32> to vector<16xf32>
        %parallel_loop3A_399 = arith.index_cast %parallel_loop3A_258 : i32 to index
        %parallel_loop3A_400 = arith.constant 96 : index
        %parallel_loop3A_401 = tpu.vector_load %arg19[%parallel_loop3A_399, %parallel_loop3A_400] {strides = array<i32>} : memref<48x144xf32, #tpu.memory_space<vmem>>, vector<1x16xf32>,
        %parallel_loop3A_402 = vector.shape_cast %parallel_loop3A_401 : vector<1x16xf32> to vector<16xf32>
        %parallel_loop3A_403 = arith.addf %parallel_loop3A_398, %parallel_loop3A_402 : vector<16xf32>
        %parallel_loop3A_404 = arith.constant 96 : index
        %parallel_loop3A_405 = tpu.vector_load %arg21[%parallel_loop3A_404] {strides = array<i32>} : memref<144xf32, #tpu.memory_space<vmem>>, vector<16xf32>,
        %parallel_loop3A_406 = vector.shape_cast %parallel_loop3A_405 : vector<16xf32> to vector<16xf32>
        %parallel_loop3A_407 = arith.mulf %parallel_loop3A_262, %parallel_loop3A_406 : vector<16xf32>
        %parallel_loop3A_408 = arith.addf %parallel_loop3A_403, %parallel_loop3A_407 : vector<16xf32>
        %parallel_loop3A_409 = arith.constant 0.000000e+00 : f32
        %parallel_loop3A_410 = vector.broadcast %parallel_loop3A_409 : f32 to vector<16xf32>
        %parallel_loop3A_411 = arith.maximumf %parallel_loop3A_408, %parallel_loop3A_410 : vector<16xf32>
        %parallel_loop3A_412 = arith.index_cast %parallel_loop3A_258 : i32 to index
        %parallel_loop3A_413 = arith.constant 96 : index
        %parallel_loop3A_414 = tpu.vector_load %arg17[%parallel_loop3A_412, %parallel_loop3A_413] {strides = array<i32>} : memref<48x144xf32, #tpu.memory_space<vmem>>, vector<1x16xf32>,
        %parallel_loop3A_415 = vector.shape_cast %parallel_loop3A_414 : vector<1x16xf32> to vector<16xf32>
        %parallel_loop3A_416 = vector.shape_cast %parallel_loop3A_411 : vector<16xf32> to vector<1x16xf32>
        tpu.vector_store %arg17[%parallel_loop3A_412, %parallel_loop3A_413], %parallel_loop3A_416 {strides = array<i32>} : memref<48x144xf32, #tpu.memory_space<vmem>>, vector<1x16xf32>,
        %parallel_loop3A_417 = arith.index_cast %parallel_loop3A_258 : i32 to index
        %parallel_loop3A_418 = arith.constant 112 : index
        %parallel_loop3A_419 = tpu.vector_load %arg17[%parallel_loop3A_417, %parallel_loop3A_418] {strides = array<i32>} : memref<48x144xf32, #tpu.memory_space<vmem>>, vector<1x16xf32>,
        %parallel_loop3A_420 = vector.shape_cast %parallel_loop3A_419 : vector<1x16xf32> to vector<16xf32>
        %parallel_loop3A_421 = arith.index_cast %parallel_loop3A_258 : i32 to index
        %parallel_loop3A_422 = arith.constant 112 : index
        %parallel_loop3A_423 = tpu.vector_load %arg19[%parallel_loop3A_421, %parallel_loop3A_422] {strides = array<i32>} : memref<48x144xf32, #tpu.memory_space<vmem>>, vector<1x16xf32>,
        %parallel_loop3A_424 = vector.shape_cast %parallel_loop3A_423 : vector<1x16xf32> to vector<16xf32>
        %parallel_loop3A_425 = arith.addf %parallel_loop3A_420, %parallel_loop3A_424 : vector<16xf32>
        %parallel_loop3A_426 = arith.constant 112 : index
        %parallel_loop3A_427 = tpu.vector_load %arg21[%parallel_loop3A_426] {strides = array<i32>} : memref<144xf32, #tpu.memory_space<vmem>>, vector<16xf32>,
        %parallel_loop3A_428 = vector.shape_cast %parallel_loop3A_427 : vector<16xf32> to vector<16xf32>
        %parallel_loop3A_429 = arith.mulf %parallel_loop3A_262, %parallel_loop3A_428 : vector<16xf32>
        %parallel_loop3A_430 = arith.addf %parallel_loop3A_425, %parallel_loop3A_429 : vector<16xf32>
        %parallel_loop3A_431 = arith.constant 0.000000e+00 : f32
        %parallel_loop3A_432 = vector.broadcast %parallel_loop3A_431 : f32 to vector<16xf32>
        %parallel_loop3A_433 = arith.maximumf %parallel_loop3A_430, %parallel_loop3A_432 : vector<16xf32>
        %parallel_loop3A_434 = arith.index_cast %parallel_loop3A_258 : i32 to index
        %parallel_loop3A_435 = arith.constant 112 : index
        %parallel_loop3A_436 = tpu.vector_load %arg17[%parallel_loop3A_434, %parallel_loop3A_435] {strides = array<i32>} : memref<48x144xf32, #tpu.memory_space<vmem>>, vector<1x16xf32>,
        %parallel_loop3A_437 = vector.shape_cast %parallel_loop3A_436 : vector<1x16xf32> to vector<16xf32>
        %parallel_loop3A_438 = vector.shape_cast %parallel_loop3A_433 : vector<16xf32> to vector<1x16xf32>
        tpu.vector_store %arg17[%parallel_loop3A_434, %parallel_loop3A_435], %parallel_loop3A_438 {strides = array<i32>} : memref<48x144xf32, #tpu.memory_space<vmem>>, vector<1x16xf32>,
        %parallel_loop3A_439 = arith.index_cast %parallel_loop3A_258 : i32 to index
        %parallel_loop3A_440 = arith.constant 128 : index
        %parallel_loop3A_441 = tpu.vector_load %arg17[%parallel_loop3A_439, %parallel_loop3A_440] {strides = array<i32>} : memref<48x144xf32, #tpu.memory_space<vmem>>, vector<1x16xf32>,
        %parallel_loop3A_442 = vector.shape_cast %parallel_loop3A_441 : vector<1x16xf32> to vector<16xf32>
        %parallel_loop3A_443 = arith.index_cast %parallel_loop3A_258 : i32 to index
        %parallel_loop3A_444 = arith.constant 128 : index
        %parallel_loop3A_445 = tpu.vector_load %arg19[%parallel_loop3A_443, %parallel_loop3A_444] {strides = array<i32>} : memref<48x144xf32, #tpu.memory_space<vmem>>, vector<1x16xf32>,
        %parallel_loop3A_446 = vector.shape_cast %parallel_loop3A_445 : vector<1x16xf32> to vector<16xf32>
        %parallel_loop3A_447 = arith.addf %parallel_loop3A_442, %parallel_loop3A_446 : vector<16xf32>
        %parallel_loop3A_448 = arith.constant 128 : index
        %parallel_loop3A_449 = tpu.vector_load %arg21[%parallel_loop3A_448] {strides = array<i32>} : memref<144xf32, #tpu.memory_space<vmem>>, vector<16xf32>,
        %parallel_loop3A_450 = vector.shape_cast %parallel_loop3A_449 : vector<16xf32> to vector<16xf32>
        %parallel_loop3A_451 = arith.mulf %parallel_loop3A_262, %parallel_loop3A_450 : vector<16xf32>
        %parallel_loop3A_452 = arith.addf %parallel_loop3A_447, %parallel_loop3A_451 : vector<16xf32>
        %parallel_loop3A_453 = arith.constant 0.000000e+00 : f32
        %parallel_loop3A_454 = vector.broadcast %parallel_loop3A_453 : f32 to vector<16xf32>
        %parallel_loop3A_455 = arith.maximumf %parallel_loop3A_452, %parallel_loop3A_454 : vector<16xf32>
        %parallel_loop3A_456 = arith.index_cast %parallel_loop3A_258 : i32 to index
        %parallel_loop3A_457 = arith.constant 128 : index
        %parallel_loop3A_458 = tpu.vector_load %arg17[%parallel_loop3A_456, %parallel_loop3A_457] {strides = array<i32>} : memref<48x144xf32, #tpu.memory_space<vmem>>, vector<1x16xf32>,
        %parallel_loop3A_459 = vector.shape_cast %parallel_loop3A_458 : vector<1x16xf32> to vector<16xf32>
        %parallel_loop3A_460 = vector.shape_cast %parallel_loop3A_455 : vector<16xf32> to vector<1x16xf32>
        tpu.vector_store %arg17[%parallel_loop3A_456, %parallel_loop3A_457], %parallel_loop3A_460 {strides = array<i32>} : memref<48x144xf32, #tpu.memory_space<vmem>>, vector<1x16xf32>,
      } {sc.loop_unroll_factor = 4 : i64, sc.parallel_access}
      "tpu.region"() ({
        %run_scoped3A = tpu.sem_alloc : memref<!tpu.dma_semaphore, #tpu.memory_space<semaphore_mem>>
        %dma_start3A_258 = arith.constant 0 : i32
        %dma_start3A_259 = arith.constant 0 : i32
        %dma_start3A_260 = tpu.memref_slice %arg22[%dma_start3A_258, %dma_start3A_259] : memref<10240x144xf32, #tpu.memory_space<vmem_shared>> -> memref<10240x144xf32, #tpu.memory_space<vmem_shared>>
        tpu.enqueue_indirect_dma source(%arg17 : memref<48x144xf32, #tpu.memory_space<vmem>>) target(%dma_start3A_260 : memref<10240x144xf32, #tpu.memory_space<vmem_shared>>) offsets(%arg11 : memref<48xi32, #tpu.memory_space<vmem>>) semaphore(%run_scoped3A : memref<!tpu.dma_semaphore, #tpu.memory_space<semaphore_mem>>) {add = true}
        %dma_wait3A_261 = arith.constant 0 : i32
        %dma_wait3A_262 = arith.constant 0 : i32
        %dma_wait3A_263 = tpu.memref_slice %arg22[%dma_wait3A_261, %dma_wait3A_262] : memref<10240x144xf32, #tpu.memory_space<vmem_shared>> -> memref<10240x144xf32, #tpu.memory_space<vmem_shared>>
        tpu.wait_indirect_dma semaphore(%run_scoped3A : memref<!tpu.dma_semaphore, #tpu.memory_space<semaphore_mem>>) src(%arg17 : memref<48x144xf32, #tpu.memory_space<vmem>>) dst(%dma_wait3A_263 : memref<10240x144xf32, #tpu.memory_space<vmem_shared>>)
        tpu.yield
      }) : () -> ()
      %dma_wait3A_249 = arith.constant 0 : i32
      %dma_wait3A_250 = arith.constant 0 : i32
      %dma_wait3A_251 = tpu.memref_slice %arg2[%dma_wait3A_249, %dma_wait3A_250] : memref<20000x144xf32, #tpu.memory_space<hbm>> -> memref<20000x144xf32, #tpu.memory_space<hbm>>
      tpu.wait_indirect_dma semaphore(%arg24 : memref<!tpu.dma_semaphore, #tpu.memory_space<semaphore_mem>>) src(%dma_wait3A_251 : memref<20000x144xf32, #tpu.memory_space<hbm>>) dst(%arg18 : memref<48x144xf32, #tpu.memory_space<vmem>>)
      %dma_wait3A_252 = arith.constant 0 : i32
      %dma_wait3A_253 = arith.constant 0 : i32
      %dma_wait3A_254 = tpu.memref_slice %arg3[%dma_wait3A_252, %dma_wait3A_253] : memref<20000x144xf32, #tpu.memory_space<hbm>> -> memref<20000x144xf32, #tpu.memory_space<hbm>>
      tpu.wait_indirect_dma semaphore(%arg26 : memref<!tpu.dma_semaphore, #tpu.memory_space<semaphore_mem>>) src(%dma_wait3A_254 : memref<20000x144xf32, #tpu.memory_space<hbm>>) dst(%arg20 : memref<48x144xf32, #tpu.memory_space<vmem>>)
      %parallel_loop3A_255 = arith.constant 0 : i32
      %parallel_loop3A_256 = arith.constant 48 : i32
      %parallel_loop3A_257 = arith.constant 1 : i32
      scf.for %parallel_loop3A_258 = %parallel_loop3A_255 to %parallel_loop3A_256 step %parallel_loop3A_257  : i32 {
        %parallel_loop3A_259 = arith.index_cast %parallel_loop3A_258 : i32 to index
        %parallel_loop3A_260 = arith.constant 0 : index
        %parallel_loop3A_261 = tpu.vector_load %arg16[%parallel_loop3A_259, %parallel_loop3A_260] {strides = array<i32>} : memref<48x16xf32, #tpu.memory_space<vmem>>, vector<1x16xf32>,
        %parallel_loop3A_262 = vector.shape_cast %parallel_loop3A_261 : vector<1x16xf32> to vector<16xf32>
        %parallel_loop3A_263 = arith.index_cast %parallel_loop3A_258 : i32 to index
        %parallel_loop3A_264 = arith.constant 0 : index
        %parallel_loop3A_265 = tpu.vector_load %arg18[%parallel_loop3A_263, %parallel_loop3A_264] {strides = array<i32>} : memref<48x144xf32, #tpu.memory_space<vmem>>, vector<1x16xf32>,
        %parallel_loop3A_266 = vector.shape_cast %parallel_loop3A_265 : vector<1x16xf32> to vector<16xf32>
        %parallel_loop3A_267 = arith.index_cast %parallel_loop3A_258 : i32 to index
        %parallel_loop3A_268 = arith.constant 0 : index
        %parallel_loop3A_269 = tpu.vector_load %arg20[%parallel_loop3A_267, %parallel_loop3A_268] {strides = array<i32>} : memref<48x144xf32, #tpu.memory_space<vmem>>, vector<1x16xf32>,
        %parallel_loop3A_270 = vector.shape_cast %parallel_loop3A_269 : vector<1x16xf32> to vector<16xf32>
        %parallel_loop3A_271 = arith.addf %parallel_loop3A_266, %parallel_loop3A_270 : vector<16xf32>
        %parallel_loop3A_272 = arith.constant 0 : index
        %parallel_loop3A_273 = tpu.vector_load %arg21[%parallel_loop3A_272] {strides = array<i32>} : memref<144xf32, #tpu.memory_space<vmem>>, vector<16xf32>,
        %parallel_loop3A_274 = vector.shape_cast %parallel_loop3A_273 : vector<16xf32> to vector<16xf32>
        %parallel_loop3A_275 = arith.mulf %parallel_loop3A_262, %parallel_loop3A_274 : vector<16xf32>
        %parallel_loop3A_276 = arith.addf %parallel_loop3A_271, %parallel_loop3A_275 : vector<16xf32>
        %parallel_loop3A_277 = arith.constant 0.000000e+00 : f32
        %parallel_loop3A_278 = vector.broadcast %parallel_loop3A_277 : f32 to vector<16xf32>
        %parallel_loop3A_279 = arith.maximumf %parallel_loop3A_276, %parallel_loop3A_278 : vector<16xf32>
        %parallel_loop3A_280 = arith.index_cast %parallel_loop3A_258 : i32 to index
        %parallel_loop3A_281 = arith.constant 0 : index
        %parallel_loop3A_282 = tpu.vector_load %arg18[%parallel_loop3A_280, %parallel_loop3A_281] {strides = array<i32>} : memref<48x144xf32, #tpu.memory_space<vmem>>, vector<1x16xf32>,
        %parallel_loop3A_283 = vector.shape_cast %parallel_loop3A_282 : vector<1x16xf32> to vector<16xf32>
        %parallel_loop3A_284 = vector.shape_cast %parallel_loop3A_279 : vector<16xf32> to vector<1x16xf32>
        tpu.vector_store %arg18[%parallel_loop3A_280, %parallel_loop3A_281], %parallel_loop3A_284 {strides = array<i32>} : memref<48x144xf32, #tpu.memory_space<vmem>>, vector<1x16xf32>,
        %parallel_loop3A_285 = arith.index_cast %parallel_loop3A_258 : i32 to index
        %parallel_loop3A_286 = arith.constant 16 : index
        %parallel_loop3A_287 = tpu.vector_load %arg18[%parallel_loop3A_285, %parallel_loop3A_286] {strides = array<i32>} : memref<48x144xf32, #tpu.memory_space<vmem>>, vector<1x16xf32>,
        %parallel_loop3A_288 = vector.shape_cast %parallel_loop3A_287 : vector<1x16xf32> to vector<16xf32>
        %parallel_loop3A_289 = arith.index_cast %parallel_loop3A_258 : i32 to index
        %parallel_loop3A_290 = arith.constant 16 : index
        %parallel_loop3A_291 = tpu.vector_load %arg20[%parallel_loop3A_289, %parallel_loop3A_290] {strides = array<i32>} : memref<48x144xf32, #tpu.memory_space<vmem>>, vector<1x16xf32>,
        %parallel_loop3A_292 = vector.shape_cast %parallel_loop3A_291 : vector<1x16xf32> to vector<16xf32>
        %parallel_loop3A_293 = arith.addf %parallel_loop3A_288, %parallel_loop3A_292 : vector<16xf32>
        %parallel_loop3A_294 = arith.constant 16 : index
        %parallel_loop3A_295 = tpu.vector_load %arg21[%parallel_loop3A_294] {strides = array<i32>} : memref<144xf32, #tpu.memory_space<vmem>>, vector<16xf32>,
        %parallel_loop3A_296 = vector.shape_cast %parallel_loop3A_295 : vector<16xf32> to vector<16xf32>
        %parallel_loop3A_297 = arith.mulf %parallel_loop3A_262, %parallel_loop3A_296 : vector<16xf32>
        %parallel_loop3A_298 = arith.addf %parallel_loop3A_293, %parallel_loop3A_297 : vector<16xf32>
        %parallel_loop3A_299 = arith.constant 0.000000e+00 : f32
        %parallel_loop3A_300 = vector.broadcast %parallel_loop3A_299 : f32 to vector<16xf32>
        %parallel_loop3A_301 = arith.maximumf %parallel_loop3A_298, %parallel_loop3A_300 : vector<16xf32>
        %parallel_loop3A_302 = arith.index_cast %parallel_loop3A_258 : i32 to index
        %parallel_loop3A_303 = arith.constant 16 : index
        %parallel_loop3A_304 = tpu.vector_load %arg18[%parallel_loop3A_302, %parallel_loop3A_303] {strides = array<i32>} : memref<48x144xf32, #tpu.memory_space<vmem>>, vector<1x16xf32>,
        %parallel_loop3A_305 = vector.shape_cast %parallel_loop3A_304 : vector<1x16xf32> to vector<16xf32>
        %parallel_loop3A_306 = vector.shape_cast %parallel_loop3A_301 : vector<16xf32> to vector<1x16xf32>
        tpu.vector_store %arg18[%parallel_loop3A_302, %parallel_loop3A_303], %parallel_loop3A_306 {strides = array<i32>} : memref<48x144xf32, #tpu.memory_space<vmem>>, vector<1x16xf32>,
        %parallel_loop3A_307 = arith.index_cast %parallel_loop3A_258 : i32 to index
        %parallel_loop3A_308 = arith.constant 32 : index
        %parallel_loop3A_309 = tpu.vector_load %arg18[%parallel_loop3A_307, %parallel_loop3A_308] {strides = array<i32>} : memref<48x144xf32, #tpu.memory_space<vmem>>, vector<1x16xf32>,
        %parallel_loop3A_310 = vector.shape_cast %parallel_loop3A_309 : vector<1x16xf32> to vector<16xf32>
        %parallel_loop3A_311 = arith.index_cast %parallel_loop3A_258 : i32 to index
        %parallel_loop3A_312 = arith.constant 32 : index
        %parallel_loop3A_313 = tpu.vector_load %arg20[%parallel_loop3A_311, %parallel_loop3A_312] {strides = array<i32>} : memref<48x144xf32, #tpu.memory_space<vmem>>, vector<1x16xf32>,
        %parallel_loop3A_314 = vector.shape_cast %parallel_loop3A_313 : vector<1x16xf32> to vector<16xf32>
        %parallel_loop3A_315 = arith.addf %parallel_loop3A_310, %parallel_loop3A_314 : vector<16xf32>
        %parallel_loop3A_316 = arith.constant 32 : index
        %parallel_loop3A_317 = tpu.vector_load %arg21[%parallel_loop3A_316] {strides = array<i32>} : memref<144xf32, #tpu.memory_space<vmem>>, vector<16xf32>,
        %parallel_loop3A_318 = vector.shape_cast %parallel_loop3A_317 : vector<16xf32> to vector<16xf32>
        %parallel_loop3A_319 = arith.mulf %parallel_loop3A_262, %parallel_loop3A_318 : vector<16xf32>
        %parallel_loop3A_320 = arith.addf %parallel_loop3A_315, %parallel_loop3A_319 : vector<16xf32>
        %parallel_loop3A_321 = arith.constant 0.000000e+00 : f32
        %parallel_loop3A_322 = vector.broadcast %parallel_loop3A_321 : f32 to vector<16xf32>
        %parallel_loop3A_323 = arith.maximumf %parallel_loop3A_320, %parallel_loop3A_322 : vector<16xf32>
        %parallel_loop3A_324 = arith.index_cast %parallel_loop3A_258 : i32 to index
        %parallel_loop3A_325 = arith.constant 32 : index
        %parallel_loop3A_326 = tpu.vector_load %arg18[%parallel_loop3A_324, %parallel_loop3A_325] {strides = array<i32>} : memref<48x144xf32, #tpu.memory_space<vmem>>, vector<1x16xf32>,
        %parallel_loop3A_327 = vector.shape_cast %parallel_loop3A_326 : vector<1x16xf32> to vector<16xf32>
        %parallel_loop3A_328 = vector.shape_cast %parallel_loop3A_323 : vector<16xf32> to vector<1x16xf32>
        tpu.vector_store %arg18[%parallel_loop3A_324, %parallel_loop3A_325], %parallel_loop3A_328 {strides = array<i32>} : memref<48x144xf32, #tpu.memory_space<vmem>>, vector<1x16xf32>,
        %parallel_loop3A_329 = arith.index_cast %parallel_loop3A_258 : i32 to index
        %parallel_loop3A_330 = arith.constant 48 : index
        %parallel_loop3A_331 = tpu.vector_load %arg18[%parallel_loop3A_329, %parallel_loop3A_330] {strides = array<i32>} : memref<48x144xf32, #tpu.memory_space<vmem>>, vector<1x16xf32>,
        %parallel_loop3A_332 = vector.shape_cast %parallel_loop3A_331 : vector<1x16xf32> to vector<16xf32>
        %parallel_loop3A_333 = arith.index_cast %parallel_loop3A_258 : i32 to index
        %parallel_loop3A_334 = arith.constant 48 : index
        %parallel_loop3A_335 = tpu.vector_load %arg20[%parallel_loop3A_333, %parallel_loop3A_334] {strides = array<i32>} : memref<48x144xf32, #tpu.memory_space<vmem>>, vector<1x16xf32>,
        %parallel_loop3A_336 = vector.shape_cast %parallel_loop3A_335 : vector<1x16xf32> to vector<16xf32>
        %parallel_loop3A_337 = arith.addf %parallel_loop3A_332, %parallel_loop3A_336 : vector<16xf32>
        %parallel_loop3A_338 = arith.constant 48 : index
        %parallel_loop3A_339 = tpu.vector_load %arg21[%parallel_loop3A_338] {strides = array<i32>} : memref<144xf32, #tpu.memory_space<vmem>>, vector<16xf32>,
        %parallel_loop3A_340 = vector.shape_cast %parallel_loop3A_339 : vector<16xf32> to vector<16xf32>
        %parallel_loop3A_341 = arith.mulf %parallel_loop3A_262, %parallel_loop3A_340 : vector<16xf32>
        %parallel_loop3A_342 = arith.addf %parallel_loop3A_337, %parallel_loop3A_341 : vector<16xf32>
        %parallel_loop3A_343 = arith.constant 0.000000e+00 : f32
        %parallel_loop3A_344 = vector.broadcast %parallel_loop3A_343 : f32 to vector<16xf32>
        %parallel_loop3A_345 = arith.maximumf %parallel_loop3A_342, %parallel_loop3A_344 : vector<16xf32>
        %parallel_loop3A_346 = arith.index_cast %parallel_loop3A_258 : i32 to index
        %parallel_loop3A_347 = arith.constant 48 : index
        %parallel_loop3A_348 = tpu.vector_load %arg18[%parallel_loop3A_346, %parallel_loop3A_347] {strides = array<i32>} : memref<48x144xf32, #tpu.memory_space<vmem>>, vector<1x16xf32>,
        %parallel_loop3A_349 = vector.shape_cast %parallel_loop3A_348 : vector<1x16xf32> to vector<16xf32>
        %parallel_loop3A_350 = vector.shape_cast %parallel_loop3A_345 : vector<16xf32> to vector<1x16xf32>
        tpu.vector_store %arg18[%parallel_loop3A_346, %parallel_loop3A_347], %parallel_loop3A_350 {strides = array<i32>} : memref<48x144xf32, #tpu.memory_space<vmem>>, vector<1x16xf32>,
        %parallel_loop3A_351 = arith.index_cast %parallel_loop3A_258 : i32 to index
        %parallel_loop3A_352 = arith.constant 64 : index
        %parallel_loop3A_353 = tpu.vector_load %arg18[%parallel_loop3A_351, %parallel_loop3A_352] {strides = array<i32>} : memref<48x144xf32, #tpu.memory_space<vmem>>, vector<1x16xf32>,
        %parallel_loop3A_354 = vector.shape_cast %parallel_loop3A_353 : vector<1x16xf32> to vector<16xf32>
        %parallel_loop3A_355 = arith.index_cast %parallel_loop3A_258 : i32 to index
        %parallel_loop3A_356 = arith.constant 64 : index
        %parallel_loop3A_357 = tpu.vector_load %arg20[%parallel_loop3A_355, %parallel_loop3A_356] {strides = array<i32>} : memref<48x144xf32, #tpu.memory_space<vmem>>, vector<1x16xf32>,
        %parallel_loop3A_358 = vector.shape_cast %parallel_loop3A_357 : vector<1x16xf32> to vector<16xf32>
        %parallel_loop3A_359 = arith.addf %parallel_loop3A_354, %parallel_loop3A_358 : vector<16xf32>
        %parallel_loop3A_360 = arith.constant 64 : index
        %parallel_loop3A_361 = tpu.vector_load %arg21[%parallel_loop3A_360] {strides = array<i32>} : memref<144xf32, #tpu.memory_space<vmem>>, vector<16xf32>,
        %parallel_loop3A_362 = vector.shape_cast %parallel_loop3A_361 : vector<16xf32> to vector<16xf32>
        %parallel_loop3A_363 = arith.mulf %parallel_loop3A_262, %parallel_loop3A_362 : vector<16xf32>
        %parallel_loop3A_364 = arith.addf %parallel_loop3A_359, %parallel_loop3A_363 : vector<16xf32>
        %parallel_loop3A_365 = arith.constant 0.000000e+00 : f32
        %parallel_loop3A_366 = vector.broadcast %parallel_loop3A_365 : f32 to vector<16xf32>
        %parallel_loop3A_367 = arith.maximumf %parallel_loop3A_364, %parallel_loop3A_366 : vector<16xf32>
        %parallel_loop3A_368 = arith.index_cast %parallel_loop3A_258 : i32 to index
        %parallel_loop3A_369 = arith.constant 64 : index
        %parallel_loop3A_370 = tpu.vector_load %arg18[%parallel_loop3A_368, %parallel_loop3A_369] {strides = array<i32>} : memref<48x144xf32, #tpu.memory_space<vmem>>, vector<1x16xf32>,
        %parallel_loop3A_371 = vector.shape_cast %parallel_loop3A_370 : vector<1x16xf32> to vector<16xf32>
        %parallel_loop3A_372 = vector.shape_cast %parallel_loop3A_367 : vector<16xf32> to vector<1x16xf32>
        tpu.vector_store %arg18[%parallel_loop3A_368, %parallel_loop3A_369], %parallel_loop3A_372 {strides = array<i32>} : memref<48x144xf32, #tpu.memory_space<vmem>>, vector<1x16xf32>,
        %parallel_loop3A_373 = arith.index_cast %parallel_loop3A_258 : i32 to index
        %parallel_loop3A_374 = arith.constant 80 : index
        %parallel_loop3A_375 = tpu.vector_load %arg18[%parallel_loop3A_373, %parallel_loop3A_374] {strides = array<i32>} : memref<48x144xf32, #tpu.memory_space<vmem>>, vector<1x16xf32>,
        %parallel_loop3A_376 = vector.shape_cast %parallel_loop3A_375 : vector<1x16xf32> to vector<16xf32>
        %parallel_loop3A_377 = arith.index_cast %parallel_loop3A_258 : i32 to index
        %parallel_loop3A_378 = arith.constant 80 : index
        %parallel_loop3A_379 = tpu.vector_load %arg20[%parallel_loop3A_377, %parallel_loop3A_378] {strides = array<i32>} : memref<48x144xf32, #tpu.memory_space<vmem>>, vector<1x16xf32>,
        %parallel_loop3A_380 = vector.shape_cast %parallel_loop3A_379 : vector<1x16xf32> to vector<16xf32>
        %parallel_loop3A_381 = arith.addf %parallel_loop3A_376, %parallel_loop3A_380 : vector<16xf32>
        %parallel_loop3A_382 = arith.constant 80 : index
        %parallel_loop3A_383 = tpu.vector_load %arg21[%parallel_loop3A_382] {strides = array<i32>} : memref<144xf32, #tpu.memory_space<vmem>>, vector<16xf32>,
        %parallel_loop3A_384 = vector.shape_cast %parallel_loop3A_383 : vector<16xf32> to vector<16xf32>
        %parallel_loop3A_385 = arith.mulf %parallel_loop3A_262, %parallel_loop3A_384 : vector<16xf32>
        %parallel_loop3A_386 = arith.addf %parallel_loop3A_381, %parallel_loop3A_385 : vector<16xf32>
        %parallel_loop3A_387 = arith.constant 0.000000e+00 : f32
        %parallel_loop3A_388 = vector.broadcast %parallel_loop3A_387 : f32 to vector<16xf32>
        %parallel_loop3A_389 = arith.maximumf %parallel_loop3A_386, %parallel_loop3A_388 : vector<16xf32>
        %parallel_loop3A_390 = arith.index_cast %parallel_loop3A_258 : i32 to index
        %parallel_loop3A_391 = arith.constant 80 : index
        %parallel_loop3A_392 = tpu.vector_load %arg18[%parallel_loop3A_390, %parallel_loop3A_391] {strides = array<i32>} : memref<48x144xf32, #tpu.memory_space<vmem>>, vector<1x16xf32>,
        %parallel_loop3A_393 = vector.shape_cast %parallel_loop3A_392 : vector<1x16xf32> to vector<16xf32>
        %parallel_loop3A_394 = vector.shape_cast %parallel_loop3A_389 : vector<16xf32> to vector<1x16xf32>
        tpu.vector_store %arg18[%parallel_loop3A_390, %parallel_loop3A_391], %parallel_loop3A_394 {strides = array<i32>} : memref<48x144xf32, #tpu.memory_space<vmem>>, vector<1x16xf32>,
        %parallel_loop3A_395 = arith.index_cast %parallel_loop3A_258 : i32 to index
        %parallel_loop3A_396 = arith.constant 96 : index
        %parallel_loop3A_397 = tpu.vector_load %arg18[%parallel_loop3A_395, %parallel_loop3A_396] {strides = array<i32>} : memref<48x144xf32, #tpu.memory_space<vmem>>, vector<1x16xf32>,
        %parallel_loop3A_398 = vector.shape_cast %parallel_loop3A_397 : vector<1x16xf32> to vector<16xf32>
        %parallel_loop3A_399 = arith.index_cast %parallel_loop3A_258 : i32 to index
        %parallel_loop3A_400 = arith.constant 96 : index
        %parallel_loop3A_401 = tpu.vector_load %arg20[%parallel_loop3A_399, %parallel_loop3A_400] {strides = array<i32>} : memref<48x144xf32, #tpu.memory_space<vmem>>, vector<1x16xf32>,
        %parallel_loop3A_402 = vector.shape_cast %parallel_loop3A_401 : vector<1x16xf32> to vector<16xf32>
        %parallel_loop3A_403 = arith.addf %parallel_loop3A_398, %parallel_loop3A_402 : vector<16xf32>
        %parallel_loop3A_404 = arith.constant 96 : index
        %parallel_loop3A_405 = tpu.vector_load %arg21[%parallel_loop3A_404] {strides = array<i32>} : memref<144xf32, #tpu.memory_space<vmem>>, vector<16xf32>,
        %parallel_loop3A_406 = vector.shape_cast %parallel_loop3A_405 : vector<16xf32> to vector<16xf32>
        %parallel_loop3A_407 = arith.mulf %parallel_loop3A_262, %parallel_loop3A_406 : vector<16xf32>
        %parallel_loop3A_408 = arith.addf %parallel_loop3A_403, %parallel_loop3A_407 : vector<16xf32>
        %parallel_loop3A_409 = arith.constant 0.000000e+00 : f32
        %parallel_loop3A_410 = vector.broadcast %parallel_loop3A_409 : f32 to vector<16xf32>
        %parallel_loop3A_411 = arith.maximumf %parallel_loop3A_408, %parallel_loop3A_410 : vector<16xf32>
        %parallel_loop3A_412 = arith.index_cast %parallel_loop3A_258 : i32 to index
        %parallel_loop3A_413 = arith.constant 96 : index
        %parallel_loop3A_414 = tpu.vector_load %arg18[%parallel_loop3A_412, %parallel_loop3A_413] {strides = array<i32>} : memref<48x144xf32, #tpu.memory_space<vmem>>, vector<1x16xf32>,
        %parallel_loop3A_415 = vector.shape_cast %parallel_loop3A_414 : vector<1x16xf32> to vector<16xf32>
        %parallel_loop3A_416 = vector.shape_cast %parallel_loop3A_411 : vector<16xf32> to vector<1x16xf32>
        tpu.vector_store %arg18[%parallel_loop3A_412, %parallel_loop3A_413], %parallel_loop3A_416 {strides = array<i32>} : memref<48x144xf32, #tpu.memory_space<vmem>>, vector<1x16xf32>,
        %parallel_loop3A_417 = arith.index_cast %parallel_loop3A_258 : i32 to index
        %parallel_loop3A_418 = arith.constant 112 : index
        %parallel_loop3A_419 = tpu.vector_load %arg18[%parallel_loop3A_417, %parallel_loop3A_418] {strides = array<i32>} : memref<48x144xf32, #tpu.memory_space<vmem>>, vector<1x16xf32>,
        %parallel_loop3A_420 = vector.shape_cast %parallel_loop3A_419 : vector<1x16xf32> to vector<16xf32>
        %parallel_loop3A_421 = arith.index_cast %parallel_loop3A_258 : i32 to index
        %parallel_loop3A_422 = arith.constant 112 : index
        %parallel_loop3A_423 = tpu.vector_load %arg20[%parallel_loop3A_421, %parallel_loop3A_422] {strides = array<i32>} : memref<48x144xf32, #tpu.memory_space<vmem>>, vector<1x16xf32>,
        %parallel_loop3A_424 = vector.shape_cast %parallel_loop3A_423 : vector<1x16xf32> to vector<16xf32>
        %parallel_loop3A_425 = arith.addf %parallel_loop3A_420, %parallel_loop3A_424 : vector<16xf32>
        %parallel_loop3A_426 = arith.constant 112 : index
        %parallel_loop3A_427 = tpu.vector_load %arg21[%parallel_loop3A_426] {strides = array<i32>} : memref<144xf32, #tpu.memory_space<vmem>>, vector<16xf32>,
        %parallel_loop3A_428 = vector.shape_cast %parallel_loop3A_427 : vector<16xf32> to vector<16xf32>
        %parallel_loop3A_429 = arith.mulf %parallel_loop3A_262, %parallel_loop3A_428 : vector<16xf32>
        %parallel_loop3A_430 = arith.addf %parallel_loop3A_425, %parallel_loop3A_429 : vector<16xf32>
        %parallel_loop3A_431 = arith.constant 0.000000e+00 : f32
        %parallel_loop3A_432 = vector.broadcast %parallel_loop3A_431 : f32 to vector<16xf32>
        %parallel_loop3A_433 = arith.maximumf %parallel_loop3A_430, %parallel_loop3A_432 : vector<16xf32>
        %parallel_loop3A_434 = arith.index_cast %parallel_loop3A_258 : i32 to index
        %parallel_loop3A_435 = arith.constant 112 : index
        %parallel_loop3A_436 = tpu.vector_load %arg18[%parallel_loop3A_434, %parallel_loop3A_435] {strides = array<i32>} : memref<48x144xf32, #tpu.memory_space<vmem>>, vector<1x16xf32>,
        %parallel_loop3A_437 = vector.shape_cast %parallel_loop3A_436 : vector<1x16xf32> to vector<16xf32>
        %parallel_loop3A_438 = vector.shape_cast %parallel_loop3A_433 : vector<16xf32> to vector<1x16xf32>
        tpu.vector_store %arg18[%parallel_loop3A_434, %parallel_loop3A_435], %parallel_loop3A_438 {strides = array<i32>} : memref<48x144xf32, #tpu.memory_space<vmem>>, vector<1x16xf32>,
        %parallel_loop3A_439 = arith.index_cast %parallel_loop3A_258 : i32 to index
        %parallel_loop3A_440 = arith.constant 128 : index
        %parallel_loop3A_441 = tpu.vector_load %arg18[%parallel_loop3A_439, %parallel_loop3A_440] {strides = array<i32>} : memref<48x144xf32, #tpu.memory_space<vmem>>, vector<1x16xf32>,
        %parallel_loop3A_442 = vector.shape_cast %parallel_loop3A_441 : vector<1x16xf32> to vector<16xf32>
        %parallel_loop3A_443 = arith.index_cast %parallel_loop3A_258 : i32 to index
        %parallel_loop3A_444 = arith.constant 128 : index
        %parallel_loop3A_445 = tpu.vector_load %arg20[%parallel_loop3A_443, %parallel_loop3A_444] {strides = array<i32>} : memref<48x144xf32, #tpu.memory_space<vmem>>, vector<1x16xf32>,
        %parallel_loop3A_446 = vector.shape_cast %parallel_loop3A_445 : vector<1x16xf32> to vector<16xf32>
        %parallel_loop3A_447 = arith.addf %parallel_loop3A_442, %parallel_loop3A_446 : vector<16xf32>
        %parallel_loop3A_448 = arith.constant 128 : index
        %parallel_loop3A_449 = tpu.vector_load %arg21[%parallel_loop3A_448] {strides = array<i32>} : memref<144xf32, #tpu.memory_space<vmem>>, vector<16xf32>,
        %parallel_loop3A_450 = vector.shape_cast %parallel_loop3A_449 : vector<16xf32> to vector<16xf32>
        %parallel_loop3A_451 = arith.mulf %parallel_loop3A_262, %parallel_loop3A_450 : vector<16xf32>
        %parallel_loop3A_452 = arith.addf %parallel_loop3A_447, %parallel_loop3A_451 : vector<16xf32>
        %parallel_loop3A_453 = arith.constant 0.000000e+00 : f32
        %parallel_loop3A_454 = vector.broadcast %parallel_loop3A_453 : f32 to vector<16xf32>
        %parallel_loop3A_455 = arith.maximumf %parallel_loop3A_452, %parallel_loop3A_454 : vector<16xf32>
        %parallel_loop3A_456 = arith.index_cast %parallel_loop3A_258 : i32 to index
        %parallel_loop3A_457 = arith.constant 128 : index
        %parallel_loop3A_458 = tpu.vector_load %arg18[%parallel_loop3A_456, %parallel_loop3A_457] {strides = array<i32>} : memref<48x144xf32, #tpu.memory_space<vmem>>, vector<1x16xf32>,
        %parallel_loop3A_459 = vector.shape_cast %parallel_loop3A_458 : vector<1x16xf32> to vector<16xf32>
        %parallel_loop3A_460 = vector.shape_cast %parallel_loop3A_455 : vector<16xf32> to vector<1x16xf32>
        tpu.vector_store %arg18[%parallel_loop3A_456, %parallel_loop3A_457], %parallel_loop3A_460 {strides = array<i32>} : memref<48x144xf32, #tpu.memory_space<vmem>>, vector<1x16xf32>,
      } {sc.loop_unroll_factor = 4 : i64, sc.parallel_access}
      "tpu.region"() ({
        %run_scoped3A = tpu.sem_alloc : memref<!tpu.dma_semaphore, #tpu.memory_space<semaphore_mem>>
        %dma_start3A_258 = arith.constant 0 : i32
        %dma_start3A_259 = arith.constant 0 : i32
        %dma_start3A_260 = tpu.memref_slice %arg22[%dma_start3A_258, %dma_start3A_259] : memref<10240x144xf32, #tpu.memory_space<vmem_shared>> -> memref<10240x144xf32, #tpu.memory_space<vmem_shared>>
        tpu.enqueue_indirect_dma source(%arg18 : memref<48x144xf32, #tpu.memory_space<vmem>>) target(%dma_start3A_260 : memref<10240x144xf32, #tpu.memory_space<vmem_shared>>) offsets(%arg12 : memref<48xi32, #tpu.memory_space<vmem>>) semaphore(%run_scoped3A : memref<!tpu.dma_semaphore, #tpu.memory_space<semaphore_mem>>) {add = true}
        %dma_wait3A_261 = arith.constant 0 : i32
        %dma_wait3A_262 = arith.constant 0 : i32
        %dma_wait3A_263 = tpu.memref_slice %arg22[%dma_wait3A_261, %dma_wait3A_262] : memref<10240x144xf32, #tpu.memory_space<vmem_shared>> -> memref<10240x144xf32, #tpu.memory_space<vmem_shared>>
        tpu.wait_indirect_dma semaphore(%run_scoped3A : memref<!tpu.dma_semaphore, #tpu.memory_space<semaphore_mem>>) src(%arg18 : memref<48x144xf32, #tpu.memory_space<vmem>>) dst(%dma_wait3A_263 : memref<10240x144xf32, #tpu.memory_space<vmem_shared>>)
        tpu.yield
      }) : () -> ()
    }
    %scan3A_45 = arith.constant 106 : i32
    %barrier3A_46 = arith.constant 0 : index
    tpu.barrier barrier_id(%barrier3A_46)
    "tpu.region"() ({
      %run_scoped3A = tpu.sem_alloc : memref<!tpu.dma_semaphore, #tpu.memory_space<semaphore_mem>>
      %dma_start3A = arith.constant 0 : i32
      %dma_start3A_47 = tpu.memref_slice %arg8[%arg0, %mul3A_9, %dma_start3A] : memref<2x10240x144xf32, #tpu.memory_space<hbm>> -> memref<1x640x144xf32, #tpu.memory_space<hbm>>
      %dma_start3A_48 = tpu.memref_squeeze %dma_start3A_47 : memref<1x640x144xf32, #tpu.memory_space<hbm>> -> memref<640x144xf32, #tpu.memory_space<hbm>>
      %dma_start3A_49 = arith.constant 0 : i32
      %dma_start3A_50 = tpu.memref_slice %arg22[%mul3A_9, %dma_start3A_49] : memref<10240x144xf32, #tpu.memory_space<vmem_shared>> -> memref<640x144xf32, #tpu.memory_space<vmem_shared>>
      tpu.enqueue_dma source(%dma_start3A_50 : memref<640x144xf32, #tpu.memory_space<vmem_shared>>) target(%dma_start3A_48 : memref<640x144xf32, #tpu.memory_space<hbm>>) target_semaphore(%run_scoped3A : memref<!tpu.dma_semaphore, #tpu.memory_space<semaphore_mem>>)
      %dma_wait3A = arith.constant 0 : i32
      %dma_wait3A_51 = tpu.memref_slice %arg8[%arg0, %mul3A_9, %dma_wait3A] : memref<2x10240x144xf32, #tpu.memory_space<hbm>> -> memref<1x640x144xf32, #tpu.memory_space<hbm>>
      %dma_wait3A_52 = tpu.memref_squeeze %dma_wait3A_51 : memref<1x640x144xf32, #tpu.memory_space<hbm>> -> memref<640x144xf32, #tpu.memory_space<hbm>>
      %dma_wait3A_53 = arith.constant 0 : i32
      %dma_wait3A_54 = tpu.memref_slice %arg22[%mul3A_9, %dma_wait3A_53] : memref<10240x144xf32, #tpu.memory_space<vmem_shared>> -> memref<640x144xf32, #tpu.memory_space<vmem_shared>>
      tpu.wait_dma2 semaphore(%run_scoped3A : memref<!tpu.dma_semaphore, #tpu.memory_space<semaphore_mem>>) src(%dma_wait3A_54 : memref<640x144xf32, #tpu.memory_space<vmem_shared>>) dst(%dma_wait3A_52 : memref<640x144xf32, #tpu.memory_space<hbm>>)
      tpu.yield
    }) : () -> ()
    return
  }
}

#map = affine_map<(d0, d1) -> (0, 0)>
#map1 = affine_map<(d0, d1) -> (0)>
#map2 = affine_map<(d0, d1) -> (0, 0, 0)>
module attributes {stable_mosaic.version = 14 : i64} {
  func.func @_edge_sc_body(%arg0: i32, %arg1: i32, %arg2: memref<20000x144xf32, #tpu.memory_space<hbm>>, %arg3: memref<20000x144xf32, #tpu.memory_space<hbm>>, %arg4: memref<162816xi32, #tpu.memory_space<hbm>>, %arg5: memref<162816xi32, #tpu.memory_space<hbm>>, %arg6: memref<162816x16xf32, #tpu.memory_space<hbm>>, %arg7: memref<288xf32, #tpu.memory_space<hbm>>, %arg8: memref<2x10240x144xf32, #tpu.memory_space<hbm>>, %arg9: memref<48xi32, #tpu.memory_space<vmem>>, %arg10: memref<48xi32, #tpu.memory_space<vmem>>, %arg11: memref<48xi32, #tpu.memory_space<vmem>>, %arg12: memref<48xi32, #tpu.memory_space<vmem>>, %arg13: memref<48xi32, #tpu.memory_space<vmem>>, %arg14: memref<48xi32, #tpu.memory_space<vmem>>, %arg15: memref<48x16xf32, #tpu.memory_space<vmem>>, %arg16: memref<48x16xf32, #tpu.memory_space<vmem>>, %arg17: memref<48x144xf32, #tpu.memory_space<vmem>>, %arg18: memref<48x144xf32, #tpu.memory_space<vmem>>, %arg19: memref<48x144xf32, #tpu.memory_space<vmem>>, %arg20: memref<48x144xf32, #tpu.memory_space<vmem>>, %arg21: memref<144xf32, #tpu.memory_space<vmem>>, %arg22: memref<10240x144xf32, #tpu.memory_space<vmem_shared>>, %arg23: memref<!tpu.dma_semaphore, #tpu.memory_space<semaphore_mem>>, %arg24: memref<!tpu.dma_semaphore, #tpu.memory_space<semaphore_mem>>, %arg25: memref<!tpu.dma_semaphore, #tpu.memory_space<semaphore_mem>>, %arg26: memref<!tpu.dma_semaphore, #tpu.memory_space<semaphore_mem>>, %arg27: memref<!tpu.dma_semaphore, #tpu.memory_space<semaphore_mem>>, %arg28: memref<!tpu.dma_semaphore, #tpu.memory_space<semaphore_mem>>) attributes {dimension_semantics = [#tpu.dimension_semantics<core_parallel>, #tpu.dimension_semantics<subcore_parallel>], iteration_bounds = array<i64: 2, 16>, scalar_prefetch = 0 : i64, scratch_operands = 20 : i64, tpu.core_type = #tpu.core_type<sc_vector_subcore>, window_params = [{transform_indices = #map}, {transform_indices = #map}, {transform_indices = #map1}, {transform_indices = #map1}, {transform_indices = #map}, {transform_indices = #map1}, {transform_indices = #map2}]} {
    %mul3A = arith.constant 10000 : i32
    %mul3A_0 = arith.muli %arg0, %mul3A : i32
    %mul3A_1 = arith.constant 144 : i32
    %mul3A_2 = arith.muli %arg0, %mul3A_1 : i32
    "tpu.region"() ({
      %run_scoped3A = tpu.sem_alloc : memref<!tpu.dma_semaphore, #tpu.memory_space<semaphore_mem>>
      %dma_start3A = tpu.memref_slice %arg7[%mul3A_2] : memref<288xf32, #tpu.memory_space<hbm>> -> memref<144xf32, #tpu.memory_space<hbm>>
      %dma_start3A_47 = tpu.memref_slice %arg7[%mul3A_2] : memref<288xf32, #tpu.memory_space<hbm>> -> memref<144xf32, #tpu.memory_space<hbm>>
      tpu.enqueue_dma source(%dma_start3A_47 : memref<144xf32, #tpu.memory_space<hbm>>) target(%arg21 : memref<144xf32, #tpu.memory_space<vmem>>) target_semaphore(%run_scoped3A : memref<!tpu.dma_semaphore, #tpu.memory_space<semaphore_mem>>)
      %dma_wait3A = tpu.memref_slice %arg7[%mul3A_2] : memref<288xf32, #tpu.memory_space<hbm>> -> memref<144xf32, #tpu.memory_space<hbm>>
      %dma_wait3A_48 = tpu.memref_slice %arg7[%mul3A_2] : memref<288xf32, #tpu.memory_space<hbm>> -> memref<144xf32, #tpu.memory_space<hbm>>
      tpu.wait_dma2 semaphore(%run_scoped3A : memref<!tpu.dma_semaphore, #tpu.memory_space<semaphore_mem>>) src(%dma_wait3A_48 : memref<144xf32, #tpu.memory_space<hbm>>) dst(%arg21 : memref<144xf32, #tpu.memory_space<vmem>>)
      tpu.yield
    }) : () -> ()
    %scan3A = arith.constant 0 : i32
    %scan3A_3 = arith.constant 0 : i32
    %scan3A_4 = arith.constant 48 : i32
    %scan3A_5 = arith.addi %scan3A_3, %scan3A_4 : i32
    %scan3A_6 = arith.constant 1 : i32
    scf.for %scan3A_47 = %scan3A_3 to %scan3A_5 step %scan3A_6  : i32 {
      %broadcast_in_dim3A = arith.constant 0.000000e+00 : f32
      %broadcast_in_dim3A_48 = vector.broadcast %broadcast_in_dim3A : f32 to vector<16xf32>
      %swap3A = arith.index_cast %scan3A_47 : i32 to index
      %swap3A_49 = arith.constant 0 : index
      %swap3A_50 = tpu.vector_load %arg17[%swap3A, %swap3A_49] {strides = array<i32>} : memref<48x144xf32, #tpu.memory_space<vmem>>, vector<1x16xf32>,
      %swap3A_51 = vector.shape_cast %swap3A_50 : vector<1x16xf32> to vector<16xf32>
      %swap3A_52 = vector.shape_cast %broadcast_in_dim3A_48 : vector<16xf32> to vector<1x16xf32>
      tpu.vector_store %arg17[%swap3A, %swap3A_49], %swap3A_52 {strides = array<i32>} : memref<48x144xf32, #tpu.memory_space<vmem>>, vector<1x16xf32>,
      %broadcast_in_dim3A_53 = arith.constant 0.000000e+00 : f32
      %broadcast_in_dim3A_54 = vector.broadcast %broadcast_in_dim3A_53 : f32 to vector<16xf32>
      %swap3A_55 = arith.index_cast %scan3A_47 : i32 to index
      %swap3A_56 = arith.constant 16 : index
      %swap3A_57 = tpu.vector_load %arg17[%swap3A_55, %swap3A_56] {strides = array<i32>} : memref<48x144xf32, #tpu.memory_space<vmem>>, vector<1x16xf32>,
      %swap3A_58 = vector.shape_cast %swap3A_57 : vector<1x16xf32> to vector<16xf32>
      %swap3A_59 = vector.shape_cast %broadcast_in_dim3A_54 : vector<16xf32> to vector<1x16xf32>
      tpu.vector_store %arg17[%swap3A_55, %swap3A_56], %swap3A_59 {strides = array<i32>} : memref<48x144xf32, #tpu.memory_space<vmem>>, vector<1x16xf32>,
      %broadcast_in_dim3A_60 = arith.constant 0.000000e+00 : f32
      %broadcast_in_dim3A_61 = vector.broadcast %broadcast_in_dim3A_60 : f32 to vector<16xf32>
      %swap3A_62 = arith.index_cast %scan3A_47 : i32 to index
      %swap3A_63 = arith.constant 32 : index
      %swap3A_64 = tpu.vector_load %arg17[%swap3A_62, %swap3A_63] {strides = array<i32>} : memref<48x144xf32, #tpu.memory_space<vmem>>, vector<1x16xf32>,
      %swap3A_65 = vector.shape_cast %swap3A_64 : vector<1x16xf32> to vector<16xf32>
      %swap3A_66 = vector.shape_cast %broadcast_in_dim3A_61 : vector<16xf32> to vector<1x16xf32>
      tpu.vector_store %arg17[%swap3A_62, %swap3A_63], %swap3A_66 {strides = array<i32>} : memref<48x144xf32, #tpu.memory_space<vmem>>, vector<1x16xf32>,
      %broadcast_in_dim3A_67 = arith.constant 0.000000e+00 : f32
      %broadcast_in_dim3A_68 = vector.broadcast %broadcast_in_dim3A_67 : f32 to vector<16xf32>
      %swap3A_69 = arith.index_cast %scan3A_47 : i32 to index
      %swap3A_70 = arith.constant 48 : index
      %swap3A_71 = tpu.vector_load %arg17[%swap3A_69, %swap3A_70] {strides = array<i32>} : memref<48x144xf32, #tpu.memory_space<vmem>>, vector<1x16xf32>,
      %swap3A_72 = vector.shape_cast %swap3A_71 : vector<1x16xf32> to vector<16xf32>
      %swap3A_73 = vector.shape_cast %broadcast_in_dim3A_68 : vector<16xf32> to vector<1x16xf32>
      tpu.vector_store %arg17[%swap3A_69, %swap3A_70], %swap3A_73 {strides = array<i32>} : memref<48x144xf32, #tpu.memory_space<vmem>>, vector<1x16xf32>,
      %broadcast_in_dim3A_74 = arith.constant 0.000000e+00 : f32
      %broadcast_in_dim3A_75 = vector.broadcast %broadcast_in_dim3A_74 : f32 to vector<16xf32>
      %swap3A_76 = arith.index_cast %scan3A_47 : i32 to index
      %swap3A_77 = arith.constant 64 : index
      %swap3A_78 = tpu.vector_load %arg17[%swap3A_76, %swap3A_77] {strides = array<i32>} : memref<48x144xf32, #tpu.memory_space<vmem>>, vector<1x16xf32>,
      %swap3A_79 = vector.shape_cast %swap3A_78 : vector<1x16xf32> to vector<16xf32>
      %swap3A_80 = vector.shape_cast %broadcast_in_dim3A_75 : vector<16xf32> to vector<1x16xf32>
      tpu.vector_store %arg17[%swap3A_76, %swap3A_77], %swap3A_80 {strides = array<i32>} : memref<48x144xf32, #tpu.memory_space<vmem>>, vector<1x16xf32>,
      %broadcast_in_dim3A_81 = arith.constant 0.000000e+00 : f32
      %broadcast_in_dim3A_82 = vector.broadcast %broadcast_in_dim3A_81 : f32 to vector<16xf32>
      %swap3A_83 = arith.index_cast %scan3A_47 : i32 to index
      %swap3A_84 = arith.constant 80 : index
      %swap3A_85 = tpu.vector_load %arg17[%swap3A_83, %swap3A_84] {strides = array<i32>} : memref<48x144xf32, #tpu.memory_space<vmem>>, vector<1x16xf32>,
      %swap3A_86 = vector.shape_cast %swap3A_85 : vector<1x16xf32> to vector<16xf32>
      %swap3A_87 = vector.shape_cast %broadcast_in_dim3A_82 : vector<16xf32> to vector<1x16xf32>
      tpu.vector_store %arg17[%swap3A_83, %swap3A_84], %swap3A_87 {strides = array<i32>} : memref<48x144xf32, #tpu.memory_space<vmem>>, vector<1x16xf32>,
      %broadcast_in_dim3A_88 = arith.constant 0.000000e+00 : f32
      %broadcast_in_dim3A_89 = vector.broadcast %broadcast_in_dim3A_88 : f32 to vector<16xf32>
      %swap3A_90 = arith.index_cast %scan3A_47 : i32 to index
      %swap3A_91 = arith.constant 96 : index
      %swap3A_92 = tpu.vector_load %arg17[%swap3A_90, %swap3A_91] {strides = array<i32>} : memref<48x144xf32, #tpu.memory_space<vmem>>, vector<1x16xf32>,
      %swap3A_93 = vector.shape_cast %swap3A_92 : vector<1x16xf32> to vector<16xf32>
      %swap3A_94 = vector.shape_cast %broadcast_in_dim3A_89 : vector<16xf32> to vector<1x16xf32>
      tpu.vector_store %arg17[%swap3A_90, %swap3A_91], %swap3A_94 {strides = array<i32>} : memref<48x144xf32, #tpu.memory_space<vmem>>, vector<1x16xf32>,
      %broadcast_in_dim3A_95 = arith.constant 0.000000e+00 : f32
      %broadcast_in_dim3A_96 = vector.broadcast %broadcast_in_dim3A_95 : f32 to vector<16xf32>
      %swap3A_97 = arith.index_cast %scan3A_47 : i32 to index
      %swap3A_98 = arith.constant 112 : index
      %swap3A_99 = tpu.vector_load %arg17[%swap3A_97, %swap3A_98] {strides = array<i32>} : memref<48x144xf32, #tpu.memory_space<vmem>>, vector<1x16xf32>,
      %swap3A_100 = vector.shape_cast %swap3A_99 : vector<1x16xf32> to vector<16xf32>
      %swap3A_101 = vector.shape_cast %broadcast_in_dim3A_96 : vector<16xf32> to vector<1x16xf32>
      tpu.vector_store %arg17[%swap3A_97, %swap3A_98], %swap3A_101 {strides = array<i32>} : memref<48x144xf32, #tpu.memory_space<vmem>>, vector<1x16xf32>,
      %broadcast_in_dim3A_102 = arith.constant 0.000000e+00 : f32
      %broadcast_in_dim3A_103 = vector.broadcast %broadcast_in_dim3A_102 : f32 to vector<16xf32>
      %swap3A_104 = arith.index_cast %scan3A_47 : i32 to index
      %swap3A_105 = arith.constant 128 : index
      %swap3A_106 = tpu.vector_load %arg17[%swap3A_104, %swap3A_105] {strides = array<i32>} : memref<48x144xf32, #tpu.memory_space<vmem>>, vector<1x16xf32>,
      %swap3A_107 = vector.shape_cast %swap3A_106 : vector<1x16xf32> to vector<16xf32>
      %swap3A_108 = vector.shape_cast %broadcast_in_dim3A_103 : vector<16xf32> to vector<1x16xf32>
      tpu.vector_store %arg17[%swap3A_104, %swap3A_105], %swap3A_108 {strides = array<i32>} : memref<48x144xf32, #tpu.memory_space<vmem>>, vector<1x16xf32>,
    }
    %scan3A_7 = arith.constant 48 : i32
    %mul3A_8 = arith.constant 640 : i32
    %mul3A_9 = arith.muli %arg1, %mul3A_8 : i32
    %add3A = arith.constant 0 : i32
    %add3A_10 = arith.addi %mul3A_9, %add3A : i32
    "tpu.region"() ({
      %run_scoped3A = tpu.sem_alloc : memref<!tpu.dma_semaphore, #tpu.memory_space<semaphore_mem>>
      %dma_start3A = arith.constant 0 : i32
      %dma_start3A_47 = tpu.memref_slice %arg22[%add3A_10, %dma_start3A] : memref<10240x144xf32, #tpu.memory_space<vmem_shared>> -> memref<48x144xf32, #tpu.memory_space<vmem_shared>>
      %dma_start3A_48 = arith.constant 0 : i32
      %dma_start3A_49 = tpu.memref_slice %arg22[%add3A_10, %dma_start3A_48] : memref<10240x144xf32, #tpu.memory_space<vmem_shared>> -> memref<48x144xf32, #tpu.memory_space<vmem_shared>>
      tpu.enqueue_dma source(%arg17 : memref<48x144xf32, #tpu.memory_space<vmem>>) target(%dma_start3A_49 : memref<48x144xf32, #tpu.memory_space<vmem_shared>>) target_semaphore(%run_scoped3A : memref<!tpu.dma_semaphore, #tpu.memory_space<semaphore_mem>>)
      %dma_wait3A = arith.constant 0 : i32
      %dma_wait3A_50 = tpu.memref_slice %arg22[%add3A_10, %dma_wait3A] : memref<10240x144xf32, #tpu.memory_space<vmem_shared>> -> memref<48x144xf32, #tpu.memory_space<vmem_shared>>
      %dma_wait3A_51 = arith.constant 0 : i32
      %dma_wait3A_52 = tpu.memref_slice %arg22[%add3A_10, %dma_wait3A_51] : memref<10240x144xf32, #tpu.memory_space<vmem_shared>> -> memref<48x144xf32, #tpu.memory_space<vmem_shared>>
      tpu.wait_dma2 semaphore(%run_scoped3A : memref<!tpu.dma_semaphore, #tpu.memory_space<semaphore_mem>>) src(%arg17 : memref<48x144xf32, #tpu.memory_space<vmem>>) dst(%dma_wait3A_52 : memref<48x144xf32, #tpu.memory_space<vmem_shared>>)
      tpu.yield
    }) : () -> ()
    %add3A_11 = arith.constant 48 : i32
    %add3A_12 = arith.addi %mul3A_9, %add3A_11 : i32
    "tpu.region"() ({
      %run_scoped3A = tpu.sem_alloc : memref<!tpu.dma_semaphore, #tpu.memory_space<semaphore_mem>>
      %dma_start3A = arith.constant 0 : i32
      %dma_start3A_47 = tpu.memref_slice %arg22[%add3A_12, %dma_start3A] : memref<10240x144xf32, #tpu.memory_space<vmem_shared>> -> memref<48x144xf32, #tpu.memory_space<vmem_shared>>
      %dma_start3A_48 = arith.constant 0 : i32
      %dma_start3A_49 = tpu.memref_slice %arg22[%add3A_12, %dma_start3A_48] : memref<10240x144xf32, #tpu.memory_space<vmem_shared>> -> memref<48x144xf32, #tpu.memory_space<vmem_shared>>
      tpu.enqueue_dma source(%arg17 : memref<48x144xf32, #tpu.memory_space<vmem>>) target(%dma_start3A_49 : memref<48x144xf32, #tpu.memory_space<vmem_shared>>) target_semaphore(%run_scoped3A : memref<!tpu.dma_semaphore, #tpu.memory_space<semaphore_mem>>)
      %dma_wait3A = arith.constant 0 : i32
      %dma_wait3A_50 = tpu.memref_slice %arg22[%add3A_12, %dma_wait3A] : memref<10240x144xf32, #tpu.memory_space<vmem_shared>> -> memref<48x144xf32, #tpu.memory_space<vmem_shared>>
      %dma_wait3A_51 = arith.constant 0 : i32
      %dma_wait3A_52 = tpu.memref_slice %arg22[%add3A_12, %dma_wait3A_51] : memref<10240x144xf32, #tpu.memory_space<vmem_shared>> -> memref<48x144xf32, #tpu.memory_space<vmem_shared>>
      tpu.wait_dma2 semaphore(%run_scoped3A : memref<!tpu.dma_semaphore, #tpu.memory_space<semaphore_mem>>) src(%arg17 : memref<48x144xf32, #tpu.memory_space<vmem>>) dst(%dma_wait3A_52 : memref<48x144xf32, #tpu.memory_space<vmem_shared>>)
      tpu.yield
    }) : () -> ()
    %add3A_13 = arith.constant 96 : i32
    %add3A_14 = arith.addi %mul3A_9, %add3A_13 : i32
    "tpu.region"() ({
      %run_scoped3A = tpu.sem_alloc : memref<!tpu.dma_semaphore, #tpu.memory_space<semaphore_mem>>
      %dma_start3A = arith.constant 0 : i32
      %dma_start3A_47 = tpu.memref_slice %arg22[%add3A_14, %dma_start3A] : memref<10240x144xf32, #tpu.memory_space<vmem_shared>> -> memref<48x144xf32, #tpu.memory_space<vmem_shared>>
      %dma_start3A_48 = arith.constant 0 : i32
      %dma_start3A_49 = tpu.memref_slice %arg22[%add3A_14, %dma_start3A_48] : memref<10240x144xf32, #tpu.memory_space<vmem_shared>> -> memref<48x144xf32, #tpu.memory_space<vmem_shared>>
      tpu.enqueue_dma source(%arg17 : memref<48x144xf32, #tpu.memory_space<vmem>>) target(%dma_start3A_49 : memref<48x144xf32, #tpu.memory_space<vmem_shared>>) target_semaphore(%run_scoped3A : memref<!tpu.dma_semaphore, #tpu.memory_space<semaphore_mem>>)
      %dma_wait3A = arith.constant 0 : i32
      %dma_wait3A_50 = tpu.memref_slice %arg22[%add3A_14, %dma_wait3A] : memref<10240x144xf32, #tpu.memory_space<vmem_shared>> -> memref<48x144xf32, #tpu.memory_space<vmem_shared>>
      %dma_wait3A_51 = arith.constant 0 : i32
      %dma_wait3A_52 = tpu.memref_slice %arg22[%add3A_14, %dma_wait3A_51] : memref<10240x144xf32, #tpu.memory_space<vmem_shared>> -> memref<48x144xf32, #tpu.memory_space<vmem_shared>>
      tpu.wait_dma2 semaphore(%run_scoped3A : memref<!tpu.dma_semaphore, #tpu.memory_space<semaphore_mem>>) src(%arg17 : memref<48x144xf32, #tpu.memory_space<vmem>>) dst(%dma_wait3A_52 : memref<48x144xf32, #tpu.memory_space<vmem_shared>>)
      tpu.yield
    }) : () -> ()
    %add3A_15 = arith.constant 144 : i32
    %add3A_16 = arith.addi %mul3A_9, %add3A_15 : i32
    "tpu.region"() ({
      %run_scoped3A = tpu.sem_alloc : memref<!tpu.dma_semaphore, #tpu.memory_space<semaphore_mem>>
      %dma_start3A = arith.constant 0 : i32
      %dma_start3A_47 = tpu.memref_slice %arg22[%add3A_16, %dma_start3A] : memref<10240x144xf32, #tpu.memory_space<vmem_shared>> -> memref<48x144xf32, #tpu.memory_space<vmem_shared>>
      %dma_start3A_48 = arith.constant 0 : i32
      %dma_start3A_49 = tpu.memref_slice %arg22[%add3A_16, %dma_start3A_48] : memref<10240x144xf32, #tpu.memory_space<vmem_shared>> -> memref<48x144xf32, #tpu.memory_space<vmem_shared>>
      tpu.enqueue_dma source(%arg17 : memref<48x144xf32, #tpu.memory_space<vmem>>) target(%dma_start3A_49 : memref<48x144xf32, #tpu.memory_space<vmem_shared>>) target_semaphore(%run_scoped3A : memref<!tpu.dma_semaphore, #tpu.memory_space<semaphore_mem>>)
      %dma_wait3A = arith.constant 0 : i32
      %dma_wait3A_50 = tpu.memref_slice %arg22[%add3A_16, %dma_wait3A] : memref<10240x144xf32, #tpu.memory_space<vmem_shared>> -> memref<48x144xf32, #tpu.memory_space<vmem_shared>>
      %dma_wait3A_51 = arith.constant 0 : i32
      %dma_wait3A_52 = tpu.memref_slice %arg22[%add3A_16, %dma_wait3A_51] : memref<10240x144xf32, #tpu.memory_space<vmem_shared>> -> memref<48x144xf32, #tpu.memory_space<vmem_shared>>
      tpu.wait_dma2 semaphore(%run_scoped3A : memref<!tpu.dma_semaphore, #tpu.memory_space<semaphore_mem>>) src(%arg17 : memref<48x144xf32, #tpu.memory_space<vmem>>) dst(%dma_wait3A_52 : memref<48x144xf32, #tpu.memory_space<vmem_shared>>)
      tpu.yield
    }) : () -> ()
    %add3A_17 = arith.constant 192 : i32
    %add3A_18 = arith.addi %mul3A_9, %add3A_17 : i32
    "tpu.region"() ({
      %run_scoped3A = tpu.sem_alloc : memref<!tpu.dma_semaphore, #tpu.memory_space<semaphore_mem>>
      %dma_start3A = arith.constant 0 : i32
      %dma_start3A_47 = tpu.memref_slice %arg22[%add3A_18, %dma_start3A] : memref<10240x144xf32, #tpu.memory_space<vmem_shared>> -> memref<48x144xf32, #tpu.memory_space<vmem_shared>>
      %dma_start3A_48 = arith.constant 0 : i32
      %dma_start3A_49 = tpu.memref_slice %arg22[%add3A_18, %dma_start3A_48] : memref<10240x144xf32, #tpu.memory_space<vmem_shared>> -> memref<48x144xf32, #tpu.memory_space<vmem_shared>>
      tpu.enqueue_dma source(%arg17 : memref<48x144xf32, #tpu.memory_space<vmem>>) target(%dma_start3A_49 : memref<48x144xf32, #tpu.memory_space<vmem_shared>>) target_semaphore(%run_scoped3A : memref<!tpu.dma_semaphore, #tpu.memory_space<semaphore_mem>>)
      %dma_wait3A = arith.constant 0 : i32
      %dma_wait3A_50 = tpu.memref_slice %arg22[%add3A_18, %dma_wait3A] : memref<10240x144xf32, #tpu.memory_space<vmem_shared>> -> memref<48x144xf32, #tpu.memory_space<vmem_shared>>
      %dma_wait3A_51 = arith.constant 0 : i32
      %dma_wait3A_52 = tpu.memref_slice %arg22[%add3A_18, %dma_wait3A_51] : memref<10240x144xf32, #tpu.memory_space<vmem_shared>> -> memref<48x144xf32, #tpu.memory_space<vmem_shared>>
      tpu.wait_dma2 semaphore(%run_scoped3A : memref<!tpu.dma_semaphore, #tpu.memory_space<semaphore_mem>>) src(%arg17 : memref<48x144xf32, #tpu.memory_space<vmem>>) dst(%dma_wait3A_52 : memref<48x144xf32, #tpu.memory_space<vmem_shared>>)
      tpu.yield
    }) : () -> ()
    %add3A_19 = arith.constant 240 : i32
    %add3A_20 = arith.addi %mul3A_9, %add3A_19 : i32
    "tpu.region"() ({
      %run_scoped3A = tpu.sem_alloc : memref<!tpu.dma_semaphore, #tpu.memory_space<semaphore_mem>>
      %dma_start3A = arith.constant 0 : i32
      %dma_start3A_47 = tpu.memref_slice %arg22[%add3A_20, %dma_start3A] : memref<10240x144xf32, #tpu.memory_space<vmem_shared>> -> memref<48x144xf32, #tpu.memory_space<vmem_shared>>
      %dma_start3A_48 = arith.constant 0 : i32
      %dma_start3A_49 = tpu.memref_slice %arg22[%add3A_20, %dma_start3A_48] : memref<10240x144xf32, #tpu.memory_space<vmem_shared>> -> memref<48x144xf32, #tpu.memory_space<vmem_shared>>
      tpu.enqueue_dma source(%arg17 : memref<48x144xf32, #tpu.memory_space<vmem>>) target(%dma_start3A_49 : memref<48x144xf32, #tpu.memory_space<vmem_shared>>) target_semaphore(%run_scoped3A : memref<!tpu.dma_semaphore, #tpu.memory_space<semaphore_mem>>)
      %dma_wait3A = arith.constant 0 : i32
      %dma_wait3A_50 = tpu.memref_slice %arg22[%add3A_20, %dma_wait3A] : memref<10240x144xf32, #tpu.memory_space<vmem_shared>> -> memref<48x144xf32, #tpu.memory_space<vmem_shared>>
      %dma_wait3A_51 = arith.constant 0 : i32
      %dma_wait3A_52 = tpu.memref_slice %arg22[%add3A_20, %dma_wait3A_51] : memref<10240x144xf32, #tpu.memory_space<vmem_shared>> -> memref<48x144xf32, #tpu.memory_space<vmem_shared>>
      tpu.wait_dma2 semaphore(%run_scoped3A : memref<!tpu.dma_semaphore, #tpu.memory_space<semaphore_mem>>) src(%arg17 : memref<48x144xf32, #tpu.memory_space<vmem>>) dst(%dma_wait3A_52 : memref<48x144xf32, #tpu.memory_space<vmem_shared>>)
      tpu.yield
    }) : () -> ()
    %add3A_21 = arith.constant 288 : i32
    %add3A_22 = arith.addi %mul3A_9, %add3A_21 : i32
    "tpu.region"() ({
      %run_scoped3A = tpu.sem_alloc : memref<!tpu.dma_semaphore, #tpu.memory_space<semaphore_mem>>
      %dma_start3A = arith.constant 0 : i32
      %dma_start3A_47 = tpu.memref_slice %arg22[%add3A_22, %dma_start3A] : memref<10240x144xf32, #tpu.memory_space<vmem_shared>> -> memref<48x144xf32, #tpu.memory_space<vmem_shared>>
      %dma_start3A_48 = arith.constant 0 : i32
      %dma_start3A_49 = tpu.memref_slice %arg22[%add3A_22, %dma_start3A_48] : memref<10240x144xf32, #tpu.memory_space<vmem_shared>> -> memref<48x144xf32, #tpu.memory_space<vmem_shared>>
      tpu.enqueue_dma source(%arg17 : memref<48x144xf32, #tpu.memory_space<vmem>>) target(%dma_start3A_49 : memref<48x144xf32, #tpu.memory_space<vmem_shared>>) target_semaphore(%run_scoped3A : memref<!tpu.dma_semaphore, #tpu.memory_space<semaphore_mem>>)
      %dma_wait3A = arith.constant 0 : i32
      %dma_wait3A_50 = tpu.memref_slice %arg22[%add3A_22, %dma_wait3A] : memref<10240x144xf32, #tpu.memory_space<vmem_shared>> -> memref<48x144xf32, #tpu.memory_space<vmem_shared>>
      %dma_wait3A_51 = arith.constant 0 : i32
      %dma_wait3A_52 = tpu.memref_slice %arg22[%add3A_22, %dma_wait3A_51] : memref<10240x144xf32, #tpu.memory_space<vmem_shared>> -> memref<48x144xf32, #tpu.memory_space<vmem_shared>>
      tpu.wait_dma2 semaphore(%run_scoped3A : memref<!tpu.dma_semaphore, #tpu.memory_space<semaphore_mem>>) src(%arg17 : memref<48x144xf32, #tpu.memory_space<vmem>>) dst(%dma_wait3A_52 : memref<48x144xf32, #tpu.memory_space<vmem_shared>>)
      tpu.yield
    }) : () -> ()
    %add3A_23 = arith.constant 336 : i32
    %add3A_24 = arith.addi %mul3A_9, %add3A_23 : i32
    "tpu.region"() ({
      %run_scoped3A = tpu.sem_alloc : memref<!tpu.dma_semaphore, #tpu.memory_space<semaphore_mem>>
      %dma_start3A = arith.constant 0 : i32
      %dma_start3A_47 = tpu.memref_slice %arg22[%add3A_24, %dma_start3A] : memref<10240x144xf32, #tpu.memory_space<vmem_shared>> -> memref<48x144xf32, #tpu.memory_space<vmem_shared>>
      %dma_start3A_48 = arith.constant 0 : i32
      %dma_start3A_49 = tpu.memref_slice %arg22[%add3A_24, %dma_start3A_48] : memref<10240x144xf32, #tpu.memory_space<vmem_shared>> -> memref<48x144xf32, #tpu.memory_space<vmem_shared>>
      tpu.enqueue_dma source(%arg17 : memref<48x144xf32, #tpu.memory_space<vmem>>) target(%dma_start3A_49 : memref<48x144xf32, #tpu.memory_space<vmem_shared>>) target_semaphore(%run_scoped3A : memref<!tpu.dma_semaphore, #tpu.memory_space<semaphore_mem>>)
      %dma_wait3A = arith.constant 0 : i32
      %dma_wait3A_50 = tpu.memref_slice %arg22[%add3A_24, %dma_wait3A] : memref<10240x144xf32, #tpu.memory_space<vmem_shared>> -> memref<48x144xf32, #tpu.memory_space<vmem_shared>>
      %dma_wait3A_51 = arith.constant 0 : i32
      %dma_wait3A_52 = tpu.memref_slice %arg22[%add3A_24, %dma_wait3A_51] : memref<10240x144xf32, #tpu.memory_space<vmem_shared>> -> memref<48x144xf32, #tpu.memory_space<vmem_shared>>
      tpu.wait_dma2 semaphore(%run_scoped3A : memref<!tpu.dma_semaphore, #tpu.memory_space<semaphore_mem>>) src(%arg17 : memref<48x144xf32, #tpu.memory_space<vmem>>) dst(%dma_wait3A_52 : memref<48x144xf32, #tpu.memory_space<vmem_shared>>)
      tpu.yield
    }) : () -> ()
    %add3A_25 = arith.constant 384 : i32
    %add3A_26 = arith.addi %mul3A_9, %add3A_25 : i32
    "tpu.region"() ({
      %run_scoped3A = tpu.sem_alloc : memref<!tpu.dma_semaphore, #tpu.memory_space<semaphore_mem>>
      %dma_start3A = arith.constant 0 : i32
      %dma_start3A_47 = tpu.memref_slice %arg22[%add3A_26, %dma_start3A] : memref<10240x144xf32, #tpu.memory_space<vmem_shared>> -> memref<48x144xf32, #tpu.memory_space<vmem_shared>>
      %dma_start3A_48 = arith.constant 0 : i32
      %dma_start3A_49 = tpu.memref_slice %arg22[%add3A_26, %dma_start3A_48] : memref<10240x144xf32, #tpu.memory_space<vmem_shared>> -> memref<48x144xf32, #tpu.memory_space<vmem_shared>>
      tpu.enqueue_dma source(%arg17 : memref<48x144xf32, #tpu.memory_space<vmem>>) target(%dma_start3A_49 : memref<48x144xf32, #tpu.memory_space<vmem_shared>>) target_semaphore(%run_scoped3A : memref<!tpu.dma_semaphore, #tpu.memory_space<semaphore_mem>>)
      %dma_wait3A = arith.constant 0 : i32
      %dma_wait3A_50 = tpu.memref_slice %arg22[%add3A_26, %dma_wait3A] : memref<10240x144xf32, #tpu.memory_space<vmem_shared>> -> memref<48x144xf32, #tpu.memory_space<vmem_shared>>
      %dma_wait3A_51 = arith.constant 0 : i32
      %dma_wait3A_52 = tpu.memref_slice %arg22[%add3A_26, %dma_wait3A_51] : memref<10240x144xf32, #tpu.memory_space<vmem_shared>> -> memref<48x144xf32, #tpu.memory_space<vmem_shared>>
      tpu.wait_dma2 semaphore(%run_scoped3A : memref<!tpu.dma_semaphore, #tpu.memory_space<semaphore_mem>>) src(%arg17 : memref<48x144xf32, #tpu.memory_space<vmem>>) dst(%dma_wait3A_52 : memref<48x144xf32, #tpu.memory_space<vmem_shared>>)
      tpu.yield
    }) : () -> ()
    %add3A_27 = arith.constant 432 : i32
    %add3A_28 = arith.addi %mul3A_9, %add3A_27 : i32
    "tpu.region"() ({
      %run_scoped3A = tpu.sem_alloc : memref<!tpu.dma_semaphore, #tpu.memory_space<semaphore_mem>>
      %dma_start3A = arith.constant 0 : i32
      %dma_start3A_47 = tpu.memref_slice %arg22[%add3A_28, %dma_start3A] : memref<10240x144xf32, #tpu.memory_space<vmem_shared>> -> memref<48x144xf32, #tpu.memory_space<vmem_shared>>
      %dma_start3A_48 = arith.constant 0 : i32
      %dma_start3A_49 = tpu.memref_slice %arg22[%add3A_28, %dma_start3A_48] : memref<10240x144xf32, #tpu.memory_space<vmem_shared>> -> memref<48x144xf32, #tpu.memory_space<vmem_shared>>
      tpu.enqueue_dma source(%arg17 : memref<48x144xf32, #tpu.memory_space<vmem>>) target(%dma_start3A_49 : memref<48x144xf32, #tpu.memory_space<vmem_shared>>) target_semaphore(%run_scoped3A : memref<!tpu.dma_semaphore, #tpu.memory_space<semaphore_mem>>)
      %dma_wait3A = arith.constant 0 : i32
      %dma_wait3A_50 = tpu.memref_slice %arg22[%add3A_28, %dma_wait3A] : memref<10240x144xf32, #tpu.memory_space<vmem_shared>> -> memref<48x144xf32, #tpu.memory_space<vmem_shared>>
      %dma_wait3A_51 = arith.constant 0 : i32
      %dma_wait3A_52 = tpu.memref_slice %arg22[%add3A_28, %dma_wait3A_51] : memref<10240x144xf32, #tpu.memory_space<vmem_shared>> -> memref<48x144xf32, #tpu.memory_space<vmem_shared>>
      tpu.wait_dma2 semaphore(%run_scoped3A : memref<!tpu.dma_semaphore, #tpu.memory_space<semaphore_mem>>) src(%arg17 : memref<48x144xf32, #tpu.memory_space<vmem>>) dst(%dma_wait3A_52 : memref<48x144xf32, #tpu.memory_space<vmem_shared>>)
      tpu.yield
    }) : () -> ()
    %add3A_29 = arith.constant 480 : i32
    %add3A_30 = arith.addi %mul3A_9, %add3A_29 : i32
    "tpu.region"() ({
      %run_scoped3A = tpu.sem_alloc : memref<!tpu.dma_semaphore, #tpu.memory_space<semaphore_mem>>
      %dma_start3A = arith.constant 0 : i32
      %dma_start3A_47 = tpu.memref_slice %arg22[%add3A_30, %dma_start3A] : memref<10240x144xf32, #tpu.memory_space<vmem_shared>> -> memref<48x144xf32, #tpu.memory_space<vmem_shared>>
      %dma_start3A_48 = arith.constant 0 : i32
      %dma_start3A_49 = tpu.memref_slice %arg22[%add3A_30, %dma_start3A_48] : memref<10240x144xf32, #tpu.memory_space<vmem_shared>> -> memref<48x144xf32, #tpu.memory_space<vmem_shared>>
      tpu.enqueue_dma source(%arg17 : memref<48x144xf32, #tpu.memory_space<vmem>>) target(%dma_start3A_49 : memref<48x144xf32, #tpu.memory_space<vmem_shared>>) target_semaphore(%run_scoped3A : memref<!tpu.dma_semaphore, #tpu.memory_space<semaphore_mem>>)
      %dma_wait3A = arith.constant 0 : i32
      %dma_wait3A_50 = tpu.memref_slice %arg22[%add3A_30, %dma_wait3A] : memref<10240x144xf32, #tpu.memory_space<vmem_shared>> -> memref<48x144xf32, #tpu.memory_space<vmem_shared>>
      %dma_wait3A_51 = arith.constant 0 : i32
      %dma_wait3A_52 = tpu.memref_slice %arg22[%add3A_30, %dma_wait3A_51] : memref<10240x144xf32, #tpu.memory_space<vmem_shared>> -> memref<48x144xf32, #tpu.memory_space<vmem_shared>>
      tpu.wait_dma2 semaphore(%run_scoped3A : memref<!tpu.dma_semaphore, #tpu.memory_space<semaphore_mem>>) src(%arg17 : memref<48x144xf32, #tpu.memory_space<vmem>>) dst(%dma_wait3A_52 : memref<48x144xf32, #tpu.memory_space<vmem_shared>>)
      tpu.yield
    }) : () -> ()
    %add3A_31 = arith.constant 528 : i32
    %add3A_32 = arith.addi %mul3A_9, %add3A_31 : i32
    "tpu.region"() ({
      %run_scoped3A = tpu.sem_alloc : memref<!tpu.dma_semaphore, #tpu.memory_space<semaphore_mem>>
      %dma_start3A = arith.constant 0 : i32
      %dma_start3A_47 = tpu.memref_slice %arg22[%add3A_32, %dma_start3A] : memref<10240x144xf32, #tpu.memory_space<vmem_shared>> -> memref<48x144xf32, #tpu.memory_space<vmem_shared>>
      %dma_start3A_48 = arith.constant 0 : i32
      %dma_start3A_49 = tpu.memref_slice %arg22[%add3A_32, %dma_start3A_48] : memref<10240x144xf32, #tpu.memory_space<vmem_shared>> -> memref<48x144xf32, #tpu.memory_space<vmem_shared>>
      tpu.enqueue_dma source(%arg17 : memref<48x144xf32, #tpu.memory_space<vmem>>) target(%dma_start3A_49 : memref<48x144xf32, #tpu.memory_space<vmem_shared>>) target_semaphore(%run_scoped3A : memref<!tpu.dma_semaphore, #tpu.memory_space<semaphore_mem>>)
      %dma_wait3A = arith.constant 0 : i32
      %dma_wait3A_50 = tpu.memref_slice %arg22[%add3A_32, %dma_wait3A] : memref<10240x144xf32, #tpu.memory_space<vmem_shared>> -> memref<48x144xf32, #tpu.memory_space<vmem_shared>>
      %dma_wait3A_51 = arith.constant 0 : i32
      %dma_wait3A_52 = tpu.memref_slice %arg22[%add3A_32, %dma_wait3A_51] : memref<10240x144xf32, #tpu.memory_space<vmem_shared>> -> memref<48x144xf32, #tpu.memory_space<vmem_shared>>
      tpu.wait_dma2 semaphore(%run_scoped3A : memref<!tpu.dma_semaphore, #tpu.memory_space<semaphore_mem>>) src(%arg17 : memref<48x144xf32, #tpu.memory_space<vmem>>) dst(%dma_wait3A_52 : memref<48x144xf32, #tpu.memory_space<vmem_shared>>)
      tpu.yield
    }) : () -> ()
    %add3A_33 = arith.constant 576 : i32
    %add3A_34 = arith.addi %mul3A_9, %add3A_33 : i32
    "tpu.region"() ({
      %run_scoped3A = tpu.sem_alloc : memref<!tpu.dma_semaphore, #tpu.memory_space<semaphore_mem>>
      %dma_start3A = arith.constant 0 : i32
      %dma_start3A_47 = tpu.memref_slice %arg22[%add3A_34, %dma_start3A] : memref<10240x144xf32, #tpu.memory_space<vmem_shared>> -> memref<48x144xf32, #tpu.memory_space<vmem_shared>>
      %dma_start3A_48 = arith.constant 0 : i32
      %dma_start3A_49 = tpu.memref_slice %arg22[%add3A_34, %dma_start3A_48] : memref<10240x144xf32, #tpu.memory_space<vmem_shared>> -> memref<48x144xf32, #tpu.memory_space<vmem_shared>>
      tpu.enqueue_dma source(%arg17 : memref<48x144xf32, #tpu.memory_space<vmem>>) target(%dma_start3A_49 : memref<48x144xf32, #tpu.memory_space<vmem_shared>>) target_semaphore(%run_scoped3A : memref<!tpu.dma_semaphore, #tpu.memory_space<semaphore_mem>>)
      %dma_wait3A = arith.constant 0 : i32
      %dma_wait3A_50 = tpu.memref_slice %arg22[%add3A_34, %dma_wait3A] : memref<10240x144xf32, #tpu.memory_space<vmem_shared>> -> memref<48x144xf32, #tpu.memory_space<vmem_shared>>
      %dma_wait3A_51 = arith.constant 0 : i32
      %dma_wait3A_52 = tpu.memref_slice %arg22[%add3A_34, %dma_wait3A_51] : memref<10240x144xf32, #tpu.memory_space<vmem_shared>> -> memref<48x144xf32, #tpu.memory_space<vmem_shared>>
      tpu.wait_dma2 semaphore(%run_scoped3A : memref<!tpu.dma_semaphore, #tpu.memory_space<semaphore_mem>>) src(%arg17 : memref<48x144xf32, #tpu.memory_space<vmem>>) dst(%dma_wait3A_52 : memref<48x144xf32, #tpu.memory_space<vmem_shared>>)
      tpu.yield
    }) : () -> ()
    %add3A_35 = arith.constant 640 : i32
    %add3A_36 = arith.addi %mul3A_9, %add3A_35 : i32
    %sub3A = arith.constant 16 : i32
    %sub3A_37 = arith.subi %add3A_36, %sub3A : i32
    "tpu.region"() ({
      %run_scoped3A = tpu.sem_alloc : memref<!tpu.dma_semaphore, #tpu.memory_space<semaphore_mem>>
      %dma_start3A = arith.constant 0 : i32
      %dma_start3A_47 = arith.constant 0 : i32
      %dma_start3A_48 = tpu.memref_slice %arg17[%dma_start3A, %dma_start3A_47] : memref<48x144xf32, #tpu.memory_space<vmem>> -> memref<16x144xf32, #tpu.memory_space<vmem>>
      %dma_start3A_49 = arith.constant 0 : i32
      %dma_start3A_50 = tpu.memref_slice %arg22[%sub3A_37, %dma_start3A_49] : memref<10240x144xf32, #tpu.memory_space<vmem_shared>> -> memref<16x144xf32, #tpu.memory_space<vmem_shared>>
      %dma_start3A_51 = arith.constant 0 : i32
      %dma_start3A_52 = tpu.memref_slice %arg22[%sub3A_37, %dma_start3A_51] : memref<10240x144xf32, #tpu.memory_space<vmem_shared>> -> memref<16x144xf32, #tpu.memory_space<vmem_shared>>
      %dma_start3A_53 = arith.constant 0 : i32
      %dma_start3A_54 = arith.constant 0 : i32
      %dma_start3A_55 = tpu.memref_slice %arg17[%dma_start3A_53, %dma_start3A_54] : memref<48x144xf32, #tpu.memory_space<vmem>> -> memref<16x144xf32, #tpu.memory_space<vmem>>
      tpu.enqueue_dma source(%dma_start3A_55 : memref<16x144xf32, #tpu.memory_space<vmem>>) target(%dma_start3A_52 : memref<16x144xf32, #tpu.memory_space<vmem_shared>>) target_semaphore(%run_scoped3A : memref<!tpu.dma_semaphore, #tpu.memory_space<semaphore_mem>>)
      %dma_wait3A = arith.constant 0 : i32
      %dma_wait3A_56 = arith.constant 0 : i32
      %dma_wait3A_57 = tpu.memref_slice %arg17[%dma_wait3A, %dma_wait3A_56] : memref<48x144xf32, #tpu.memory_space<vmem>> -> memref<16x144xf32, #tpu.memory_space<vmem>>
      %dma_wait3A_58 = arith.constant 0 : i32
      %dma_wait3A_59 = tpu.memref_slice %arg22[%sub3A_37, %dma_wait3A_58] : memref<10240x144xf32, #tpu.memory_space<vmem_shared>> -> memref<16x144xf32, #tpu.memory_space<vmem_shared>>
      %dma_wait3A_60 = arith.constant 0 : i32
      %dma_wait3A_61 = tpu.memref_slice %arg22[%sub3A_37, %dma_wait3A_60] : memref<10240x144xf32, #tpu.memory_space<vmem_shared>> -> memref<16x144xf32, #tpu.memory_space<vmem_shared>>
      %dma_wait3A_62 = arith.constant 0 : i32
      %dma_wait3A_63 = arith.constant 0 : i32
      %dma_wait3A_64 = tpu.memref_slice %arg17[%dma_wait3A_62, %dma_wait3A_63] : memref<48x144xf32, #tpu.memory_space<vmem>> -> memref<16x144xf32, #tpu.memory_space<vmem>>
      tpu.wait_dma2 semaphore(%run_scoped3A : memref<!tpu.dma_semaphore, #tpu.memory_space<semaphore_mem>>) src(%dma_wait3A_64 : memref<16x144xf32, #tpu.memory_space<vmem>>) dst(%dma_wait3A_61 : memref<16x144xf32, #tpu.memory_space<vmem_shared>>)
      tpu.yield
    }) : () -> ()
    %barrier3A = arith.constant 0 : index
    tpu.barrier barrier_id(%barrier3A)
    %mul3A_38 = arith.constant 10176 : i32
    %mul3A_39 = arith.muli %arg1, %mul3A_38 : i32
    %scan3A_40 = arith.constant 0 : i32
    %scan3A_41 = arith.constant 0 : i32
    %scan3A_42 = arith.constant 106 : i32
    %scan3A_43 = arith.addi %scan3A_41, %scan3A_42 : i32
    %scan3A_44 = arith.constant 1 : i32
    scf.for %scan3A_47 = %scan3A_41 to %scan3A_43 step %scan3A_44  : i32 {
      %mul3A_48 = arith.constant 2 : i32
      %mul3A_49 = arith.muli %mul3A_48, %scan3A_47 : i32
      %mul3A_50 = arith.constant 48 : i32
      %mul3A_51 = arith.muli %mul3A_49, %mul3A_50 : i32
      %add3A_52 = arith.addi %mul3A_39, %mul3A_51 : i32
      %dma_start3A = tpu.memref_slice %arg4[%add3A_52] : memref<162816xi32, #tpu.memory_space<hbm>> -> memref<48xi32, #tpu.memory_space<hbm>>
      %dma_start3A_53 = tpu.memref_slice %arg4[%add3A_52] : memref<162816xi32, #tpu.memory_space<hbm>> -> memref<48xi32, #tpu.memory_space<hbm>>
      tpu.enqueue_dma source(%dma_start3A_53 : memref<48xi32, #tpu.memory_space<hbm>>) target(%arg9 : memref<48xi32, #tpu.memory_space<vmem>>) target_semaphore(%arg27 : memref<!tpu.dma_semaphore, #tpu.memory_space<semaphore_mem>>)
      %dma_start3A_54 = tpu.memref_slice %arg5[%add3A_52] : memref<162816xi32, #tpu.memory_space<hbm>> -> memref<48xi32, #tpu.memory_space<hbm>>
      %dma_start3A_55 = tpu.memref_slice %arg5[%add3A_52] : memref<162816xi32, #tpu.memory_space<hbm>> -> memref<48xi32, #tpu.memory_space<hbm>>
      tpu.enqueue_dma source(%dma_start3A_55 : memref<48xi32, #tpu.memory_space<hbm>>) target(%arg11 : memref<48xi32, #tpu.memory_space<vmem>>) target_semaphore(%arg27 : memref<!tpu.dma_semaphore, #tpu.memory_space<semaphore_mem>>)
      %dma_start3A_56 = arith.constant 0 : i32
      %dma_start3A_57 = tpu.memref_slice %arg6[%add3A_52, %dma_start3A_56] : memref<162816x16xf32, #tpu.memory_space<hbm>> -> memref<48x16xf32, #tpu.memory_space<hbm>>
      %dma_start3A_58 = arith.constant 0 : i32
      %dma_start3A_59 = tpu.memref_slice %arg6[%add3A_52, %dma_start3A_58] : memref<162816x16xf32, #tpu.memory_space<hbm>> -> memref<48x16xf32, #tpu.memory_space<hbm>>
      tpu.enqueue_dma source(%dma_start3A_59 : memref<48x16xf32, #tpu.memory_space<hbm>>) target(%arg15 : memref<48x16xf32, #tpu.memory_space<vmem>>) target_semaphore(%arg27 : memref<!tpu.dma_semaphore, #tpu.memory_space<semaphore_mem>>)
      %dma_wait3A = tpu.memref_slice %arg4[%add3A_52] : memref<162816xi32, #tpu.memory_space<hbm>> -> memref<48xi32, #tpu.memory_space<hbm>>
      %dma_wait3A_60 = tpu.memref_slice %arg4[%add3A_52] : memref<162816xi32, #tpu.memory_space<hbm>> -> memref<48xi32, #tpu.memory_space<hbm>>
      tpu.wait_dma2 semaphore(%arg27 : memref<!tpu.dma_semaphore, #tpu.memory_space<semaphore_mem>>) src(%dma_wait3A_60 : memref<48xi32, #tpu.memory_space<hbm>>) dst(%arg9 : memref<48xi32, #tpu.memory_space<vmem>>)
      %dma_wait3A_61 = tpu.memref_slice %arg5[%add3A_52] : memref<162816xi32, #tpu.memory_space<hbm>> -> memref<48xi32, #tpu.memory_space<hbm>>
      %dma_wait3A_62 = tpu.memref_slice %arg5[%add3A_52] : memref<162816xi32, #tpu.memory_space<hbm>> -> memref<48xi32, #tpu.memory_space<hbm>>
      tpu.wait_dma2 semaphore(%arg27 : memref<!tpu.dma_semaphore, #tpu.memory_space<semaphore_mem>>) src(%dma_wait3A_62 : memref<48xi32, #tpu.memory_space<hbm>>) dst(%arg11 : memref<48xi32, #tpu.memory_space<vmem>>)
      %dma_wait3A_63 = arith.constant 0 : i32
      %dma_wait3A_64 = tpu.memref_slice %arg6[%add3A_52, %dma_wait3A_63] : memref<162816x16xf32, #tpu.memory_space<hbm>> -> memref<48x16xf32, #tpu.memory_space<hbm>>
      %dma_wait3A_65 = arith.constant 0 : i32
      %dma_wait3A_66 = tpu.memref_slice %arg6[%add3A_52, %dma_wait3A_65] : memref<162816x16xf32, #tpu.memory_space<hbm>> -> memref<48x16xf32, #tpu.memory_space<hbm>>
      tpu.wait_dma2 semaphore(%arg27 : memref<!tpu.dma_semaphore, #tpu.memory_space<semaphore_mem>>) src(%dma_wait3A_66 : memref<48x16xf32, #tpu.memory_space<hbm>>) dst(%arg15 : memref<48x16xf32, #tpu.memory_space<vmem>>)
      %get3A = arith.constant 0 : index
      %get3A_67 = tpu.vector_load %arg9[%get3A] {strides = array<i32>} : memref<48xi32, #tpu.memory_space<vmem>>, vector<16xi32>,
      %get3A_68 = vector.shape_cast %get3A_67 : vector<16xi32> to vector<16xi32>
      %min3A = arith.constant 9999 : i32
      %min3A_69 = vector.broadcast %min3A : i32 to vector<16xi32>
      %min3A_70 = arith.minsi %get3A_68, %min3A_69 : vector<16xi32>
      %add3A_71 = vector.broadcast %mul3A_0 : i32 to vector<16xi32>
      %add3A_72 = arith.addi %min3A_70, %add3A_71 : vector<16xi32>
      %swap3A = arith.constant 0 : index
      %swap3A_73 = tpu.vector_load %arg9[%swap3A] {strides = array<i32>} : memref<48xi32, #tpu.memory_space<vmem>>, vector<16xi32>,
      %swap3A_74 = vector.shape_cast %swap3A_73 : vector<16xi32> to vector<16xi32>
      %swap3A_75 = vector.shape_cast %add3A_72 : vector<16xi32> to vector<16xi32>
      tpu.vector_store %arg9[%swap3A], %swap3A_75 {strides = array<i32>} : memref<48xi32, #tpu.memory_space<vmem>>, vector<16xi32>,
      %get3A_76 = arith.constant 0 : index
      %get3A_77 = tpu.vector_load %arg11[%get3A_76] {strides = array<i32>} : memref<48xi32, #tpu.memory_space<vmem>>, vector<16xi32>,
      %get3A_78 = vector.shape_cast %get3A_77 : vector<16xi32> to vector<16xi32>
      %min3A_79 = arith.constant 9999 : i32
      %min3A_80 = vector.broadcast %min3A_79 : i32 to vector<16xi32>
      %min3A_81 = arith.minsi %get3A_78, %min3A_80 : vector<16xi32>
      %add3A_82 = vector.broadcast %mul3A_0 : i32 to vector<16xi32>
      %add3A_83 = arith.addi %min3A_81, %add3A_82 : vector<16xi32>
      %swap3A_84 = arith.constant 0 : index
      %swap3A_85 = tpu.vector_load %arg13[%swap3A_84] {strides = array<i32>} : memref<48xi32, #tpu.memory_space<vmem>>, vector<16xi32>,
      %swap3A_86 = vector.shape_cast %swap3A_85 : vector<16xi32> to vector<16xi32>
      %swap3A_87 = vector.shape_cast %add3A_83 : vector<16xi32> to vector<16xi32>
      tpu.vector_store %arg13[%swap3A_84], %swap3A_87 {strides = array<i32>} : memref<48xi32, #tpu.memory_space<vmem>>, vector<16xi32>,
      %get3A_88 = arith.constant 16 : index
      %get3A_89 = tpu.vector_load %arg9[%get3A_88] {strides = array<i32>} : memref<48xi32, #tpu.memory_space<vmem>>, vector<16xi32>,
      %get3A_90 = vector.shape_cast %get3A_89 : vector<16xi32> to vector<16xi32>
      %min3A_91 = arith.constant 9999 : i32
      %min3A_92 = vector.broadcast %min3A_91 : i32 to vector<16xi32>
      %min3A_93 = arith.minsi %get3A_90, %min3A_92 : vector<16xi32>
      %add3A_94 = vector.broadcast %mul3A_0 : i32 to vector<16xi32>
      %add3A_95 = arith.addi %min3A_93, %add3A_94 : vector<16xi32>
      %swap3A_96 = arith.constant 16 : index
      %swap3A_97 = tpu.vector_load %arg9[%swap3A_96] {strides = array<i32>} : memref<48xi32, #tpu.memory_space<vmem>>, vector<16xi32>,
      %swap3A_98 = vector.shape_cast %swap3A_97 : vector<16xi32> to vector<16xi32>
      %swap3A_99 = vector.shape_cast %add3A_95 : vector<16xi32> to vector<16xi32>
      tpu.vector_store %arg9[%swap3A_96], %swap3A_99 {strides = array<i32>} : memref<48xi32, #tpu.memory_space<vmem>>, vector<16xi32>,
      %get3A_100 = arith.constant 16 : index
      %get3A_101 = tpu.vector_load %arg11[%get3A_100] {strides = array<i32>} : memref<48xi32, #tpu.memory_space<vmem>>, vector<16xi32>,
      %get3A_102 = vector.shape_cast %get3A_101 : vector<16xi32> to vector<16xi32>
      %min3A_103 = arith.constant 9999 : i32
      %min3A_104 = vector.broadcast %min3A_103 : i32 to vector<16xi32>
      %min3A_105 = arith.minsi %get3A_102, %min3A_104 : vector<16xi32>
      %add3A_106 = vector.broadcast %mul3A_0 : i32 to vector<16xi32>
      %add3A_107 = arith.addi %min3A_105, %add3A_106 : vector<16xi32>
      %swap3A_108 = arith.constant 16 : index
      %swap3A_109 = tpu.vector_load %arg13[%swap3A_108] {strides = array<i32>} : memref<48xi32, #tpu.memory_space<vmem>>, vector<16xi32>,
      %swap3A_110 = vector.shape_cast %swap3A_109 : vector<16xi32> to vector<16xi32>
      %swap3A_111 = vector.shape_cast %add3A_107 : vector<16xi32> to vector<16xi32>
      tpu.vector_store %arg13[%swap3A_108], %swap3A_111 {strides = array<i32>} : memref<48xi32, #tpu.memory_space<vmem>>, vector<16xi32>,
      %get3A_112 = arith.constant 32 : index
      %get3A_113 = tpu.vector_load %arg9[%get3A_112] {strides = array<i32>} : memref<48xi32, #tpu.memory_space<vmem>>, vector<16xi32>,
      %get3A_114 = vector.shape_cast %get3A_113 : vector<16xi32> to vector<16xi32>
      %min3A_115 = arith.constant 9999 : i32
      %min3A_116 = vector.broadcast %min3A_115 : i32 to vector<16xi32>
      %min3A_117 = arith.minsi %get3A_114, %min3A_116 : vector<16xi32>
      %add3A_118 = vector.broadcast %mul3A_0 : i32 to vector<16xi32>
      %add3A_119 = arith.addi %min3A_117, %add3A_118 : vector<16xi32>
      %swap3A_120 = arith.constant 32 : index
      %swap3A_121 = tpu.vector_load %arg9[%swap3A_120] {strides = array<i32>} : memref<48xi32, #tpu.memory_space<vmem>>, vector<16xi32>,
      %swap3A_122 = vector.shape_cast %swap3A_121 : vector<16xi32> to vector<16xi32>
      %swap3A_123 = vector.shape_cast %add3A_119 : vector<16xi32> to vector<16xi32>
      tpu.vector_store %arg9[%swap3A_120], %swap3A_123 {strides = array<i32>} : memref<48xi32, #tpu.memory_space<vmem>>, vector<16xi32>,
      %get3A_124 = arith.constant 32 : index
      %get3A_125 = tpu.vector_load %arg11[%get3A_124] {strides = array<i32>} : memref<48xi32, #tpu.memory_space<vmem>>, vector<16xi32>,
      %get3A_126 = vector.shape_cast %get3A_125 : vector<16xi32> to vector<16xi32>
      %min3A_127 = arith.constant 9999 : i32
      %min3A_128 = vector.broadcast %min3A_127 : i32 to vector<16xi32>
      %min3A_129 = arith.minsi %get3A_126, %min3A_128 : vector<16xi32>
      %add3A_130 = vector.broadcast %mul3A_0 : i32 to vector<16xi32>
      %add3A_131 = arith.addi %min3A_129, %add3A_130 : vector<16xi32>
      %swap3A_132 = arith.constant 32 : index
      %swap3A_133 = tpu.vector_load %arg13[%swap3A_132] {strides = array<i32>} : memref<48xi32, #tpu.memory_space<vmem>>, vector<16xi32>,
      %swap3A_134 = vector.shape_cast %swap3A_133 : vector<16xi32> to vector<16xi32>
      %swap3A_135 = vector.shape_cast %add3A_131 : vector<16xi32> to vector<16xi32>
      tpu.vector_store %arg13[%swap3A_132], %swap3A_135 {strides = array<i32>} : memref<48xi32, #tpu.memory_space<vmem>>, vector<16xi32>,
      %dma_start3A_136 = arith.constant 0 : i32
      %dma_start3A_137 = arith.constant 0 : i32
      %dma_start3A_138 = tpu.memref_slice %arg2[%dma_start3A_136, %dma_start3A_137] : memref<20000x144xf32, #tpu.memory_space<hbm>> -> memref<20000x144xf32, #tpu.memory_space<hbm>>
      tpu.enqueue_indirect_dma source(%dma_start3A_138 : memref<20000x144xf32, #tpu.memory_space<hbm>>) target(%arg17 : memref<48x144xf32, #tpu.memory_space<vmem>>) offsets(%arg9 : memref<48xi32, #tpu.memory_space<vmem>>) semaphore(%arg23 : memref<!tpu.dma_semaphore, #tpu.memory_space<semaphore_mem>>)
      %dma_start3A_139 = arith.constant 0 : i32
      %dma_start3A_140 = arith.constant 0 : i32
      %dma_start3A_141 = tpu.memref_slice %arg3[%dma_start3A_139, %dma_start3A_140] : memref<20000x144xf32, #tpu.memory_space<hbm>> -> memref<20000x144xf32, #tpu.memory_space<hbm>>
      tpu.enqueue_indirect_dma source(%dma_start3A_141 : memref<20000x144xf32, #tpu.memory_space<hbm>>) target(%arg19 : memref<48x144xf32, #tpu.memory_space<vmem>>) offsets(%arg13 : memref<48xi32, #tpu.memory_space<vmem>>) semaphore(%arg25 : memref<!tpu.dma_semaphore, #tpu.memory_space<semaphore_mem>>)
      %add3A_142 = arith.constant 1 : i32
      %add3A_143 = arith.addi %mul3A_49, %add3A_142 : i32
      %mul3A_144 = arith.constant 48 : i32
      %mul3A_145 = arith.muli %add3A_143, %mul3A_144 : i32
      %add3A_146 = arith.addi %mul3A_39, %mul3A_145 : i32
      %dma_start3A_147 = tpu.memref_slice %arg4[%add3A_146] : memref<162816xi32, #tpu.memory_space<hbm>> -> memref<48xi32, #tpu.memory_space<hbm>>
      %dma_start3A_148 = tpu.memref_slice %arg4[%add3A_146] : memref<162816xi32, #tpu.memory_space<hbm>> -> memref<48xi32, #tpu.memory_space<hbm>>
      tpu.enqueue_dma source(%dma_start3A_148 : memref<48xi32, #tpu.memory_space<hbm>>) target(%arg10 : memref<48xi32, #tpu.memory_space<vmem>>) target_semaphore(%arg28 : memref<!tpu.dma_semaphore, #tpu.memory_space<semaphore_mem>>)
      %dma_start3A_149 = tpu.memref_slice %arg5[%add3A_146] : memref<162816xi32, #tpu.memory_space<hbm>> -> memref<48xi32, #tpu.memory_space<hbm>>
      %dma_start3A_150 = tpu.memref_slice %arg5[%add3A_146] : memref<162816xi32, #tpu.memory_space<hbm>> -> memref<48xi32, #tpu.memory_space<hbm>>
      tpu.enqueue_dma source(%dma_start3A_150 : memref<48xi32, #tpu.memory_space<hbm>>) target(%arg12 : memref<48xi32, #tpu.memory_space<vmem>>) target_semaphore(%arg28 : memref<!tpu.dma_semaphore, #tpu.memory_space<semaphore_mem>>)
      %dma_start3A_151 = arith.constant 0 : i32
      %dma_start3A_152 = tpu.memref_slice %arg6[%add3A_146, %dma_start3A_151] : memref<162816x16xf32, #tpu.memory_space<hbm>> -> memref<48x16xf32, #tpu.memory_space<hbm>>
      %dma_start3A_153 = arith.constant 0 : i32
      %dma_start3A_154 = tpu.memref_slice %arg6[%add3A_146, %dma_start3A_153] : memref<162816x16xf32, #tpu.memory_space<hbm>> -> memref<48x16xf32, #tpu.memory_space<hbm>>
      tpu.enqueue_dma source(%dma_start3A_154 : memref<48x16xf32, #tpu.memory_space<hbm>>) target(%arg16 : memref<48x16xf32, #tpu.memory_space<vmem>>) target_semaphore(%arg28 : memref<!tpu.dma_semaphore, #tpu.memory_space<semaphore_mem>>)
      %dma_wait3A_155 = tpu.memref_slice %arg4[%add3A_146] : memref<162816xi32, #tpu.memory_space<hbm>> -> memref<48xi32, #tpu.memory_space<hbm>>
      %dma_wait3A_156 = tpu.memref_slice %arg4[%add3A_146] : memref<162816xi32, #tpu.memory_space<hbm>> -> memref<48xi32, #tpu.memory_space<hbm>>
      tpu.wait_dma2 semaphore(%arg28 : memref<!tpu.dma_semaphore, #tpu.memory_space<semaphore_mem>>) src(%dma_wait3A_156 : memref<48xi32, #tpu.memory_space<hbm>>) dst(%arg10 : memref<48xi32, #tpu.memory_space<vmem>>)
      %dma_wait3A_157 = tpu.memref_slice %arg5[%add3A_146] : memref<162816xi32, #tpu.memory_space<hbm>> -> memref<48xi32, #tpu.memory_space<hbm>>
      %dma_wait3A_158 = tpu.memref_slice %arg5[%add3A_146] : memref<162816xi32, #tpu.memory_space<hbm>> -> memref<48xi32, #tpu.memory_space<hbm>>
      tpu.wait_dma2 semaphore(%arg28 : memref<!tpu.dma_semaphore, #tpu.memory_space<semaphore_mem>>) src(%dma_wait3A_158 : memref<48xi32, #tpu.memory_space<hbm>>) dst(%arg12 : memref<48xi32, #tpu.memory_space<vmem>>)
      %dma_wait3A_159 = arith.constant 0 : i32
      %dma_wait3A_160 = tpu.memref_slice %arg6[%add3A_146, %dma_wait3A_159] : memref<162816x16xf32, #tpu.memory_space<hbm>> -> memref<48x16xf32, #tpu.memory_space<hbm>>
      %dma_wait3A_161 = arith.constant 0 : i32
      %dma_wait3A_162 = tpu.memref_slice %arg6[%add3A_146, %dma_wait3A_161] : memref<162816x16xf32, #tpu.memory_space<hbm>> -> memref<48x16xf32, #tpu.memory_space<hbm>>
      tpu.wait_dma2 semaphore(%arg28 : memref<!tpu.dma_semaphore, #tpu.memory_space<semaphore_mem>>) src(%dma_wait3A_162 : memref<48x16xf32, #tpu.memory_space<hbm>>) dst(%arg16 : memref<48x16xf32, #tpu.memory_space<vmem>>)
      %get3A_163 = arith.constant 0 : index
      %get3A_164 = tpu.vector_load %arg10[%get3A_163] {strides = array<i32>} : memref<48xi32, #tpu.memory_space<vmem>>, vector<16xi32>,
      %get3A_165 = vector.shape_cast %get3A_164 : vector<16xi32> to vector<16xi32>
      %min3A_166 = arith.constant 9999 : i32
      %min3A_167 = vector.broadcast %min3A_166 : i32 to vector<16xi32>
      %min3A_168 = arith.minsi %get3A_165, %min3A_167 : vector<16xi32>
      %add3A_169 = vector.broadcast %mul3A_0 : i32 to vector<16xi32>
      %add3A_170 = arith.addi %min3A_168, %add3A_169 : vector<16xi32>
      %swap3A_171 = arith.constant 0 : index
      %swap3A_172 = tpu.vector_load %arg10[%swap3A_171] {strides = array<i32>} : memref<48xi32, #tpu.memory_space<vmem>>, vector<16xi32>,
      %swap3A_173 = vector.shape_cast %swap3A_172 : vector<16xi32> to vector<16xi32>
      %swap3A_174 = vector.shape_cast %add3A_170 : vector<16xi32> to vector<16xi32>
      tpu.vector_store %arg10[%swap3A_171], %swap3A_174 {strides = array<i32>} : memref<48xi32, #tpu.memory_space<vmem>>, vector<16xi32>,
      %get3A_175 = arith.constant 0 : index
      %get3A_176 = tpu.vector_load %arg12[%get3A_175] {strides = array<i32>} : memref<48xi32, #tpu.memory_space<vmem>>, vector<16xi32>,
      %get3A_177 = vector.shape_cast %get3A_176 : vector<16xi32> to vector<16xi32>
      %min3A_178 = arith.constant 9999 : i32
      %min3A_179 = vector.broadcast %min3A_178 : i32 to vector<16xi32>
      %min3A_180 = arith.minsi %get3A_177, %min3A_179 : vector<16xi32>
      %add3A_181 = vector.broadcast %mul3A_0 : i32 to vector<16xi32>
      %add3A_182 = arith.addi %min3A_180, %add3A_181 : vector<16xi32>
      %swap3A_183 = arith.constant 0 : index
      %swap3A_184 = tpu.vector_load %arg14[%swap3A_183] {strides = array<i32>} : memref<48xi32, #tpu.memory_space<vmem>>, vector<16xi32>,
      %swap3A_185 = vector.shape_cast %swap3A_184 : vector<16xi32> to vector<16xi32>
      %swap3A_186 = vector.shape_cast %add3A_182 : vector<16xi32> to vector<16xi32>
      tpu.vector_store %arg14[%swap3A_183], %swap3A_186 {strides = array<i32>} : memref<48xi32, #tpu.memory_space<vmem>>, vector<16xi32>,
      %get3A_187 = arith.constant 16 : index
      %get3A_188 = tpu.vector_load %arg10[%get3A_187] {strides = array<i32>} : memref<48xi32, #tpu.memory_space<vmem>>, vector<16xi32>,
      %get3A_189 = vector.shape_cast %get3A_188 : vector<16xi32> to vector<16xi32>
      %min3A_190 = arith.constant 9999 : i32
      %min3A_191 = vector.broadcast %min3A_190 : i32 to vector<16xi32>
      %min3A_192 = arith.minsi %get3A_189, %min3A_191 : vector<16xi32>
      %add3A_193 = vector.broadcast %mul3A_0 : i32 to vector<16xi32>
      %add3A_194 = arith.addi %min3A_192, %add3A_193 : vector<16xi32>
      %swap3A_195 = arith.constant 16 : index
      %swap3A_196 = tpu.vector_load %arg10[%swap3A_195] {strides = array<i32>} : memref<48xi32, #tpu.memory_space<vmem>>, vector<16xi32>,
      %swap3A_197 = vector.shape_cast %swap3A_196 : vector<16xi32> to vector<16xi32>
      %swap3A_198 = vector.shape_cast %add3A_194 : vector<16xi32> to vector<16xi32>
      tpu.vector_store %arg10[%swap3A_195], %swap3A_198 {strides = array<i32>} : memref<48xi32, #tpu.memory_space<vmem>>, vector<16xi32>,
      %get3A_199 = arith.constant 16 : index
      %get3A_200 = tpu.vector_load %arg12[%get3A_199] {strides = array<i32>} : memref<48xi32, #tpu.memory_space<vmem>>, vector<16xi32>,
      %get3A_201 = vector.shape_cast %get3A_200 : vector<16xi32> to vector<16xi32>
      %min3A_202 = arith.constant 9999 : i32
      %min3A_203 = vector.broadcast %min3A_202 : i32 to vector<16xi32>
      %min3A_204 = arith.minsi %get3A_201, %min3A_203 : vector<16xi32>
      %add3A_205 = vector.broadcast %mul3A_0 : i32 to vector<16xi32>
      %add3A_206 = arith.addi %min3A_204, %add3A_205 : vector<16xi32>
      %swap3A_207 = arith.constant 16 : index
      %swap3A_208 = tpu.vector_load %arg14[%swap3A_207] {strides = array<i32>} : memref<48xi32, #tpu.memory_space<vmem>>, vector<16xi32>,
      %swap3A_209 = vector.shape_cast %swap3A_208 : vector<16xi32> to vector<16xi32>
      %swap3A_210 = vector.shape_cast %add3A_206 : vector<16xi32> to vector<16xi32>
      tpu.vector_store %arg14[%swap3A_207], %swap3A_210 {strides = array<i32>} : memref<48xi32, #tpu.memory_space<vmem>>, vector<16xi32>,
      %get3A_211 = arith.constant 32 : index
      %get3A_212 = tpu.vector_load %arg10[%get3A_211] {strides = array<i32>} : memref<48xi32, #tpu.memory_space<vmem>>, vector<16xi32>,
      %get3A_213 = vector.shape_cast %get3A_212 : vector<16xi32> to vector<16xi32>
      %min3A_214 = arith.constant 9999 : i32
      %min3A_215 = vector.broadcast %min3A_214 : i32 to vector<16xi32>
      %min3A_216 = arith.minsi %get3A_213, %min3A_215 : vector<16xi32>
      %add3A_217 = vector.broadcast %mul3A_0 : i32 to vector<16xi32>
      %add3A_218 = arith.addi %min3A_216, %add3A_217 : vector<16xi32>
      %swap3A_219 = arith.constant 32 : index
      %swap3A_220 = tpu.vector_load %arg10[%swap3A_219] {strides = array<i32>} : memref<48xi32, #tpu.memory_space<vmem>>, vector<16xi32>,
      %swap3A_221 = vector.shape_cast %swap3A_220 : vector<16xi32> to vector<16xi32>
      %swap3A_222 = vector.shape_cast %add3A_218 : vector<16xi32> to vector<16xi32>
      tpu.vector_store %arg10[%swap3A_219], %swap3A_222 {strides = array<i32>} : memref<48xi32, #tpu.memory_space<vmem>>, vector<16xi32>,
      %get3A_223 = arith.constant 32 : index
      %get3A_224 = tpu.vector_load %arg12[%get3A_223] {strides = array<i32>} : memref<48xi32, #tpu.memory_space<vmem>>, vector<16xi32>,
      %get3A_225 = vector.shape_cast %get3A_224 : vector<16xi32> to vector<16xi32>
      %min3A_226 = arith.constant 9999 : i32
      %min3A_227 = vector.broadcast %min3A_226 : i32 to vector<16xi32>
      %min3A_228 = arith.minsi %get3A_225, %min3A_227 : vector<16xi32>
      %add3A_229 = vector.broadcast %mul3A_0 : i32 to vector<16xi32>
      %add3A_230 = arith.addi %min3A_228, %add3A_229 : vector<16xi32>
      %swap3A_231 = arith.constant 32 : index
      %swap3A_232 = tpu.vector_load %arg14[%swap3A_231] {strides = array<i32>} : memref<48xi32, #tpu.memory_space<vmem>>, vector<16xi32>,
      %swap3A_233 = vector.shape_cast %swap3A_232 : vector<16xi32> to vector<16xi32>
      %swap3A_234 = vector.shape_cast %add3A_230 : vector<16xi32> to vector<16xi32>
      tpu.vector_store %arg14[%swap3A_231], %swap3A_234 {strides = array<i32>} : memref<48xi32, #tpu.memory_space<vmem>>, vector<16xi32>,
      %dma_start3A_235 = arith.constant 0 : i32
      %dma_start3A_236 = arith.constant 0 : i32
      %dma_start3A_237 = tpu.memref_slice %arg2[%dma_start3A_235, %dma_start3A_236] : memref<20000x144xf32, #tpu.memory_space<hbm>> -> memref<20000x144xf32, #tpu.memory_space<hbm>>
      tpu.enqueue_indirect_dma source(%dma_start3A_237 : memref<20000x144xf32, #tpu.memory_space<hbm>>) target(%arg18 : memref<48x144xf32, #tpu.memory_space<vmem>>) offsets(%arg10 : memref<48xi32, #tpu.memory_space<vmem>>) semaphore(%arg24 : memref<!tpu.dma_semaphore, #tpu.memory_space<semaphore_mem>>)
      %dma_start3A_238 = arith.constant 0 : i32
      %dma_start3A_239 = arith.constant 0 : i32
      %dma_start3A_240 = tpu.memref_slice %arg3[%dma_start3A_238, %dma_start3A_239] : memref<20000x144xf32, #tpu.memory_space<hbm>> -> memref<20000x144xf32, #tpu.memory_space<hbm>>
      tpu.enqueue_indirect_dma source(%dma_start3A_240 : memref<20000x144xf32, #tpu.memory_space<hbm>>) target(%arg20 : memref<48x144xf32, #tpu.memory_space<vmem>>) offsets(%arg14 : memref<48xi32, #tpu.memory_space<vmem>>) semaphore(%arg26 : memref<!tpu.dma_semaphore, #tpu.memory_space<semaphore_mem>>)
      %dma_wait3A_241 = arith.constant 0 : i32
      %dma_wait3A_242 = arith.constant 0 : i32
      %dma_wait3A_243 = tpu.memref_slice %arg2[%dma_wait3A_241, %dma_wait3A_242] : memref<20000x144xf32, #tpu.memory_space<hbm>> -> memref<20000x144xf32, #tpu.memory_space<hbm>>
      tpu.wait_indirect_dma semaphore(%arg23 : memref<!tpu.dma_semaphore, #tpu.memory_space<semaphore_mem>>) src(%dma_wait3A_243 : memref<20000x144xf32, #tpu.memory_space<hbm>>) dst(%arg17 : memref<48x144xf32, #tpu.memory_space<vmem>>)
      %dma_wait3A_244 = arith.constant 0 : i32
      %dma_wait3A_245 = arith.constant 0 : i32
      %dma_wait3A_246 = tpu.memref_slice %arg3[%dma_wait3A_244, %dma_wait3A_245] : memref<20000x144xf32, #tpu.memory_space<hbm>> -> memref<20000x144xf32, #tpu.memory_space<hbm>>
      tpu.wait_indirect_dma semaphore(%arg25 : memref<!tpu.dma_semaphore, #tpu.memory_space<semaphore_mem>>) src(%dma_wait3A_246 : memref<20000x144xf32, #tpu.memory_space<hbm>>) dst(%arg19 : memref<48x144xf32, #tpu.memory_space<vmem>>)
      %parallel_loop3A = arith.constant 0 : i32
      %parallel_loop3A_247 = arith.constant 48 : i32
      %parallel_loop3A_248 = arith.constant 1 : i32
      scf.for %parallel_loop3A_258 = %parallel_loop3A to %parallel_loop3A_247 step %parallel_loop3A_248  : i32 {
        %parallel_loop3A_259 = arith.index_cast %parallel_loop3A_258 : i32 to index
        %parallel_loop3A_260 = arith.constant 0 : index
        %parallel_loop3A_261 = tpu.vector_load %arg15[%parallel_loop3A_259, %parallel_loop3A_260] {strides = array<i32>} : memref<48x16xf32, #tpu.memory_space<vmem>>, vector<1x16xf32>,
        %parallel_loop3A_262 = vector.shape_cast %parallel_loop3A_261 : vector<1x16xf32> to vector<16xf32>
        %parallel_loop3A_263 = arith.index_cast %parallel_loop3A_258 : i32 to index
        %parallel_loop3A_264 = arith.constant 0 : index
        %parallel_loop3A_265 = tpu.vector_load %arg17[%parallel_loop3A_263, %parallel_loop3A_264] {strides = array<i32>} : memref<48x144xf32, #tpu.memory_space<vmem>>, vector<1x16xf32>,
        %parallel_loop3A_266 = vector.shape_cast %parallel_loop3A_265 : vector<1x16xf32> to vector<16xf32>
        %parallel_loop3A_267 = arith.index_cast %parallel_loop3A_258 : i32 to index
        %parallel_loop3A_268 = arith.constant 0 : index
        %parallel_loop3A_269 = tpu.vector_load %arg19[%parallel_loop3A_267, %parallel_loop3A_268] {strides = array<i32>} : memref<48x144xf32, #tpu.memory_space<vmem>>, vector<1x16xf32>,
        %parallel_loop3A_270 = vector.shape_cast %parallel_loop3A_269 : vector<1x16xf32> to vector<16xf32>
        %parallel_loop3A_271 = arith.addf %parallel_loop3A_266, %parallel_loop3A_270 : vector<16xf32>
        %parallel_loop3A_272 = arith.constant 0 : index
        %parallel_loop3A_273 = tpu.vector_load %arg21[%parallel_loop3A_272] {strides = array<i32>} : memref<144xf32, #tpu.memory_space<vmem>>, vector<16xf32>,
        %parallel_loop3A_274 = vector.shape_cast %parallel_loop3A_273 : vector<16xf32> to vector<16xf32>
        %parallel_loop3A_275 = arith.mulf %parallel_loop3A_262, %parallel_loop3A_274 : vector<16xf32>
        %parallel_loop3A_276 = arith.addf %parallel_loop3A_271, %parallel_loop3A_275 : vector<16xf32>
        %parallel_loop3A_277 = arith.constant 0.000000e+00 : f32
        %parallel_loop3A_278 = vector.broadcast %parallel_loop3A_277 : f32 to vector<16xf32>
        %parallel_loop3A_279 = arith.maximumf %parallel_loop3A_276, %parallel_loop3A_278 : vector<16xf32>
        %parallel_loop3A_280 = arith.index_cast %parallel_loop3A_258 : i32 to index
        %parallel_loop3A_281 = arith.constant 0 : index
        %parallel_loop3A_282 = tpu.vector_load %arg17[%parallel_loop3A_280, %parallel_loop3A_281] {strides = array<i32>} : memref<48x144xf32, #tpu.memory_space<vmem>>, vector<1x16xf32>,
        %parallel_loop3A_283 = vector.shape_cast %parallel_loop3A_282 : vector<1x16xf32> to vector<16xf32>
        %parallel_loop3A_284 = vector.shape_cast %parallel_loop3A_279 : vector<16xf32> to vector<1x16xf32>
        tpu.vector_store %arg17[%parallel_loop3A_280, %parallel_loop3A_281], %parallel_loop3A_284 {strides = array<i32>} : memref<48x144xf32, #tpu.memory_space<vmem>>, vector<1x16xf32>,
        %parallel_loop3A_285 = arith.index_cast %parallel_loop3A_258 : i32 to index
        %parallel_loop3A_286 = arith.constant 16 : index
        %parallel_loop3A_287 = tpu.vector_load %arg17[%parallel_loop3A_285, %parallel_loop3A_286] {strides = array<i32>} : memref<48x144xf32, #tpu.memory_space<vmem>>, vector<1x16xf32>,
        %parallel_loop3A_288 = vector.shape_cast %parallel_loop3A_287 : vector<1x16xf32> to vector<16xf32>
        %parallel_loop3A_289 = arith.index_cast %parallel_loop3A_258 : i32 to index
        %parallel_loop3A_290 = arith.constant 16 : index
        %parallel_loop3A_291 = tpu.vector_load %arg19[%parallel_loop3A_289, %parallel_loop3A_290] {strides = array<i32>} : memref<48x144xf32, #tpu.memory_space<vmem>>, vector<1x16xf32>,
        %parallel_loop3A_292 = vector.shape_cast %parallel_loop3A_291 : vector<1x16xf32> to vector<16xf32>
        %parallel_loop3A_293 = arith.addf %parallel_loop3A_288, %parallel_loop3A_292 : vector<16xf32>
        %parallel_loop3A_294 = arith.constant 16 : index
        %parallel_loop3A_295 = tpu.vector_load %arg21[%parallel_loop3A_294] {strides = array<i32>} : memref<144xf32, #tpu.memory_space<vmem>>, vector<16xf32>,
        %parallel_loop3A_296 = vector.shape_cast %parallel_loop3A_295 : vector<16xf32> to vector<16xf32>
        %parallel_loop3A_297 = arith.mulf %parallel_loop3A_262, %parallel_loop3A_296 : vector<16xf32>
        %parallel_loop3A_298 = arith.addf %parallel_loop3A_293, %parallel_loop3A_297 : vector<16xf32>
        %parallel_loop3A_299 = arith.constant 0.000000e+00 : f32
        %parallel_loop3A_300 = vector.broadcast %parallel_loop3A_299 : f32 to vector<16xf32>
        %parallel_loop3A_301 = arith.maximumf %parallel_loop3A_298, %parallel_loop3A_300 : vector<16xf32>
        %parallel_loop3A_302 = arith.index_cast %parallel_loop3A_258 : i32 to index
        %parallel_loop3A_303 = arith.constant 16 : index
        %parallel_loop3A_304 = tpu.vector_load %arg17[%parallel_loop3A_302, %parallel_loop3A_303] {strides = array<i32>} : memref<48x144xf32, #tpu.memory_space<vmem>>, vector<1x16xf32>,
        %parallel_loop3A_305 = vector.shape_cast %parallel_loop3A_304 : vector<1x16xf32> to vector<16xf32>
        %parallel_loop3A_306 = vector.shape_cast %parallel_loop3A_301 : vector<16xf32> to vector<1x16xf32>
        tpu.vector_store %arg17[%parallel_loop3A_302, %parallel_loop3A_303], %parallel_loop3A_306 {strides = array<i32>} : memref<48x144xf32, #tpu.memory_space<vmem>>, vector<1x16xf32>,
        %parallel_loop3A_307 = arith.index_cast %parallel_loop3A_258 : i32 to index
        %parallel_loop3A_308 = arith.constant 32 : index
        %parallel_loop3A_309 = tpu.vector_load %arg17[%parallel_loop3A_307, %parallel_loop3A_308] {strides = array<i32>} : memref<48x144xf32, #tpu.memory_space<vmem>>, vector<1x16xf32>,
        %parallel_loop3A_310 = vector.shape_cast %parallel_loop3A_309 : vector<1x16xf32> to vector<16xf32>
        %parallel_loop3A_311 = arith.index_cast %parallel_loop3A_258 : i32 to index
        %parallel_loop3A_312 = arith.constant 32 : index
        %parallel_loop3A_313 = tpu.vector_load %arg19[%parallel_loop3A_311, %parallel_loop3A_312] {strides = array<i32>} : memref<48x144xf32, #tpu.memory_space<vmem>>, vector<1x16xf32>,
        %parallel_loop3A_314 = vector.shape_cast %parallel_loop3A_313 : vector<1x16xf32> to vector<16xf32>
        %parallel_loop3A_315 = arith.addf %parallel_loop3A_310, %parallel_loop3A_314 : vector<16xf32>
        %parallel_loop3A_316 = arith.constant 32 : index
        %parallel_loop3A_317 = tpu.vector_load %arg21[%parallel_loop3A_316] {strides = array<i32>} : memref<144xf32, #tpu.memory_space<vmem>>, vector<16xf32>,
        %parallel_loop3A_318 = vector.shape_cast %parallel_loop3A_317 : vector<16xf32> to vector<16xf32>
        %parallel_loop3A_319 = arith.mulf %parallel_loop3A_262, %parallel_loop3A_318 : vector<16xf32>
        %parallel_loop3A_320 = arith.addf %parallel_loop3A_315, %parallel_loop3A_319 : vector<16xf32>
        %parallel_loop3A_321 = arith.constant 0.000000e+00 : f32
        %parallel_loop3A_322 = vector.broadcast %parallel_loop3A_321 : f32 to vector<16xf32>
        %parallel_loop3A_323 = arith.maximumf %parallel_loop3A_320, %parallel_loop3A_322 : vector<16xf32>
        %parallel_loop3A_324 = arith.index_cast %parallel_loop3A_258 : i32 to index
        %parallel_loop3A_325 = arith.constant 32 : index
        %parallel_loop3A_326 = tpu.vector_load %arg17[%parallel_loop3A_324, %parallel_loop3A_325] {strides = array<i32>} : memref<48x144xf32, #tpu.memory_space<vmem>>, vector<1x16xf32>,
        %parallel_loop3A_327 = vector.shape_cast %parallel_loop3A_326 : vector<1x16xf32> to vector<16xf32>
        %parallel_loop3A_328 = vector.shape_cast %parallel_loop3A_323 : vector<16xf32> to vector<1x16xf32>
        tpu.vector_store %arg17[%parallel_loop3A_324, %parallel_loop3A_325], %parallel_loop3A_328 {strides = array<i32>} : memref<48x144xf32, #tpu.memory_space<vmem>>, vector<1x16xf32>,
        %parallel_loop3A_329 = arith.index_cast %parallel_loop3A_258 : i32 to index
        %parallel_loop3A_330 = arith.constant 48 : index
        %parallel_loop3A_331 = tpu.vector_load %arg17[%parallel_loop3A_329, %parallel_loop3A_330] {strides = array<i32>} : memref<48x144xf32, #tpu.memory_space<vmem>>, vector<1x16xf32>,
        %parallel_loop3A_332 = vector.shape_cast %parallel_loop3A_331 : vector<1x16xf32> to vector<16xf32>
        %parallel_loop3A_333 = arith.index_cast %parallel_loop3A_258 : i32 to index
        %parallel_loop3A_334 = arith.constant 48 : index
        %parallel_loop3A_335 = tpu.vector_load %arg19[%parallel_loop3A_333, %parallel_loop3A_334] {strides = array<i32>} : memref<48x144xf32, #tpu.memory_space<vmem>>, vector<1x16xf32>,
        %parallel_loop3A_336 = vector.shape_cast %parallel_loop3A_335 : vector<1x16xf32> to vector<16xf32>
        %parallel_loop3A_337 = arith.addf %parallel_loop3A_332, %parallel_loop3A_336 : vector<16xf32>
        %parallel_loop3A_338 = arith.constant 48 : index
        %parallel_loop3A_339 = tpu.vector_load %arg21[%parallel_loop3A_338] {strides = array<i32>} : memref<144xf32, #tpu.memory_space<vmem>>, vector<16xf32>,
        %parallel_loop3A_340 = vector.shape_cast %parallel_loop3A_339 : vector<16xf32> to vector<16xf32>
        %parallel_loop3A_341 = arith.mulf %parallel_loop3A_262, %parallel_loop3A_340 : vector<16xf32>
        %parallel_loop3A_342 = arith.addf %parallel_loop3A_337, %parallel_loop3A_341 : vector<16xf32>
        %parallel_loop3A_343 = arith.constant 0.000000e+00 : f32
        %parallel_loop3A_344 = vector.broadcast %parallel_loop3A_343 : f32 to vector<16xf32>
        %parallel_loop3A_345 = arith.maximumf %parallel_loop3A_342, %parallel_loop3A_344 : vector<16xf32>
        %parallel_loop3A_346 = arith.index_cast %parallel_loop3A_258 : i32 to index
        %parallel_loop3A_347 = arith.constant 48 : index
        %parallel_loop3A_348 = tpu.vector_load %arg17[%parallel_loop3A_346, %parallel_loop3A_347] {strides = array<i32>} : memref<48x144xf32, #tpu.memory_space<vmem>>, vector<1x16xf32>,
        %parallel_loop3A_349 = vector.shape_cast %parallel_loop3A_348 : vector<1x16xf32> to vector<16xf32>
        %parallel_loop3A_350 = vector.shape_cast %parallel_loop3A_345 : vector<16xf32> to vector<1x16xf32>
        tpu.vector_store %arg17[%parallel_loop3A_346, %parallel_loop3A_347], %parallel_loop3A_350 {strides = array<i32>} : memref<48x144xf32, #tpu.memory_space<vmem>>, vector<1x16xf32>,
        %parallel_loop3A_351 = arith.index_cast %parallel_loop3A_258 : i32 to index
        %parallel_loop3A_352 = arith.constant 64 : index
        %parallel_loop3A_353 = tpu.vector_load %arg17[%parallel_loop3A_351, %parallel_loop3A_352] {strides = array<i32>} : memref<48x144xf32, #tpu.memory_space<vmem>>, vector<1x16xf32>,
        %parallel_loop3A_354 = vector.shape_cast %parallel_loop3A_353 : vector<1x16xf32> to vector<16xf32>
        %parallel_loop3A_355 = arith.index_cast %parallel_loop3A_258 : i32 to index
        %parallel_loop3A_356 = arith.constant 64 : index
        %parallel_loop3A_357 = tpu.vector_load %arg19[%parallel_loop3A_355, %parallel_loop3A_356] {strides = array<i32>} : memref<48x144xf32, #tpu.memory_space<vmem>>, vector<1x16xf32>,
        %parallel_loop3A_358 = vector.shape_cast %parallel_loop3A_357 : vector<1x16xf32> to vector<16xf32>
        %parallel_loop3A_359 = arith.addf %parallel_loop3A_354, %parallel_loop3A_358 : vector<16xf32>
        %parallel_loop3A_360 = arith.constant 64 : index
        %parallel_loop3A_361 = tpu.vector_load %arg21[%parallel_loop3A_360] {strides = array<i32>} : memref<144xf32, #tpu.memory_space<vmem>>, vector<16xf32>,
        %parallel_loop3A_362 = vector.shape_cast %parallel_loop3A_361 : vector<16xf32> to vector<16xf32>
        %parallel_loop3A_363 = arith.mulf %parallel_loop3A_262, %parallel_loop3A_362 : vector<16xf32>
        %parallel_loop3A_364 = arith.addf %parallel_loop3A_359, %parallel_loop3A_363 : vector<16xf32>
        %parallel_loop3A_365 = arith.constant 0.000000e+00 : f32
        %parallel_loop3A_366 = vector.broadcast %parallel_loop3A_365 : f32 to vector<16xf32>
        %parallel_loop3A_367 = arith.maximumf %parallel_loop3A_364, %parallel_loop3A_366 : vector<16xf32>
        %parallel_loop3A_368 = arith.index_cast %parallel_loop3A_258 : i32 to index
        %parallel_loop3A_369 = arith.constant 64 : index
        %parallel_loop3A_370 = tpu.vector_load %arg17[%parallel_loop3A_368, %parallel_loop3A_369] {strides = array<i32>} : memref<48x144xf32, #tpu.memory_space<vmem>>, vector<1x16xf32>,
        %parallel_loop3A_371 = vector.shape_cast %parallel_loop3A_370 : vector<1x16xf32> to vector<16xf32>
        %parallel_loop3A_372 = vector.shape_cast %parallel_loop3A_367 : vector<16xf32> to vector<1x16xf32>
        tpu.vector_store %arg17[%parallel_loop3A_368, %parallel_loop3A_369], %parallel_loop3A_372 {strides = array<i32>} : memref<48x144xf32, #tpu.memory_space<vmem>>, vector<1x16xf32>,
        %parallel_loop3A_373 = arith.index_cast %parallel_loop3A_258 : i32 to index
        %parallel_loop3A_374 = arith.constant 80 : index
        %parallel_loop3A_375 = tpu.vector_load %arg17[%parallel_loop3A_373, %parallel_loop3A_374] {strides = array<i32>} : memref<48x144xf32, #tpu.memory_space<vmem>>, vector<1x16xf32>,
        %parallel_loop3A_376 = vector.shape_cast %parallel_loop3A_375 : vector<1x16xf32> to vector<16xf32>
        %parallel_loop3A_377 = arith.index_cast %parallel_loop3A_258 : i32 to index
        %parallel_loop3A_378 = arith.constant 80 : index
        %parallel_loop3A_379 = tpu.vector_load %arg19[%parallel_loop3A_377, %parallel_loop3A_378] {strides = array<i32>} : memref<48x144xf32, #tpu.memory_space<vmem>>, vector<1x16xf32>,
        %parallel_loop3A_380 = vector.shape_cast %parallel_loop3A_379 : vector<1x16xf32> to vector<16xf32>
        %parallel_loop3A_381 = arith.addf %parallel_loop3A_376, %parallel_loop3A_380 : vector<16xf32>
        %parallel_loop3A_382 = arith.constant 80 : index
        %parallel_loop3A_383 = tpu.vector_load %arg21[%parallel_loop3A_382] {strides = array<i32>} : memref<144xf32, #tpu.memory_space<vmem>>, vector<16xf32>,
        %parallel_loop3A_384 = vector.shape_cast %parallel_loop3A_383 : vector<16xf32> to vector<16xf32>
        %parallel_loop3A_385 = arith.mulf %parallel_loop3A_262, %parallel_loop3A_384 : vector<16xf32>
        %parallel_loop3A_386 = arith.addf %parallel_loop3A_381, %parallel_loop3A_385 : vector<16xf32>
        %parallel_loop3A_387 = arith.constant 0.000000e+00 : f32
        %parallel_loop3A_388 = vector.broadcast %parallel_loop3A_387 : f32 to vector<16xf32>
        %parallel_loop3A_389 = arith.maximumf %parallel_loop3A_386, %parallel_loop3A_388 : vector<16xf32>
        %parallel_loop3A_390 = arith.index_cast %parallel_loop3A_258 : i32 to index
        %parallel_loop3A_391 = arith.constant 80 : index
        %parallel_loop3A_392 = tpu.vector_load %arg17[%parallel_loop3A_390, %parallel_loop3A_391] {strides = array<i32>} : memref<48x144xf32, #tpu.memory_space<vmem>>, vector<1x16xf32>,
        %parallel_loop3A_393 = vector.shape_cast %parallel_loop3A_392 : vector<1x16xf32> to vector<16xf32>
        %parallel_loop3A_394 = vector.shape_cast %parallel_loop3A_389 : vector<16xf32> to vector<1x16xf32>
        tpu.vector_store %arg17[%parallel_loop3A_390, %parallel_loop3A_391], %parallel_loop3A_394 {strides = array<i32>} : memref<48x144xf32, #tpu.memory_space<vmem>>, vector<1x16xf32>,
        %parallel_loop3A_395 = arith.index_cast %parallel_loop3A_258 : i32 to index
        %parallel_loop3A_396 = arith.constant 96 : index
        %parallel_loop3A_397 = tpu.vector_load %arg17[%parallel_loop3A_395, %parallel_loop3A_396] {strides = array<i32>} : memref<48x144xf32, #tpu.memory_space<vmem>>, vector<1x16xf32>,
        %parallel_loop3A_398 = vector.shape_cast %parallel_loop3A_397 : vector<1x16xf32> to vector<16xf32>
        %parallel_loop3A_399 = arith.index_cast %parallel_loop3A_258 : i32 to index
        %parallel_loop3A_400 = arith.constant 96 : index
        %parallel_loop3A_401 = tpu.vector_load %arg19[%parallel_loop3A_399, %parallel_loop3A_400] {strides = array<i32>} : memref<48x144xf32, #tpu.memory_space<vmem>>, vector<1x16xf32>,
        %parallel_loop3A_402 = vector.shape_cast %parallel_loop3A_401 : vector<1x16xf32> to vector<16xf32>
        %parallel_loop3A_403 = arith.addf %parallel_loop3A_398, %parallel_loop3A_402 : vector<16xf32>
        %parallel_loop3A_404 = arith.constant 96 : index
        %parallel_loop3A_405 = tpu.vector_load %arg21[%parallel_loop3A_404] {strides = array<i32>} : memref<144xf32, #tpu.memory_space<vmem>>, vector<16xf32>,
        %parallel_loop3A_406 = vector.shape_cast %parallel_loop3A_405 : vector<16xf32> to vector<16xf32>
        %parallel_loop3A_407 = arith.mulf %parallel_loop3A_262, %parallel_loop3A_406 : vector<16xf32>
        %parallel_loop3A_408 = arith.addf %parallel_loop3A_403, %parallel_loop3A_407 : vector<16xf32>
        %parallel_loop3A_409 = arith.constant 0.000000e+00 : f32
        %parallel_loop3A_410 = vector.broadcast %parallel_loop3A_409 : f32 to vector<16xf32>
        %parallel_loop3A_411 = arith.maximumf %parallel_loop3A_408, %parallel_loop3A_410 : vector<16xf32>
        %parallel_loop3A_412 = arith.index_cast %parallel_loop3A_258 : i32 to index
        %parallel_loop3A_413 = arith.constant 96 : index
        %parallel_loop3A_414 = tpu.vector_load %arg17[%parallel_loop3A_412, %parallel_loop3A_413] {strides = array<i32>} : memref<48x144xf32, #tpu.memory_space<vmem>>, vector<1x16xf32>,
        %parallel_loop3A_415 = vector.shape_cast %parallel_loop3A_414 : vector<1x16xf32> to vector<16xf32>
        %parallel_loop3A_416 = vector.shape_cast %parallel_loop3A_411 : vector<16xf32> to vector<1x16xf32>
        tpu.vector_store %arg17[%parallel_loop3A_412, %parallel_loop3A_413], %parallel_loop3A_416 {strides = array<i32>} : memref<48x144xf32, #tpu.memory_space<vmem>>, vector<1x16xf32>,
        %parallel_loop3A_417 = arith.index_cast %parallel_loop3A_258 : i32 to index
        %parallel_loop3A_418 = arith.constant 112 : index
        %parallel_loop3A_419 = tpu.vector_load %arg17[%parallel_loop3A_417, %parallel_loop3A_418] {strides = array<i32>} : memref<48x144xf32, #tpu.memory_space<vmem>>, vector<1x16xf32>,
        %parallel_loop3A_420 = vector.shape_cast %parallel_loop3A_419 : vector<1x16xf32> to vector<16xf32>
        %parallel_loop3A_421 = arith.index_cast %parallel_loop3A_258 : i32 to index
        %parallel_loop3A_422 = arith.constant 112 : index
        %parallel_loop3A_423 = tpu.vector_load %arg19[%parallel_loop3A_421, %parallel_loop3A_422] {strides = array<i32>} : memref<48x144xf32, #tpu.memory_space<vmem>>, vector<1x16xf32>,
        %parallel_loop3A_424 = vector.shape_cast %parallel_loop3A_423 : vector<1x16xf32> to vector<16xf32>
        %parallel_loop3A_425 = arith.addf %parallel_loop3A_420, %parallel_loop3A_424 : vector<16xf32>
        %parallel_loop3A_426 = arith.constant 112 : index
        %parallel_loop3A_427 = tpu.vector_load %arg21[%parallel_loop3A_426] {strides = array<i32>} : memref<144xf32, #tpu.memory_space<vmem>>, vector<16xf32>,
        %parallel_loop3A_428 = vector.shape_cast %parallel_loop3A_427 : vector<16xf32> to vector<16xf32>
        %parallel_loop3A_429 = arith.mulf %parallel_loop3A_262, %parallel_loop3A_428 : vector<16xf32>
        %parallel_loop3A_430 = arith.addf %parallel_loop3A_425, %parallel_loop3A_429 : vector<16xf32>
        %parallel_loop3A_431 = arith.constant 0.000000e+00 : f32
        %parallel_loop3A_432 = vector.broadcast %parallel_loop3A_431 : f32 to vector<16xf32>
        %parallel_loop3A_433 = arith.maximumf %parallel_loop3A_430, %parallel_loop3A_432 : vector<16xf32>
        %parallel_loop3A_434 = arith.index_cast %parallel_loop3A_258 : i32 to index
        %parallel_loop3A_435 = arith.constant 112 : index
        %parallel_loop3A_436 = tpu.vector_load %arg17[%parallel_loop3A_434, %parallel_loop3A_435] {strides = array<i32>} : memref<48x144xf32, #tpu.memory_space<vmem>>, vector<1x16xf32>,
        %parallel_loop3A_437 = vector.shape_cast %parallel_loop3A_436 : vector<1x16xf32> to vector<16xf32>
        %parallel_loop3A_438 = vector.shape_cast %parallel_loop3A_433 : vector<16xf32> to vector<1x16xf32>
        tpu.vector_store %arg17[%parallel_loop3A_434, %parallel_loop3A_435], %parallel_loop3A_438 {strides = array<i32>} : memref<48x144xf32, #tpu.memory_space<vmem>>, vector<1x16xf32>,
        %parallel_loop3A_439 = arith.index_cast %parallel_loop3A_258 : i32 to index
        %parallel_loop3A_440 = arith.constant 128 : index
        %parallel_loop3A_441 = tpu.vector_load %arg17[%parallel_loop3A_439, %parallel_loop3A_440] {strides = array<i32>} : memref<48x144xf32, #tpu.memory_space<vmem>>, vector<1x16xf32>,
        %parallel_loop3A_442 = vector.shape_cast %parallel_loop3A_441 : vector<1x16xf32> to vector<16xf32>
        %parallel_loop3A_443 = arith.index_cast %parallel_loop3A_258 : i32 to index
        %parallel_loop3A_444 = arith.constant 128 : index
        %parallel_loop3A_445 = tpu.vector_load %arg19[%parallel_loop3A_443, %parallel_loop3A_444] {strides = array<i32>} : memref<48x144xf32, #tpu.memory_space<vmem>>, vector<1x16xf32>,
        %parallel_loop3A_446 = vector.shape_cast %parallel_loop3A_445 : vector<1x16xf32> to vector<16xf32>
        %parallel_loop3A_447 = arith.addf %parallel_loop3A_442, %parallel_loop3A_446 : vector<16xf32>
        %parallel_loop3A_448 = arith.constant 128 : index
        %parallel_loop3A_449 = tpu.vector_load %arg21[%parallel_loop3A_448] {strides = array<i32>} : memref<144xf32, #tpu.memory_space<vmem>>, vector<16xf32>,
        %parallel_loop3A_450 = vector.shape_cast %parallel_loop3A_449 : vector<16xf32> to vector<16xf32>
        %parallel_loop3A_451 = arith.mulf %parallel_loop3A_262, %parallel_loop3A_450 : vector<16xf32>
        %parallel_loop3A_452 = arith.addf %parallel_loop3A_447, %parallel_loop3A_451 : vector<16xf32>
        %parallel_loop3A_453 = arith.constant 0.000000e+00 : f32
        %parallel_loop3A_454 = vector.broadcast %parallel_loop3A_453 : f32 to vector<16xf32>
        %parallel_loop3A_455 = arith.maximumf %parallel_loop3A_452, %parallel_loop3A_454 : vector<16xf32>
        %parallel_loop3A_456 = arith.index_cast %parallel_loop3A_258 : i32 to index
        %parallel_loop3A_457 = arith.constant 128 : index
        %parallel_loop3A_458 = tpu.vector_load %arg17[%parallel_loop3A_456, %parallel_loop3A_457] {strides = array<i32>} : memref<48x144xf32, #tpu.memory_space<vmem>>, vector<1x16xf32>,
        %parallel_loop3A_459 = vector.shape_cast %parallel_loop3A_458 : vector<1x16xf32> to vector<16xf32>
        %parallel_loop3A_460 = vector.shape_cast %parallel_loop3A_455 : vector<16xf32> to vector<1x16xf32>
        tpu.vector_store %arg17[%parallel_loop3A_456, %parallel_loop3A_457], %parallel_loop3A_460 {strides = array<i32>} : memref<48x144xf32, #tpu.memory_space<vmem>>, vector<1x16xf32>,
      } {sc.loop_unroll_factor = 4 : i64, sc.parallel_access}
      "tpu.region"() ({
        %run_scoped3A = tpu.sem_alloc : memref<!tpu.dma_semaphore, #tpu.memory_space<semaphore_mem>>
        %dma_start3A_258 = arith.constant 0 : i32
        %dma_start3A_259 = arith.constant 0 : i32
        %dma_start3A_260 = tpu.memref_slice %arg22[%dma_start3A_258, %dma_start3A_259] : memref<10240x144xf32, #tpu.memory_space<vmem_shared>> -> memref<10240x144xf32, #tpu.memory_space<vmem_shared>>
        tpu.enqueue_indirect_dma source(%arg17 : memref<48x144xf32, #tpu.memory_space<vmem>>) target(%dma_start3A_260 : memref<10240x144xf32, #tpu.memory_space<vmem_shared>>) offsets(%arg11 : memref<48xi32, #tpu.memory_space<vmem>>) semaphore(%run_scoped3A : memref<!tpu.dma_semaphore, #tpu.memory_space<semaphore_mem>>) {add = true}
        %dma_wait3A_261 = arith.constant 0 : i32
        %dma_wait3A_262 = arith.constant 0 : i32
        %dma_wait3A_263 = tpu.memref_slice %arg22[%dma_wait3A_261, %dma_wait3A_262] : memref<10240x144xf32, #tpu.memory_space<vmem_shared>> -> memref<10240x144xf32, #tpu.memory_space<vmem_shared>>
        tpu.wait_indirect_dma semaphore(%run_scoped3A : memref<!tpu.dma_semaphore, #tpu.memory_space<semaphore_mem>>) src(%arg17 : memref<48x144xf32, #tpu.memory_space<vmem>>) dst(%dma_wait3A_263 : memref<10240x144xf32, #tpu.memory_space<vmem_shared>>)
        tpu.yield
      }) : () -> ()
      %dma_wait3A_249 = arith.constant 0 : i32
      %dma_wait3A_250 = arith.constant 0 : i32
      %dma_wait3A_251 = tpu.memref_slice %arg2[%dma_wait3A_249, %dma_wait3A_250] : memref<20000x144xf32, #tpu.memory_space<hbm>> -> memref<20000x144xf32, #tpu.memory_space<hbm>>
      tpu.wait_indirect_dma semaphore(%arg24 : memref<!tpu.dma_semaphore, #tpu.memory_space<semaphore_mem>>) src(%dma_wait3A_251 : memref<20000x144xf32, #tpu.memory_space<hbm>>) dst(%arg18 : memref<48x144xf32, #tpu.memory_space<vmem>>)
      %dma_wait3A_252 = arith.constant 0 : i32
      %dma_wait3A_253 = arith.constant 0 : i32
      %dma_wait3A_254 = tpu.memref_slice %arg3[%dma_wait3A_252, %dma_wait3A_253] : memref<20000x144xf32, #tpu.memory_space<hbm>> -> memref<20000x144xf32, #tpu.memory_space<hbm>>
      tpu.wait_indirect_dma semaphore(%arg26 : memref<!tpu.dma_semaphore, #tpu.memory_space<semaphore_mem>>) src(%dma_wait3A_254 : memref<20000x144xf32, #tpu.memory_space<hbm>>) dst(%arg20 : memref<48x144xf32, #tpu.memory_space<vmem>>)
      %parallel_loop3A_255 = arith.constant 0 : i32
      %parallel_loop3A_256 = arith.constant 48 : i32
      %parallel_loop3A_257 = arith.constant 1 : i32
      scf.for %parallel_loop3A_258 = %parallel_loop3A_255 to %parallel_loop3A_256 step %parallel_loop3A_257  : i32 {
        %parallel_loop3A_259 = arith.index_cast %parallel_loop3A_258 : i32 to index
        %parallel_loop3A_260 = arith.constant 0 : index
        %parallel_loop3A_261 = tpu.vector_load %arg16[%parallel_loop3A_259, %parallel_loop3A_260] {strides = array<i32>} : memref<48x16xf32, #tpu.memory_space<vmem>>, vector<1x16xf32>,
        %parallel_loop3A_262 = vector.shape_cast %parallel_loop3A_261 : vector<1x16xf32> to vector<16xf32>
        %parallel_loop3A_263 = arith.index_cast %parallel_loop3A_258 : i32 to index
        %parallel_loop3A_264 = arith.constant 0 : index
        %parallel_loop3A_265 = tpu.vector_load %arg18[%parallel_loop3A_263, %parallel_loop3A_264] {strides = array<i32>} : memref<48x144xf32, #tpu.memory_space<vmem>>, vector<1x16xf32>,
        %parallel_loop3A_266 = vector.shape_cast %parallel_loop3A_265 : vector<1x16xf32> to vector<16xf32>
        %parallel_loop3A_267 = arith.index_cast %parallel_loop3A_258 : i32 to index
        %parallel_loop3A_268 = arith.constant 0 : index
        %parallel_loop3A_269 = tpu.vector_load %arg20[%parallel_loop3A_267, %parallel_loop3A_268] {strides = array<i32>} : memref<48x144xf32, #tpu.memory_space<vmem>>, vector<1x16xf32>,
        %parallel_loop3A_270 = vector.shape_cast %parallel_loop3A_269 : vector<1x16xf32> to vector<16xf32>
        %parallel_loop3A_271 = arith.addf %parallel_loop3A_266, %parallel_loop3A_270 : vector<16xf32>
        %parallel_loop3A_272 = arith.constant 0 : index
        %parallel_loop3A_273 = tpu.vector_load %arg21[%parallel_loop3A_272] {strides = array<i32>} : memref<144xf32, #tpu.memory_space<vmem>>, vector<16xf32>,
        %parallel_loop3A_274 = vector.shape_cast %parallel_loop3A_273 : vector<16xf32> to vector<16xf32>
        %parallel_loop3A_275 = arith.mulf %parallel_loop3A_262, %parallel_loop3A_274 : vector<16xf32>
        %parallel_loop3A_276 = arith.addf %parallel_loop3A_271, %parallel_loop3A_275 : vector<16xf32>
        %parallel_loop3A_277 = arith.constant 0.000000e+00 : f32
        %parallel_loop3A_278 = vector.broadcast %parallel_loop3A_277 : f32 to vector<16xf32>
        %parallel_loop3A_279 = arith.maximumf %parallel_loop3A_276, %parallel_loop3A_278 : vector<16xf32>
        %parallel_loop3A_280 = arith.index_cast %parallel_loop3A_258 : i32 to index
        %parallel_loop3A_281 = arith.constant 0 : index
        %parallel_loop3A_282 = tpu.vector_load %arg18[%parallel_loop3A_280, %parallel_loop3A_281] {strides = array<i32>} : memref<48x144xf32, #tpu.memory_space<vmem>>, vector<1x16xf32>,
        %parallel_loop3A_283 = vector.shape_cast %parallel_loop3A_282 : vector<1x16xf32> to vector<16xf32>
        %parallel_loop3A_284 = vector.shape_cast %parallel_loop3A_279 : vector<16xf32> to vector<1x16xf32>
        tpu.vector_store %arg18[%parallel_loop3A_280, %parallel_loop3A_281], %parallel_loop3A_284 {strides = array<i32>} : memref<48x144xf32, #tpu.memory_space<vmem>>, vector<1x16xf32>,
        %parallel_loop3A_285 = arith.index_cast %parallel_loop3A_258 : i32 to index
        %parallel_loop3A_286 = arith.constant 16 : index
        %parallel_loop3A_287 = tpu.vector_load %arg18[%parallel_loop3A_285, %parallel_loop3A_286] {strides = array<i32>} : memref<48x144xf32, #tpu.memory_space<vmem>>, vector<1x16xf32>,
        %parallel_loop3A_288 = vector.shape_cast %parallel_loop3A_287 : vector<1x16xf32> to vector<16xf32>
        %parallel_loop3A_289 = arith.index_cast %parallel_loop3A_258 : i32 to index
        %parallel_loop3A_290 = arith.constant 16 : index
        %parallel_loop3A_291 = tpu.vector_load %arg20[%parallel_loop3A_289, %parallel_loop3A_290] {strides = array<i32>} : memref<48x144xf32, #tpu.memory_space<vmem>>, vector<1x16xf32>,
        %parallel_loop3A_292 = vector.shape_cast %parallel_loop3A_291 : vector<1x16xf32> to vector<16xf32>
        %parallel_loop3A_293 = arith.addf %parallel_loop3A_288, %parallel_loop3A_292 : vector<16xf32>
        %parallel_loop3A_294 = arith.constant 16 : index
        %parallel_loop3A_295 = tpu.vector_load %arg21[%parallel_loop3A_294] {strides = array<i32>} : memref<144xf32, #tpu.memory_space<vmem>>, vector<16xf32>,
        %parallel_loop3A_296 = vector.shape_cast %parallel_loop3A_295 : vector<16xf32> to vector<16xf32>
        %parallel_loop3A_297 = arith.mulf %parallel_loop3A_262, %parallel_loop3A_296 : vector<16xf32>
        %parallel_loop3A_298 = arith.addf %parallel_loop3A_293, %parallel_loop3A_297 : vector<16xf32>
        %parallel_loop3A_299 = arith.constant 0.000000e+00 : f32
        %parallel_loop3A_300 = vector.broadcast %parallel_loop3A_299 : f32 to vector<16xf32>
        %parallel_loop3A_301 = arith.maximumf %parallel_loop3A_298, %parallel_loop3A_300 : vector<16xf32>
        %parallel_loop3A_302 = arith.index_cast %parallel_loop3A_258 : i32 to index
        %parallel_loop3A_303 = arith.constant 16 : index
        %parallel_loop3A_304 = tpu.vector_load %arg18[%parallel_loop3A_302, %parallel_loop3A_303] {strides = array<i32>} : memref<48x144xf32, #tpu.memory_space<vmem>>, vector<1x16xf32>,
        %parallel_loop3A_305 = vector.shape_cast %parallel_loop3A_304 : vector<1x16xf32> to vector<16xf32>
        %parallel_loop3A_306 = vector.shape_cast %parallel_loop3A_301 : vector<16xf32> to vector<1x16xf32>
        tpu.vector_store %arg18[%parallel_loop3A_302, %parallel_loop3A_303], %parallel_loop3A_306 {strides = array<i32>} : memref<48x144xf32, #tpu.memory_space<vmem>>, vector<1x16xf32>,
        %parallel_loop3A_307 = arith.index_cast %parallel_loop3A_258 : i32 to index
        %parallel_loop3A_308 = arith.constant 32 : index
        %parallel_loop3A_309 = tpu.vector_load %arg18[%parallel_loop3A_307, %parallel_loop3A_308] {strides = array<i32>} : memref<48x144xf32, #tpu.memory_space<vmem>>, vector<1x16xf32>,
        %parallel_loop3A_310 = vector.shape_cast %parallel_loop3A_309 : vector<1x16xf32> to vector<16xf32>
        %parallel_loop3A_311 = arith.index_cast %parallel_loop3A_258 : i32 to index
        %parallel_loop3A_312 = arith.constant 32 : index
        %parallel_loop3A_313 = tpu.vector_load %arg20[%parallel_loop3A_311, %parallel_loop3A_312] {strides = array<i32>} : memref<48x144xf32, #tpu.memory_space<vmem>>, vector<1x16xf32>,
        %parallel_loop3A_314 = vector.shape_cast %parallel_loop3A_313 : vector<1x16xf32> to vector<16xf32>
        %parallel_loop3A_315 = arith.addf %parallel_loop3A_310, %parallel_loop3A_314 : vector<16xf32>
        %parallel_loop3A_316 = arith.constant 32 : index
        %parallel_loop3A_317 = tpu.vector_load %arg21[%parallel_loop3A_316] {strides = array<i32>} : memref<144xf32, #tpu.memory_space<vmem>>, vector<16xf32>,
        %parallel_loop3A_318 = vector.shape_cast %parallel_loop3A_317 : vector<16xf32> to vector<16xf32>
        %parallel_loop3A_319 = arith.mulf %parallel_loop3A_262, %parallel_loop3A_318 : vector<16xf32>
        %parallel_loop3A_320 = arith.addf %parallel_loop3A_315, %parallel_loop3A_319 : vector<16xf32>
        %parallel_loop3A_321 = arith.constant 0.000000e+00 : f32
        %parallel_loop3A_322 = vector.broadcast %parallel_loop3A_321 : f32 to vector<16xf32>
        %parallel_loop3A_323 = arith.maximumf %parallel_loop3A_320, %parallel_loop3A_322 : vector<16xf32>
        %parallel_loop3A_324 = arith.index_cast %parallel_loop3A_258 : i32 to index
        %parallel_loop3A_325 = arith.constant 32 : index
        %parallel_loop3A_326 = tpu.vector_load %arg18[%parallel_loop3A_324, %parallel_loop3A_325] {strides = array<i32>} : memref<48x144xf32, #tpu.memory_space<vmem>>, vector<1x16xf32>,
        %parallel_loop3A_327 = vector.shape_cast %parallel_loop3A_326 : vector<1x16xf32> to vector<16xf32>
        %parallel_loop3A_328 = vector.shape_cast %parallel_loop3A_323 : vector<16xf32> to vector<1x16xf32>
        tpu.vector_store %arg18[%parallel_loop3A_324, %parallel_loop3A_325], %parallel_loop3A_328 {strides = array<i32>} : memref<48x144xf32, #tpu.memory_space<vmem>>, vector<1x16xf32>,
        %parallel_loop3A_329 = arith.index_cast %parallel_loop3A_258 : i32 to index
        %parallel_loop3A_330 = arith.constant 48 : index
        %parallel_loop3A_331 = tpu.vector_load %arg18[%parallel_loop3A_329, %parallel_loop3A_330] {strides = array<i32>} : memref<48x144xf32, #tpu.memory_space<vmem>>, vector<1x16xf32>,
        %parallel_loop3A_332 = vector.shape_cast %parallel_loop3A_331 : vector<1x16xf32> to vector<16xf32>
        %parallel_loop3A_333 = arith.index_cast %parallel_loop3A_258 : i32 to index
        %parallel_loop3A_334 = arith.constant 48 : index
        %parallel_loop3A_335 = tpu.vector_load %arg20[%parallel_loop3A_333, %parallel_loop3A_334] {strides = array<i32>} : memref<48x144xf32, #tpu.memory_space<vmem>>, vector<1x16xf32>,
        %parallel_loop3A_336 = vector.shape_cast %parallel_loop3A_335 : vector<1x16xf32> to vector<16xf32>
        %parallel_loop3A_337 = arith.addf %parallel_loop3A_332, %parallel_loop3A_336 : vector<16xf32>
        %parallel_loop3A_338 = arith.constant 48 : index
        %parallel_loop3A_339 = tpu.vector_load %arg21[%parallel_loop3A_338] {strides = array<i32>} : memref<144xf32, #tpu.memory_space<vmem>>, vector<16xf32>,
        %parallel_loop3A_340 = vector.shape_cast %parallel_loop3A_339 : vector<16xf32> to vector<16xf32>
        %parallel_loop3A_341 = arith.mulf %parallel_loop3A_262, %parallel_loop3A_340 : vector<16xf32>
        %parallel_loop3A_342 = arith.addf %parallel_loop3A_337, %parallel_loop3A_341 : vector<16xf32>
        %parallel_loop3A_343 = arith.constant 0.000000e+00 : f32
        %parallel_loop3A_344 = vector.broadcast %parallel_loop3A_343 : f32 to vector<16xf32>
        %parallel_loop3A_345 = arith.maximumf %parallel_loop3A_342, %parallel_loop3A_344 : vector<16xf32>
        %parallel_loop3A_346 = arith.index_cast %parallel_loop3A_258 : i32 to index
        %parallel_loop3A_347 = arith.constant 48 : index
        %parallel_loop3A_348 = tpu.vector_load %arg18[%parallel_loop3A_346, %parallel_loop3A_347] {strides = array<i32>} : memref<48x144xf32, #tpu.memory_space<vmem>>, vector<1x16xf32>,
        %parallel_loop3A_349 = vector.shape_cast %parallel_loop3A_348 : vector<1x16xf32> to vector<16xf32>
        %parallel_loop3A_350 = vector.shape_cast %parallel_loop3A_345 : vector<16xf32> to vector<1x16xf32>
        tpu.vector_store %arg18[%parallel_loop3A_346, %parallel_loop3A_347], %parallel_loop3A_350 {strides = array<i32>} : memref<48x144xf32, #tpu.memory_space<vmem>>, vector<1x16xf32>,
        %parallel_loop3A_351 = arith.index_cast %parallel_loop3A_258 : i32 to index
        %parallel_loop3A_352 = arith.constant 64 : index
        %parallel_loop3A_353 = tpu.vector_load %arg18[%parallel_loop3A_351, %parallel_loop3A_352] {strides = array<i32>} : memref<48x144xf32, #tpu.memory_space<vmem>>, vector<1x16xf32>,
        %parallel_loop3A_354 = vector.shape_cast %parallel_loop3A_353 : vector<1x16xf32> to vector<16xf32>
        %parallel_loop3A_355 = arith.index_cast %parallel_loop3A_258 : i32 to index
        %parallel_loop3A_356 = arith.constant 64 : index
        %parallel_loop3A_357 = tpu.vector_load %arg20[%parallel_loop3A_355, %parallel_loop3A_356] {strides = array<i32>} : memref<48x144xf32, #tpu.memory_space<vmem>>, vector<1x16xf32>,
        %parallel_loop3A_358 = vector.shape_cast %parallel_loop3A_357 : vector<1x16xf32> to vector<16xf32>
        %parallel_loop3A_359 = arith.addf %parallel_loop3A_354, %parallel_loop3A_358 : vector<16xf32>
        %parallel_loop3A_360 = arith.constant 64 : index
        %parallel_loop3A_361 = tpu.vector_load %arg21[%parallel_loop3A_360] {strides = array<i32>} : memref<144xf32, #tpu.memory_space<vmem>>, vector<16xf32>,
        %parallel_loop3A_362 = vector.shape_cast %parallel_loop3A_361 : vector<16xf32> to vector<16xf32>
        %parallel_loop3A_363 = arith.mulf %parallel_loop3A_262, %parallel_loop3A_362 : vector<16xf32>
        %parallel_loop3A_364 = arith.addf %parallel_loop3A_359, %parallel_loop3A_363 : vector<16xf32>
        %parallel_loop3A_365 = arith.constant 0.000000e+00 : f32
        %parallel_loop3A_366 = vector.broadcast %parallel_loop3A_365 : f32 to vector<16xf32>
        %parallel_loop3A_367 = arith.maximumf %parallel_loop3A_364, %parallel_loop3A_366 : vector<16xf32>
        %parallel_loop3A_368 = arith.index_cast %parallel_loop3A_258 : i32 to index
        %parallel_loop3A_369 = arith.constant 64 : index
        %parallel_loop3A_370 = tpu.vector_load %arg18[%parallel_loop3A_368, %parallel_loop3A_369] {strides = array<i32>} : memref<48x144xf32, #tpu.memory_space<vmem>>, vector<1x16xf32>,
        %parallel_loop3A_371 = vector.shape_cast %parallel_loop3A_370 : vector<1x16xf32> to vector<16xf32>
        %parallel_loop3A_372 = vector.shape_cast %parallel_loop3A_367 : vector<16xf32> to vector<1x16xf32>
        tpu.vector_store %arg18[%parallel_loop3A_368, %parallel_loop3A_369], %parallel_loop3A_372 {strides = array<i32>} : memref<48x144xf32, #tpu.memory_space<vmem>>, vector<1x16xf32>,
        %parallel_loop3A_373 = arith.index_cast %parallel_loop3A_258 : i32 to index
        %parallel_loop3A_374 = arith.constant 80 : index
        %parallel_loop3A_375 = tpu.vector_load %arg18[%parallel_loop3A_373, %parallel_loop3A_374] {strides = array<i32>} : memref<48x144xf32, #tpu.memory_space<vmem>>, vector<1x16xf32>,
        %parallel_loop3A_376 = vector.shape_cast %parallel_loop3A_375 : vector<1x16xf32> to vector<16xf32>
        %parallel_loop3A_377 = arith.index_cast %parallel_loop3A_258 : i32 to index
        %parallel_loop3A_378 = arith.constant 80 : index
        %parallel_loop3A_379 = tpu.vector_load %arg20[%parallel_loop3A_377, %parallel_loop3A_378] {strides = array<i32>} : memref<48x144xf32, #tpu.memory_space<vmem>>, vector<1x16xf32>,
        %parallel_loop3A_380 = vector.shape_cast %parallel_loop3A_379 : vector<1x16xf32> to vector<16xf32>
        %parallel_loop3A_381 = arith.addf %parallel_loop3A_376, %parallel_loop3A_380 : vector<16xf32>
        %parallel_loop3A_382 = arith.constant 80 : index
        %parallel_loop3A_383 = tpu.vector_load %arg21[%parallel_loop3A_382] {strides = array<i32>} : memref<144xf32, #tpu.memory_space<vmem>>, vector<16xf32>,
        %parallel_loop3A_384 = vector.shape_cast %parallel_loop3A_383 : vector<16xf32> to vector<16xf32>
        %parallel_loop3A_385 = arith.mulf %parallel_loop3A_262, %parallel_loop3A_384 : vector<16xf32>
        %parallel_loop3A_386 = arith.addf %parallel_loop3A_381, %parallel_loop3A_385 : vector<16xf32>
        %parallel_loop3A_387 = arith.constant 0.000000e+00 : f32
        %parallel_loop3A_388 = vector.broadcast %parallel_loop3A_387 : f32 to vector<16xf32>
        %parallel_loop3A_389 = arith.maximumf %parallel_loop3A_386, %parallel_loop3A_388 : vector<16xf32>
        %parallel_loop3A_390 = arith.index_cast %parallel_loop3A_258 : i32 to index
        %parallel_loop3A_391 = arith.constant 80 : index
        %parallel_loop3A_392 = tpu.vector_load %arg18[%parallel_loop3A_390, %parallel_loop3A_391] {strides = array<i32>} : memref<48x144xf32, #tpu.memory_space<vmem>>, vector<1x16xf32>,
        %parallel_loop3A_393 = vector.shape_cast %parallel_loop3A_392 : vector<1x16xf32> to vector<16xf32>
        %parallel_loop3A_394 = vector.shape_cast %parallel_loop3A_389 : vector<16xf32> to vector<1x16xf32>
        tpu.vector_store %arg18[%parallel_loop3A_390, %parallel_loop3A_391], %parallel_loop3A_394 {strides = array<i32>} : memref<48x144xf32, #tpu.memory_space<vmem>>, vector<1x16xf32>,
        %parallel_loop3A_395 = arith.index_cast %parallel_loop3A_258 : i32 to index
        %parallel_loop3A_396 = arith.constant 96 : index
        %parallel_loop3A_397 = tpu.vector_load %arg18[%parallel_loop3A_395, %parallel_loop3A_396] {strides = array<i32>} : memref<48x144xf32, #tpu.memory_space<vmem>>, vector<1x16xf32>,
        %parallel_loop3A_398 = vector.shape_cast %parallel_loop3A_397 : vector<1x16xf32> to vector<16xf32>
        %parallel_loop3A_399 = arith.index_cast %parallel_loop3A_258 : i32 to index
        %parallel_loop3A_400 = arith.constant 96 : index
        %parallel_loop3A_401 = tpu.vector_load %arg20[%parallel_loop3A_399, %parallel_loop3A_400] {strides = array<i32>} : memref<48x144xf32, #tpu.memory_space<vmem>>, vector<1x16xf32>,
        %parallel_loop3A_402 = vector.shape_cast %parallel_loop3A_401 : vector<1x16xf32> to vector<16xf32>
        %parallel_loop3A_403 = arith.addf %parallel_loop3A_398, %parallel_loop3A_402 : vector<16xf32>
        %parallel_loop3A_404 = arith.constant 96 : index
        %parallel_loop3A_405 = tpu.vector_load %arg21[%parallel_loop3A_404] {strides = array<i32>} : memref<144xf32, #tpu.memory_space<vmem>>, vector<16xf32>,
        %parallel_loop3A_406 = vector.shape_cast %parallel_loop3A_405 : vector<16xf32> to vector<16xf32>
        %parallel_loop3A_407 = arith.mulf %parallel_loop3A_262, %parallel_loop3A_406 : vector<16xf32>
        %parallel_loop3A_408 = arith.addf %parallel_loop3A_403, %parallel_loop3A_407 : vector<16xf32>
        %parallel_loop3A_409 = arith.constant 0.000000e+00 : f32
        %parallel_loop3A_410 = vector.broadcast %parallel_loop3A_409 : f32 to vector<16xf32>
        %parallel_loop3A_411 = arith.maximumf %parallel_loop3A_408, %parallel_loop3A_410 : vector<16xf32>
        %parallel_loop3A_412 = arith.index_cast %parallel_loop3A_258 : i32 to index
        %parallel_loop3A_413 = arith.constant 96 : index
        %parallel_loop3A_414 = tpu.vector_load %arg18[%parallel_loop3A_412, %parallel_loop3A_413] {strides = array<i32>} : memref<48x144xf32, #tpu.memory_space<vmem>>, vector<1x16xf32>,
        %parallel_loop3A_415 = vector.shape_cast %parallel_loop3A_414 : vector<1x16xf32> to vector<16xf32>
        %parallel_loop3A_416 = vector.shape_cast %parallel_loop3A_411 : vector<16xf32> to vector<1x16xf32>
        tpu.vector_store %arg18[%parallel_loop3A_412, %parallel_loop3A_413], %parallel_loop3A_416 {strides = array<i32>} : memref<48x144xf32, #tpu.memory_space<vmem>>, vector<1x16xf32>,
        %parallel_loop3A_417 = arith.index_cast %parallel_loop3A_258 : i32 to index
        %parallel_loop3A_418 = arith.constant 112 : index
        %parallel_loop3A_419 = tpu.vector_load %arg18[%parallel_loop3A_417, %parallel_loop3A_418] {strides = array<i32>} : memref<48x144xf32, #tpu.memory_space<vmem>>, vector<1x16xf32>,
        %parallel_loop3A_420 = vector.shape_cast %parallel_loop3A_419 : vector<1x16xf32> to vector<16xf32>
        %parallel_loop3A_421 = arith.index_cast %parallel_loop3A_258 : i32 to index
        %parallel_loop3A_422 = arith.constant 112 : index
        %parallel_loop3A_423 = tpu.vector_load %arg20[%parallel_loop3A_421, %parallel_loop3A_422] {strides = array<i32>} : memref<48x144xf32, #tpu.memory_space<vmem>>, vector<1x16xf32>,
        %parallel_loop3A_424 = vector.shape_cast %parallel_loop3A_423 : vector<1x16xf32> to vector<16xf32>
        %parallel_loop3A_425 = arith.addf %parallel_loop3A_420, %parallel_loop3A_424 : vector<16xf32>
        %parallel_loop3A_426 = arith.constant 112 : index
        %parallel_loop3A_427 = tpu.vector_load %arg21[%parallel_loop3A_426] {strides = array<i32>} : memref<144xf32, #tpu.memory_space<vmem>>, vector<16xf32>,
        %parallel_loop3A_428 = vector.shape_cast %parallel_loop3A_427 : vector<16xf32> to vector<16xf32>
        %parallel_loop3A_429 = arith.mulf %parallel_loop3A_262, %parallel_loop3A_428 : vector<16xf32>
        %parallel_loop3A_430 = arith.addf %parallel_loop3A_425, %parallel_loop3A_429 : vector<16xf32>
        %parallel_loop3A_431 = arith.constant 0.000000e+00 : f32
        %parallel_loop3A_432 = vector.broadcast %parallel_loop3A_431 : f32 to vector<16xf32>
        %parallel_loop3A_433 = arith.maximumf %parallel_loop3A_430, %parallel_loop3A_432 : vector<16xf32>
        %parallel_loop3A_434 = arith.index_cast %parallel_loop3A_258 : i32 to index
        %parallel_loop3A_435 = arith.constant 112 : index
        %parallel_loop3A_436 = tpu.vector_load %arg18[%parallel_loop3A_434, %parallel_loop3A_435] {strides = array<i32>} : memref<48x144xf32, #tpu.memory_space<vmem>>, vector<1x16xf32>,
        %parallel_loop3A_437 = vector.shape_cast %parallel_loop3A_436 : vector<1x16xf32> to vector<16xf32>
        %parallel_loop3A_438 = vector.shape_cast %parallel_loop3A_433 : vector<16xf32> to vector<1x16xf32>
        tpu.vector_store %arg18[%parallel_loop3A_434, %parallel_loop3A_435], %parallel_loop3A_438 {strides = array<i32>} : memref<48x144xf32, #tpu.memory_space<vmem>>, vector<1x16xf32>,
        %parallel_loop3A_439 = arith.index_cast %parallel_loop3A_258 : i32 to index
        %parallel_loop3A_440 = arith.constant 128 : index
        %parallel_loop3A_441 = tpu.vector_load %arg18[%parallel_loop3A_439, %parallel_loop3A_440] {strides = array<i32>} : memref<48x144xf32, #tpu.memory_space<vmem>>, vector<1x16xf32>,
        %parallel_loop3A_442 = vector.shape_cast %parallel_loop3A_441 : vector<1x16xf32> to vector<16xf32>
        %parallel_loop3A_443 = arith.index_cast %parallel_loop3A_258 : i32 to index
        %parallel_loop3A_444 = arith.constant 128 : index
        %parallel_loop3A_445 = tpu.vector_load %arg20[%parallel_loop3A_443, %parallel_loop3A_444] {strides = array<i32>} : memref<48x144xf32, #tpu.memory_space<vmem>>, vector<1x16xf32>,
        %parallel_loop3A_446 = vector.shape_cast %parallel_loop3A_445 : vector<1x16xf32> to vector<16xf32>
        %parallel_loop3A_447 = arith.addf %parallel_loop3A_442, %parallel_loop3A_446 : vector<16xf32>
        %parallel_loop3A_448 = arith.constant 128 : index
        %parallel_loop3A_449 = tpu.vector_load %arg21[%parallel_loop3A_448] {strides = array<i32>} : memref<144xf32, #tpu.memory_space<vmem>>, vector<16xf32>,
        %parallel_loop3A_450 = vector.shape_cast %parallel_loop3A_449 : vector<16xf32> to vector<16xf32>
        %parallel_loop3A_451 = arith.mulf %parallel_loop3A_262, %parallel_loop3A_450 : vector<16xf32>
        %parallel_loop3A_452 = arith.addf %parallel_loop3A_447, %parallel_loop3A_451 : vector<16xf32>
        %parallel_loop3A_453 = arith.constant 0.000000e+00 : f32
        %parallel_loop3A_454 = vector.broadcast %parallel_loop3A_453 : f32 to vector<16xf32>
        %parallel_loop3A_455 = arith.maximumf %parallel_loop3A_452, %parallel_loop3A_454 : vector<16xf32>
        %parallel_loop3A_456 = arith.index_cast %parallel_loop3A_258 : i32 to index
        %parallel_loop3A_457 = arith.constant 128 : index
        %parallel_loop3A_458 = tpu.vector_load %arg18[%parallel_loop3A_456, %parallel_loop3A_457] {strides = array<i32>} : memref<48x144xf32, #tpu.memory_space<vmem>>, vector<1x16xf32>,
        %parallel_loop3A_459 = vector.shape_cast %parallel_loop3A_458 : vector<1x16xf32> to vector<16xf32>
        %parallel_loop3A_460 = vector.shape_cast %parallel_loop3A_455 : vector<16xf32> to vector<1x16xf32>
        tpu.vector_store %arg18[%parallel_loop3A_456, %parallel_loop3A_457], %parallel_loop3A_460 {strides = array<i32>} : memref<48x144xf32, #tpu.memory_space<vmem>>, vector<1x16xf32>,
      } {sc.loop_unroll_factor = 4 : i64, sc.parallel_access}
      "tpu.region"() ({
        %run_scoped3A = tpu.sem_alloc : memref<!tpu.dma_semaphore, #tpu.memory_space<semaphore_mem>>
        %dma_start3A_258 = arith.constant 0 : i32
        %dma_start3A_259 = arith.constant 0 : i32
        %dma_start3A_260 = tpu.memref_slice %arg22[%dma_start3A_258, %dma_start3A_259] : memref<10240x144xf32, #tpu.memory_space<vmem_shared>> -> memref<10240x144xf32, #tpu.memory_space<vmem_shared>>
        tpu.enqueue_indirect_dma source(%arg18 : memref<48x144xf32, #tpu.memory_space<vmem>>) target(%dma_start3A_260 : memref<10240x144xf32, #tpu.memory_space<vmem_shared>>) offsets(%arg12 : memref<48xi32, #tpu.memory_space<vmem>>) semaphore(%run_scoped3A : memref<!tpu.dma_semaphore, #tpu.memory_space<semaphore_mem>>) {add = true}
        %dma_wait3A_261 = arith.constant 0 : i32
        %dma_wait3A_262 = arith.constant 0 : i32
        %dma_wait3A_263 = tpu.memref_slice %arg22[%dma_wait3A_261, %dma_wait3A_262] : memref<10240x144xf32, #tpu.memory_space<vmem_shared>> -> memref<10240x144xf32, #tpu.memory_space<vmem_shared>>
        tpu.wait_indirect_dma semaphore(%run_scoped3A : memref<!tpu.dma_semaphore, #tpu.memory_space<semaphore_mem>>) src(%arg18 : memref<48x144xf32, #tpu.memory_space<vmem>>) dst(%dma_wait3A_263 : memref<10240x144xf32, #tpu.memory_space<vmem_shared>>)
        tpu.yield
      }) : () -> ()
    }
    %scan3A_45 = arith.constant 106 : i32
    %barrier3A_46 = arith.constant 0 : index
    tpu.barrier barrier_id(%barrier3A_46)
    "tpu.region"() ({
      %run_scoped3A = tpu.sem_alloc : memref<!tpu.dma_semaphore, #tpu.memory_space<semaphore_mem>>
      %dma_start3A = arith.constant 0 : i32
      %dma_start3A_47 = tpu.memref_slice %arg8[%arg0, %mul3A_9, %dma_start3A] : memref<2x10240x144xf32, #tpu.memory_space<hbm>> -> memref<1x640x144xf32, #tpu.memory_space<hbm>>
      %dma_start3A_48 = tpu.memref_squeeze %dma_start3A_47 : memref<1x640x144xf32, #tpu.memory_space<hbm>> -> memref<640x144xf32, #tpu.memory_space<hbm>>
      %dma_start3A_49 = arith.constant 0 : i32
      %dma_start3A_50 = tpu.memref_slice %arg22[%mul3A_9, %dma_start3A_49] : memref<10240x144xf32, #tpu.memory_space<vmem_shared>> -> memref<640x144xf32, #tpu.memory_space<vmem_shared>>
      tpu.enqueue_dma source(%dma_start3A_50 : memref<640x144xf32, #tpu.memory_space<vmem_shared>>) target(%dma_start3A_48 : memref<640x144xf32, #tpu.memory_space<hbm>>) target_semaphore(%run_scoped3A : memref<!tpu.dma_semaphore, #tpu.memory_space<semaphore_mem>>)
      %dma_wait3A = arith.constant 0 : i32
      %dma_wait3A_51 = tpu.memref_slice %arg8[%arg0, %mul3A_9, %dma_wait3A] : memref<2x10240x144xf32, #tpu.memory_space<hbm>> -> memref<1x640x144xf32, #tpu.memory_space<hbm>>
      %dma_wait3A_52 = tpu.memref_squeeze %dma_wait3A_51 : memref<1x640x144xf32, #tpu.memory_space<hbm>> -> memref<640x144xf32, #tpu.memory_space<hbm>>
      %dma_wait3A_53 = arith.constant 0 : i32
      %dma_wait3A_54 = tpu.memref_slice %arg22[%mul3A_9, %dma_wait3A_53] : memref<10240x144xf32, #tpu.memory_space<vmem_shared>> -> memref<640x144xf32, #tpu.memory_space<vmem_shared>>
      tpu.wait_dma2 semaphore(%run_scoped3A : memref<!tpu.dma_semaphore, #tpu.memory_space<semaphore_mem>>) src(%dma_wait3A_54 : memref<640x144xf32, #tpu.memory_space<vmem_shared>>) dst(%dma_wait3A_52 : memref<640x144xf32, #tpu.memory_space<hbm>>)
      tpu.yield
    }) : () -> ()
    return
  }
}

module attributes {stable_mosaic.version = 14 : i64} {
  func.func @_embed_body(%arg0: i32, %arg1: memref<1000x256xf32, #tpu.memory_space<vmem>>, %arg2: memref<256x256xf32, #tpu.memory_space<vmem>>, %arg3: memref<1x256xf32, #tpu.memory_space<vmem>>, %arg4: memref<256x256xf32, #tpu.memory_space<vmem>>, %arg5: memref<1x256xf32, #tpu.memory_space<vmem>>, %arg6: memref<1000x256xf32, #tpu.memory_space<vmem>>) attributes {dimension_semantics = [#tpu.dimension_semantics<arbitrary>], iteration_bounds = array<i64: 10>, scalar_prefetch = 0 : i64, scratch_operands = 0 : i64, tpu.core_type = #tpu.core_type<tc>, window_params = [{transform_indices = @transform_0, window_bounds = array<i64: 1000, 256>}, {pipeline_mode = #tpu.pipeline_mode<synchronous>, transform_indices = @transform_1, window_bounds = array<i64: 256, 256>}, {pipeline_mode = #tpu.pipeline_mode<synchronous>, transform_indices = @transform_2, window_bounds = array<i64: 1, 256>}, {pipeline_mode = #tpu.pipeline_mode<synchronous>, transform_indices = @transform_3, window_bounds = array<i64: 256, 256>}, {pipeline_mode = #tpu.pipeline_mode<synchronous>, transform_indices = @transform_4, window_bounds = array<i64: 1, 256>}, {transform_indices = @transform_5, window_bounds = array<i64: 1000, 256>}]} {
    %get3A = arith.constant 0 : index
    %get3A_0 = arith.constant 0 : index
    %get3A_1 = vector.load %arg1[%get3A, %get3A_0] : memref<1000x256xf32, #tpu.memory_space<vmem>>, vector<1000x256xf32>
    %get3A_2 = arith.constant 0 : index
    %get3A_3 = arith.constant 0 : index
    %get3A_4 = vector.load %arg2[%get3A_2, %get3A_3] : memref<256x256xf32, #tpu.memory_space<vmem>>, vector<256x256xf32>
    %dot_general3A = arith.constant dense<0.000000e+00> : vector<1000x256xf32>
    %dot_general3A_5 = tpu.matmul %get3A_1, %get3A_4, %dot_general3A {dimension_numbers = #tpu.dot_dimension_numbers<[1], [0], [0], [1], [0, 0, 1, 1], [], []>, transpose_lhs_hint = false} : vector<1000x256xf32>, vector<256x256xf32>, vector<1000x256xf32> -> vector<1000x256xf32>
    %get3A_6 = arith.constant 0 : index
    %get3A_7 = arith.constant 0 : index
    %get3A_8 = vector.load %arg3[%get3A_6, %get3A_7] : memref<1x256xf32, #tpu.memory_space<vmem>>, vector<1x256xf32>
    %add3A = vector.broadcast %get3A_8 : vector<1x256xf32> to vector<1000x256xf32>
    %add3A_9 = arith.addf %dot_general3A_5, %add3A : vector<1000x256xf32>
    %max3A = arith.constant 0.000000e+00 : f32
    %max3A_10 = vector.broadcast %max3A : f32 to vector<1000x256xf32>
    %max3A_11 = arith.maximumf %add3A_9, %max3A_10 : vector<1000x256xf32>
    %get3A_12 = arith.constant 0 : index
    %get3A_13 = arith.constant 0 : index
    %get3A_14 = vector.load %arg4[%get3A_12, %get3A_13] : memref<256x256xf32, #tpu.memory_space<vmem>>, vector<256x256xf32>
    %dot_general3A_15 = arith.constant dense<0.000000e+00> : vector<1000x256xf32>
    %dot_general3A_16 = tpu.matmul %max3A_11, %get3A_14, %dot_general3A_15 {dimension_numbers = #tpu.dot_dimension_numbers<[1], [0], [0], [1], [0, 0, 1, 1], [], []>, transpose_lhs_hint = false} : vector<1000x256xf32>, vector<256x256xf32>, vector<1000x256xf32> -> vector<1000x256xf32>
    %get3A_17 = arith.constant 0 : index
    %get3A_18 = arith.constant 0 : index
    %get3A_19 = vector.load %arg5[%get3A_17, %get3A_18] : memref<1x256xf32, #tpu.memory_space<vmem>>, vector<1x256xf32>
    %add3A_20 = vector.broadcast %get3A_19 : vector<1x256xf32> to vector<1000x256xf32>
    %add3A_21 = arith.addf %dot_general3A_16, %add3A_20 : vector<1000x256xf32>
    %max3A_22 = arith.constant 0.000000e+00 : f32
    %max3A_23 = vector.broadcast %max3A_22 : f32 to vector<1000x256xf32>
    %max3A_24 = arith.maximumf %add3A_21, %max3A_23 : vector<1000x256xf32>
    %swap3A = arith.constant 0 : index
    %swap3A_25 = arith.constant 0 : index
    %swap3A_26 = vector.load %arg6[%swap3A, %swap3A_25] : memref<1000x256xf32, #tpu.memory_space<vmem>>, vector<1000x256xf32>
    tpu.vector_store %arg6[%swap3A, %swap3A_25], %max3A_24 {strides = array<i32>} : memref<1000x256xf32, #tpu.memory_space<vmem>>, vector<1000x256xf32>,
    return
  }
  func.func @transform_0(%arg0: i32) -> (i32, i32) {
    %c0_i32 = arith.constant 0 : i32
    %c0_i32_0 = arith.constant 0 : i32
    return %arg0, %c0_i32 : i32, i32
  }
  func.func @transform_1(%arg0: i32) -> (i32, i32) {
    %c0_i32 = arith.constant 0 : i32
    %c0_i32_0 = arith.constant 0 : i32
    %c0_i32_1 = arith.constant 0 : i32
    return %c0_i32, %c0_i32_0 : i32, i32
  }
  func.func @transform_2(%arg0: i32) -> (i32, i32) {
    %c0_i32 = arith.constant 0 : i32
    %c0_i32_0 = arith.constant 0 : i32
    %c0_i32_1 = arith.constant 0 : i32
    return %c0_i32, %c0_i32_0 : i32, i32
  }
  func.func @transform_3(%arg0: i32) -> (i32, i32) {
    %c0_i32 = arith.constant 0 : i32
    %c0_i32_0 = arith.constant 0 : i32
    %c0_i32_1 = arith.constant 0 : i32
    return %c0_i32, %c0_i32_0 : i32, i32
  }
  func.func @transform_4(%arg0: i32) -> (i32, i32) {
    %c0_i32 = arith.constant 0 : i32
    %c0_i32_0 = arith.constant 0 : i32
    %c0_i32_1 = arith.constant 0 : i32
    return %c0_i32, %c0_i32_0 : i32, i32
  }
  func.func @transform_5(%arg0: i32) -> (i32, i32) {
    %c0_i32 = arith.constant 0 : i32
    %c0_i32_0 = arith.constant 0 : i32
    return %arg0, %c0_i32 : i32, i32
  }
}

module attributes {stable_mosaic.version = 14 : i64} {
  func.func @_tables_body(%arg0: i32, %arg1: i32, %arg2: memref<1000x256xf32, #tpu.memory_space<vmem>>, %arg3: memref<1x256x144xf32, #tpu.memory_space<vmem>>, %arg4: memref<1x256x144xf32, #tpu.memory_space<vmem>>, %arg5: memref<1x1x144xf32, #tpu.memory_space<vmem>>, %arg6: memref<1x1x144xf32, #tpu.memory_space<vmem>>, %arg7: memref<1000x144xf32, #tpu.memory_space<vmem>>, %arg8: memref<1000x144xf32, #tpu.memory_space<vmem>>) attributes {dimension_semantics = [#tpu.dimension_semantics<arbitrary>, #tpu.dimension_semantics<arbitrary>], iteration_bounds = array<i64: 10, 2>, scalar_prefetch = 0 : i64, scratch_operands = 0 : i64, tpu.core_type = #tpu.core_type<tc>, window_params = [{transform_indices = @transform_0, window_bounds = array<i64: 1000, 256>}, {transform_indices = @transform_1, window_bounds = array<i64: 1, 256, 144>}, {transform_indices = @transform_2, window_bounds = array<i64: 1, 256, 144>}, {transform_indices = @transform_3, window_bounds = array<i64: 1, 1, 144>}, {transform_indices = @transform_4, window_bounds = array<i64: 1, 1, 144>}, {transform_indices = @transform_5, window_bounds = array<i64: 1000, 144>}, {transform_indices = @transform_6, window_bounds = array<i64: 1000, 144>}]} {
    %get3A = arith.constant 0 : index
    %get3A_0 = arith.constant 0 : index
    %get3A_1 = vector.load %arg2[%get3A, %get3A_0] : memref<1000x256xf32, #tpu.memory_space<vmem>>, vector<1000x256xf32>
    %get3A_2 = arith.constant 0 : index
    %get3A_3 = arith.constant 0 : index
    %get3A_4 = arith.constant 0 : index
    %get3A_5 = vector.load %arg3[%get3A_2, %get3A_3, %get3A_4] : memref<1x256x144xf32, #tpu.memory_space<vmem>>, vector<1x256x144xf32>
    %get3A_6 = vector.shape_cast %get3A_5 : vector<1x256x144xf32> to vector<256x144xf32>
    %dot_general3A = arith.constant dense<0.000000e+00> : vector<1000x144xf32>
    %dot_general3A_7 = tpu.matmul %get3A_1, %get3A_6, %dot_general3A {dimension_numbers = #tpu.dot_dimension_numbers<[1], [0], [0], [1], [0, 0, 1, 1], [], []>, transpose_lhs_hint = false} : vector<1000x256xf32>, vector<256x144xf32>, vector<1000x144xf32> -> vector<1000x144xf32>
    %get3A_8 = arith.constant 0 : index
    %get3A_9 = arith.constant 0 : index
    %get3A_10 = arith.constant 0 : index
    %get3A_11 = vector.load %arg5[%get3A_8, %get3A_9, %get3A_10] : memref<1x1x144xf32, #tpu.memory_space<vmem>>, vector<1x1x144xf32>
    %get3A_12 = vector.shape_cast %get3A_11 : vector<1x1x144xf32> to vector<1x144xf32>
    %add3A = vector.broadcast %get3A_12 : vector<1x144xf32> to vector<1000x144xf32>
    %add3A_13 = arith.addf %dot_general3A_7, %add3A : vector<1000x144xf32>
    %swap3A = arith.constant 0 : index
    %swap3A_14 = arith.constant 0 : index
    %swap3A_15 = vector.load %arg7[%swap3A, %swap3A_14] : memref<1000x144xf32, #tpu.memory_space<vmem>>, vector<1000x144xf32>
    tpu.vector_store %arg7[%swap3A, %swap3A_14], %add3A_13 {strides = array<i32>} : memref<1000x144xf32, #tpu.memory_space<vmem>>, vector<1000x144xf32>,
    %get3A_16 = arith.constant 0 : index
    %get3A_17 = arith.constant 0 : index
    %get3A_18 = arith.constant 0 : index
    %get3A_19 = vector.load %arg4[%get3A_16, %get3A_17, %get3A_18] : memref<1x256x144xf32, #tpu.memory_space<vmem>>, vector<1x256x144xf32>
    %get3A_20 = vector.shape_cast %get3A_19 : vector<1x256x144xf32> to vector<256x144xf32>
    %dot_general3A_21 = arith.constant dense<0.000000e+00> : vector<1000x144xf32>
    %dot_general3A_22 = tpu.matmul %get3A_1, %get3A_20, %dot_general3A_21 {dimension_numbers = #tpu.dot_dimension_numbers<[1], [0], [0], [1], [0, 0, 1, 1], [], []>, transpose_lhs_hint = false} : vector<1000x256xf32>, vector<256x144xf32>, vector<1000x144xf32> -> vector<1000x144xf32>
    %get3A_23 = arith.constant 0 : index
    %get3A_24 = arith.constant 0 : index
    %get3A_25 = arith.constant 0 : index
    %get3A_26 = vector.load %arg6[%get3A_23, %get3A_24, %get3A_25] : memref<1x1x144xf32, #tpu.memory_space<vmem>>, vector<1x1x144xf32>
    %get3A_27 = vector.shape_cast %get3A_26 : vector<1x1x144xf32> to vector<1x144xf32>
    %add3A_28 = vector.broadcast %get3A_27 : vector<1x144xf32> to vector<1000x144xf32>
    %add3A_29 = arith.addf %dot_general3A_22, %add3A_28 : vector<1000x144xf32>
    %swap3A_30 = arith.constant 0 : index
    %swap3A_31 = arith.constant 0 : index
    %swap3A_32 = vector.load %arg8[%swap3A_30, %swap3A_31] : memref<1000x144xf32, #tpu.memory_space<vmem>>, vector<1000x144xf32>
    tpu.vector_store %arg8[%swap3A_30, %swap3A_31], %add3A_29 {strides = array<i32>} : memref<1000x144xf32, #tpu.memory_space<vmem>>, vector<1000x144xf32>,
    return
  }
  func.func @transform_0(%arg0: i32, %arg1: i32) -> (i32, i32) {
    %c0_i32 = arith.constant 0 : i32
    %c0_i32_0 = arith.constant 0 : i32
    return %arg0, %c0_i32 : i32, i32
  }
  func.func @transform_1(%arg0: i32, %arg1: i32) -> (i32, i32, i32) {
    %c0_i32 = arith.constant 0 : i32
    %c0_i32_0 = arith.constant 0 : i32
    %c0_i32_1 = arith.constant 0 : i32
    return %arg1, %c0_i32, %c0_i32_0 : i32, i32, i32
  }
  func.func @transform_2(%arg0: i32, %arg1: i32) -> (i32, i32, i32) {
    %c0_i32 = arith.constant 0 : i32
    %c0_i32_0 = arith.constant 0 : i32
    %c0_i32_1 = arith.constant 0 : i32
    return %arg1, %c0_i32, %c0_i32_0 : i32, i32, i32
  }
  func.func @transform_3(%arg0: i32, %arg1: i32) -> (i32, i32, i32) {
    %c0_i32 = arith.constant 0 : i32
    %c0_i32_0 = arith.constant 0 : i32
    %c0_i32_1 = arith.constant 0 : i32
    return %arg1, %c0_i32, %c0_i32_0 : i32, i32, i32
  }
  func.func @transform_4(%arg0: i32, %arg1: i32) -> (i32, i32, i32) {
    %c0_i32 = arith.constant 0 : i32
    %c0_i32_0 = arith.constant 0 : i32
    %c0_i32_1 = arith.constant 0 : i32
    return %arg1, %c0_i32, %c0_i32_0 : i32, i32, i32
  }
  func.func @transform_5(%arg0: i32, %arg1: i32) -> (i32, i32) {
    %mul3A = arith.constant 10 : i32
    %mul3A_0 = arith.muli %arg1, %mul3A : i32
    %add3A = arith.addi %mul3A_0, %arg0 : i32
    %c0_i32 = arith.constant 0 : i32
    %c0_i32_1 = arith.constant 0 : i32
    return %add3A, %c0_i32 : i32, i32
  }
  func.func @transform_6(%arg0: i32, %arg1: i32) -> (i32, i32) {
    %mul3A = arith.constant 10 : i32
    %mul3A_0 = arith.muli %arg1, %mul3A : i32
    %add3A = arith.addi %mul3A_0, %arg0 : i32
    %c0_i32 = arith.constant 0 : i32
    %c0_i32_1 = arith.constant 0 : i32
    return %add3A, %c0_i32 : i32, i32
  }
}

module attributes {stable_mosaic.version = 14 : i64} {
  func.func @_escal_body(%arg0: memref<1250x128xf32, #tpu.memory_space<vmem>>, %arg1: memref<1x2xf32, #tpu.memory_space<vmem>>, %arg2: memref<1250x128xf32, #tpu.memory_space<vmem>>) attributes {dimension_semantics = [], scalar_prefetch = 0 : i64, scratch_operands = 0 : i64, tpu.core_type = #tpu.core_type<tc>} {
    %get3A = arith.constant 0 : index
    %get3A_0 = arith.constant 0 : index
    %get3A_1 = vector.load %arg0[%get3A, %get3A_0] : memref<1250x128xf32, #tpu.memory_space<vmem>>, vector<1250x128xf32>
    %get3A_2 = arith.constant 0 : index
    %get3A_3 = arith.constant 0 : index
    %get3A_4 = vector.load %arg1[%get3A_2, %get3A_3] : memref<1x2xf32, #tpu.memory_space<vmem>>, vector<1x1xf32>
    %get3A_5 = vector.extract %get3A_4[0, 0] : f32 from vector<1x1xf32>
    %mul3A = vector.broadcast %get3A_5 : f32 to vector<1250x128xf32>
    %mul3A_6 = arith.mulf %get3A_1, %mul3A : vector<1250x128xf32>
    %get3A_7 = arith.constant 0 : index
    %get3A_8 = arith.constant 1 : index
    %get3A_9 = vector.load %arg1[%get3A_7, %get3A_8] : memref<1x2xf32, #tpu.memory_space<vmem>>, vector<1x1xf32>
    %get3A_10 = vector.extract %get3A_9[0, 0] : f32 from vector<1x1xf32>
    %add3A = vector.broadcast %get3A_10 : f32 to vector<1250x128xf32>
    %add3A_11 = arith.addf %mul3A_6, %add3A : vector<1250x128xf32>
    %max3A = arith.constant 0.000000e+00 : f32
    %max3A_12 = vector.broadcast %max3A : f32 to vector<1250x128xf32>
    %max3A_13 = arith.maximumf %add3A_11, %max3A_12 : vector<1250x128xf32>
    %swap3A = arith.constant 0 : index
    %swap3A_14 = arith.constant 0 : index
    %swap3A_15 = vector.load %arg2[%swap3A, %swap3A_14] : memref<1250x128xf32, #tpu.memory_space<vmem>>, vector<1250x128xf32>
    tpu.vector_store %arg2[%swap3A, %swap3A_14], %max3A_13 {strides = array<i32>} : memref<1250x128xf32, #tpu.memory_space<vmem>>, vector<1250x128xf32>,
    return
  }
}

module attributes {stable_mosaic.version = 14 : i64} {
  func.func @_tables_body(%arg0: i32, %arg1: i32, %arg2: memref<1000x256xf32, #tpu.memory_space<vmem>>, %arg3: memref<1x256x144xf32, #tpu.memory_space<vmem>>, %arg4: memref<1x1x144xf32, #tpu.memory_space<vmem>>, %arg5: memref<1000x144xf32, #tpu.memory_space<vmem>>) attributes {dimension_semantics = [#tpu.dimension_semantics<arbitrary>, #tpu.dimension_semantics<arbitrary>], iteration_bounds = array<i64: 10, 2>, scalar_prefetch = 0 : i64, scratch_operands = 0 : i64, tpu.core_type = #tpu.core_type<tc>, window_params = [{transform_indices = @transform_0, window_bounds = array<i64: 1000, 256>}, {transform_indices = @transform_1, window_bounds = array<i64: 1, 256, 144>}, {transform_indices = @transform_2, window_bounds = array<i64: 1, 1, 144>}, {transform_indices = @transform_3, window_bounds = array<i64: 1000, 144>}]} {
    %get3A = arith.constant 0 : index
    %get3A_0 = arith.constant 0 : index
    %get3A_1 = vector.load %arg2[%get3A, %get3A_0] : memref<1000x256xf32, #tpu.memory_space<vmem>>, vector<1000x256xf32>
    %get3A_2 = arith.constant 0 : index
    %get3A_3 = arith.constant 0 : index
    %get3A_4 = arith.constant 0 : index
    %get3A_5 = vector.load %arg3[%get3A_2, %get3A_3, %get3A_4] : memref<1x256x144xf32, #tpu.memory_space<vmem>>, vector<1x256x144xf32>
    %get3A_6 = vector.shape_cast %get3A_5 : vector<1x256x144xf32> to vector<256x144xf32>
    %dot_general3A = arith.constant dense<0.000000e+00> : vector<1000x144xf32>
    %dot_general3A_7 = tpu.matmul %get3A_1, %get3A_6, %dot_general3A {dimension_numbers = #tpu.dot_dimension_numbers<[1], [0], [0], [1], [0, 0, 1, 1], [], []>, transpose_lhs_hint = false} : vector<1000x256xf32>, vector<256x144xf32>, vector<1000x144xf32> -> vector<1000x144xf32>
    %get3A_8 = arith.constant 0 : index
    %get3A_9 = arith.constant 0 : index
    %get3A_10 = arith.constant 0 : index
    %get3A_11 = vector.load %arg4[%get3A_8, %get3A_9, %get3A_10] : memref<1x1x144xf32, #tpu.memory_space<vmem>>, vector<1x1x144xf32>
    %get3A_12 = vector.shape_cast %get3A_11 : vector<1x1x144xf32> to vector<1x144xf32>
    %add3A = vector.broadcast %get3A_12 : vector<1x144xf32> to vector<1000x144xf32>
    %add3A_13 = arith.addf %dot_general3A_7, %add3A : vector<1000x144xf32>
    %swap3A = arith.constant 0 : index
    %swap3A_14 = arith.constant 0 : index
    %swap3A_15 = vector.load %arg5[%swap3A, %swap3A_14] : memref<1000x144xf32, #tpu.memory_space<vmem>>, vector<1000x144xf32>
    tpu.vector_store %arg5[%swap3A, %swap3A_14], %add3A_13 {strides = array<i32>} : memref<1000x144xf32, #tpu.memory_space<vmem>>, vector<1000x144xf32>,
    return
  }
  func.func @transform_0(%arg0: i32, %arg1: i32) -> (i32, i32) {
    %c0_i32 = arith.constant 0 : i32
    %c0_i32_0 = arith.constant 0 : i32
    return %arg0, %c0_i32 : i32, i32
  }
  func.func @transform_1(%arg0: i32, %arg1: i32) -> (i32, i32, i32) {
    %c0_i32 = arith.constant 0 : i32
    %c0_i32_0 = arith.constant 0 : i32
    %c0_i32_1 = arith.constant 0 : i32
    return %arg1, %c0_i32, %c0_i32_0 : i32, i32, i32
  }
  func.func @transform_2(%arg0: i32, %arg1: i32) -> (i32, i32, i32) {
    %c0_i32 = arith.constant 0 : i32
    %c0_i32_0 = arith.constant 0 : i32
    %c0_i32_1 = arith.constant 0 : i32
    return %arg1, %c0_i32, %c0_i32_0 : i32, i32, i32
  }
  func.func @transform_3(%arg0: i32, %arg1: i32) -> (i32, i32) {
    %mul3A = arith.constant 10 : i32
    %mul3A_0 = arith.muli %arg1, %mul3A : i32
    %add3A = arith.addi %mul3A_0, %arg0 : i32
    %c0_i32 = arith.constant 0 : i32
    %c0_i32_1 = arith.constant 0 : i32
    return %add3A, %c0_i32 : i32, i32
  }
}

module attributes {stable_mosaic.version = 14 : i64} {
  func.func @_post_body(%arg0: i32, %arg1: memref<1x1000x144xf32, #tpu.memory_space<vmem>>, %arg2: memref<1x1000x144xf32, #tpu.memory_space<vmem>>, %arg3: memref<1000x256xf32, #tpu.memory_space<vmem>>, %arg4: memref<256x256xf32, #tpu.memory_space<vmem>>, %arg5: memref<1x256xf32, #tpu.memory_space<vmem>>, %arg6: memref<256x256xf32, #tpu.memory_space<vmem>>, %arg7: memref<1x256xf32, #tpu.memory_space<vmem>>, %arg8: memref<256x256xf32, #tpu.memory_space<vmem>>, %arg9: memref<256x256xf32, #tpu.memory_space<vmem>>, %arg10: memref<1x256xf32, #tpu.memory_space<vmem>>, %arg11: memref<256x256xf32, #tpu.memory_space<vmem>>, %arg12: memref<1x256xf32, #tpu.memory_space<vmem>>, %arg13: memref<256x256xf32, #tpu.memory_space<vmem>>, %arg14: memref<1x256xf32, #tpu.memory_space<vmem>>, %arg15: memref<1000x256xf32, #tpu.memory_space<vmem>>, %arg16: memref<1000x256xf32, #tpu.memory_space<vmem>>) attributes {dimension_semantics = [#tpu.dimension_semantics<arbitrary>], iteration_bounds = array<i64: 10>, scalar_prefetch = 0 : i64, scratch_operands = 0 : i64, tpu.core_type = #tpu.core_type<tc>, window_params = [{transform_indices = @transform_0, window_bounds = array<i64: 1, 1000, 144>}, {transform_indices = @transform_1, window_bounds = array<i64: 1, 1000, 144>}, {transform_indices = @transform_2, window_bounds = array<i64: 1000, 256>}, {pipeline_mode = #tpu.pipeline_mode<synchronous>, transform_indices = @transform_3, window_bounds = array<i64: 256, 256>}, {pipeline_mode = #tpu.pipeline_mode<synchronous>, transform_indices = @transform_4, window_bounds = array<i64: 1, 256>}, {pipeline_mode = #tpu.pipeline_mode<synchronous>, transform_indices = @transform_5, window_bounds = array<i64: 256, 256>}, {pipeline_mode = #tpu.pipeline_mode<synchronous>, transform_indices = @transform_6, window_bounds = array<i64: 1, 256>}, {pipeline_mode = #tpu.pipeline_mode<synchronous>, transform_indices = @transform_7, window_bounds = array<i64: 256, 256>}, {pipeline_mode = #tpu.pipeline_mode<synchronous>, transform_indices = @transform_8, window_bounds = array<i64: 256, 256>}, {pipeline_mode = #tpu.pipeline_mode<synchronous>, transform_indices = @transform_9, window_bounds = array<i64: 1, 256>}, {pipeline_mode = #tpu.pipeline_mode<synchronous>, transform_indices = @transform_10, window_bounds = array<i64: 256, 256>}, {pipeline_mode = #tpu.pipeline_mode<synchronous>, transform_indices = @transform_11, window_bounds = array<i64: 1, 256>}, {pipeline_mode = #tpu.pipeline_mode<synchronous>, transform_indices = @transform_12, window_bounds = array<i64: 256, 256>}, {pipeline_mode = #tpu.pipeline_mode<synchronous>, transform_indices = @transform_13, window_bounds = array<i64: 1, 256>}, {transform_indices = @transform_14, window_bounds = array<i64: 1000, 256>}, {transform_indices = @transform_15, window_bounds = array<i64: 1000, 256>}]} {
    %get3A = arith.constant 0 : index
    %get3A_0 = arith.constant 0 : index
    %get3A_1 = arith.constant 0 : index
    %get3A_2 = vector.load %arg1[%get3A, %get3A_0, %get3A_1] : memref<1x1000x144xf32, #tpu.memory_space<vmem>>, vector<1x1000x144xf32>
    %get3A_3 = vector.shape_cast %get3A_2 : vector<1x1000x144xf32> to vector<1000x144xf32>
    %get3A_4 = arith.constant 0 : index
    %get3A_5 = arith.constant 0 : index
    %get3A_6 = arith.constant 0 : index
    %get3A_7 = vector.load %arg2[%get3A_4, %get3A_5, %get3A_6] : memref<1x1000x144xf32, #tpu.memory_space<vmem>>, vector<1x1000x144xf32>
    %get3A_8 = vector.shape_cast %get3A_7 : vector<1x1000x144xf32> to vector<1000x144xf32>
    %get3A_9 = arith.constant 0 : index
    %get3A_10 = arith.constant 0 : index
    %get3A_11 = vector.load %arg4[%get3A_9, %get3A_10] : memref<256x256xf32, #tpu.memory_space<vmem>>, vector<256x256xf32>
    %slice3A = vector.extract_strided_slice %get3A_11 {offsets = [0, 0], sizes = [144, 256], strides = [1, 1]} : vector<256x256xf32> to vector<144x256xf32>
    %dot_general3A = arith.constant dense<0.000000e+00> : vector<1000x256xf32>
    %dot_general3A_12 = tpu.matmul %get3A_3, %slice3A, %dot_general3A {dimension_numbers = #tpu.dot_dimension_numbers<[1], [0], [0], [1], [0, 0, 1, 1], [], []>, transpose_lhs_hint = false} : vector<1000x144xf32>, vector<144x256xf32>, vector<1000x256xf32> -> vector<1000x256xf32>
    %slice3A_13 = vector.extract_strided_slice %get3A_8 {offsets = [0, 0], sizes = [1000, 112], strides = [1, 1]} : vector<1000x144xf32> to vector<1000x112xf32>
    %slice3A_14 = vector.extract_strided_slice %get3A_11 {offsets = [144, 0], sizes = [112, 256], strides = [1, 1]} : vector<256x256xf32> to vector<112x256xf32>
    %dot_general3A_15 = arith.constant dense<0.000000e+00> : vector<1000x256xf32>
    %dot_general3A_16 = tpu.matmul %slice3A_13, %slice3A_14, %dot_general3A_15 {dimension_numbers = #tpu.dot_dimension_numbers<[1], [0], [0], [1], [0, 0, 1, 1], [], []>, transpose_lhs_hint = false} : vector<1000x112xf32>, vector<112x256xf32>, vector<1000x256xf32> -> vector<1000x256xf32>
    %add3A = arith.addf %dot_general3A_12, %dot_general3A_16 : vector<1000x256xf32>
    %slice3A_17 = vector.extract_strided_slice %get3A_8 {offsets = [0, 112], sizes = [1000, 1], strides = [1, 1]} : vector<1000x144xf32> to vector<1000x1xf32>
    %get3A_18 = arith.constant 0 : index
    %get3A_19 = arith.constant 0 : index
    %get3A_20 = vector.load %arg5[%get3A_18, %get3A_19] : memref<1x256xf32, #tpu.memory_space<vmem>>, vector<1x256xf32>
    %mul3A = vector.broadcast %slice3A_17 : vector<1000x1xf32> to vector<1000x256xf32>
    %mul3A_21 = vector.broadcast %get3A_20 : vector<1x256xf32> to vector<1000x256xf32>
    %mul3A_22 = arith.mulf %mul3A, %mul3A_21 : vector<1000x256xf32>
    %add3A_23 = arith.addf %add3A, %mul3A_22 : vector<1000x256xf32>
    %max3A = arith.constant 0.000000e+00 : f32
    %max3A_24 = vector.broadcast %max3A : f32 to vector<1000x256xf32>
    %max3A_25 = arith.maximumf %add3A_23, %max3A_24 : vector<1000x256xf32>
    %get3A_26 = arith.constant 0 : index
    %get3A_27 = arith.constant 0 : index
    %get3A_28 = vector.load %arg6[%get3A_26, %get3A_27] : memref<256x256xf32, #tpu.memory_space<vmem>>, vector<256x256xf32>
    %dot_general3A_29 = arith.constant dense<0.000000e+00> : vector<1000x256xf32>
    %dot_general3A_30 = tpu.matmul %max3A_25, %get3A_28, %dot_general3A_29 {dimension_numbers = #tpu.dot_dimension_numbers<[1], [0], [0], [1], [0, 0, 1, 1], [], []>, transpose_lhs_hint = false} : vector<1000x256xf32>, vector<256x256xf32>, vector<1000x256xf32> -> vector<1000x256xf32>
    %get3A_31 = arith.constant 0 : index
    %get3A_32 = arith.constant 0 : index
    %get3A_33 = vector.load %arg7[%get3A_31, %get3A_32] : memref<1x256xf32, #tpu.memory_space<vmem>>, vector<1x256xf32>
    %add3A_34 = vector.broadcast %get3A_33 : vector<1x256xf32> to vector<1000x256xf32>
    %add3A_35 = arith.addf %dot_general3A_30, %add3A_34 : vector<1000x256xf32>
    %get3A_36 = arith.constant 0 : index
    %get3A_37 = arith.constant 0 : index
    %get3A_38 = vector.load %arg8[%get3A_36, %get3A_37] : memref<256x256xf32, #tpu.memory_space<vmem>>, vector<256x256xf32>
    %dot_general3A_39 = arith.constant dense<0.000000e+00> : vector<1000x256xf32>
    %dot_general3A_40 = tpu.matmul %add3A_35, %get3A_38, %dot_general3A_39 {dimension_numbers = #tpu.dot_dimension_numbers<[1], [0], [0], [1], [0, 0, 1, 1], [], []>, transpose_lhs_hint = false} : vector<1000x256xf32>, vector<256x256xf32>, vector<1000x256xf32> -> vector<1000x256xf32>
    %get3A_41 = arith.constant 0 : index
    %get3A_42 = arith.constant 0 : index
    %get3A_43 = vector.load %arg3[%get3A_41, %get3A_42] : memref<1000x256xf32, #tpu.memory_space<vmem>>, vector<1000x256xf32>
    %get3A_44 = arith.constant 0 : index
    %get3A_45 = arith.constant 0 : index
    %get3A_46 = vector.load %arg9[%get3A_44, %get3A_45] : memref<256x256xf32, #tpu.memory_space<vmem>>, vector<256x256xf32>
    %dot_general3A_47 = arith.constant dense<0.000000e+00> : vector<1000x256xf32>
    %dot_general3A_48 = tpu.matmul %get3A_43, %get3A_46, %dot_general3A_47 {dimension_numbers = #tpu.dot_dimension_numbers<[1], [0], [0], [1], [0, 0, 1, 1], [], []>, transpose_lhs_hint = false} : vector<1000x256xf32>, vector<256x256xf32>, vector<1000x256xf32> -> vector<1000x256xf32>
    %add3A_49 = arith.addf %dot_general3A_40, %dot_general3A_48 : vector<1000x256xf32>
    %get3A_50 = arith.constant 0 : index
    %get3A_51 = arith.constant 0 : index
    %get3A_52 = vector.load %arg10[%get3A_50, %get3A_51] : memref<1x256xf32, #tpu.memory_space<vmem>>, vector<1x256xf32>
    %add3A_53 = vector.broadcast %get3A_52 : vector<1x256xf32> to vector<1000x256xf32>
    %add3A_54 = arith.addf %add3A_49, %add3A_53 : vector<1000x256xf32>
    %max3A_55 = arith.constant 0.000000e+00 : f32
    %max3A_56 = vector.broadcast %max3A_55 : f32 to vector<1000x256xf32>
    %max3A_57 = arith.maximumf %add3A_54, %max3A_56 : vector<1000x256xf32>
    %get3A_58 = arith.constant 0 : index
    %get3A_59 = arith.constant 0 : index
    %get3A_60 = vector.load %arg11[%get3A_58, %get3A_59] : memref<256x256xf32, #tpu.memory_space<vmem>>, vector<256x256xf32>
    %dot_general3A_61 = arith.constant dense<0.000000e+00> : vector<1000x256xf32>
    %dot_general3A_62 = tpu.matmul %max3A_57, %get3A_60, %dot_general3A_61 {dimension_numbers = #tpu.dot_dimension_numbers<[1], [0], [0], [1], [0, 0, 1, 1], [], []>, transpose_lhs_hint = false} : vector<1000x256xf32>, vector<256x256xf32>, vector<1000x256xf32> -> vector<1000x256xf32>
    %get3A_63 = arith.constant 0 : index
    %get3A_64 = arith.constant 0 : index
    %get3A_65 = vector.load %arg12[%get3A_63, %get3A_64] : memref<1x256xf32, #tpu.memory_space<vmem>>, vector<1x256xf32>
    %add3A_66 = vector.broadcast %get3A_65 : vector<1x256xf32> to vector<1000x256xf32>
    %add3A_67 = arith.addf %dot_general3A_62, %add3A_66 : vector<1000x256xf32>
    %get3A_68 = arith.constant 0 : index
    %get3A_69 = arith.constant 0 : index
    %get3A_70 = vector.load %arg13[%get3A_68, %get3A_69] : memref<256x256xf32, #tpu.memory_space<vmem>>, vector<256x256xf32>
    %dot_general3A_71 = arith.constant dense<0.000000e+00> : vector<1000x256xf32>
    %dot_general3A_72 = tpu.matmul %add3A_67, %get3A_70, %dot_general3A_71 {dimension_numbers = #tpu.dot_dimension_numbers<[1], [0], [0], [1], [0, 0, 1, 1], [], []>, transpose_lhs_hint = false} : vector<1000x256xf32>, vector<256x256xf32>, vector<1000x256xf32> -> vector<1000x256xf32>
    %get3A_73 = arith.constant 0 : index
    %get3A_74 = arith.constant 0 : index
    %get3A_75 = vector.load %arg14[%get3A_73, %get3A_74] : memref<1x256xf32, #tpu.memory_space<vmem>>, vector<1x256xf32>
    %add3A_76 = vector.broadcast %get3A_75 : vector<1x256xf32> to vector<1000x256xf32>
    %add3A_77 = arith.addf %dot_general3A_72, %add3A_76 : vector<1000x256xf32>
    %max3A_78 = arith.constant 0.000000e+00 : f32
    %max3A_79 = vector.broadcast %max3A_78 : f32 to vector<1000x256xf32>
    %max3A_80 = arith.maximumf %add3A_77, %max3A_79 : vector<1000x256xf32>
    %swap3A = arith.constant 0 : index
    %swap3A_81 = arith.constant 0 : index
    %swap3A_82 = vector.load %arg15[%swap3A, %swap3A_81] : memref<1000x256xf32, #tpu.memory_space<vmem>>, vector<1000x256xf32>
    tpu.vector_store %arg15[%swap3A, %swap3A_81], %max3A_80 {strides = array<i32>} : memref<1000x256xf32, #tpu.memory_space<vmem>>, vector<1000x256xf32>,
    %swap3A_83 = arith.constant 0 : index
    %swap3A_84 = arith.constant 0 : index
    %swap3A_85 = vector.load %arg16[%swap3A_83, %swap3A_84] : memref<1000x256xf32, #tpu.memory_space<vmem>>, vector<1000x256xf32>
    tpu.vector_store %arg16[%swap3A_83, %swap3A_84], %add3A_67 {strides = array<i32>} : memref<1000x256xf32, #tpu.memory_space<vmem>>, vector<1000x256xf32>,
    return
  }
  func.func @transform_0(%arg0: i32) -> (i32, i32, i32) {
    %c0_i32 = arith.constant 0 : i32
    %c0_i32_0 = arith.constant 0 : i32
    %c0_i32_1 = arith.constant 0 : i32
    return %c0_i32, %arg0, %c0_i32_0 : i32, i32, i32
  }
  func.func @transform_1(%arg0: i32) -> (i32, i32, i32) {
    %c1_i32 = arith.constant 1 : i32
    %c0_i32 = arith.constant 0 : i32
    %c0_i32_0 = arith.constant 0 : i32
    return %c1_i32, %arg0, %c0_i32 : i32, i32, i32
  }
  func.func @transform_2(%arg0: i32) -> (i32, i32) {
    %c0_i32 = arith.constant 0 : i32
    %c0_i32_0 = arith.constant 0 : i32
    return %arg0, %c0_i32 : i32, i32
  }
  func.func @transform_3(%arg0: i32) -> (i32, i32) {
    %c0_i32 = arith.constant 0 : i32
    %c0_i32_0 = arith.constant 0 : i32
    %c0_i32_1 = arith.constant 0 : i32
    return %c0_i32, %c0_i32_0 : i32, i32
  }
  func.func @transform_4(%arg0: i32) -> (i32, i32) {
    %c0_i32 = arith.constant 0 : i32
    %c0_i32_0 = arith.constant 0 : i32
    %c0_i32_1 = arith.constant 0 : i32
    return %c0_i32, %c0_i32_0 : i32, i32
  }
  func.func @transform_5(%arg0: i32) -> (i32, i32) {
    %c0_i32 = arith.constant 0 : i32
    %c0_i32_0 = arith.constant 0 : i32
    %c0_i32_1 = arith.constant 0 : i32
    return %c0_i32, %c0_i32_0 : i32, i32
  }
  func.func @transform_6(%arg0: i32) -> (i32, i32) {
    %c0_i32 = arith.constant 0 : i32
    %c0_i32_0 = arith.constant 0 : i32
    %c0_i32_1 = arith.constant 0 : i32
    return %c0_i32, %c0_i32_0 : i32, i32
  }
  func.func @transform_7(%arg0: i32) -> (i32, i32) {
    %c0_i32 = arith.constant 0 : i32
    %c0_i32_0 = arith.constant 0 : i32
    %c0_i32_1 = arith.constant 0 : i32
    return %c0_i32, %c0_i32_0 : i32, i32
  }
  func.func @transform_8(%arg0: i32) -> (i32, i32) {
    %c0_i32 = arith.constant 0 : i32
    %c0_i32_0 = arith.constant 0 : i32
    %c0_i32_1 = arith.constant 0 : i32
    return %c0_i32, %c0_i32_0 : i32, i32
  }
  func.func @transform_9(%arg0: i32) -> (i32, i32) {
    %c0_i32 = arith.constant 0 : i32
    %c0_i32_0 = arith.constant 0 : i32
    %c0_i32_1 = arith.constant 0 : i32
    return %c0_i32, %c0_i32_0 : i32, i32
  }
  func.func @transform_10(%arg0: i32) -> (i32, i32) {
    %c0_i32 = arith.constant 0 : i32
    %c0_i32_0 = arith.constant 0 : i32
    %c0_i32_1 = arith.constant 0 : i32
    return %c0_i32, %c0_i32_0 : i32, i32
  }
  func.func @transform_11(%arg0: i32) -> (i32, i32) {
    %c0_i32 = arith.constant 0 : i32
    %c0_i32_0 = arith.constant 0 : i32
    %c0_i32_1 = arith.constant 0 : i32
    return %c0_i32, %c0_i32_0 : i32, i32
  }
  func.func @transform_12(%arg0: i32) -> (i32, i32) {
    %c0_i32 = arith.constant 0 : i32
    %c0_i32_0 = arith.constant 0 : i32
    %c0_i32_1 = arith.constant 0 : i32
    return %c0_i32, %c0_i32_0 : i32, i32
  }
  func.func @transform_13(%arg0: i32) -> (i32, i32) {
    %c0_i32 = arith.constant 0 : i32
    %c0_i32_0 = arith.constant 0 : i32
    %c0_i32_1 = arith.constant 0 : i32
    return %c0_i32, %c0_i32_0 : i32, i32
  }
  func.func @transform_14(%arg0: i32) -> (i32, i32) {
    %c0_i32 = arith.constant 0 : i32
    %c0_i32_0 = arith.constant 0 : i32
    return %arg0, %c0_i32 : i32, i32
  }
  func.func @transform_15(%arg0: i32) -> (i32, i32) {
    %c0_i32 = arith.constant 0 : i32
    %c0_i32_0 = arith.constant 0 : i32
    return %arg0, %c0_i32 : i32, i32
  }
}

module attributes {stable_mosaic.version = 14 : i64} {
  func.func @_post_body(%arg0: i32, %arg1: memref<1x1000x144xf32, #tpu.memory_space<vmem>>, %arg2: memref<1x1000x144xf32, #tpu.memory_space<vmem>>, %arg3: memref<1000x256xf32, #tpu.memory_space<vmem>>, %arg4: memref<256x256xf32, #tpu.memory_space<vmem>>, %arg5: memref<1x256xf32, #tpu.memory_space<vmem>>, %arg6: memref<256x256xf32, #tpu.memory_space<vmem>>, %arg7: memref<1x256xf32, #tpu.memory_space<vmem>>, %arg8: memref<256x256xf32, #tpu.memory_space<vmem>>, %arg9: memref<256x256xf32, #tpu.memory_space<vmem>>, %arg10: memref<1x256xf32, #tpu.memory_space<vmem>>, %arg11: memref<256x256xf32, #tpu.memory_space<vmem>>, %arg12: memref<1x256xf32, #tpu.memory_space<vmem>>, %arg13: memref<256x256xf32, #tpu.memory_space<vmem>>, %arg14: memref<1x256xf32, #tpu.memory_space<vmem>>, %arg15: memref<1000x256xf32, #tpu.memory_space<vmem>>) attributes {dimension_semantics = [#tpu.dimension_semantics<arbitrary>], iteration_bounds = array<i64: 10>, scalar_prefetch = 0 : i64, scratch_operands = 0 : i64, tpu.core_type = #tpu.core_type<tc>, window_params = [{transform_indices = @transform_0, window_bounds = array<i64: 1, 1000, 144>}, {transform_indices = @transform_1, window_bounds = array<i64: 1, 1000, 144>}, {transform_indices = @transform_2, window_bounds = array<i64: 1000, 256>}, {pipeline_mode = #tpu.pipeline_mode<synchronous>, transform_indices = @transform_3, window_bounds = array<i64: 256, 256>}, {pipeline_mode = #tpu.pipeline_mode<synchronous>, transform_indices = @transform_4, window_bounds = array<i64: 1, 256>}, {pipeline_mode = #tpu.pipeline_mode<synchronous>, transform_indices = @transform_5, window_bounds = array<i64: 256, 256>}, {pipeline_mode = #tpu.pipeline_mode<synchronous>, transform_indices = @transform_6, window_bounds = array<i64: 1, 256>}, {pipeline_mode = #tpu.pipeline_mode<synchronous>, transform_indices = @transform_7, window_bounds = array<i64: 256, 256>}, {pipeline_mode = #tpu.pipeline_mode<synchronous>, transform_indices = @transform_8, window_bounds = array<i64: 256, 256>}, {pipeline_mode = #tpu.pipeline_mode<synchronous>, transform_indices = @transform_9, window_bounds = array<i64: 1, 256>}, {pipeline_mode = #tpu.pipeline_mode<synchronous>, transform_indices = @transform_10, window_bounds = array<i64: 256, 256>}, {pipeline_mode = #tpu.pipeline_mode<synchronous>, transform_indices = @transform_11, window_bounds = array<i64: 1, 256>}, {pipeline_mode = #tpu.pipeline_mode<synchronous>, transform_indices = @transform_12, window_bounds = array<i64: 256, 256>}, {pipeline_mode = #tpu.pipeline_mode<synchronous>, transform_indices = @transform_13, window_bounds = array<i64: 1, 256>}, {transform_indices = @transform_14, window_bounds = array<i64: 1000, 256>}]} {
    %get3A = arith.constant 0 : index
    %get3A_0 = arith.constant 0 : index
    %get3A_1 = arith.constant 0 : index
    %get3A_2 = vector.load %arg1[%get3A, %get3A_0, %get3A_1] : memref<1x1000x144xf32, #tpu.memory_space<vmem>>, vector<1x1000x144xf32>
    %get3A_3 = vector.shape_cast %get3A_2 : vector<1x1000x144xf32> to vector<1000x144xf32>
    %get3A_4 = arith.constant 0 : index
    %get3A_5 = arith.constant 0 : index
    %get3A_6 = arith.constant 0 : index
    %get3A_7 = vector.load %arg2[%get3A_4, %get3A_5, %get3A_6] : memref<1x1000x144xf32, #tpu.memory_space<vmem>>, vector<1x1000x144xf32>
    %get3A_8 = vector.shape_cast %get3A_7 : vector<1x1000x144xf32> to vector<1000x144xf32>
    %get3A_9 = arith.constant 0 : index
    %get3A_10 = arith.constant 0 : index
    %get3A_11 = vector.load %arg4[%get3A_9, %get3A_10] : memref<256x256xf32, #tpu.memory_space<vmem>>, vector<256x256xf32>
    %slice3A = vector.extract_strided_slice %get3A_11 {offsets = [0, 0], sizes = [144, 256], strides = [1, 1]} : vector<256x256xf32> to vector<144x256xf32>
    %dot_general3A = arith.constant dense<0.000000e+00> : vector<1000x256xf32>
    %dot_general3A_12 = tpu.matmul %get3A_3, %slice3A, %dot_general3A {dimension_numbers = #tpu.dot_dimension_numbers<[1], [0], [0], [1], [0, 0, 1, 1], [], []>, transpose_lhs_hint = false} : vector<1000x144xf32>, vector<144x256xf32>, vector<1000x256xf32> -> vector<1000x256xf32>
    %slice3A_13 = vector.extract_strided_slice %get3A_8 {offsets = [0, 0], sizes = [1000, 112], strides = [1, 1]} : vector<1000x144xf32> to vector<1000x112xf32>
    %slice3A_14 = vector.extract_strided_slice %get3A_11 {offsets = [144, 0], sizes = [112, 256], strides = [1, 1]} : vector<256x256xf32> to vector<112x256xf32>
    %dot_general3A_15 = arith.constant dense<0.000000e+00> : vector<1000x256xf32>
    %dot_general3A_16 = tpu.matmul %slice3A_13, %slice3A_14, %dot_general3A_15 {dimension_numbers = #tpu.dot_dimension_numbers<[1], [0], [0], [1], [0, 0, 1, 1], [], []>, transpose_lhs_hint = false} : vector<1000x112xf32>, vector<112x256xf32>, vector<1000x256xf32> -> vector<1000x256xf32>
    %add3A = arith.addf %dot_general3A_12, %dot_general3A_16 : vector<1000x256xf32>
    %slice3A_17 = vector.extract_strided_slice %get3A_8 {offsets = [0, 112], sizes = [1000, 1], strides = [1, 1]} : vector<1000x144xf32> to vector<1000x1xf32>
    %get3A_18 = arith.constant 0 : index
    %get3A_19 = arith.constant 0 : index
    %get3A_20 = vector.load %arg5[%get3A_18, %get3A_19] : memref<1x256xf32, #tpu.memory_space<vmem>>, vector<1x256xf32>
    %mul3A = vector.broadcast %slice3A_17 : vector<1000x1xf32> to vector<1000x256xf32>
    %mul3A_21 = vector.broadcast %get3A_20 : vector<1x256xf32> to vector<1000x256xf32>
    %mul3A_22 = arith.mulf %mul3A, %mul3A_21 : vector<1000x256xf32>
    %add3A_23 = arith.addf %add3A, %mul3A_22 : vector<1000x256xf32>
    %max3A = arith.constant 0.000000e+00 : f32
    %max3A_24 = vector.broadcast %max3A : f32 to vector<1000x256xf32>
    %max3A_25 = arith.maximumf %add3A_23, %max3A_24 : vector<1000x256xf32>
    %get3A_26 = arith.constant 0 : index
    %get3A_27 = arith.constant 0 : index
    %get3A_28 = vector.load %arg6[%get3A_26, %get3A_27] : memref<256x256xf32, #tpu.memory_space<vmem>>, vector<256x256xf32>
    %dot_general3A_29 = arith.constant dense<0.000000e+00> : vector<1000x256xf32>
    %dot_general3A_30 = tpu.matmul %max3A_25, %get3A_28, %dot_general3A_29 {dimension_numbers = #tpu.dot_dimension_numbers<[1], [0], [0], [1], [0, 0, 1, 1], [], []>, transpose_lhs_hint = false} : vector<1000x256xf32>, vector<256x256xf32>, vector<1000x256xf32> -> vector<1000x256xf32>
    %get3A_31 = arith.constant 0 : index
    %get3A_32 = arith.constant 0 : index
    %get3A_33 = vector.load %arg7[%get3A_31, %get3A_32] : memref<1x256xf32, #tpu.memory_space<vmem>>, vector<1x256xf32>
    %add3A_34 = vector.broadcast %get3A_33 : vector<1x256xf32> to vector<1000x256xf32>
    %add3A_35 = arith.addf %dot_general3A_30, %add3A_34 : vector<1000x256xf32>
    %get3A_36 = arith.constant 0 : index
    %get3A_37 = arith.constant 0 : index
    %get3A_38 = vector.load %arg8[%get3A_36, %get3A_37] : memref<256x256xf32, #tpu.memory_space<vmem>>, vector<256x256xf32>
    %dot_general3A_39 = arith.constant dense<0.000000e+00> : vector<1000x256xf32>
    %dot_general3A_40 = tpu.matmul %add3A_35, %get3A_38, %dot_general3A_39 {dimension_numbers = #tpu.dot_dimension_numbers<[1], [0], [0], [1], [0, 0, 1, 1], [], []>, transpose_lhs_hint = false} : vector<1000x256xf32>, vector<256x256xf32>, vector<1000x256xf32> -> vector<1000x256xf32>
    %get3A_41 = arith.constant 0 : index
    %get3A_42 = arith.constant 0 : index
    %get3A_43 = vector.load %arg3[%get3A_41, %get3A_42] : memref<1000x256xf32, #tpu.memory_space<vmem>>, vector<1000x256xf32>
    %get3A_44 = arith.constant 0 : index
    %get3A_45 = arith.constant 0 : index
    %get3A_46 = vector.load %arg9[%get3A_44, %get3A_45] : memref<256x256xf32, #tpu.memory_space<vmem>>, vector<256x256xf32>
    %dot_general3A_47 = arith.constant dense<0.000000e+00> : vector<1000x256xf32>
    %dot_general3A_48 = tpu.matmul %get3A_43, %get3A_46, %dot_general3A_47 {dimension_numbers = #tpu.dot_dimension_numbers<[1], [0], [0], [1], [0, 0, 1, 1], [], []>, transpose_lhs_hint = false} : vector<1000x256xf32>, vector<256x256xf32>, vector<1000x256xf32> -> vector<1000x256xf32>
    %add3A_49 = arith.addf %dot_general3A_40, %dot_general3A_48 : vector<1000x256xf32>
    %get3A_50 = arith.constant 0 : index
    %get3A_51 = arith.constant 0 : index
    %get3A_52 = vector.load %arg10[%get3A_50, %get3A_51] : memref<1x256xf32, #tpu.memory_space<vmem>>, vector<1x256xf32>
    %add3A_53 = vector.broadcast %get3A_52 : vector<1x256xf32> to vector<1000x256xf32>
    %add3A_54 = arith.addf %add3A_49, %add3A_53 : vector<1000x256xf32>
    %max3A_55 = arith.constant 0.000000e+00 : f32
    %max3A_56 = vector.broadcast %max3A_55 : f32 to vector<1000x256xf32>
    %max3A_57 = arith.maximumf %add3A_54, %max3A_56 : vector<1000x256xf32>
    %get3A_58 = arith.constant 0 : index
    %get3A_59 = arith.constant 0 : index
    %get3A_60 = vector.load %arg11[%get3A_58, %get3A_59] : memref<256x256xf32, #tpu.memory_space<vmem>>, vector<256x256xf32>
    %dot_general3A_61 = arith.constant dense<0.000000e+00> : vector<1000x256xf32>
    %dot_general3A_62 = tpu.matmul %max3A_57, %get3A_60, %dot_general3A_61 {dimension_numbers = #tpu.dot_dimension_numbers<[1], [0], [0], [1], [0, 0, 1, 1], [], []>, transpose_lhs_hint = false} : vector<1000x256xf32>, vector<256x256xf32>, vector<1000x256xf32> -> vector<1000x256xf32>
    %get3A_63 = arith.constant 0 : index
    %get3A_64 = arith.constant 0 : index
    %get3A_65 = vector.load %arg12[%get3A_63, %get3A_64] : memref<1x256xf32, #tpu.memory_space<vmem>>, vector<1x256xf32>
    %add3A_66 = vector.broadcast %get3A_65 : vector<1x256xf32> to vector<1000x256xf32>
    %add3A_67 = arith.addf %dot_general3A_62, %add3A_66 : vector<1000x256xf32>
    %get3A_68 = arith.constant 0 : index
    %get3A_69 = arith.constant 0 : index
    %get3A_70 = vector.load %arg13[%get3A_68, %get3A_69] : memref<256x256xf32, #tpu.memory_space<vmem>>, vector<256x256xf32>
    %dot_general3A_71 = arith.constant dense<0.000000e+00> : vector<1000x256xf32>
    %dot_general3A_72 = tpu.matmul %add3A_67, %get3A_70, %dot_general3A_71 {dimension_numbers = #tpu.dot_dimension_numbers<[1], [0], [0], [1], [0, 0, 1, 1], [], []>, transpose_lhs_hint = false} : vector<1000x256xf32>, vector<256x256xf32>, vector<1000x256xf32> -> vector<1000x256xf32>
    %get3A_73 = arith.constant 0 : index
    %get3A_74 = arith.constant 0 : index
    %get3A_75 = vector.load %arg14[%get3A_73, %get3A_74] : memref<1x256xf32, #tpu.memory_space<vmem>>, vector<1x256xf32>
    %add3A_76 = vector.broadcast %get3A_75 : vector<1x256xf32> to vector<1000x256xf32>
    %add3A_77 = arith.addf %dot_general3A_72, %add3A_76 : vector<1000x256xf32>
    %max3A_78 = arith.constant 0.000000e+00 : f32
    %max3A_79 = vector.broadcast %max3A_78 : f32 to vector<1000x256xf32>
    %max3A_80 = arith.maximumf %add3A_77, %max3A_79 : vector<1000x256xf32>
    %swap3A = arith.constant 0 : index
    %swap3A_81 = arith.constant 0 : index
    %swap3A_82 = vector.load %arg15[%swap3A, %swap3A_81] : memref<1000x256xf32, #tpu.memory_space<vmem>>, vector<1000x256xf32>
    tpu.vector_store %arg15[%swap3A, %swap3A_81], %max3A_80 {strides = array<i32>} : memref<1000x256xf32, #tpu.memory_space<vmem>>, vector<1000x256xf32>,
    return
  }
  func.func @transform_0(%arg0: i32) -> (i32, i32, i32) {
    %c0_i32 = arith.constant 0 : i32
    %c0_i32_0 = arith.constant 0 : i32
    %c0_i32_1 = arith.constant 0 : i32
    return %c0_i32, %arg0, %c0_i32_0 : i32, i32, i32
  }
  func.func @transform_1(%arg0: i32) -> (i32, i32, i32) {
    %c1_i32 = arith.constant 1 : i32
    %c0_i32 = arith.constant 0 : i32
    %c0_i32_0 = arith.constant 0 : i32
    return %c1_i32, %arg0, %c0_i32 : i32, i32, i32
  }
  func.func @transform_2(%arg0: i32) -> (i32, i32) {
    %c0_i32 = arith.constant 0 : i32
    %c0_i32_0 = arith.constant 0 : i32
    return %arg0, %c0_i32 : i32, i32
  }
  func.func @transform_3(%arg0: i32) -> (i32, i32) {
    %c0_i32 = arith.constant 0 : i32
    %c0_i32_0 = arith.constant 0 : i32
    %c0_i32_1 = arith.constant 0 : i32
    return %c0_i32, %c0_i32_0 : i32, i32
  }
  func.func @transform_4(%arg0: i32) -> (i32, i32) {
    %c0_i32 = arith.constant 0 : i32
    %c0_i32_0 = arith.constant 0 : i32
    %c0_i32_1 = arith.constant 0 : i32
    return %c0_i32, %c0_i32_0 : i32, i32
  }
  func.func @transform_5(%arg0: i32) -> (i32, i32) {
    %c0_i32 = arith.constant 0 : i32
    %c0_i32_0 = arith.constant 0 : i32
    %c0_i32_1 = arith.constant 0 : i32
    return %c0_i32, %c0_i32_0 : i32, i32
  }
  func.func @transform_6(%arg0: i32) -> (i32, i32) {
    %c0_i32 = arith.constant 0 : i32
    %c0_i32_0 = arith.constant 0 : i32
    %c0_i32_1 = arith.constant 0 : i32
    return %c0_i32, %c0_i32_0 : i32, i32
  }
  func.func @transform_7(%arg0: i32) -> (i32, i32) {
    %c0_i32 = arith.constant 0 : i32
    %c0_i32_0 = arith.constant 0 : i32
    %c0_i32_1 = arith.constant 0 : i32
    return %c0_i32, %c0_i32_0 : i32, i32
  }
  func.func @transform_8(%arg0: i32) -> (i32, i32) {
    %c0_i32 = arith.constant 0 : i32
    %c0_i32_0 = arith.constant 0 : i32
    %c0_i32_1 = arith.constant 0 : i32
    return %c0_i32, %c0_i32_0 : i32, i32
  }
  func.func @transform_9(%arg0: i32) -> (i32, i32) {
    %c0_i32 = arith.constant 0 : i32
    %c0_i32_0 = arith.constant 0 : i32
    %c0_i32_1 = arith.constant 0 : i32
    return %c0_i32, %c0_i32_0 : i32, i32
  }
  func.func @transform_10(%arg0: i32) -> (i32, i32) {
    %c0_i32 = arith.constant 0 : i32
    %c0_i32_0 = arith.constant 0 : i32
    %c0_i32_1 = arith.constant 0 : i32
    return %c0_i32, %c0_i32_0 : i32, i32
  }
  func.func @transform_11(%arg0: i32) -> (i32, i32) {
    %c0_i32 = arith.constant 0 : i32
    %c0_i32_0 = arith.constant 0 : i32
    %c0_i32_1 = arith.constant 0 : i32
    return %c0_i32, %c0_i32_0 : i32, i32
  }
  func.func @transform_12(%arg0: i32) -> (i32, i32) {
    %c0_i32 = arith.constant 0 : i32
    %c0_i32_0 = arith.constant 0 : i32
    %c0_i32_1 = arith.constant 0 : i32
    return %c0_i32, %c0_i32_0 : i32, i32
  }
  func.func @transform_13(%arg0: i32) -> (i32, i32) {
    %c0_i32 = arith.constant 0 : i32
    %c0_i32_0 = arith.constant 0 : i32
    %c0_i32_1 = arith.constant 0 : i32
    return %c0_i32, %c0_i32_0 : i32, i32
  }
  func.func @transform_14(%arg0: i32) -> (i32, i32) {
    %c0_i32 = arith.constant 0 : i32
    %c0_i32_0 = arith.constant 0 : i32
    return %arg0, %c0_i32 : i32, i32
  }
}

</mosaic_0001>

<sc_bundles>
// kernel: kernel.12.cloned.1.call-start
scs
__scs_entry_jumppad:
0x0: {  	(pc) =	sbr.rel $0x88, $3  }
0x1: {  	(tag) =	ssettag $0x0;
	lr =	simm.s32 $0x1  }
0x2: {  	[smem:$0x3F77] =	sst lr;
	_ =	strace $0xD0000000  }
0x3: {  	_ = 	snop  }
0x4: {  	_ = 	snop  }
0x5: {  	_ = 	snop  }
0x6: {  	_ = 	snop  }
0x7: {  	_ = 	snop  }
__scs_overlays_trampoline_lowered:
0x8: {  	[smem:$0x3F86] =	sst s0  }
0x9: {  	[smem:$0x3F87] =	sst s1  }
0xa: {  	[smem:$0x3F88] =	sst s2  }
0xb: {  	[smem:$0x3F89] =	sst s3  }
0xc: {  	[smem:$0x3F8A] =	sst s4  }
0xd: {  	[smem:$0x3F8B] =	sst s5  }
0xe: {  	[smem:$0x3F8C] =	sst s6  }
0xf: {  	[smem:$0x3F8D] =	sst s7  }
0x10: {  	[smem:$0x3F8E] =	sst s8  }
0x11: {  	[smem:$0x3F8F] =	sst s9;
	s0 =	simm.s32 @!p0 $0x0  }
0x12: {  	s1 =	sld [smem:$0x3F75];
	s0 =	simm.s32 @p0 $0x1  }
0x13: {  	[smem:$0x3F90] =	sst s0;
	s0 =	simm.s32 @!p1 $0x0  }
0x14: {  	s2 =	sld [smem:$0x3F74];
	s0 =	simm.s32 @p1 $0x1  }
0x15: {  	[smem:$0x3F91] =	sst s0;
	s0 =	simm.s32 @!p2 $0x0  }
0x16: {  	s3 =	sld [smem:$0x3FDB];
	s0 =	simm.s32 @p2 $0x1  }
0x17: {  	s4 =	simm.s32 $0x1BF5;
	[smem:$0x3F93] =	sst s0  }
0x18: {  	s0 =	sld [smem:$0x3F76];
	_ =	swait.ge [sflag:s4], $0x0  }
0x19: {  	s7 =	sld [smem:$0x3F77]  }
0x1a: {  	s8 =	sadd.s32 $0xFFFFE003, lr  }
0x1b: {  	s9 =	sadd.s32 $0xFFFFFEF7, lr;
	s5 =	simm.s32 $0xFFFFFFFF;
	p2 =	slt.u32 s8, $0xFFFFF086  }
0x1c: {  	p1 =	slt.u32 s9, $0xF7A;
	s5 =	simm.s32 @!p2 $0x0  }
0x1d: {  	s5 =	simm.s32 @p1 $0x1;
	p0 =	seq.s32 s7, s2  }
0x1e: {  	s7 =	smul.u32 @!p0 $0xF7A, s2;
	p2 =	seq.s32 @!p0 s5, $0x0  }
0x1f: {  	s9 =	smul.u32 $0xF7A, s1;
	s8 =	simm.s32 @!p0 $0x1BF5;
	p2 =	por !p2, p0  }
0x20: {  	[sflag:s8] =	ssyncset.s32 @!p0 $0xFFFFF086;
	s6 =	sadd.s32 @!p0 s3, s7;
	s7 =	simm.s32 @!p0 $0x108  }
0x21: {  	s3 =	sadd.s32 s3, s9;
	s6 =	sadd.s32 @!p0 $0x88, s6;
	s7 =	simm.s32 @p2 $0x1082  }
0x22: {  	[simem:s7], [sflag:s8] =	dma.local @!p0 [hbm:s6], $0xF7A  }
0x23: {  	s9 =	sor.u32 $0xD0000000, s2;
	s6 =	simm.s32 $0x108;
	_ =	swait.ge @!p0 [sflag:s8], $0x0  }
0x24: {  	s3 =	sadd.s32 $0x88, s3;
	s6 =	simm.s32 @!p1 $0x1082;
	[sflag:s4] =	ssyncset.s32 $0xFFFFF086  }
0x25: {  	[simem:s6], [sflag:s4] =	dma.local [hbm:s3], $0xF7A  }
0x26: {  	[smem:$0x3F77] =	sst s1;
	(tag) =	ssettag s2;
	_ =	strace s9  }
0x27: {  	s1 =	sld [smem:$0x3F87]  }
0x28: {  	s2 =	sld [smem:$0x3F88]  }
0x29: {  	s4 =	sld [smem:$0x3F8A]  }
0x2a: {  	p0 =	seq.s32 s5, $0x0;
	s5 =	sld [smem:$0x3F8B]  }
0x2b: {  	s6 =	sld [smem:$0x3F8C]  }
0x2c: {  	s7 =	sld [smem:$0x3F8D]  }
0x2d: {  	s3 =	simm.s32 $0x108;
	s8 =	sld [smem:$0x3F8E]  }
0x2e: {  	s3 =	simm.s32 @!p0 $0x1082;
	s9 =	sld [smem:$0x3F8F]  }
0x2f: {  	lr =	sadd.s32 s0, s3;
	s0 =	sld [smem:$0x3F86]  }
0x30: {  	s3 =	sld [smem:$0x3F89]  }
0x31: {  	[smem:$0x3F92] =	sst s10  }
0x32: {  	s10 =	sld [smem:$0x3F90];
	_ =	sdelay $0x3  }
0x33: {  	p0 =	seq.s32 s10, $0x1;
	s10 =	sld [smem:$0x3F92];
	_ =	sdelay $0x3  }
0x34: {  	[smem:$0x3F92] =	sst s10  }
0x35: {  	s10 =	sld [smem:$0x3F91];
	_ =	sdelay $0x3  }
0x36: {  	p1 =	seq.s32 s10, $0x1;
	s10 =	sld [smem:$0x3F92];
	_ =	sdelay $0x3  }
0x37: {  	[smem:$0x3F92] =	sst s10  }
0x38: {  	s10 =	sld [smem:$0x3F93]  }
0x39: {  	_ = 	snop;
	(pc) =	sbr.ind lr, $3  }
0x3a: {  	_ = 	snop  }
0x3b: {  	_ = 	snop  }
0x3c: {  	p2 =	seq.s32 s10, $0x1;
	s10 =	sld [smem:$0x3F92]  }
0x3d: {  	_ =	shalt  }
0x3e: {  	_ =	shalt  }
0x3f: {  	_ =	shalt  }
0x40: {  	_ =	shalt  }
0x41: {  	_ =	shalt  }
0x42: {  	_ =	shalt  }
0x43: {  	_ =	shalt  }
0x44: {  	_ =	shalt  }
0x45: {  	_ =	shalt  }
0x46: {  	_ =	shalt  }
0x47: {  	_ =	shalt  }
0x48: {  	_ =	shalt  }
0x49: {  	_ =	shalt  }
0x4a: {  	_ =	shalt  }
0x4b: {  	_ =	shalt  }
0x4c: {  	_ =	shalt  }
0x4d: {  	_ =	shalt  }
0x4e: {  	_ =	shalt  }
0x4f: {  	_ =	shalt  }
0x50: {  	_ =	shalt  }
0x51: {  	_ =	shalt  }
0x52: {  	_ =	shalt  }
0x53: {  	_ =	shalt  }
0x54: {  	_ =	shalt  }
0x55: {  	_ =	shalt  }
0x56: {  	_ =	shalt  }
0x57: {  	_ =	shalt  }
0x58: {  	_ =	shalt  }
0x59: {  	_ =	shalt  }
0x5a: {  	_ =	shalt  }
0x5b: {  	_ =	shalt  }
0x5c: {  	_ =	shalt  }
0x5d: {  	_ =	shalt  }
0x5e: {  	_ =	shalt  }
0x5f: {  	_ =	shalt  }
0x60: {  	_ =	shalt  }
0x61: {  	_ =	shalt  }
0x62: {  	_ =	shalt  }
0x63: {  	_ =	shalt  }
0x64: {  	_ =	shalt  }
0x65: {  	_ =	shalt  }
0x66: {  	_ =	shalt  }
0x67: {  	_ =	shalt  }
0x68: {  	_ =	shalt  }
0x69: {  	_ =	shalt  }
0x6a: {  	_ =	shalt  }
0x6b: {  	_ =	shalt  }
0x6c: {  	_ =	shalt  }
0x6d: {  	_ =	shalt  }
0x6e: {  	_ =	shalt  }
0x6f: {  	_ =	shalt  }
0x70: {  	_ =	shalt  }
0x71: {  	_ =	shalt  }
0x72: {  	_ =	shalt  }
0x73: {  	_ =	shalt  }
0x74: {  	_ =	shalt  }
0x75: {  	_ =	shalt  }
0x76: {  	_ =	shalt  }
0x77: {  	_ =	shalt  }
0x78: {  	_ =	shalt  }
0x79: {  	_ =	shalt  }
0x7a: {  	_ =	shalt  }
0x7b: {  	_ =	shalt  }
0x7c: {  	_ =	shalt  }
0x7d: {  	_ =	shalt  }
0x7e: {  	_ =	shalt  }
0x7f: {  	_ =	shalt  }
0x80: {  	_ =	shalt  }
0x81: {  	_ =	shalt  }
0x82: {  	_ =	shalt  }
0x83: {  	_ =	shalt  }
0x84: {  	_ =	shalt  }
0x85: {  	_ =	shalt  }
0x86: {  	_ =	shalt  }
0x87: {  	_ =	shalt  }
.Lfunc_end0:
.L_simem_size_0:
called_computation_lowered:
.L_overlay_start_0:
0x88: {  	s2 =	sld [smem:$0x3FD9]  }
0x89: {  	s3 =	sld [smem:$0x3FFE];
	_ =	sdelay $0x1  }
0x8a: {  	s1 =	srdreg.scid  }
0x8b: {  	s0 =	sand.u32 $0x1, s1  }
0x8c: {  	s14 =	sshll.u32 s0, $0xA;
	s2 =	sadd.s32 s3, s2  }
0x8d: {  	s2 =	sadd.s32 s2, s14  }
0x8e: {  	[smem:$0x3F9E] =	sst s2  }
0x8f: {  	_ = 	snop  }
0x90: {  	s2 =	sld [smem:$0x3FD0];
	_ =	sdelay $0x2  }
0x91: {  	s15 =	simm.s32 $0xA;
	s4 =	simm.s32 $0x10  }
0x92: {  	[smem:s4], [sflag:s15] =	dma.local [hbm:s2], $0x1  }
0x93: {  	_ =	swait.eq [sflag:s15], $0x1  }
0x94: {  	[sflag:s15] =	ssyncset.done $0x0  }
0x95: {  	[sflag:s15] =	ssyncadd.s32 $0xFFFFFFFF  }
0x96: {  	s16 =	sld [smem:$0x11];
	(tm) =	ssettm $0x1  }
0x97: {  	s17 =	sld [smem:$0x3FFB];
	_ =	sdelay $0x3  }
0x98: {  	_ =	strace s17  }
0x99: {  	s3 =	sld [smem:$0x3FFC];
	_ =	sdelay $0x3  }
0x9a: {  	_ =	strace s3  }
0x9b: {  	s3 =	sld [smem:$0x3FFD];
	_ =	sdelay $0x3  }
0x9c: {  	_ =	strace s3  }
0x9d: {  	_ =	strace $0x8FFFFFFF  }
0x9e: {  	s18 =	sld [smem:$0x3FDB];
	_ =	sdelay $0x1  }
0x9f: {  	s19 =	simm.s32 $_scs_section_size  }
0xa0: {  	s5 =	simm.s32 $_size__tile_overlayer_lowered;
	s6 =	simm.s32 $_tile_overlayer_lowered  }
0xa1: {  	s22 =	simm.s32 $0x1BFF;
	s21 =	sshll.u32 s6, $0x1;
	s3 =	sadd.s32 s19, s18  }
0xa2: {  	s7 =	simm.s32 $0x0;
	s20 =	sshll.u32 s5, $0x1;
	s5 =	sadd.s32 s21, s3  }
0xa3: {  	[timem:s7], [sflag:s22] =	dma.local [hbm:s5], s20  }
0xa4: {  	_ =	swait.ge [sflag:s22], s20  }
0xa5: {  	s4 =	ssub.s32 $0x0, s20;
	[sflag:s22] =	ssyncset.done $0x0  }
0xa6: {  	[sflag:s22] =	ssyncadd.s32 s4;
	_ =	sdelay $0x1  }
0xa7: {  	s23 =	simm.s32 $0x1B8B  }
0xa8: {  	_ =	swait.ge [sflag:s23], $0x1  }
0xa9: {  	[sflag:s23] =	ssyncset.done $0x0  }
0xaa: {  	s25 =	simm.s32 $0x1B8E;
	s24 =	sld [smem:$0x3FFE];
	[sflag:s23] =	ssyncadd.s32 $0xFFFFFFFF  }
0xab: {  	s26 =	simm.s32 $execute0_lowered;
	[smem:$0x3FD2] =	sst s25  }
0xac: {  	s5 =	sshll.u32 s26, $0x1;
	_ =	strace $0x80000046;
	[dreg:$0x1] =	wrdreg $0xFFFFFFFF  }
0xad: {  	s28 =	simm.s32 $_size_execute0_lowered;
	s3 =	sadd.s32 s3, s5;
	[dreg:$0x0] =	wrdreg $0x0  }
0xae: {  	s5 =	sshll.u32 s28, $0x1;
	[dreg:$0x2] =	wrdreg s3  }
0xaf: {  	[dreg:$0x3] =	wrdreg s5  }
0xb0: {  	[dreg:$0x4] =	wrdreg $0xC0  }
0xb1: {  	_ =	task [dreg:s7], $0x5FFFF  }
0xb2: {  	[dreg:$0x1] =	wrdreg $0xFFFFFFFF  }
0xb3: {  	[dreg:$0x0] =	wrdreg $0x60  }
0xb4: {  	[dreg:$0x2] =	wrdreg s24  }
0xb5: {  	[dreg:$0x3] =	wrdreg s16  }
0xb6: {  	[dreg:$0x4] =	wrdreg $0x73B00  }
0xb7: {  	[dreg:$0x5] =	wrdreg $0x9  }
0xb8: {  	_ =	task.clear_ibuf [dreg:s7], $0x6FFFF;
	_ =	strace $0x90000046  }
0xb9: {  	s29 =	simm.s32 $0x9;
	_ =	strace $0x80000048  }
0xba: {  	_ =	swait.ge [sflag:s29], $0x1  }
0xbb: {  	[sflag:s29] =	ssyncadd.s32 $0xFFFFFFFF  }
0xbc: {  	_ =	strace $0x90000048  }
0xbd: {  	_ =	sfence  }
0xbe: {  	s30 =	sld [smem:$0x0];
	_ =	sdelay $0x2  }
0xbf: {  	s31 =	sshll.u32 s1, $0xD;
	s1 =	sshrl.u32 s1, $0x2  }
0xc0: {  	s3 =	sand.u32 $0x4000, s31;
	s1 =	sadd.s32 s1, s30  }
0xc1: {  	s0 =	sor.u32 s3, s0;
	s1 =	sshll.u32 s1, $0x11  }
0xc2: {  	s0 =	sor.u32 s1, s0  }
0xc3: {  	s0 =	sadd.s32 $0x8F2B, s0  }
0xc4: {  	[sflag:s0] =	ssyncadd.remote.s32 $0x1  }
0xc5: {  	_ =	sfence.sel $0xFFFF  }
0xc6: {  	[dreg:$0x0] =	wrdreg $0xFFFFFFFF;
	(pc) =	sbr.abs _section_cstart, $3  }
0xc7: {  	[dreg:$0x1] =	wrdreg $0xFFFFFFFF  }
0xc8: {  	_ =	task.clear_ibuf [dreg:s7], $0x2FFFF;
	_ =	strace $0x9FFFFFFF  }
0xc9: {  	(tm) =	ssettm $0x7FFFFFFF  }
tec
execute0_lowered:
.L_overlay_start_1:
0x0: {  	(tag) =	ssettag $0x1  }
0x1: {  	s0 =	rddreg [dreg:$0x0]  }
0x2: {  	s1 =	rddreg [dreg:$0x1]  }
0x3: {  	s2 =	rddreg [dreg:$0x2];
	s4 =	srdreg.scid  }
0x4: {  	s15 =	stileid.u32;
	s3 =	simm.s32 $0x0;
	s30 =	simm.s32 $0x7  }
0x5: {  	s31 =	simm.s32 $0x720;
	s9 =	sand.u32 $0x1, s4;
	s10 =	smul.u32 $0x16800, s15  }
0x6: {  	[smem:$0x7FF] =	sst s3;
	s4 =	sadd.s32 $0x140200, s0;
	s12 =	smul.u32 $0x5A000, s15  }
0x7: {  	s5 =	sadd.s32 $0x234600, s0;
	s6 =	sadd.s32 $0x5C200, s0;
	s14 =	smul.u32 $0x12, s9  }
0x8: {  	s7 =	smul.u32 $0x168000, s9;
	_ =	strace $0x80000047;
	s26 =	ssub.s32 $0x2, s9  }
0x9: {  	s21 =	smul.u32 $0x2710, s9;
	s12 =	sshrl.u32 s12, $0x2;
	s1 =	sadd.s32 s1, s14  }
0xa: {  	s29 =	sadd.s32 s12, s2;
	s12 =	sadd.s32 s10, s2;
	[dreg:$0x4] =	wrdreg s1  }
0xb: {  	s8 =	sadd.s32 s10, s7;
	s10 =	sadd.s32 $0x1B00, s29;
	[dreg:$0x5] =	wrdreg s12  }
0xc: {  	s9 =	simm.s32 $0x30;
	s14 =	sadd.s32 $0x5100, s29;
	[dreg:$0x6] =	wrdreg s10  }
0xd: {  	s13 =	sshrl.u32 s26, $0x1;
	s16 =	sadd.s32 $0x6C00, s29;
	[dreg:$0x8] =	wrdreg s14  }
0xe: {  	s7 =	sadd.s32 $0x57200, s0;
	s17 =	sadd.s32 $0x8700, s29;
	[dreg:$0x9] =	wrdreg s16  }
0xf: {  	v0 =	vmov s21;
	s21 =	simm.s32 $0x2;
	s18 =	sadd.s32 $0xA200, s29;
	[dreg:$0xa] =	wrdreg s17  }
0x10: {  	s11 =	sshrl.u32 s8, $0x3;
	s19 =	sadd.s32 $0xBD00, s29;
	[dreg:$0xb] =	wrdreg s18  }
0x11: {  	s8 =	sadd.s32 $0x7A00, s0;
	s20 =	sadd.s32 $0xD800, s29;
	[dreg:$0xc] =	wrdreg s19  }
0x12: {  	s22 =	sadd.s32 $0xF300, s29;
	s23 =	sadd.s32 $0x10E00, s29;
	[dreg:$0xd] =	wrdreg s20  }
0x13: {  	s24 =	sadd.s32 $0x12900, s29;
	s25 =	sadd.s32 $0x14400, s29;
	[dreg:$0xe] =	wrdreg s22  }
0x14: {  	s1 =	simm.s32 $0x5;
	s0 =	sadd.s32 s11, s0;
	[dreg:$0xf] =	wrdreg s23  }
0x15: {  	s11 =	ssub.s32 s26, s13;
	s13 =	sadd.s32 $0x3600, s29;
	[dreg:$0x10] =	wrdreg s24  }
0x16: {  	[dreg:$0x11] =	wrdreg s25;
	s23 =	smul.u32 $0x27C0, s15;
	s26 =	sadd.s32 $0x15F00, s29  }
0x17: {  	s14 =	simm.s32 $0x420;
	s15 =	simm.s32 $0x6;
	s16 =	simm.s32 $0x2220  }
0x18: {  	s17 =	simm.s32 $0xF0;
	s18 =	simm.s32 $0x5820;
	s19 =	simm.s32 $0x1  }
0x19: {  	s20 =	simm.s32 $0x3;
	s22 =	simm.s32 $0x4;
	[dreg:$0x7] =	wrdreg s13  }
0x1a: {  	[dreg:$0x12] =	wrdreg s26;
	s0 =	sadd.s32 $0x198200, s0;
	s29 =	smax.u32 s11, $0x1  }
0x1b: {  	s13 =	simm.s32 $0x90;
	s11 =	simm.s32 $0x0;
	[dreg:$0x13] =	wrdreg s0  }
0x1c: {  	v1 =	vimm.f32 $0.0e+00;
	[dreg:$0x14] =	wrdreg s29;
	s28 =	sor.u32 $0x30, s23;
	s0 =	simm.s32 $0x60  }
.LBB2_1:
0x1d: {  	[dreg:$0x15] =	wrdreg s11  }
0x1e: {  	s10 =	rddreg [dreg:$0x4];
	s29 =	simm.s32 $0x7320  }
0x1f: {  	[tilespmem:s29], [sflag:$0x7] =	stream.linear.gather [hbm4b:s10+s3], $0x90, $0x38;
	[tilespmem:$0x1DBB0] =	vst v63  }
0x20: {  	_ =	swait.ge [sflag:s30], $0x90  }
0x21: {  	[sflag:s30] =	ssyncset.done $0x0  }
0x22: {  	s11 =	simm.s32 $0x240;
	s10 =	simm.s32 $0x0;
	[sflag:s30] =	ssyncadd.s32 $0xFFFFFF70  }
.LBB2_2:
0x23: {  	p0 =	sne.s32 s11, $0x69C0;
	[tilespmem:s10+$0x7A0] =	vst v1  }
0x24: {  	[tilespmem:s10+$0x720] =	vst v1  }
0x25: {  	[tilespmem:s10+$0x730] =	vst v1  }
0x26: {  	[tilespmem:s10+$0x740] =	vst v1  }
.Ltmp0:
0x27: {  	[tilespmem:s10+$0x750] =	vst v1;
	(pc) =	sbr.rel @p0 .LBB2_2-.Ltmp0, $4  }
0x28: {  	[tilespmem:s10+$0x760] =	vst v1  }
0x29: {  	[tilespmem:s10+$0x770] =	vst v1  }
0x2a: {  	[tilespmem:s10+$0x780] =	vst v1  }
0x2b: {  	[tilespmem:s10+$0x790] =	vst v1;
	s10 =	sshra.s32 s11, $0x2;
	s11 =	sadd.s32 $0x240, s11  }
0x2c: {  	[tilespmem:s10+$0x7A0] =	vst v1  }
0x2d: {  	[tilespmem:s10+$0x720] =	vst v1  }
0x2e: {  	[tilespmem:s10+$0x730] =	vst v1  }
0x2f: {  	[tilespmem:s10+$0x740] =	vst v1  }
0x30: {  	[tilespmem:s10+$0x750] =	vst v1  }
0x31: {  	[tilespmem:s10+$0x760] =	vst v1  }
0x32: {  	[tilespmem:s10+$0x770] =	vst v1  }
0x33: {  	[tilespmem:s10+$0x780] =	vst v1  }
0x34: {  	[tilespmem:s10+$0x790] =	vst v1  }
0x35: {  	[spmem:s12] =	stream.linear.scatter [tilespmem:s31], [sflag:$0x7], $0x1B00, $0x38;
	[tilespmem:$0x1DBB0] =	vst v63  }
0x36: {  	_ =	swait.ge [sflag:s30], $0x1B00  }
0x37: {  	[sflag:s30] =	ssyncset.done $0x0  }
0x38: {  	s29 =	rddreg [dreg:$0x6];
	[sflag:s30] =	ssyncadd.s32 $0xFFFFE500  }
0x39: {  	[spmem:s29] =	stream.linear.scatter [tilespmem:s31], [sflag:$0x7], $0x1B00, $0x38;
	[tilespmem:$0x1DBB0] =	vst v63  }
0x3a: {  	_ =	swait.ge [sflag:s30], $0x1B00  }
0x3b: {  	[sflag:s30] =	ssyncset.done $0x0  }
0x3c: {  	s11 =	rddreg [dreg:$0x7];
	[sflag:s30] =	ssyncadd.s32 $0xFFFFE500  }
0x3d: {  	[spmem:s11] =	stream.linear.scatter [tilespmem:s31], [sflag:$0x7], $0x1B00, $0x38;
	[tilespmem:$0x1DBB0] =	vst v63  }
0x3e: {  	_ =	swait.ge [sflag:s30], $0x1B00  }
0x3f: {  	[sflag:s30] =	ssyncset.done $0x0  }
0x40: {  	s12 =	rddreg [dreg:$0x8];
	[sflag:s30] =	ssyncadd.s32 $0xFFFFE500  }
0x41: {  	[spmem:s12] =	stream.linear.scatter [tilespmem:s31], [sflag:$0x7], $0x1B00, $0x38;
	[tilespmem:$0x1DBB0] =	vst v63  }
0x42: {  	_ =	swait.ge [sflag:s30], $0x1B00  }
0x43: {  	[sflag:s30] =	ssyncset.done $0x0  }
0x44: {  	s24 =	rddreg [dreg:$0x9];
	[sflag:s30] =	ssyncadd.s32 $0xFFFFE500  }
0x45: {  	[spmem:s24] =	stream.linear.scatter [tilespmem:s31], [sflag:$0x7], $0x1B00, $0x38;
	[tilespmem:$0x1DBB0] =	vst v63  }
0x46: {  	_ =	swait.ge [sflag:s30], $0x1B00  }
0x47: {  	[sflag:s30] =	ssyncset.done $0x0  }
0x48: {  	s25 =	rddreg [dreg:$0xa];
	[sflag:s30] =	ssyncadd.s32 $0xFFFFE500  }
0x49: {  	[spmem:s25] =	stream.linear.scatter [tilespmem:s31], [sflag:$0x7], $0x1B00, $0x38;
	[tilespmem:$0x1DBB0] =	vst v63  }
0x4a: {  	_ =	swait.ge [sflag:s30], $0x1B00  }
0x4b: {  	[sflag:s30] =	ssyncset.done $0x0  }
0x4c: {  	s26 =	rddreg [dreg:$0xb];
	[sflag:s30] =	ssyncadd.s32 $0xFFFFE500  }
0x4d: {  	[spmem:s26] =	stream.linear.scatter [tilespmem:s31], [sflag:$0x7], $0x1B00, $0x38;
	[tilespmem:$0x1DBB0] =	vst v63  }
0x4e: {  	_ =	swait.ge [sflag:s30], $0x1B00  }
0x4f: {  	[sflag:s30] =	ssyncset.done $0x0  }
0x50: {  	s29 =	rddreg [dreg:$0xc];
	[sflag:s30] =	ssyncadd.s32 $0xFFFFE500  }
0x51: {  	[spmem:s29] =	stream.linear.scatter [tilespmem:s31], [sflag:$0x7], $0x1B00, $0x38;
	[tilespmem:$0x1DBB0] =	vst v63  }
0x52: {  	_ =	swait.ge [sflag:s30], $0x1B00  }
0x53: {  	[sflag:s30] =	ssyncset.done $0x0  }
0x54: {  	s11 =	rddreg [dreg:$0xd];
	[sflag:s30] =	ssyncadd.s32 $0xFFFFE500  }
0x55: {  	[spmem:s11] =	stream.linear.scatter [tilespmem:s31], [sflag:$0x7], $0x1B00, $0x38;
	[tilespmem:$0x1DBB0] =	vst v63  }
0x56: {  	_ =	swait.ge [sflag:s30], $0x1B00  }
0x57: {  	[sflag:s30] =	ssyncset.done $0x0  }
0x58: {  	s12 =	rddreg [dreg:$0xe];
	[sflag:s30] =	ssyncadd.s32 $0xFFFFE500  }
0x59: {  	[spmem:s12] =	stream.linear.scatter [tilespmem:s31], [sflag:$0x7], $0x1B00, $0x38;
	[tilespmem:$0x1DBB0] =	vst v63  }
0x5a: {  	_ =	swait.ge [sflag:s30], $0x1B00  }
0x5b: {  	[sflag:s30] =	ssyncset.done $0x0  }
0x5c: {  	s24 =	rddreg [dreg:$0xf];
	[sflag:s30] =	ssyncadd.s32 $0xFFFFE500  }
0x5d: {  	[spmem:s24] =	stream.linear.scatter [tilespmem:s31], [sflag:$0x7], $0x1B00, $0x38;
	[tilespmem:$0x1DBB0] =	vst v63  }
0x5e: {  	_ =	swait.ge [sflag:s30], $0x1B00  }
0x5f: {  	[sflag:s30] =	ssyncset.done $0x0  }
0x60: {  	s25 =	rddreg [dreg:$0x10];
	[sflag:s30] =	ssyncadd.s32 $0xFFFFE500  }
0x61: {  	[spmem:s25] =	stream.linear.scatter [tilespmem:s31], [sflag:$0x7], $0x1B00, $0x38;
	[tilespmem:$0x1DBB0] =	vst v63  }
0x62: {  	_ =	swait.ge [sflag:s30], $0x1B00  }
0x63: {  	[sflag:s30] =	ssyncset.done $0x0  }
0x64: {  	s26 =	rddreg [dreg:$0x11];
	[sflag:s30] =	ssyncadd.s32 $0xFFFFE500  }
0x65: {  	[spmem:s26] =	stream.linear.scatter [tilespmem:s31], [sflag:$0x7], $0x1B00, $0x38;
	[tilespmem:$0x1DBB0] =	vst v63  }
0x66: {  	_ =	swait.ge [sflag:s30], $0x1B00  }
0x67: {  	[sflag:s30] =	ssyncset.done $0x0  }
0x68: {  	s29 =	rddreg [dreg:$0x12];
	[sflag:s30] =	ssyncadd.s32 $0xFFFFE500  }
0x69: {  	[spmem:s29] =	stream.linear.scatter [tilespmem:s31], [sflag:$0x7], $0x900, $0x38;
	[tilespmem:$0x1DBB0] =	vst v63  }
0x6a: {  	_ =	swait.ge [sflag:s30], $0x900  }
0x6b: {  	[sflag:s30] =	ssyncset.done $0x0  }
0x6c: {  	[sflag:s30] =	ssyncadd.s32 $0xFFFFF700  }
0x6d: {  	s25 =	simm.s32 $0x0;
	[bflag:$0x0] =	sbarrier.arrive $0xFFFF  }
.LBB2_4:
0x6e: {  	s10 =	smul.u32 $0x60, s25;
	_ =	sdelay $0x1  }
0x6f: {  	s11 =	sadd.s32 s23, s10  }
0x70: {  	s12 =	sshrl.u32 s11, $0x3  }
0x71: {  	s24 =	sadd.s32 s6, s12  }
0x72: {  	[tilespmem:s3], [sflag:$0x5] =	stream.linear.gather [hbm4b:s24+s3], $0x30, $0x38;
	[tilespmem:$0x1DBB0] =	vst v63  }
0x73: {  	s11 =	sshll.u32 s11, $0x1;
	s12 =	sadd.s32 s7, s12  }
0x74: {  	[tilespmem:s0], [sflag:$0x5] =	stream.linear.gather [hbm4b:s12+s3], $0x30, $0x38;
	[tilespmem:$0x1DBB0] =	vst v63  }
0x75: {  	s26 =	simm.s32 $0x120;
	s11 =	sadd.s32 s8, s11  }
0x76: {  	[tilespmem:s26], [sflag:$0x5] =	stream.linear.gather [hbm4b:s11+s3], $0x300, $0x38;
	[tilespmem:$0x1DBB0] =	vst v63  }
0x77: {  	_ =	swait.ge [sflag:s1], $0x30  }
0x78: {  	[sflag:s1] =	ssyncset.done $0x0  }
0x79: {  	[sflag:s1] =	ssyncadd.s32 $0xFFFFFFD0  }
0x7a: {  	_ =	swait.ge [sflag:s1], $0x30  }
0x7b: {  	[sflag:s1] =	ssyncset.done $0x0  }
0x7c: {  	[sflag:s1] =	ssyncadd.s32 $0xFFFFFFD0  }
0x7d: {  	_ =	swait.ge [sflag:s1], $0x300  }
0x7e: {  	[sflag:s1] =	ssyncset.done $0x0  }
0x7f: {  	[sflag:s1] =	ssyncadd.s32 $0xFFFFFD00  }
0x80: {  	v2 =	vld [tilespmem:$0x0]  }
0x81: {  	v3 =	vld [tilespmem:$0x60]  }
0x82: {  	v4 =	vld [tilespmem:$0x10]  }
0x83: {  	v5 =	vld [tilespmem:$0x70]  }
0x84: {  	v6 =	vld [tilespmem:$0x20]  }
0x85: {  	v7 =	vld [tilespmem:$0x80];
	vm0 =	vlt.s32 v2, $0x270F  }
0x86: {  	vm5 =	vlt.s32 v3, $0x270F;
	v2 =	vnsel vm0, $0x270F, v2  }
0x87: {  	vm6 =	vlt.s32 v4, $0x270F;
	v3 =	vnsel vm5, $0x270F, v3;
	v2 =	vadd.s32 v0, v2  }
0x88: {  	vm7 =	vlt.s32 v5, $0x270F;
	[tilespmem:$0x0] =	vst v2;
	v2 =	vadd.s32 v0, v3;
	v3 =	vnsel vm6, $0x270F, v4  }
0x89: {  	vm8 =	vlt.s32 v6, $0x270F;
	[tilespmem:$0xC0] =	vst v2;
	v2 =	vadd.s32 v0, v3;
	v3 =	vnsel vm7, $0x270F, v5  }
0x8a: {  	vm9 =	vlt.s32 v7, $0x270F;
	[tilespmem:$0x10] =	vst v2;
	v2 =	vadd.s32 v0, v3;
	v3 =	vnsel vm8, $0x270F, v6  }
0x8b: {  	[tilespmem:$0xD0] =	vst v2;
	v2 =	vadd.s32 v0, v3;
	v3 =	vnsel vm9, $0x270F, v7  }
0x8c: {  	[tilespmem:$0x20] =	vst v2;
	v2 =	vadd.s32 v0, v3  }
0x8d: {  	[tilespmem:$0xE0] =	vst v2  }
0x8e: {  	[tilespmem:s31], [sflag:$0x1] =	stream.indirect.gather [hbm4b:s4+s9], $0x90, s3, s9, $0xb8;
	[tilespmem:$0x1DBB0] =	vst v63  }
0x8f: {  	s10 =	sadd.s32 s10, s28;
	s24 =	simm.s32 $0xC0;
	s26 =	simm.s32 $0x3D20  }
0x90: {  	[tilespmem:s26], [sflag:$0x3] =	stream.indirect.gather [hbm4b:s5+s9], $0x90, s24, s9, $0xb8;
	[tilespmem:$0x1DBB0] =	vst v63  }
0x91: {  	s24 =	sshrl.u32 s10, $0x3  }
0x92: {  	s26 =	sadd.s32 s6, s24  }
0x93: {  	[tilespmem:s9], [sflag:$0x6] =	stream.linear.gather [hbm4b:s26+s3], $0x30, $0x38;
	[tilespmem:$0x1DBB0] =	vst v63  }
0x94: {  	s10 =	sshll.u32 s10, $0x1;
	s11 =	sadd.s32 s7, s24  }
0x95: {  	[tilespmem:s13], [sflag:$0x6] =	stream.linear.gather [hbm4b:s11+s3], $0x30, $0x38;
	[tilespmem:$0x1DBB0] =	vst v63  }
0x96: {  	s10 =	sadd.s32 s8, s10  }
0x97: {  	[tilespmem:s14], [sflag:$0x6] =	stream.linear.gather [hbm4b:s10+s3], $0x300, $0x38;
	[tilespmem:$0x1DBB0] =	vst v63  }
0x98: {  	_ =	swait.ge [sflag:s15], $0x30  }
0x99: {  	[sflag:s15] =	ssyncset.done $0x0  }
0x9a: {  	[sflag:s15] =	ssyncadd.s32 $0xFFFFFFD0  }
0x9b: {  	_ =	swait.ge [sflag:s15], $0x30  }
0x9c: {  	[sflag:s15] =	ssyncset.done $0x0  }
0x9d: {  	[sflag:s15] =	ssyncadd.s32 $0xFFFFFFD0  }
0x9e: {  	_ =	swait.ge [sflag:s15], $0x300  }
0x9f: {  	[sflag:s15] =	ssyncset.done $0x0  }
0xa0: {  	[sflag:s15] =	ssyncadd.s32 $0xFFFFFD00  }
0xa1: {  	v2 =	vld [tilespmem:$0x30]  }
0xa2: {  	v3 =	vld [tilespmem:$0x90]  }
0xa3: {  	v4 =	vld [tilespmem:$0x40]  }
0xa4: {  	v5 =	vld [tilespmem:$0xA0]  }
0xa5: {  	v6 =	vld [tilespmem:$0x50]  }
0xa6: {  	v7 =	vld [tilespmem:$0xB0];
	vm10 =	vlt.s32 v2, $0x270F  }
0xa7: {  	vm11 =	vlt.s32 v3, $0x270F;
	v2 =	vnsel vm10, $0x270F, v2  }
0xa8: {  	vm12 =	vlt.s32 v4, $0x270F;
	v3 =	vnsel vm11, $0x270F, v3;
	v2 =	vadd.s32 v0, v2  }
0xa9: {  	vm13 =	vlt.s32 v5, $0x270F;
	[tilespmem:$0x30] =	vst v2;
	v2 =	vadd.s32 v0, v3;
	v3 =	vnsel vm12, $0x270F, v4  }
0xaa: {  	vm14 =	vlt.s32 v6, $0x270F;
	[tilespmem:$0xF0] =	vst v2;
	v2 =	vadd.s32 v0, v3;
	v3 =	vnsel vm13, $0x270F, v5  }
0xab: {  	vm15 =	vlt.s32 v7, $0x270F;
	[tilespmem:$0x40] =	vst v2;
	v2 =	vadd.s32 v0, v3;
	v3 =	vnsel vm14, $0x270F, v6  }
0xac: {  	[tilespmem:$0x100] =	vst v2;
	v2 =	vadd.s32 v0, v3;
	v3 =	vnsel vm15, $0x270F, v7  }
0xad: {  	[tilespmem:$0x50] =	vst v2;
	v2 =	vadd.s32 v0, v3  }
0xae: {  	[tilespmem:$0x110] =	vst v2  }
0xaf: {  	[tilespmem:s16], [sflag:$0x2] =	stream.indirect.gather [hbm4b:s4+s9], $0x90, s9, s9, $0xb8;
	[tilespmem:$0x1DBB0] =	vst v63  }
0xb0: {  	_ = 	snop  }
0xb1: {  	[tilespmem:s18], [sflag:$0x4] =	stream.indirect.gather [hbm4b:s5+s9], $0x90, s17, s9, $0xb8;
	[tilespmem:$0x1DBB0] =	vst v63  }
0xb2: {  	_ =	swait.ge [sflag:s19], $0x1B00  }
0xb3: {  	[sflag:s19] =	ssyncset.done $0x0  }
0xb4: {  	[sflag:s19] =	ssyncadd.s32 $0xFFFFE500  }
0xb5: {  	_ =	swait.ge [sflag:s20], $0x1B00  }
0xb6: {  	[sflag:s20] =	ssyncset.done $0x0  }
0xb7: {  	[sflag:s20] =	ssyncadd.s32 $0xFFFFE500  }
0xb8: {  	s10 =	simm.s32 $0x140;
	v6 =	vld [tilespmem:$0x7320]  }
0xb9: {  	s26 =	simm.s32 $0x840;
	v5 =	vld [tilespmem:s10+$0x10]  }
0xba: {  	s24 =	simm.s32 $0x3E40;
	v2 =	vld [tilespmem:s26+$0x90]  }
0xbb: {  	v4 =	vld [tilespmem:s24+$0x90];
	_ =	sdelay $0x2  }
0xbc: {  	v3 =	vld [tilespmem:s10+$0xFFFFFFF0]  }
0xbd: {  	v8 =	vld [tilespmem:s26+$0xFFFFFF70]  }
0xbe: {  	v9 =	vld [tilespmem:s24+$0xFFFFFF70];
	v2 =	vadd.f32 v4, v2;
	v4 =	vmul.f32 v5, v6  }
0xbf: {  	v7 =	vld [tilespmem:s26+$0xFFFFFEE0]  }
0xc0: {  	v10 =	vld [tilespmem:s24+$0xFFFFFEE0];
	v4 =	vadd.f32 v2, v4  }
0xc1: {  	v14 =	vld [tilespmem:s26+$0x0]  }
0xc2: {  	v11 =	vmax.f32 v4, $0.0e+00;
	v4 =	vld [tilespmem:s10+$0xFFFFFFE0]  }
0xc3: {  	v12 =	vmul.f32 v3, v6;
	v8 =	vadd.f32 v9, v8;
	[tilespmem:s26+$0x90] =	vst v11;
	v11 =	vld [tilespmem:s26+$0xA0]  }
0xc4: {  	v9 =	vld [tilespmem:s24+$0xA0]  }
0xc5: {  	v8 =	vadd.f32 v8, v12;
	v13 =	vld [tilespmem:$0x7330]  }
0xc6: {  	v2 =	vld [tilespmem:s10+$0x0]  }
0xc7: {  	v7 =	vadd.f32 v10, v7;
	v12 =	vld [tilespmem:s24+$0x0];
	v8 =	vmax.f32 v8, $0.0e+00;
	v10 =	vmul.f32 v6, v4  }
0xc8: {  	v15 =	vld [tilespmem:s26+$0xFFFFFF80];
	[tilespmem:s26+$0xFFFFFF70] =	vst v8  }
0xc9: {  	v8 =	vld [tilespmem:s24+$0xFFFFFF80];
	v7 =	vadd.f32 v10, v7  }
0xca: {  	v9 =	vadd.f32 v9, v11;
	v10 =	vmul.f32 v13, v5;
	v11 =	vld [tilespmem:$0x7330]  }
0xcb: {  	v16 =	vld [tilespmem:s26+$0xFFFFFEF0];
	v7 =	vmax.f32 v7, $0.0e+00  }
0xcc: {  	v6 =	vmul.f32 v2, v6;
	v9 =	vadd.f32 v10, v9;
	v10 =	vld [tilespmem:s26+$0x10];
	[tilespmem:s26+$0xFFFFFEE0] =	vst v7;
	v7 =	vadd.f32 v12, v14  }
0xcd: {  	v12 =	vld [tilespmem:s24+$0xFFFFFEF0]  }
0xce: {  	v9 =	vmax.f32 v9, $0.0e+00;
	v14 =	vld [tilespmem:$0x7330];
	v6 =	vadd.f32 v7, v6  }
0xcf: {  	v8 =	vadd.f32 v8, v15;
	[tilespmem:s26+$0xA0] =	vst v9;
	v7 =	vld [tilespmem:s26+$0xB0];
	v9 =	vmul.f32 v11, v3  }
0xd0: {  	v11 =	vld [tilespmem:s24+$0xB0];
	v6 =	vmax.f32 v6, $0.0e+00  }
0xd1: {  	v15 =	vld [tilespmem:$0x7340];
	[tilespmem:s26+$0x0] =	vst v6;
	v6 =	vadd.f32 v9, v8  }
0xd2: {  	v8 =	vld [tilespmem:s24+$0x10]  }
0xd3: {  	v9 =	vadd.f32 v12, v16;
	v12 =	vmul.f32 v14, v4;
	v57 =	vld [tilespmem:$0x7330];
	v6 =	vmax.f32 v6, $0.0e+00  }
0xd4: {  	v14 =	vld [tilespmem:s26+$0xFFFFFF90];
	[tilespmem:s26+$0xFFFFFF80] =	vst v6  }
0xd5: {  	v6 =	vadd.f32 v12, v9;
	v9 =	vld [tilespmem:s24+$0xFFFFFF90]  }
0xd6: {  	v7 =	vadd.f32 v11, v7;
	v11 =	vmul.f32 v15, v5;
	v12 =	vld [tilespmem:$0x7340]  }
0xd7: {  	v58 =	vld [tilespmem:s26+$0x20];
	v6 =	vmax.f32 v6, $0.0e+00  }
0xd8: {  	v13 =	vld [tilespmem:s26+$0xFFFFFF00];
	v7 =	vadd.f32 v11, v7;
	[tilespmem:s26+$0xFFFFFEF0] =	vst v6;
	v8 =	vadd.f32 v8, v10;
	v10 =	vmul.f32 v57, v2  }
0xd9: {  	v6 =	vld [tilespmem:s24+$0xFFFFFF00]  }
0xda: {  	v7 =	vmax.f32 v7, $0.0e+00;
	v11 =	vld [tilespmem:$0x7340];
	v8 =	vadd.f32 v10, v8  }
0xdb: {  	[tilespmem:s26+$0xB0] =	vst v7;
	v7 =	vld [tilespmem:s26+$0xC0];
	v9 =	vadd.f32 v9, v14;
	v10 =	vmul.f32 v12, v3  }
0xdc: {  	v12 =	vld [tilespmem:s24+$0xC0];
	v8 =	vmax.f32 v8, $0.0e+00  }
0xdd: {  	v14 =	vld [tilespmem:$0x7350];
	v9 =	vadd.f32 v10, v9;
	[tilespmem:s26+$0x10] =	vst v8  }
0xde: {  	v8 =	vld [tilespmem:s24+$0x20]  }
0xdf: {  	v6 =	vadd.f32 v6, v13;
	v11 =	vmul.f32 v11, v4;
	v13 =	vld [tilespmem:$0x7340];
	v9 =	vmax.f32 v9, $0.0e+00  }
0xe0: {  	v10 =	vld [tilespmem:s26+$0xFFFFFFA0];
	[tilespmem:s26+$0xFFFFFF90] =	vst v9  }
0xe1: {  	v6 =	vadd.f32 v11, v6;
	v9 =	vld [tilespmem:s24+$0xFFFFFFA0]  }
0xe2: {  	v7 =	vadd.f32 v12, v7;
	v11 =	vmul.f32 v14, v5;
	v12 =	vld [tilespmem:$0x7350]  }
0xe3: {  	v59 =	vld [tilespmem:s26+$0x30];
	v6 =	vmax.f32 v6, $0.0e+00  }
0xe4: {  	v15 =	vld [tilespmem:s26+$0xFFFFFF10];
	v7 =	vadd.f32 v11, v7;
	[tilespmem:s26+$0xFFFFFF00] =	vst v6;
	v8 =	vadd.f32 v8, v58;
	v11 =	vmul.f32 v13, v2  }
0xe5: {  	v6 =	vld [tilespmem:s24+$0xFFFFFF10]  }
0xe6: {  	v7 =	vmax.f32 v7, $0.0e+00;
	v13 =	vld [tilespmem:$0x7350];
	v8 =	vadd.f32 v11, v8  }
0xe7: {  	[tilespmem:s26+$0xC0] =	vst v7;
	v7 =	vld [tilespmem:s26+$0xD0];
	v9 =	vadd.f32 v9, v10;
	v10 =	vmul.f32 v12, v3  }
0xe8: {  	v11 =	vld [tilespmem:s24+$0xD0];
	v8 =	vmax.f32 v8, $0.0e+00  }
0xe9: {  	v12 =	vld [tilespmem:$0x7360];
	v9 =	vadd.f32 v10, v9;
	[tilespmem:s26+$0x20] =	vst v8  }
0xea: {  	v8 =	vld [tilespmem:s24+$0x30]  }
0xeb: {  	v6 =	vadd.f32 v6, v15;
	v13 =	vmul.f32 v13, v4;
	v15 =	vld [tilespmem:$0x7350];
	v9 =	vmax.f32 v9, $0.0e+00  }
0xec: {  	v10 =	vld [tilespmem:s26+$0xFFFFFFB0];
	[tilespmem:s26+$0xFFFFFFA0] =	vst v9  }
0xed: {  	v6 =	vadd.f32 v13, v6;
	v9 =	vld [tilespmem:s24+$0xFFFFFFB0]  }
0xee: {  	v7 =	vadd.f32 v11, v7;
	v11 =	vmul.f32 v12, v5;
	v12 =	vld [tilespmem:$0x7360]  }
0xef: {  	v60 =	vld [tilespmem:s26+$0x40];
	v6 =	vmax.f32 v6, $0.0e+00  }
0xf0: {  	v14 =	vld [tilespmem:s26+$0xFFFFFF20];
	v7 =	vadd.f32 v11, v7;
	[tilespmem:s26+$0xFFFFFF10] =	vst v6;
	v8 =	vadd.f32 v8, v59;
	v11 =	vmul.f32 v15, v2  }
0xf1: {  	v6 =	vld [tilespmem:s24+$0xFFFFFF20]  }
0xf2: {  	v7 =	vmax.f32 v7, $0.0e+00;
	v15 =	vld [tilespmem:$0x7360];
	v8 =	vadd.f32 v11, v8  }
0xf3: {  	[tilespmem:s26+$0xD0] =	vst v7;
	v7 =	vld [tilespmem:s26+$0xE0];
	v9 =	vadd.f32 v9, v10;
	v10 =	vmul.f32 v12, v3  }
0xf4: {  	v11 =	vld [tilespmem:s24+$0xE0];
	v8 =	vmax.f32 v8, $0.0e+00  }
0xf5: {  	v12 =	vld [tilespmem:$0x7370];
	v9 =	vadd.f32 v10, v9;
	[tilespmem:s26+$0x30] =	vst v8  }
0xf6: {  	v8 =	vld [tilespmem:s24+$0x40]  }
0xf7: {  	v6 =	vadd.f32 v6, v14;
	v14 =	vmul.f32 v15, v4;
	v15 =	vld [tilespmem:$0x7360];
	v9 =	vmax.f32 v9, $0.0e+00  }
0xf8: {  	v10 =	vld [tilespmem:s26+$0xFFFFFFC0];
	[tilespmem:s26+$0xFFFFFFB0] =	vst v9  }
0xf9: {  	v6 =	vadd.f32 v14, v6;
	v9 =	vld [tilespmem:s24+$0xFFFFFFC0]  }
0xfa: {  	v7 =	vadd.f32 v11, v7;
	v11 =	vmul.f32 v12, v5;
	v12 =	vld [tilespmem:$0x7370]  }
0xfb: {  	v61 =	vld [tilespmem:s26+$0x50];
	v6 =	vmax.f32 v6, $0.0e+00  }
0xfc: {  	v13 =	vld [tilespmem:s26+$0xFFFFFF30];
	v7 =	vadd.f32 v11, v7;
	[tilespmem:s26+$0xFFFFFF20] =	vst v6;
	v8 =	vadd.f32 v8, v60;
	v11 =	vmul.f32 v15, v2  }
0xfd: {  	v6 =	vld [tilespmem:s24+$0xFFFFFF30]  }
0xfe: {  	v7 =	vmax.f32 v7, $0.0e+00;
	v15 =	vld [tilespmem:$0x7370];
	v8 =	vadd.f32 v11, v8  }
0xff: {  	[tilespmem:s26+$0xE0] =	vst v7;
	v7 =	vld [tilespmem:s26+$0xF0];
	v9 =	vadd.f32 v9, v10;
	v10 =	vmul.f32 v12, v3  }
0x100: {  	v11 =	vld [tilespmem:s24+$0xF0];
	v8 =	vmax.f32 v8, $0.0e+00  }
0x101: {  	v12 =	vld [tilespmem:$0x7380];
	v9 =	vadd.f32 v10, v9;
	[tilespmem:s26+$0x40] =	vst v8  }
0x102: {  	v8 =	vld [tilespmem:s24+$0x50]  }
0x103: {  	v6 =	vadd.f32 v6, v13;
	v13 =	vmul.f32 v15, v4;
	v15 =	vld [tilespmem:$0x7370];
	v9 =	vmax.f32 v9, $0.0e+00  }
0x104: {  	v10 =	vld [tilespmem:s26+$0xFFFFFFD0];
	[tilespmem:s26+$0xFFFFFFC0] =	vst v9  }
0x105: {  	v6 =	vadd.f32 v13, v6;
	v9 =	vld [tilespmem:s24+$0xFFFFFFD0]  }
0x106: {  	v7 =	vadd.f32 v11, v7;
	v11 =	vmul.f32 v12, v5;
	v12 =	vld [tilespmem:$0x7380]  }
0x107: {  	v14 =	vld [tilespmem:s26+$0xFFFFFF40];
	v6 =	vmax.f32 v6, $0.0e+00  }
0x108: {  	v7 =	vadd.f32 v11, v7;
	v11 =	vld [tilespmem:s26+$0x60];
	[tilespmem:s26+$0xFFFFFF30] =	vst v6;
	v6 =	vadd.f32 v8, v61;
	v8 =	vmul.f32 v15, v2  }
0x109: {  	v15 =	vld [tilespmem:s24+$0xFFFFFF40]  }
0x10a: {  	v7 =	vmax.f32 v7, $0.0e+00;
	v62 =	vld [tilespmem:$0x7380];
	v6 =	vadd.f32 v8, v6  }
0x10b: {  	[tilespmem:s26+$0xF0] =	vst v7;
	v7 =	vld [tilespmem:s26+$0x100];
	v8 =	vadd.f32 v9, v10;
	v9 =	vmul.f32 v12, v3  }
0x10c: {  	v10 =	vld [tilespmem:s24+$0x100];
	v6 =	vmax.f32 v6, $0.0e+00  }
0x10d: {  	v12 =	vld [tilespmem:$0x7390];
	v8 =	vadd.f32 v9, v8;
	[tilespmem:s26+$0x50] =	vst v6  }
0x10e: {  	v6 =	vld [tilespmem:s24+$0x60]  }
0x10f: {  	v9 =	vadd.f32 v15, v14;
	v14 =	vmul.f32 v62, v4;
	v15 =	vld [tilespmem:$0x7380];
	v8 =	vmax.f32 v8, $0.0e+00  }
0x110: {  	v17 =	vld [tilespmem:s26+$0xFFFFFFE0];
	[tilespmem:s26+$0xFFFFFFD0] =	vst v8  }
0x111: {  	v8 =	vadd.f32 v14, v9;
	v9 =	vld [tilespmem:s24+$0xFFFFFFE0]  }
0x112: {  	v7 =	vadd.f32 v10, v7;
	v10 =	vmul.f32 v12, v5;
	v12 =	vld [tilespmem:$0x7390]  }
0x113: {  	v13 =	vld [tilespmem:s26+$0xFFFFFF50];
	v8 =	vmax.f32 v8, $0.0e+00  }
0x114: {  	v14 =	vld [tilespmem:s26+$0x70];
	v7 =	vadd.f32 v10, v7;
	v6 =	vadd.f32 v6, v11;
	[tilespmem:s26+$0xFFFFFF40] =	vst v8;
	v8 =	vmul.f32 v15, v2  }
0x115: {  	v10 =	vld [tilespmem:s24+$0xFFFFFF50]  }
0x116: {  	v7 =	vmax.f32 v7, $0.0e+00;
	v11 =	vld [tilespmem:$0x7390];
	v6 =	vadd.f32 v8, v6  }
0x117: {  	[tilespmem:s26+$0x100] =	vst v7;
	v7 =	vadd.f32 v9, v17;
	v8 =	vmul.f32 v12, v3;
	v12 =	vld [tilespmem:s26+$0x110]  }
0x118: {  	v15 =	vld [tilespmem:s24+$0x110];
	v6 =	vmax.f32 v6, $0.0e+00  }
0x119: {  	v7 =	vadd.f32 v8, v7;
	[tilespmem:s26+$0x60] =	vst v6;
	v6 =	vld [tilespmem:$0x73A0]  }
0x11a: {  	v63 =	vld [tilespmem:s24+$0x70]  }
0x11b: {  	v8 =	vadd.f32 v10, v13;
	v9 =	vmul.f32 v11, v4;
	v11 =	vld [tilespmem:$0x7390];
	v10 =	vmax.f32 v7, $0.0e+00  }
0x11c: {  	v7 =	vld [tilespmem:s26+$0xFFFFFF60];
	[tilespmem:s26+$0xFFFFFFE0] =	vst v10  }
0x11d: {  	v10 =	vadd.f32 v9, v8;
	v8 =	vld [tilespmem:s24+$0xFFFFFFF0]  }
0x11e: {  	v12 =	vadd.f32 v15, v12;
	v9 =	vld [tilespmem:$0x73A0];
	v6 =	vmul.f32 v6, v5  }
0x11f: {  	v5 =	vmax.f32 v10, $0.0e+00;
	v10 =	vld [tilespmem:s26+$0xFFFFFFF0]  }
0x120: {  	v13 =	vadd.f32 v63, v14;
	[tilespmem:s26+$0xFFFFFF50] =	vst v5;
	v14 =	vmul.f32 v11, v2;
	v5 =	vld [tilespmem:s26+$0x80];
	v6 =	vadd.f32 v6, v12  }
0x121: {  	v12 =	vld [tilespmem:s24+$0xFFFFFF60]  }
0x122: {  	s29 =	simm.s32 $0x840;
	s12 =	simm.s32 $0x3E40;
	s11 =	simm.s32 $0x0;
	v11 =	vld [tilespmem:$0x73A0];
	v13 =	vadd.f32 v14, v13;
	v6 =	vmax.f32 v6, $0.0e+00  }
.LBB2_5:
0x123: {  	v14 =	vld [tilespmem:$0x7320];
	v3 =	vmul.f32 v9, v3;
	[tilespmem:s26+$0x110] =	vst v6;
	s10 =	sadd.s32 $0x40, s10  }
0x124: {  	s26 =	sadd.s32 $0x240, s26;
	v6 =	vld [tilespmem:s10+$0x10];
	v8 =	vadd.f32 v8, v10;
	v9 =	vmax.f32 v13, $0.0e+00  }
0x125: {  	s24 =	sadd.s32 $0x240, s24;
	v10 =	vld [tilespmem:s26+$0x90];
	[tilespmem:s29+$0x70] =	vst v9  }
0x126: {  	v9 =	vld [tilespmem:s24+$0x90];
	v7 =	vadd.f32 v12, v7;
	v3 =	vadd.f32 v3, v8  }
0x127: {  	v8 =	vld [tilespmem:s26+$0xFFFFFEE0];
	v4 =	vmul.f32 v11, v4  }
0x128: {  	v11 =	vld [tilespmem:s24+$0xFFFFFEE0];
	v12 =	vmax.f32 v3, $0.0e+00  }
0x129: {  	v3 =	vld [tilespmem:s10+$0xFFFFFFF0];
	v4 =	vadd.f32 v4, v7;
	[tilespmem:s29+$0xFFFFFFF0] =	vst v12  }
0x12a: {  	v12 =	vld [tilespmem:s26+$0xFFFFFF70]  }
0x12b: {  	v13 =	vld [tilespmem:s24+$0xFFFFFF70];
	v9 =	vadd.f32 v9, v10;
	v10 =	vmul.f32 v6, v14;
	v4 =	vmax.f32 v4, $0.0e+00  }
0x12c: {  	v7 =	vld [tilespmem:s10+$0x0];
	[tilespmem:s29+$0xFFFFFF60] =	vst v4  }
0x12d: {  	v8 =	vadd.f32 v11, v8;
	v11 =	vld [tilespmem:s26+$0x0];
	v9 =	vadd.f32 v9, v10  }
0x12e: {  	s11 =	sadd.s32 $0x4, s11;
	v10 =	vmul.f32 v3, v14;
	v15 =	vld [tilespmem:s24+$0x0]  }
0x12f: {  	p0 =	slt.u32 s11, $0x2C;
	v4 =	vld [tilespmem:s10+$0xFFFFFFE0];
	v9 =	vmax.f32 v9, $0.0e+00  }
0x130: {  	v12 =	vadd.f32 v13, v12;
	[tilespmem:s26+$0x90] =	vst v9;
	v9 =	vld [tilespmem:s26+$0xA0]  }
0x131: {  	v13 =	vmul.f32 v7, v14;
	v16 =	vld [tilespmem:s24+$0xA0]  }
0x132: {  	v10 =	vadd.f32 v12, v10;
	v12 =	vld [tilespmem:$0x7330]  }
0x133: {  	v17 =	vld [tilespmem:s26+$0xFFFFFEF0];
	v11 =	vadd.f32 v15, v11  }
0x134: {  	v14 =	vmul.f32 v14, v4;
	v10 =	vmax.f32 v10, $0.0e+00;
	v15 =	vld [tilespmem:s26+$0xFFFFFF80]  }
0x135: {  	[tilespmem:s26+$0xFFFFFF70] =	vst v10;
	v10 =	vadd.f32 v11, v13;
	v11 =	vld [tilespmem:s26+$0x10]  }
0x136: {  	v8 =	vadd.f32 v14, v8;
	v13 =	vld [tilespmem:s24+$0xFFFFFF80]  }
0x137: {  	v9 =	vadd.f32 v16, v9;
	v14 =	vld [tilespmem:$0x7330];
	v10 =	vmax.f32 v10, $0.0e+00;
	v12 =	vmul.f32 v12, v6  }
0x138: {  	v8 =	vmax.f32 v8, $0.0e+00;
	v16 =	vld [tilespmem:s26+$0xFFFFFF00];
	[tilespmem:s26+$0x0] =	vst v10  }
0x139: {  	[tilespmem:s26+$0xFFFFFEE0] =	vst v8;
	v8 =	vld [tilespmem:s24+$0x10];
	v9 =	vadd.f32 v12, v9  }
0x13a: {  	v10 =	vld [tilespmem:s24+$0xFFFFFEF0]  }
0x13b: {  	v12 =	vld [tilespmem:$0x7330];
	v13 =	vadd.f32 v13, v15;
	v9 =	vmax.f32 v9, $0.0e+00  }
0x13c: {  	v14 =	vmul.f32 v14, v3;
	[tilespmem:s26+$0xA0] =	vst v9;
	v9 =	vld [tilespmem:s26+$0xB0]  }
0x13d: {  	v15 =	vld [tilespmem:s24+$0xB0]  }
0x13e: {  	v13 =	vadd.f32 v14, v13;
	v8 =	vadd.f32 v8, v11;
	v11 =	vld [tilespmem:$0x7340]  }
0x13f: {  	v10 =	vadd.f32 v10, v17;
	v14 =	vld [tilespmem:$0x7330]  }
0x140: {  	v12 =	vmul.f32 v12, v4;
	v13 =	vmax.f32 v13, $0.0e+00;
	v17 =	vld [tilespmem:s26+$0xFFFFFF90]  }
0x141: {  	[tilespmem:s26+$0xFFFFFF80] =	vst v13;
	v13 =	vld [tilespmem:s26+$0x20]  }
0x142: {  	v10 =	vadd.f32 v12, v10;
	v12 =	vld [tilespmem:s24+$0xFFFFFF90]  }
0x143: {  	v9 =	vadd.f32 v15, v9;
	v18 =	vld [tilespmem:$0x7340];
	v11 =	vmul.f32 v11, v6  }
0x144: {  	v10 =	vmax.f32 v10, $0.0e+00;
	v15 =	vld [tilespmem:s26+$0xFFFFFF10];
	v14 =	vmul.f32 v14, v7  }
0x145: {  	[tilespmem:s26+$0xFFFFFEF0] =	vst v10;
	v10 =	vld [tilespmem:s26+$0xFFFFFFA0];
	v9 =	vadd.f32 v11, v9  }
0x146: {  	v11 =	vld [tilespmem:s24+$0xFFFFFF00];
	v8 =	vadd.f32 v14, v8  }
0x147: {  	v14 =	vld [tilespmem:$0x7340];
	v12 =	vadd.f32 v12, v17;
	v9 =	vmax.f32 v9, $0.0e+00  }
0x148: {  	v17 =	vmul.f32 v18, v3;
	v8 =	vmax.f32 v8, $0.0e+00;
	[tilespmem:s26+$0xB0] =	vst v9;
	v9 =	vld [tilespmem:s26+$0xC0]  }
0x149: {  	[tilespmem:s26+$0x10] =	vst v8;
	v8 =	vld [tilespmem:s24+$0xC0]  }
0x14a: {  	v12 =	vadd.f32 v17, v12;
	v17 =	vld [tilespmem:$0x7350]  }
0x14b: {  	v11 =	vadd.f32 v11, v16;
	v16 =	vld [tilespmem:s24+$0x20]  }
0x14c: {  	v14 =	vmul.f32 v14, v4;
	v12 =	vmax.f32 v12, $0.0e+00;
	v18 =	vld [tilespmem:$0x7340]  }
0x14d: {  	[tilespmem:s26+$0xFFFFFF90] =	vst v12;
	v12 =	vld [tilespmem:s26+$0x30]  }
0x14e: {  	v11 =	vadd.f32 v14, v11;
	v14 =	vld [tilespmem:s24+$0xFFFFFFA0]  }
0x14f: {  	v8 =	vadd.f32 v8, v9;
	v19 =	vld [tilespmem:$0x7350];
	v9 =	vmul.f32 v17, v6  }
0x150: {  	v11 =	vmax.f32 v11, $0.0e+00;
	v17 =	vld [tilespmem:s26+$0xFFFFFF20];
	v13 =	vadd.f32 v16, v13  }
0x151: {  	[tilespmem:s26+$0xFFFFFF00] =	vst v11;
	v11 =	vld [tilespmem:s26+$0xFFFFFFB0];
	v16 =	vmul.f32 v18, v7;
	v8 =	vadd.f32 v9, v8  }
0x152: {  	v9 =	vld [tilespmem:s24+$0xFFFFFF10]  }
0x153: {  	v18 =	vld [tilespmem:$0x7350];
	v10 =	vadd.f32 v14, v10;
	v13 =	vadd.f32 v16, v13;
	v8 =	vmax.f32 v8, $0.0e+00  }
0x154: {  	v14 =	vmul.f32 v19, v3;
	[tilespmem:s26+$0xC0] =	vst v8;
	v8 =	vld [tilespmem:s26+$0xD0]  }
0x155: {  	v13 =	vmax.f32 v13, $0.0e+00;
	v16 =	vld [tilespmem:s24+$0xD0]  }
0x156: {  	v10 =	vadd.f32 v14, v10;
	[tilespmem:s26+$0x20] =	vst v13;
	v13 =	vld [tilespmem:$0x7360]  }
0x157: {  	v9 =	vadd.f32 v9, v15;
	v14 =	vld [tilespmem:s24+$0x30]  }
0x158: {  	v15 =	vmul.f32 v18, v4;
	v10 =	vmax.f32 v10, $0.0e+00;
	v18 =	vld [tilespmem:$0x7350]  }
0x159: {  	[tilespmem:s26+$0xFFFFFFA0] =	vst v10;
	v10 =	vld [tilespmem:s26+$0x40]  }
0x15a: {  	v9 =	vadd.f32 v15, v9;
	v15 =	vld [tilespmem:s24+$0xFFFFFFB0]  }
0x15b: {  	v8 =	vadd.f32 v16, v8;
	v19 =	vld [tilespmem:$0x7360];
	v13 =	vmul.f32 v13, v6  }
0x15c: {  	v9 =	vmax.f32 v9, $0.0e+00;
	v16 =	vld [tilespmem:s26+$0xFFFFFF30];
	v12 =	vadd.f32 v14, v12  }
0x15d: {  	[tilespmem:s26+$0xFFFFFF10] =	vst v9;
	v9 =	vld [tilespmem:s26+$0xFFFFFFC0];
	v14 =	vmul.f32 v18, v7;
	v8 =	vadd.f32 v13, v8  }
0x15e: {  	v13 =	vld [tilespmem:s24+$0xFFFFFF20]  }
0x15f: {  	v18 =	vld [tilespmem:$0x7360];
	v11 =	vadd.f32 v15, v11;
	v12 =	vadd.f32 v14, v12;
	v8 =	vmax.f32 v8, $0.0e+00  }
0x160: {  	v14 =	vmul.f32 v19, v3;
	[tilespmem:s26+$0xD0] =	vst v8;
	v8 =	vld [tilespmem:s26+$0xE0]  }
0x161: {  	v12 =	vmax.f32 v12, $0.0e+00;
	v15 =	vld [tilespmem:s24+$0xE0]  }
0x162: {  	v11 =	vadd.f32 v14, v11;
	[tilespmem:s26+$0x30] =	vst v12;
	v12 =	vld [tilespmem:$0x7370]  }
0x163: {  	v13 =	vadd.f32 v13, v17;
	v14 =	vld [tilespmem:s24+$0x40]  }
0x164: {  	v17 =	vmul.f32 v18, v4;
	v11 =	vmax.f32 v11, $0.0e+00;
	v18 =	vld [tilespmem:$0x7360]  }
0x165: {  	[tilespmem:s26+$0xFFFFFFB0] =	vst v11;
	v11 =	vld [tilespmem:s26+$0x50]  }
0x166: {  	v13 =	vadd.f32 v17, v13;
	v17 =	vld [tilespmem:s24+$0xFFFFFFC0]  }
0x167: {  	v8 =	vadd.f32 v15, v8;
	v19 =	vld [tilespmem:$0x7370];
	v12 =	vmul.f32 v12, v6  }
0x168: {  	v13 =	vmax.f32 v13, $0.0e+00;
	v15 =	vld [tilespmem:s26+$0xFFFFFF40];
	v10 =	vadd.f32 v14, v10  }
0x169: {  	[tilespmem:s26+$0xFFFFFF20] =	vst v13;
	v13 =	vld [tilespmem:s26+$0xFFFFFFD0];
	v14 =	vmul.f32 v18, v7;
	v8 =	vadd.f32 v12, v8  }
0x16a: {  	v12 =	vld [tilespmem:s24+$0xFFFFFF30]  }
0x16b: {  	v18 =	vld [tilespmem:$0x7370];
	v9 =	vadd.f32 v17, v9;
	v10 =	vadd.f32 v14, v10;
	v8 =	vmax.f32 v8, $0.0e+00  }
0x16c: {  	v14 =	vmul.f32 v19, v3;
	[tilespmem:s26+$0xE0] =	vst v8;
	v8 =	vld [tilespmem:s26+$0xF0]  }
0x16d: {  	v10 =	vmax.f32 v10, $0.0e+00;
	v17 =	vld [tilespmem:s24+$0xF0]  }
0x16e: {  	v9 =	vadd.f32 v14, v9;
	[tilespmem:s26+$0x40] =	vst v10;
	v10 =	vld [tilespmem:$0x7380]  }
0x16f: {  	v12 =	vadd.f32 v12, v16;
	v14 =	vld [tilespmem:s24+$0x50]  }
0x170: {  	v16 =	vmul.f32 v18, v4;
	v9 =	vmax.f32 v9, $0.0e+00;
	v18 =	vld [tilespmem:$0x7370]  }
0x171: {  	[tilespmem:s26+$0xFFFFFFC0] =	vst v9;
	v9 =	vld [tilespmem:s26+$0x60]  }
0x172: {  	v12 =	vadd.f32 v16, v12;
	v16 =	vld [tilespmem:s24+$0xFFFFFFD0]  }
0x173: {  	v8 =	vadd.f32 v17, v8;
	v19 =	vld [tilespmem:$0x7380];
	v10 =	vmul.f32 v10, v6  }
0x174: {  	v12 =	vmax.f32 v12, $0.0e+00;
	v17 =	vld [tilespmem:s26+$0xFFFFFF50];
	v11 =	vadd.f32 v14, v11  }
0x175: {  	[tilespmem:s26+$0xFFFFFF30] =	vst v12;
	v12 =	vld [tilespmem:s26+$0xFFFFFFE0];
	v14 =	vmul.f32 v18, v7;
	v8 =	vadd.f32 v10, v8  }
0x176: {  	v10 =	vld [tilespmem:s24+$0xFFFFFF40]  }
0x177: {  	v18 =	vld [tilespmem:$0x7380];
	v13 =	vadd.f32 v16, v13;
	v11 =	vadd.f32 v14, v11;
	v8 =	vmax.f32 v8, $0.0e+00  }
0x178: {  	v14 =	vmul.f32 v19, v3;
	[tilespmem:s26+$0xF0] =	vst v8;
	v8 =	vld [tilespmem:s26+$0x100]  }
0x179: {  	v11 =	vmax.f32 v11, $0.0e+00;
	v16 =	vld [tilespmem:s24+$0x100]  }
0x17a: {  	v13 =	vadd.f32 v14, v13;
	[tilespmem:s26+$0x50] =	vst v11;
	v11 =	vld [tilespmem:$0x7390]  }
0x17b: {  	v10 =	vadd.f32 v10, v15;
	v14 =	vld [tilespmem:s24+$0x60]  }
0x17c: {  	v15 =	vmul.f32 v18, v4;
	v13 =	vmax.f32 v13, $0.0e+00;
	v18 =	vld [tilespmem:$0x7380]  }
0x17d: {  	[tilespmem:s26+$0xFFFFFFD0] =	vst v13;
	v13 =	vld [tilespmem:s26+$0x70]  }
0x17e: {  	v10 =	vadd.f32 v15, v10;
	v15 =	vld [tilespmem:s24+$0xFFFFFFE0]  }
0x17f: {  	v8 =	vadd.f32 v16, v8;
	v19 =	vld [tilespmem:$0x7390];
	v11 =	vmul.f32 v11, v6  }
0x180: {  	v10 =	vmax.f32 v10, $0.0e+00;
	v9 =	vadd.f32 v14, v9;
	v14 =	vld [tilespmem:s12+$0x80];
	s12 =	smov.u32 s24  }
0x181: {  	[tilespmem:s26+$0xFFFFFF40] =	vst v10;
	v10 =	vmul.f32 v18, v7;
	v8 =	vadd.f32 v11, v8;
	v11 =	vld [tilespmem:$0x73A0]  }
0x182: {  	v16 =	vld [tilespmem:s24+$0xFFFFFF50]  }
0x183: {  	v18 =	vld [tilespmem:$0x7390];
	v12 =	vadd.f32 v15, v12;
	v9 =	vadd.f32 v10, v9;
	v8 =	vmax.f32 v8, $0.0e+00  }
0x184: {  	v10 =	vmul.f32 v19, v3;
	[tilespmem:s26+$0x100] =	vst v8;
	v15 =	vld [tilespmem:s26+$0x110]  }
0x185: {  	v8 =	vmax.f32 v9, $0.0e+00;
	v19 =	vld [tilespmem:s24+$0x110];
	v5 =	vadd.f32 v14, v5  }
0x186: {  	v9 =	vadd.f32 v10, v12;
	[tilespmem:s26+$0x60] =	vst v8;
	v10 =	vld [tilespmem:$0x73A0];
	v8 =	vmul.f32 v11, v2;
	v2 =	vmov v7  }
0x187: {  	v11 =	vadd.f32 v16, v17;
	v12 =	vld [tilespmem:s24+$0x70]  }
0x188: {  	v14 =	vmul.f32 v18, v4;
	v9 =	vmax.f32 v9, $0.0e+00;
	v16 =	vld [tilespmem:$0x7390];
	v5 =	vadd.f32 v8, v5  }
0x189: {  	v7 =	vld [tilespmem:s26+$0xFFFFFF60];
	[tilespmem:s26+$0xFFFFFFE0] =	vst v9  }
0x18a: {  	v11 =	vadd.f32 v14, v11;
	v8 =	vld [tilespmem:s24+$0xFFFFFFF0];
	v5 =	vmax.f32 v5, $0.0e+00  }
.Ltmp1:
0x18b: {  	v14 =	vadd.f32 v19, v15;
	v9 =	vld [tilespmem:$0x73A0];
	v6 =	vmul.f32 v10, v6;
	[tilespmem:s29+$0x80] =	vst v5;
	s29 =	smov.u32 s26;
	(pc) =	sbr.rel @p0 .LBB2_5-.Ltmp1, $4  }
0x18c: {  	v5 =	vmax.f32 v11, $0.0e+00;
	v10 =	vld [tilespmem:s26+$0xFFFFFFF0];
	v13 =	vadd.f32 v12, v13  }
0x18d: {  	[tilespmem:s26+$0xFFFFFF50] =	vst v5;
	v15 =	vmul.f32 v16, v2;
	v5 =	vld [tilespmem:s26+$0x80];
	v6 =	vadd.f32 v6, v14  }
0x18e: {  	v12 =	vld [tilespmem:s24+$0xFFFFFF60]  }
0x18f: {  	v11 =	vld [tilespmem:$0x73A0];
	v13 =	vadd.f32 v15, v13;
	v6 =	vmax.f32 v6, $0.0e+00  }
0x190: {  	_ = 	snop  }
0x191: {  	v13 =	vmax.f32 v13, $0.0e+00  }
0x192: {  	[tilespmem:s29+$0x70] =	vst v13  }
0x193: {  	v13 =	vld [tilespmem:s12+$0x80]  }
0x194: {  	v14 =	vld [tilespmem:$0x73A0];
	_ =	sdelay $0x2  }
0x195: {  	v3 =	vmul.f32 v9, v3;
	v8 =	vadd.f32 v8, v10  }
0x196: {  	v7 =	vadd.f32 v12, v7;
	v4 =	vmul.f32 v11, v4  }
0x197: {  	v3 =	vadd.f32 v3, v8;
	v5 =	vadd.f32 v13, v5;
	v2 =	vmul.f32 v14, v2  }
0x198: {  	v4 =	vadd.f32 v4, v7  }
0x199: {  	[tilespmem:s26+$0x110] =	vst v6;
	v3 =	vmax.f32 v3, $0.0e+00;
	v2 =	vadd.f32 v2, v5  }
0x19a: {  	[tilespmem:s29+$0xFFFFFFF0] =	vst v3;
	v3 =	vmax.f32 v4, $0.0e+00  }
0x19b: {  	[tilespmem:s29+$0xFFFFFF60] =	vst v3;
	v2 =	vmax.f32 v2, $0.0e+00  }
0x19c: {  	[tilespmem:s29+$0x80] =	vst v2  }
0x19d: {  	[spmem:s2] =	stream.indirect.scatter.add.f32 [tilespmem:s31], [sflag:$0x7], $0x90, s0, s9, $0xb8;
	[tilespmem:$0x1DBB0] =	vst v63  }
0x19e: {  	_ =	swait.ge [sflag:s30], $0x1B00  }
0x19f: {  	[sflag:s30] =	ssyncset.done $0x0  }
0x1a0: {  	[sflag:s30] =	ssyncadd.s32 $0xFFFFE500  }
0x1a1: {  	_ =	swait.ge [sflag:s21], $0x1B00  }
0x1a2: {  	[sflag:s21] =	ssyncset.done $0x0  }
0x1a3: {  	[sflag:s21] =	ssyncadd.s32 $0xFFFFE500  }
0x1a4: {  	_ =	swait.ge [sflag:s22], $0x1B00  }
0x1a5: {  	[sflag:s22] =	ssyncset.done $0x0  }
0x1a6: {  	[sflag:s22] =	ssyncadd.s32 $0xFFFFE500  }
0x1a7: {  	s10 =	simm.s32 $0x440;
	v6 =	vld [tilespmem:$0x7320]  }
0x1a8: {  	s26 =	simm.s32 $0x2340;
	v5 =	vld [tilespmem:s10+$0x10]  }
0x1a9: {  	s24 =	simm.s32 $0x5940;
	v2 =	vld [tilespmem:s26+$0x90]  }
0x1aa: {  	v4 =	vld [tilespmem:s24+$0x90];
	_ =	sdelay $0x2  }
0x1ab: {  	v3 =	vld [tilespmem:s10+$0xFFFFFFF0]  }
0x1ac: {  	v8 =	vld [tilespmem:s26+$0xFFFFFF70]  }
0x1ad: {  	v9 =	vld [tilespmem:s24+$0xFFFFFF70];
	v2 =	vadd.f32 v4, v2;
	v4 =	vmul.f32 v5, v6  }
0x1ae: {  	v7 =	vld [tilespmem:s26+$0xFFFFFEE0]  }
0x1af: {  	v10 =	vld [tilespmem:s24+$0xFFFFFEE0];
	v4 =	vadd.f32 v2, v4  }
0x1b0: {  	v14 =	vld [tilespmem:s26+$0x0]  }
0x1b1: {  	v11 =	vmax.f32 v4, $0.0e+00;
	v4 =	vld [tilespmem:s10+$0xFFFFFFE0]  }
0x1b2: {  	v12 =	vmul.f32 v3, v6;
	v8 =	vadd.f32 v9, v8;
	[tilespmem:s26+$0x90] =	vst v11;
	v11 =	vld [tilespmem:s26+$0xA0]  }
0x1b3: {  	v9 =	vld [tilespmem:s24+$0xA0]  }
0x1b4: {  	v8 =	vadd.f32 v8, v12;
	v13 =	vld [tilespmem:$0x7330]  }
0x1b5: {  	v2 =	vld [tilespmem:s10+$0x0]  }
0x1b6: {  	v7 =	vadd.f32 v10, v7;
	v12 =	vld [tilespmem:s24+$0x0];
	v8 =	vmax.f32 v8, $0.0e+00;
	v10 =	vmul.f32 v6, v4  }
0x1b7: {  	v15 =	vld [tilespmem:s26+$0xFFFFFF80];
	[tilespmem:s26+$0xFFFFFF70] =	vst v8  }
0x1b8: {  	v8 =	vld [tilespmem:s24+$0xFFFFFF80];
	v7 =	vadd.f32 v10, v7  }
0x1b9: {  	v9 =	vadd.f32 v9, v11;
	v10 =	vmul.f32 v13, v5;
	v11 =	vld [tilespmem:$0x7330]  }
0x1ba: {  	v16 =	vld [tilespmem:s26+$0xFFFFFEF0];
	v7 =	vmax.f32 v7, $0.0e+00  }
0x1bb: {  	v6 =	vmul.f32 v2, v6;
	v9 =	vadd.f32 v10, v9;
	v10 =	vld [tilespmem:s26+$0x10];
	[tilespmem:s26+$0xFFFFFEE0] =	vst v7;
	v7 =	vadd.f32 v12, v14  }
0x1bc: {  	v12 =	vld [tilespmem:s24+$0xFFFFFEF0]  }
0x1bd: {  	v9 =	vmax.f32 v9, $0.0e+00;
	v14 =	vld [tilespmem:$0x7330];
	v6 =	vadd.f32 v7, v6  }
0x1be: {  	v8 =	vadd.f32 v8, v15;
	[tilespmem:s26+$0xA0] =	vst v9;
	v7 =	vld [tilespmem:s26+$0xB0];
	v9 =	vmul.f32 v11, v3  }
0x1bf: {  	v11 =	vld [tilespmem:s24+$0xB0];
	v6 =	vmax.f32 v6, $0.0e+00  }
0x1c0: {  	v15 =	vld [tilespmem:$0x7340];
	[tilespmem:s26+$0x0] =	vst v6;
	v6 =	vadd.f32 v9, v8  }
0x1c1: {  	v8 =	vld [tilespmem:s24+$0x10]  }
0x1c2: {  	v9 =	vadd.f32 v12, v16;
	v12 =	vmul.f32 v14, v4;
	v57 =	vld [tilespmem:$0x7330];
	v6 =	vmax.f32 v6, $0.0e+00  }
0x1c3: {  	v14 =	vld [tilespmem:s26+$0xFFFFFF90];
	[tilespmem:s26+$0xFFFFFF80] =	vst v6  }
0x1c4: {  	v6 =	vadd.f32 v12, v9;
	v9 =	vld [tilespmem:s24+$0xFFFFFF90]  }
0x1c5: {  	v7 =	vadd.f32 v11, v7;
	v11 =	vmul.f32 v15, v5;
	v12 =	vld [tilespmem:$0x7340]  }
0x1c6: {  	v58 =	vld [tilespmem:s26+$0x20];
	v6 =	vmax.f32 v6, $0.0e+00  }
0x1c7: {  	v13 =	vld [tilespmem:s26+$0xFFFFFF00];
	v7 =	vadd.f32 v11, v7;
	[tilespmem:s26+$0xFFFFFEF0] =	vst v6;
	v8 =	vadd.f32 v8, v10;
	v10 =	vmul.f32 v57, v2  }
0x1c8: {  	v6 =	vld [tilespmem:s24+$0xFFFFFF00]  }
0x1c9: {  	v7 =	vmax.f32 v7, $0.0e+00;
	v11 =	vld [tilespmem:$0x7340];
	v8 =	vadd.f32 v10, v8  }
0x1ca: {  	[tilespmem:s26+$0xB0] =	vst v7;
	v7 =	vld [tilespmem:s26+$0xC0];
	v9 =	vadd.f32 v9, v14;
	v10 =	vmul.f32 v12, v3  }
0x1cb: {  	v12 =	vld [tilespmem:s24+$0xC0];
	v8 =	vmax.f32 v8, $0.0e+00  }
0x1cc: {  	v14 =	vld [tilespmem:$0x7350];
	v9 =	vadd.f32 v10, v9;
	[tilespmem:s26+$0x10] =	vst v8  }
0x1cd: {  	v8 =	vld [tilespmem:s24+$0x20]  }
0x1ce: {  	v6 =	vadd.f32 v6, v13;
	v11 =	vmul.f32 v11, v4;
	v13 =	vld [tilespmem:$0x7340];
	v9 =	vmax.f32 v9, $0.0e+00  }
0x1cf: {  	v10 =	vld [tilespmem:s26+$0xFFFFFFA0];
	[tilespmem:s26+$0xFFFFFF90] =	vst v9  }
0x1d0: {  	v6 =	vadd.f32 v11, v6;
	v9 =	vld [tilespmem:s24+$0xFFFFFFA0]  }
0x1d1: {  	v7 =	vadd.f32 v12, v7;
	v11 =	vmul.f32 v14, v5;
	v12 =	vld [tilespmem:$0x7350]  }
0x1d2: {  	v59 =	vld [tilespmem:s26+$0x30];
	v6 =	vmax.f32 v6, $0.0e+00  }
0x1d3: {  	v15 =	vld [tilespmem:s26+$0xFFFFFF10];
	v7 =	vadd.f32 v11, v7;
	[tilespmem:s26+$0xFFFFFF00] =	vst v6;
	v8 =	vadd.f32 v8, v58;
	v11 =	vmul.f32 v13, v2  }
0x1d4: {  	v6 =	vld [tilespmem:s24+$0xFFFFFF10]  }
0x1d5: {  	v7 =	vmax.f32 v7, $0.0e+00;
	v13 =	vld [tilespmem:$0x7350];
	v8 =	vadd.f32 v11, v8  }
0x1d6: {  	[tilespmem:s26+$0xC0] =	vst v7;
	v7 =	vld [tilespmem:s26+$0xD0];
	v9 =	vadd.f32 v9, v10;
	v10 =	vmul.f32 v12, v3  }
0x1d7: {  	v11 =	vld [tilespmem:s24+$0xD0];
	v8 =	vmax.f32 v8, $0.0e+00  }
0x1d8: {  	v12 =	vld [tilespmem:$0x7360];
	v9 =	vadd.f32 v10, v9;
	[tilespmem:s26+$0x20] =	vst v8  }
0x1d9: {  	v8 =	vld [tilespmem:s24+$0x30]  }
0x1da: {  	v6 =	vadd.f32 v6, v15;
	v13 =	vmul.f32 v13, v4;
	v15 =	vld [tilespmem:$0x7350];
	v9 =	vmax.f32 v9, $0.0e+00  }
0x1db: {  	v10 =	vld [tilespmem:s26+$0xFFFFFFB0];
	[tilespmem:s26+$0xFFFFFFA0] =	vst v9  }
0x1dc: {  	v6 =	vadd.f32 v13, v6;
	v9 =	vld [tilespmem:s24+$0xFFFFFFB0]  }
0x1dd: {  	v7 =	vadd.f32 v11, v7;
	v11 =	vmul.f32 v12, v5;
	v12 =	vld [tilespmem:$0x7360]  }
0x1de: {  	v60 =	vld [tilespmem:s26+$0x40];
	v6 =	vmax.f32 v6, $0.0e+00  }
0x1df: {  	v14 =	vld [tilespmem:s26+$0xFFFFFF20];
	v7 =	vadd.f32 v11, v7;
	[tilespmem:s26+$0xFFFFFF10] =	vst v6;
	v8 =	vadd.f32 v8, v59;
	v11 =	vmul.f32 v15, v2  }
0x1e0: {  	v6 =	vld [tilespmem:s24+$0xFFFFFF20]  }
0x1e1: {  	v7 =	vmax.f32 v7, $0.0e+00;
	v15 =	vld [tilespmem:$0x7360];
	v8 =	vadd.f32 v11, v8  }
0x1e2: {  	[tilespmem:s26+$0xD0] =	vst v7;
	v7 =	vld [tilespmem:s26+$0xE0];
	v9 =	vadd.f32 v9, v10;
	v10 =	vmul.f32 v12, v3  }
0x1e3: {  	v11 =	vld [tilespmem:s24+$0xE0];
	v8 =	vmax.f32 v8, $0.0e+00  }
0x1e4: {  	v12 =	vld [tilespmem:$0x7370];
	v9 =	vadd.f32 v10, v9;
	[tilespmem:s26+$0x30] =	vst v8  }
0x1e5: {  	v8 =	vld [tilespmem:s24+$0x40]  }
0x1e6: {  	v6 =	vadd.f32 v6, v14;
	v14 =	vmul.f32 v15, v4;
	v15 =	vld [tilespmem:$0x7360];
	v9 =	vmax.f32 v9, $0.0e+00  }
0x1e7: {  	v10 =	vld [tilespmem:s26+$0xFFFFFFC0];
	[tilespmem:s26+$0xFFFFFFB0] =	vst v9  }
0x1e8: {  	v6 =	vadd.f32 v14, v6;
	v9 =	vld [tilespmem:s24+$0xFFFFFFC0]  }
0x1e9: {  	v7 =	vadd.f32 v11, v7;
	v11 =	vmul.f32 v12, v5;
	v12 =	vld [tilespmem:$0x7370]  }
0x1ea: {  	v61 =	vld [tilespmem:s26+$0x50];
	v6 =	vmax.f32 v6, $0.0e+00  }
0x1eb: {  	v13 =	vld [tilespmem:s26+$0xFFFFFF30];
	v7 =	vadd.f32 v11, v7;
	[tilespmem:s26+$0xFFFFFF20] =	vst v6;
	v8 =	vadd.f32 v8, v60;
	v11 =	vmul.f32 v15, v2  }
0x1ec: {  	v6 =	vld [tilespmem:s24+$0xFFFFFF30]  }
0x1ed: {  	v7 =	vmax.f32 v7, $0.0e+00;
	v15 =	vld [tilespmem:$0x7370];
	v8 =	vadd.f32 v11, v8  }
0x1ee: {  	[tilespmem:s26+$0xE0] =	vst v7;
	v7 =	vld [tilespmem:s26+$0xF0];
	v9 =	vadd.f32 v9, v10;
	v10 =	vmul.f32 v12, v3  }
0x1ef: {  	v11 =	vld [tilespmem:s24+$0xF0];
	v8 =	vmax.f32 v8, $0.0e+00  }
0x1f0: {  	v12 =	vld [tilespmem:$0x7380];
	v9 =	vadd.f32 v10, v9;
	[tilespmem:s26+$0x40] =	vst v8  }
0x1f1: {  	v8 =	vld [tilespmem:s24+$0x50]  }
0x1f2: {  	v6 =	vadd.f32 v6, v13;
	v13 =	vmul.f32 v15, v4;
	v15 =	vld [tilespmem:$0x7370];
	v9 =	vmax.f32 v9, $0.0e+00  }
0x1f3: {  	v10 =	vld [tilespmem:s26+$0xFFFFFFD0];
	[tilespmem:s26+$0xFFFFFFC0] =	vst v9  }
0x1f4: {  	v6 =	vadd.f32 v13, v6;
	v9 =	vld [tilespmem:s24+$0xFFFFFFD0]  }
0x1f5: {  	v7 =	vadd.f32 v11, v7;
	v11 =	vmul.f32 v12, v5;
	v12 =	vld [tilespmem:$0x7380]  }
0x1f6: {  	v14 =	vld [tilespmem:s26+$0xFFFFFF40];
	v6 =	vmax.f32 v6, $0.0e+00  }
0x1f7: {  	v7 =	vadd.f32 v11, v7;
	v11 =	vld [tilespmem:s26+$0x60];
	[tilespmem:s26+$0xFFFFFF30] =	vst v6;
	v6 =	vadd.f32 v8, v61;
	v8 =	vmul.f32 v15, v2  }
0x1f8: {  	v15 =	vld [tilespmem:s24+$0xFFFFFF40]  }
0x1f9: {  	v7 =	vmax.f32 v7, $0.0e+00;
	v62 =	vld [tilespmem:$0x7380];
	v6 =	vadd.f32 v8, v6  }
0x1fa: {  	[tilespmem:s26+$0xF0] =	vst v7;
	v7 =	vld [tilespmem:s26+$0x100];
	v8 =	vadd.f32 v9, v10;
	v9 =	vmul.f32 v12, v3  }
0x1fb: {  	v10 =	vld [tilespmem:s24+$0x100];
	v6 =	vmax.f32 v6, $0.0e+00  }
0x1fc: {  	v12 =	vld [tilespmem:$0x7390];
	v8 =	vadd.f32 v9, v8;
	[tilespmem:s26+$0x50] =	vst v6  }
0x1fd: {  	v6 =	vld [tilespmem:s24+$0x60]  }
0x1fe: {  	v9 =	vadd.f32 v15, v14;
	v14 =	vmul.f32 v62, v4;
	v15 =	vld [tilespmem:$0x7380];
	v8 =	vmax.f32 v8, $0.0e+00  }
0x1ff: {  	v17 =	vld [tilespmem:s26+$0xFFFFFFE0];
	[tilespmem:s26+$0xFFFFFFD0] =	vst v8  }
0x200: {  	v8 =	vadd.f32 v14, v9;
	v9 =	vld [tilespmem:s24+$0xFFFFFFE0]  }
0x201: {  	v7 =	vadd.f32 v10, v7;
	v10 =	vmul.f32 v12, v5;
	v12 =	vld [tilespmem:$0x7390]  }
0x202: {  	v13 =	vld [tilespmem:s26+$0xFFFFFF50];
	v8 =	vmax.f32 v8, $0.0e+00  }
0x203: {  	v14 =	vld [tilespmem:s26+$0x70];
	v7 =	vadd.f32 v10, v7;
	v6 =	vadd.f32 v6, v11;
	[tilespmem:s26+$0xFFFFFF40] =	vst v8;
	v8 =	vmul.f32 v15, v2  }
0x204: {  	v10 =	vld [tilespmem:s24+$0xFFFFFF50]  }
0x205: {  	v7 =	vmax.f32 v7, $0.0e+00;
	v11 =	vld [tilespmem:$0x7390];
	v6 =	vadd.f32 v8, v6  }
0x206: {  	[tilespmem:s26+$0x100] =	vst v7;
	v7 =	vadd.f32 v9, v17;
	v8 =	vmul.f32 v12, v3;
	v12 =	vld [tilespmem:s26+$0x110]  }
0x207: {  	v15 =	vld [tilespmem:s24+$0x110];
	v6 =	vmax.f32 v6, $0.0e+00  }
0x208: {  	v7 =	vadd.f32 v8, v7;
	[tilespmem:s26+$0x60] =	vst v6;
	v6 =	vld [tilespmem:$0x73A0]  }
0x209: {  	v63 =	vld [tilespmem:s24+$0x70]  }
0x20a: {  	v8 =	vadd.f32 v10, v13;
	v9 =	vmul.f32 v11, v4;
	v11 =	vld [tilespmem:$0x7390];
	v10 =	vmax.f32 v7, $0.0e+00  }
0x20b: {  	v7 =	vld [tilespmem:s26+$0xFFFFFF60];
	[tilespmem:s26+$0xFFFFFFE0] =	vst v10  }
0x20c: {  	v10 =	vadd.f32 v9, v8;
	v8 =	vld [tilespmem:s24+$0xFFFFFFF0]  }
0x20d: {  	v12 =	vadd.f32 v15, v12;
	v9 =	vld [tilespmem:$0x73A0];
	v6 =	vmul.f32 v6, v5  }
0x20e: {  	v5 =	vmax.f32 v10, $0.0e+00;
	v10 =	vld [tilespmem:s26+$0xFFFFFFF0]  }
0x20f: {  	v13 =	vadd.f32 v63, v14;
	[tilespmem:s26+$0xFFFFFF50] =	vst v5;
	v14 =	vmul.f32 v11, v2;
	v5 =	vld [tilespmem:s26+$0x80];
	v6 =	vadd.f32 v6, v12  }
0x210: {  	v12 =	vld [tilespmem:s24+$0xFFFFFF60]  }
0x211: {  	s11 =	simm.s32 $0x0;
	s12 =	simm.s32 $0x5940;
	s29 =	simm.s32 $0x2340;
	v11 =	vld [tilespmem:$0x73A0];
	v13 =	vadd.f32 v14, v13;
	v6 =	vmax.f32 v6, $0.0e+00  }
.LBB2_7:
0x212: {  	v14 =	vld [tilespmem:$0x7320];
	v3 =	vmul.f32 v9, v3;
	[tilespmem:s26+$0x110] =	vst v6;
	s10 =	sadd.s32 $0x40, s10  }
0x213: {  	s26 =	sadd.s32 $0x240, s26;
	v6 =	vld [tilespmem:s10+$0x10];
	v8 =	vadd.f32 v8, v10;
	v9 =	vmax.f32 v13, $0.0e+00  }
0x214: {  	s24 =	sadd.s32 $0x240, s24;
	v10 =	vld [tilespmem:s26+$0x90];
	[tilespmem:s29+$0x70] =	vst v9  }
0x215: {  	v9 =	vld [tilespmem:s24+$0x90];
	v7 =	vadd.f32 v12, v7;
	v3 =	vadd.f32 v3, v8  }
0x216: {  	v8 =	vld [tilespmem:s26+$0xFFFFFEE0];
	v4 =	vmul.f32 v11, v4  }
0x217: {  	v11 =	vld [tilespmem:s24+$0xFFFFFEE0];
	v12 =	vmax.f32 v3, $0.0e+00  }
0x218: {  	v3 =	vld [tilespmem:s10+$0xFFFFFFF0];
	v4 =	vadd.f32 v4, v7;
	[tilespmem:s29+$0xFFFFFFF0] =	vst v12  }
0x219: {  	v12 =	vld [tilespmem:s26+$0xFFFFFF70]  }
0x21a: {  	v13 =	vld [tilespmem:s24+$0xFFFFFF70];
	v9 =	vadd.f32 v9, v10;
	v10 =	vmul.f32 v6, v14;
	v4 =	vmax.f32 v4, $0.0e+00  }
0x21b: {  	v7 =	vld [tilespmem:s10+$0x0];
	[tilespmem:s29+$0xFFFFFF60] =	vst v4  }
0x21c: {  	v8 =	vadd.f32 v11, v8;
	v11 =	vld [tilespmem:s26+$0x0];
	v9 =	vadd.f32 v9, v10  }
0x21d: {  	s11 =	sadd.s32 $0x4, s11;
	v10 =	vmul.f32 v3, v14;
	v15 =	vld [tilespmem:s24+$0x0]  }
0x21e: {  	p0 =	slt.u32 s11, $0x2C;
	v4 =	vld [tilespmem:s10+$0xFFFFFFE0];
	v9 =	vmax.f32 v9, $0.0e+00  }
0x21f: {  	v12 =	vadd.f32 v13, v12;
	[tilespmem:s26+$0x90] =	vst v9;
	v9 =	vld [tilespmem:s26+$0xA0]  }
0x220: {  	v13 =	vmul.f32 v7, v14;
	v16 =	vld [tilespmem:s24+$0xA0]  }
0x221: {  	v10 =	vadd.f32 v12, v10;
	v12 =	vld [tilespmem:$0x7330]  }
0x222: {  	v17 =	vld [tilespmem:s26+$0xFFFFFEF0];
	v11 =	vadd.f32 v15, v11  }
0x223: {  	v14 =	vmul.f32 v14, v4;
	v10 =	vmax.f32 v10, $0.0e+00;
	v15 =	vld [tilespmem:s26+$0xFFFFFF80]  }
0x224: {  	[tilespmem:s26+$0xFFFFFF70] =	vst v10;
	v10 =	vadd.f32 v11, v13;
	v11 =	vld [tilespmem:s26+$0x10]  }
0x225: {  	v8 =	vadd.f32 v14, v8;
	v13 =	vld [tilespmem:s24+$0xFFFFFF80]  }
0x226: {  	v9 =	vadd.f32 v16, v9;
	v14 =	vld [tilespmem:$0x7330];
	v10 =	vmax.f32 v10, $0.0e+00;
	v12 =	vmul.f32 v12, v6  }
0x227: {  	v8 =	vmax.f32 v8, $0.0e+00;
	v16 =	vld [tilespmem:s26+$0xFFFFFF00];
	[tilespmem:s26+$0x0] =	vst v10  }
0x228: {  	[tilespmem:s26+$0xFFFFFEE0] =	vst v8;
	v8 =	vld [tilespmem:s24+$0x10];
	v9 =	vadd.f32 v12, v9  }
0x229: {  	v10 =	vld [tilespmem:s24+$0xFFFFFEF0]  }
0x22a: {  	v12 =	vld [tilespmem:$0x7330];
	v13 =	vadd.f32 v13, v15;
	v9 =	vmax.f32 v9, $0.0e+00  }
0x22b: {  	v14 =	vmul.f32 v14, v3;
	[tilespmem:s26+$0xA0] =	vst v9;
	v9 =	vld [tilespmem:s26+$0xB0]  }
0x22c: {  	v15 =	vld [tilespmem:s24+$0xB0]  }
0x22d: {  	v13 =	vadd.f32 v14, v13;
	v8 =	vadd.f32 v8, v11;
	v11 =	vld [tilespmem:$0x7340]  }
0x22e: {  	v10 =	vadd.f32 v10, v17;
	v14 =	vld [tilespmem:$0x7330]  }
0x22f: {  	v12 =	vmul.f32 v12, v4;
	v13 =	vmax.f32 v13, $0.0e+00;
	v17 =	vld [tilespmem:s26+$0xFFFFFF90]  }
0x230: {  	[tilespmem:s26+$0xFFFFFF80] =	vst v13;
	v13 =	vld [tilespmem:s26+$0x20]  }
0x231: {  	v10 =	vadd.f32 v12, v10;
	v12 =	vld [tilespmem:s24+$0xFFFFFF90]  }
0x232: {  	v9 =	vadd.f32 v15, v9;
	v18 =	vld [tilespmem:$0x7340];
	v11 =	vmul.f32 v11, v6  }
0x233: {  	v10 =	vmax.f32 v10, $0.0e+00;
	v15 =	vld [tilespmem:s26+$0xFFFFFF10];
	v14 =	vmul.f32 v14, v7  }
0x234: {  	[tilespmem:s26+$0xFFFFFEF0] =	vst v10;
	v10 =	vld [tilespmem:s26+$0xFFFFFFA0];
	v9 =	vadd.f32 v11, v9  }
0x235: {  	v11 =	vld [tilespmem:s24+$0xFFFFFF00];
	v8 =	vadd.f32 v14, v8  }
0x236: {  	v14 =	vld [tilespmem:$0x7340];
	v12 =	vadd.f32 v12, v17;
	v9 =	vmax.f32 v9, $0.0e+00  }
0x237: {  	v17 =	vmul.f32 v18, v3;
	v8 =	vmax.f32 v8, $0.0e+00;
	[tilespmem:s26+$0xB0] =	vst v9;
	v9 =	vld [tilespmem:s26+$0xC0]  }
0x238: {  	[tilespmem:s26+$0x10] =	vst v8;
	v8 =	vld [tilespmem:s24+$0xC0]  }
0x239: {  	v12 =	vadd.f32 v17, v12;
	v17 =	vld [tilespmem:$0x7350]  }
0x23a: {  	v11 =	vadd.f32 v11, v16;
	v16 =	vld [tilespmem:s24+$0x20]  }
0x23b: {  	v14 =	vmul.f32 v14, v4;
	v12 =	vmax.f32 v12, $0.0e+00;
	v18 =	vld [tilespmem:$0x7340]  }
0x23c: {  	[tilespmem:s26+$0xFFFFFF90] =	vst v12;
	v12 =	vld [tilespmem:s26+$0x30]  }
0x23d: {  	v11 =	vadd.f32 v14, v11;
	v14 =	vld [tilespmem:s24+$0xFFFFFFA0]  }
0x23e: {  	v8 =	vadd.f32 v8, v9;
	v19 =	vld [tilespmem:$0x7350];
	v9 =	vmul.f32 v17, v6  }
0x23f: {  	v11 =	vmax.f32 v11, $0.0e+00;
	v17 =	vld [tilespmem:s26+$0xFFFFFF20];
	v13 =	vadd.f32 v16, v13  }
0x240: {  	[tilespmem:s26+$0xFFFFFF00] =	vst v11;
	v11 =	vld [tilespmem:s26+$0xFFFFFFB0];
	v16 =	vmul.f32 v18, v7;
	v8 =	vadd.f32 v9, v8  }
0x241: {  	v9 =	vld [tilespmem:s24+$0xFFFFFF10]  }
0x242: {  	v18 =	vld [tilespmem:$0x7350];
	v10 =	vadd.f32 v14, v10;
	v13 =	vadd.f32 v16, v13;
	v8 =	vmax.f32 v8, $0.0e+00  }
0x243: {  	v14 =	vmul.f32 v19, v3;
	[tilespmem:s26+$0xC0] =	vst v8;
	v8 =	vld [tilespmem:s26+$0xD0]  }
0x244: {  	v13 =	vmax.f32 v13, $0.0e+00;
	v16 =	vld [tilespmem:s24+$0xD0]  }
0x245: {  	v10 =	vadd.f32 v14, v10;
	[tilespmem:s26+$0x20] =	vst v13;
	v13 =	vld [tilespmem:$0x7360]  }
0x246: {  	v9 =	vadd.f32 v9, v15;
	v14 =	vld [tilespmem:s24+$0x30]  }
0x247: {  	v15 =	vmul.f32 v18, v4;
	v10 =	vmax.f32 v10, $0.0e+00;
	v18 =	vld [tilespmem:$0x7350]  }
0x248: {  	[tilespmem:s26+$0xFFFFFFA0] =	vst v10;
	v10 =	vld [tilespmem:s26+$0x40]  }
0x249: {  	v9 =	vadd.f32 v15, v9;
	v15 =	vld [tilespmem:s24+$0xFFFFFFB0]  }
0x24a: {  	v8 =	vadd.f32 v16, v8;
	v19 =	vld [tilespmem:$0x7360];
	v13 =	vmul.f32 v13, v6  }
0x24b: {  	v9 =	vmax.f32 v9, $0.0e+00;
	v16 =	vld [tilespmem:s26+$0xFFFFFF30];
	v12 =	vadd.f32 v14, v12  }
0x24c: {  	[tilespmem:s26+$0xFFFFFF10] =	vst v9;
	v9 =	vld [tilespmem:s26+$0xFFFFFFC0];
	v14 =	vmul.f32 v18, v7;
	v8 =	vadd.f32 v13, v8  }
0x24d: {  	v13 =	vld [tilespmem:s24+$0xFFFFFF20]  }
0x24e: {  	v18 =	vld [tilespmem:$0x7360];
	v11 =	vadd.f32 v15, v11;
	v12 =	vadd.f32 v14, v12;
	v8 =	vmax.f32 v8, $0.0e+00  }
0x24f: {  	v14 =	vmul.f32 v19, v3;
	[tilespmem:s26+$0xD0] =	vst v8;
	v8 =	vld [tilespmem:s26+$0xE0]  }
0x250: {  	v12 =	vmax.f32 v12, $0.0e+00;
	v15 =	vld [tilespmem:s24+$0xE0]  }
0x251: {  	v11 =	vadd.f32 v14, v11;
	[tilespmem:s26+$0x30] =	vst v12;
	v12 =	vld [tilespmem:$0x7370]  }
0x252: {  	v13 =	vadd.f32 v13, v17;
	v14 =	vld [tilespmem:s24+$0x40]  }
0x253: {  	v17 =	vmul.f32 v18, v4;
	v11 =	vmax.f32 v11, $0.0e+00;
	v18 =	vld [tilespmem:$0x7360]  }
0x254: {  	[tilespmem:s26+$0xFFFFFFB0] =	vst v11;
	v11 =	vld [tilespmem:s26+$0x50]  }
0x255: {  	v13 =	vadd.f32 v17, v13;
	v17 =	vld [tilespmem:s24+$0xFFFFFFC0]  }
0x256: {  	v8 =	vadd.f32 v15, v8;
	v19 =	vld [tilespmem:$0x7370];
	v12 =	vmul.f32 v12, v6  }
0x257: {  	v13 =	vmax.f32 v13, $0.0e+00;
	v15 =	vld [tilespmem:s26+$0xFFFFFF40];
	v10 =	vadd.f32 v14, v10  }
0x258: {  	[tilespmem:s26+$0xFFFFFF20] =	vst v13;
	v13 =	vld [tilespmem:s26+$0xFFFFFFD0];
	v14 =	vmul.f32 v18, v7;
	v8 =	vadd.f32 v12, v8  }
0x259: {  	v12 =	vld [tilespmem:s24+$0xFFFFFF30]  }
0x25a: {  	v18 =	vld [tilespmem:$0x7370];
	v9 =	vadd.f32 v17, v9;
	v10 =	vadd.f32 v14, v10;
	v8 =	vmax.f32 v8, $0.0e+00  }
0x25b: {  	v14 =	vmul.f32 v19, v3;
	[tilespmem:s26+$0xE0] =	vst v8;
	v8 =	vld [tilespmem:s26+$0xF0]  }
0x25c: {  	v10 =	vmax.f32 v10, $0.0e+00;
	v17 =	vld [tilespmem:s24+$0xF0]  }
0x25d: {  	v9 =	vadd.f32 v14, v9;
	[tilespmem:s26+$0x40] =	vst v10;
	v10 =	vld [tilespmem:$0x7380]  }
0x25e: {  	v12 =	vadd.f32 v12, v16;
	v14 =	vld [tilespmem:s24+$0x50]  }
0x25f: {  	v16 =	vmul.f32 v18, v4;
	v9 =	vmax.f32 v9, $0.0e+00;
	v18 =	vld [tilespmem:$0x7370]  }
0x260: {  	[tilespmem:s26+$0xFFFFFFC0] =	vst v9;
	v9 =	vld [tilespmem:s26+$0x60]  }
0x261: {  	v12 =	vadd.f32 v16, v12;
	v16 =	vld [tilespmem:s24+$0xFFFFFFD0]  }
0x262: {  	v8 =	vadd.f32 v17, v8;
	v19 =	vld [tilespmem:$0x7380];
	v10 =	vmul.f32 v10, v6  }
0x263: {  	v12 =	vmax.f32 v12, $0.0e+00;
	v17 =	vld [tilespmem:s26+$0xFFFFFF50];
	v11 =	vadd.f32 v14, v11  }
0x264: {  	[tilespmem:s26+$0xFFFFFF30] =	vst v12;
	v12 =	vld [tilespmem:s26+$0xFFFFFFE0];
	v14 =	vmul.f32 v18, v7;
	v8 =	vadd.f32 v10, v8  }
0x265: {  	v10 =	vld [tilespmem:s24+$0xFFFFFF40]  }
0x266: {  	v18 =	vld [tilespmem:$0x7380];
	v13 =	vadd.f32 v16, v13;
	v11 =	vadd.f32 v14, v11;
	v8 =	vmax.f32 v8, $0.0e+00  }
0x267: {  	v14 =	vmul.f32 v19, v3;
	[tilespmem:s26+$0xF0] =	vst v8;
	v8 =	vld [tilespmem:s26+$0x100]  }
0x268: {  	v11 =	vmax.f32 v11, $0.0e+00;
	v16 =	vld [tilespmem:s24+$0x100]  }
0x269: {  	v13 =	vadd.f32 v14, v13;
	[tilespmem:s26+$0x50] =	vst v11;
	v11 =	vld [tilespmem:$0x7390]  }
0x26a: {  	v10 =	vadd.f32 v10, v15;
	v14 =	vld [tilespmem:s24+$0x60]  }
0x26b: {  	v15 =	vmul.f32 v18, v4;
	v13 =	vmax.f32 v13, $0.0e+00;
	v18 =	vld [tilespmem:$0x7380]  }
0x26c: {  	[tilespmem:s26+$0xFFFFFFD0] =	vst v13;
	v13 =	vld [tilespmem:s26+$0x70]  }
0x26d: {  	v10 =	vadd.f32 v15, v10;
	v15 =	vld [tilespmem:s24+$0xFFFFFFE0]  }
0x26e: {  	v8 =	vadd.f32 v16, v8;
	v19 =	vld [tilespmem:$0x7390];
	v11 =	vmul.f32 v11, v6  }
0x26f: {  	v10 =	vmax.f32 v10, $0.0e+00;
	v9 =	vadd.f32 v14, v9;
	v14 =	vld [tilespmem:s12+$0x80];
	s12 =	smov.u32 s24  }
0x270: {  	[tilespmem:s26+$0xFFFFFF40] =	vst v10;
	v10 =	vmul.f32 v18, v7;
	v8 =	vadd.f32 v11, v8;
	v11 =	vld [tilespmem:$0x73A0]  }
0x271: {  	v16 =	vld [tilespmem:s24+$0xFFFFFF50]  }
0x272: {  	v18 =	vld [tilespmem:$0x7390];
	v12 =	vadd.f32 v15, v12;
	v9 =	vadd.f32 v10, v9;
	v8 =	vmax.f32 v8, $0.0e+00  }
0x273: {  	v10 =	vmul.f32 v19, v3;
	[tilespmem:s26+$0x100] =	vst v8;
	v15 =	vld [tilespmem:s26+$0x110]  }
0x274: {  	v8 =	vmax.f32 v9, $0.0e+00;
	v19 =	vld [tilespmem:s24+$0x110];
	v5 =	vadd.f32 v14, v5  }
0x275: {  	v9 =	vadd.f32 v10, v12;
	[tilespmem:s26+$0x60] =	vst v8;
	v10 =	vld [tilespmem:$0x73A0];
	v8 =	vmul.f32 v11, v2;
	v2 =	vmov v7  }
0x276: {  	v11 =	vadd.f32 v16, v17;
	v12 =	vld [tilespmem:s24+$0x70]  }
0x277: {  	v14 =	vmul.f32 v18, v4;
	v9 =	vmax.f32 v9, $0.0e+00;
	v16 =	vld [tilespmem:$0x7390];
	v5 =	vadd.f32 v8, v5  }
0x278: {  	v7 =	vld [tilespmem:s26+$0xFFFFFF60];
	[tilespmem:s26+$0xFFFFFFE0] =	vst v9  }
0x279: {  	v11 =	vadd.f32 v14, v11;
	v8 =	vld [tilespmem:s24+$0xFFFFFFF0];
	v5 =	vmax.f32 v5, $0.0e+00  }
.Ltmp2:
0x27a: {  	v14 =	vadd.f32 v19, v15;
	v9 =	vld [tilespmem:$0x73A0];
	v6 =	vmul.f32 v10, v6;
	[tilespmem:s29+$0x80] =	vst v5;
	s29 =	smov.u32 s26;
	(pc) =	sbr.rel @p0 .LBB2_7-.Ltmp2, $4  }
0x27b: {  	v5 =	vmax.f32 v11, $0.0e+00;
	v10 =	vld [tilespmem:s26+$0xFFFFFFF0];
	v13 =	vadd.f32 v12, v13  }
0x27c: {  	[tilespmem:s26+$0xFFFFFF50] =	vst v5;
	v15 =	vmul.f32 v16, v2;
	v5 =	vld [tilespmem:s26+$0x80];
	v6 =	vadd.f32 v6, v14  }
0x27d: {  	v12 =	vld [tilespmem:s24+$0xFFFFFF60]  }
0x27e: {  	v11 =	vld [tilespmem:$0x73A0];
	v13 =	vadd.f32 v15, v13;
	v6 =	vmax.f32 v6, $0.0e+00  }
0x27f: {  	_ = 	snop  }
0x280: {  	v13 =	vmax.f32 v13, $0.0e+00  }
0x281: {  	[tilespmem:s29+$0x70] =	vst v13  }
0x282: {  	v13 =	vld [tilespmem:s12+$0x80]  }
0x283: {  	v14 =	vld [tilespmem:$0x73A0];
	_ =	sdelay $0x2  }
0x284: {  	v3 =	vmul.f32 v9, v3;
	v8 =	vadd.f32 v8, v10  }
0x285: {  	v7 =	vadd.f32 v12, v7;
	v4 =	vmul.f32 v11, v4  }
0x286: {  	v3 =	vadd.f32 v3, v8;
	v5 =	vadd.f32 v13, v5;
	v2 =	vmul.f32 v14, v2  }
0x287: {  	v4 =	vadd.f32 v4, v7  }
0x288: {  	[tilespmem:s26+$0x110] =	vst v6;
	v3 =	vmax.f32 v3, $0.0e+00;
	v2 =	vadd.f32 v2, v5  }
0x289: {  	s25 =	sadd.s32 $0x1, s25;
	[tilespmem:s29+$0xFFFFFFF0] =	vst v3;
	v3 =	vmax.f32 v4, $0.0e+00  }
0x28a: {  	p0 =	sne.s32 s25, $0x6A;
	[tilespmem:s29+$0xFFFFFF60] =	vst v3;
	v2 =	vmax.f32 v2, $0.0e+00  }
.Ltmp3:
0x28b: {  	[tilespmem:s29+$0x80] =	vst v2;
	(pc) =	sbr.rel @p0 .LBB2_4-.Ltmp3, $4  }
0x28c: {  	[spmem:s2] =	stream.indirect.scatter.add.f32 [tilespmem:s16], [sflag:$0x7], $0x90, s13, s9, $0xb8;
	[tilespmem:$0x1DBB0] =	vst v63  }
0x28d: {  	_ =	swait.ge [sflag:s30], $0x1B00  }
0x28e: {  	[sflag:s30] =	ssyncset.done $0x0  }
0x28f: {  	[sflag:s30] =	ssyncadd.s32 $0xFFFFE500  }
0x290: {  	s10 =	stileid.u32;
	[bflag:$0x0] =	sbarrier.arrive $0xFFFF  }
0x291: {  	s10 =	sshll.u32 s10, $0x6;
	s12 =	rddreg [dreg:$0x5]  }
0x292: {  	s24 =	rddreg [dreg:$0x13];
	s10 =	sor.u32 $0x1C07, s10;
	s11 =	sshrl.u32 s12, $0x3  }
0x293: {  	[hbm:s24], [sflag:s10] =	dma.local [spmem:s11], $0x2D00  }
0x294: {  	_ =	swait.ge [sflag:s30], $0x2D00  }
0x295: {  	s26 =	rddreg [dreg:$0x15]  }
0x296: {  	s29 =	rddreg [dreg:$0x14];
	s11 =	sadd.s32 $0x1, s26  }
0x297: {  	p0 =	sne.s32 s11, s29  }
.Ltmp4:
0x298: {  	_ = 	snop;
	(pc) =	sbr.rel @p0 .LBB2_1-.Ltmp4, $3  }
0x299: {  	_ =	sdelay $0x1  }
0x29a: {  	[sflag:s30] =	ssyncset.done $0x0  }
0x29b: {  	[sflag:s30] =	ssyncadd.s32 $0xFFFFD300  }
0x29c: {  	_ =	sfence.sel $0x180000  }
0x29d: {  	[bflag:$0x0] =	sbarrier.arrive $0xFFFF  }
0x29e: {  	_ =	strace $0x90000047  }
0x29f: {  	s0 =	stileid.u32;
	[bflag:$0x2] =	sbarrier.arrive $0xFFFF  }
0x2a0: {  	p0 =	sne.s32 s0, $0x0;
	s0 =	rddreg [dreg:$0x3]  }
0x2a1: {  	s0 =	sadd.s32 @!p0 $0x100000, s0  }
0x2a2: {  	[sflag:s0] =	ssyncadd.tile.s32 @!p0 $0x1;
	_ =	shalt  }
.Lfunc_end2:
_tile_overlayer_lowered:
.L_overlay_start_2:
0x2a3: {  	(tag) =	ssettag $0x2  }
0x2a4: {  	s0 =	rddreg [dreg:$0x0];
	s2 =	stileid.u32  }
0x2a5: {  	s1 =	rddreg [dreg:$0x1];
	p0 =	sne.s32 s2, $0x0  }
0x2a6: {  	s3 =	rddreg [dreg:$0x2];
	[bflag:$0x3] =	sbarrier.arrive $0xFFFF;
	s2 =	simm.s32 @!p0 $0x1C07  }
0x2a7: {  	[timem:s3], [sflag:s2] =	dma.local @!p0 [hbm:s0], s1  }
0x2a8: {  	s0 =	simm.s32 @!p0 $0x7  }
0x2a9: {  	_ =	swait.ge @!p0 [sflag:s0], s1  }
0x2aa: {  	s1 =	ssub.s32 @!p0 $0x0, s1;
	[sflag:s0] =	ssyncset.done @!p0 $0x0  }
0x2ab: {  	[sflag:s0] =	ssyncadd.s32 @!p0 s1  }
0x2ac: {  	[bflag:$0x3] =	sbarrier.arrive $0xFFFF  }
0x2ad: {  	_ =	shalt  }

// kernel: kernel.15.cloned.1.call-start
scs
__scs_entry_jumppad:
0x0: {  	(pc) =	sbr.rel $0x88, $3  }
0x1: {  	(tag) =	ssettag $0x0;
	lr =	simm.s32 $0x1  }
0x2: {  	[smem:$0x3F77] =	sst lr;
	_ =	strace $0xD0000000  }
0x3: {  	_ = 	snop  }
0x4: {  	_ = 	snop  }
0x5: {  	_ = 	snop  }
0x6: {  	_ = 	snop  }
0x7: {  	_ = 	snop  }
__scs_overlays_trampoline_lowered:
0x8: {  	[smem:$0x3F86] =	sst s0  }
0x9: {  	[smem:$0x3F87] =	sst s1  }
0xa: {  	[smem:$0x3F88] =	sst s2  }
0xb: {  	[smem:$0x3F89] =	sst s3  }
0xc: {  	[smem:$0x3F8A] =	sst s4  }
0xd: {  	[smem:$0x3F8B] =	sst s5  }
0xe: {  	[smem:$0x3F8C] =	sst s6  }
0xf: {  	[smem:$0x3F8D] =	sst s7  }
0x10: {  	[smem:$0x3F8E] =	sst s8  }
0x11: {  	[smem:$0x3F8F] =	sst s9;
	s0 =	simm.s32 @!p0 $0x0  }
0x12: {  	s1 =	sld [smem:$0x3F75];
	s0 =	simm.s32 @p0 $0x1  }
0x13: {  	[smem:$0x3F90] =	sst s0;
	s0 =	simm.s32 @!p1 $0x0  }
0x14: {  	s2 =	sld [smem:$0x3F74];
	s0 =	simm.s32 @p1 $0x1  }
0x15: {  	[smem:$0x3F91] =	sst s0;
	s0 =	simm.s32 @!p2 $0x0  }
0x16: {  	s3 =	sld [smem:$0x3FDB];
	s0 =	simm.s32 @p2 $0x1  }
0x17: {  	s4 =	simm.s32 $0x1BF5;
	[smem:$0x3F93] =	sst s0  }
0x18: {  	s0 =	sld [smem:$0x3F76];
	_ =	swait.ge [sflag:s4], $0x0  }
0x19: {  	s7 =	sld [smem:$0x3F77]  }
0x1a: {  	s8 =	sadd.s32 $0xFFFFE003, lr  }
0x1b: {  	s9 =	sadd.s32 $0xFFFFFEF7, lr;
	s5 =	simm.s32 $0xFFFFFFFF;
	p2 =	slt.u32 s8, $0xFFFFF086  }
0x1c: {  	p1 =	slt.u32 s9, $0xF7A;
	s5 =	simm.s32 @!p2 $0x0  }
0x1d: {  	s5 =	simm.s32 @p1 $0x1;
	p0 =	seq.s32 s7, s2  }
0x1e: {  	s7 =	smul.u32 @!p0 $0xF7A, s2;
	p2 =	seq.s32 @!p0 s5, $0x0  }
0x1f: {  	s9 =	smul.u32 $0xF7A, s1;
	s8 =	simm.s32 @!p0 $0x1BF5;
	p2 =	por !p2, p0  }
0x20: {  	[sflag:s8] =	ssyncset.s32 @!p0 $0xFFFFF086;
	s6 =	sadd.s32 @!p0 s3, s7;
	s7 =	simm.s32 @!p0 $0x108  }
0x21: {  	s3 =	sadd.s32 s3, s9;
	s6 =	sadd.s32 @!p0 $0x88, s6;
	s7 =	simm.s32 @p2 $0x1082  }
0x22: {  	[simem:s7], [sflag:s8] =	dma.local @!p0 [hbm:s6], $0xF7A  }
0x23: {  	s9 =	sor.u32 $0xD0000000, s2;
	s6 =	simm.s32 $0x108;
	_ =	swait.ge @!p0 [sflag:s8], $0x0  }
0x24: {  	s3 =	sadd.s32 $0x88, s3;
	s6 =	simm.s32 @!p1 $0x1082;
	[sflag:s4] =	ssyncset.s32 $0xFFFFF086  }
0x25: {  	[simem:s6], [sflag:s4] =	dma.local [hbm:s3], $0xF7A  }
0x26: {  	[smem:$0x3F77] =	sst s1;
	(tag) =	ssettag s2;
	_ =	strace s9  }
0x27: {  	s1 =	sld [smem:$0x3F87]  }
0x28: {  	s2 =	sld [smem:$0x3F88]  }
0x29: {  	s4 =	sld [smem:$0x3F8A]  }
0x2a: {  	p0 =	seq.s32 s5, $0x0;
	s5 =	sld [smem:$0x3F8B]  }
0x2b: {  	s6 =	sld [smem:$0x3F8C]  }
0x2c: {  	s7 =	sld [smem:$0x3F8D]  }
0x2d: {  	s3 =	simm.s32 $0x108;
	s8 =	sld [smem:$0x3F8E]  }
0x2e: {  	s3 =	simm.s32 @!p0 $0x1082;
	s9 =	sld [smem:$0x3F8F]  }
0x2f: {  	lr =	sadd.s32 s0, s3;
	s0 =	sld [smem:$0x3F86]  }
0x30: {  	s3 =	sld [smem:$0x3F89]  }
0x31: {  	[smem:$0x3F92] =	sst s10  }
0x32: {  	s10 =	sld [smem:$0x3F90];
	_ =	sdelay $0x3  }
0x33: {  	p0 =	seq.s32 s10, $0x1;
	s10 =	sld [smem:$0x3F92];
	_ =	sdelay $0x3  }
0x34: {  	[smem:$0x3F92] =	sst s10  }
0x35: {  	s10 =	sld [smem:$0x3F91];
	_ =	sdelay $0x3  }
0x36: {  	p1 =	seq.s32 s10, $0x1;
	s10 =	sld [smem:$0x3F92];
	_ =	sdelay $0x3  }
0x37: {  	[smem:$0x3F92] =	sst s10  }
0x38: {  	s10 =	sld [smem:$0x3F93]  }
0x39: {  	_ = 	snop;
	(pc) =	sbr.ind lr, $3  }
0x3a: {  	_ = 	snop  }
0x3b: {  	_ = 	snop  }
0x3c: {  	p2 =	seq.s32 s10, $0x1;
	s10 =	sld [smem:$0x3F92]  }
0x3d: {  	_ =	shalt  }
0x3e: {  	_ =	shalt  }
0x3f: {  	_ =	shalt  }
0x40: {  	_ =	shalt  }
0x41: {  	_ =	shalt  }
0x42: {  	_ =	shalt  }
0x43: {  	_ =	shalt  }
0x44: {  	_ =	shalt  }
0x45: {  	_ =	shalt  }
0x46: {  	_ =	shalt  }
0x47: {  	_ =	shalt  }
0x48: {  	_ =	shalt  }
0x49: {  	_ =	shalt  }
0x4a: {  	_ =	shalt  }
0x4b: {  	_ =	shalt  }
0x4c: {  	_ =	shalt  }
0x4d: {  	_ =	shalt  }
0x4e: {  	_ =	shalt  }
0x4f: {  	_ =	shalt  }
0x50: {  	_ =	shalt  }
0x51: {  	_ =	shalt  }
0x52: {  	_ =	shalt  }
0x53: {  	_ =	shalt  }
0x54: {  	_ =	shalt  }
0x55: {  	_ =	shalt  }
0x56: {  	_ =	shalt  }
0x57: {  	_ =	shalt  }
0x58: {  	_ =	shalt  }
0x59: {  	_ =	shalt  }
0x5a: {  	_ =	shalt  }
0x5b: {  	_ =	shalt  }
0x5c: {  	_ =	shalt  }
0x5d: {  	_ =	shalt  }
0x5e: {  	_ =	shalt  }
0x5f: {  	_ =	shalt  }
0x60: {  	_ =	shalt  }
0x61: {  	_ =	shalt  }
0x62: {  	_ =	shalt  }
0x63: {  	_ =	shalt  }
0x64: {  	_ =	shalt  }
0x65: {  	_ =	shalt  }
0x66: {  	_ =	shalt  }
0x67: {  	_ =	shalt  }
0x68: {  	_ =	shalt  }
0x69: {  	_ =	shalt  }
0x6a: {  	_ =	shalt  }
0x6b: {  	_ =	shalt  }
0x6c: {  	_ =	shalt  }
0x6d: {  	_ =	shalt  }
0x6e: {  	_ =	shalt  }
0x6f: {  	_ =	shalt  }
0x70: {  	_ =	shalt  }
0x71: {  	_ =	shalt  }
0x72: {  	_ =	shalt  }
0x73: {  	_ =	shalt  }
0x74: {  	_ =	shalt  }
0x75: {  	_ =	shalt  }
0x76: {  	_ =	shalt  }
0x77: {  	_ =	shalt  }
0x78: {  	_ =	shalt  }
0x79: {  	_ =	shalt  }
0x7a: {  	_ =	shalt  }
0x7b: {  	_ =	shalt  }
0x7c: {  	_ =	shalt  }
0x7d: {  	_ =	shalt  }
0x7e: {  	_ =	shalt  }
0x7f: {  	_ =	shalt  }
0x80: {  	_ =	shalt  }
0x81: {  	_ =	shalt  }
0x82: {  	_ =	shalt  }
0x83: {  	_ =	shalt  }
0x84: {  	_ =	shalt  }
0x85: {  	_ =	shalt  }
0x86: {  	_ =	shalt  }
0x87: {  	_ =	shalt  }
.Lfunc_end0:
.L_simem_size_0:
called_computation.1_lowered:
.L_overlay_start_0:
0x88: {  	s2 =	sld [smem:$0x3FD9]  }
0x89: {  	s3 =	sld [smem:$0x3FFE];
	_ =	sdelay $0x1  }
0x8a: {  	s1 =	srdreg.scid  }
0x8b: {  	s0 =	sand.u32 $0x1, s1  }
0x8c: {  	s16 =	sshll.u32 s0, $0xA;
	s2 =	sadd.s32 s3, s2  }
0x8d: {  	s2 =	sadd.s32 s2, s16  }
0x8e: {  	[smem:$0x3F9E] =	sst s2  }
0x8f: {  	_ = 	snop  }
0x90: {  	(tm) =	ssettm $0x1  }
0x91: {  	s17 =	sld [smem:$0x3FFB];
	_ =	sdelay $0x3  }
0x92: {  	_ =	strace s17  }
0x93: {  	s2 =	sld [smem:$0x3FFC];
	_ =	sdelay $0x3  }
0x94: {  	_ =	strace s2  }
0x95: {  	s2 =	sld [smem:$0x3FFD];
	_ =	sdelay $0x3  }
0x96: {  	_ =	strace s2  }
0x97: {  	_ =	strace $0x8FFFFFFF  }
0x98: {  	s18 =	sld [smem:$0x3FDB];
	_ =	sdelay $0x1  }
0x99: {  	s19 =	simm.s32 $_scs_section_size  }
0x9a: {  	s4 =	simm.s32 $_size__tile_overlayer_lowered;
	s5 =	simm.s32 $_tile_overlayer_lowered  }
0x9b: {  	s22 =	simm.s32 $0x1BFF;
	s21 =	sshll.u32 s5, $0x1;
	s2 =	sadd.s32 s19, s18  }
0x9c: {  	s6 =	simm.s32 $0x0;
	s20 =	sshll.u32 s4, $0x1;
	s4 =	sadd.s32 s21, s2  }
0x9d: {  	[timem:s6], [sflag:s22] =	dma.local [hbm:s4], s20  }
0x9e: {  	_ =	swait.ge [sflag:s22], s20  }
0x9f: {  	s3 =	ssub.s32 $0x0, s20;
	[sflag:s22] =	ssyncset.done $0x0  }
0xa0: {  	[sflag:s22] =	ssyncadd.s32 s3;
	_ =	sdelay $0x1  }
0xa1: {  	s23 =	simm.s32 $0x1B8B  }
0xa2: {  	_ =	swait.ge [sflag:s23], $0x1  }
0xa3: {  	[sflag:s23] =	ssyncset.done $0x0  }
0xa4: {  	s25 =	simm.s32 $0x1B8E;
	s24 =	sld [smem:$0x3FFE];
	[sflag:s23] =	ssyncadd.s32 $0xFFFFFFFF  }
0xa5: {  	s26 =	simm.s32 $execute0_lowered;
	[smem:$0x3FD2] =	sst s25  }
0xa6: {  	s4 =	sshll.u32 s26, $0x1;
	_ =	strace $0x80000049;
	[dreg:$0x1] =	wrdreg $0xFFFFFFFF  }
0xa7: {  	s28 =	simm.s32 $_size_execute0_lowered;
	s2 =	sadd.s32 s2, s4;
	[dreg:$0x0] =	wrdreg $0x0  }
0xa8: {  	s4 =	sshll.u32 s28, $0x1;
	[dreg:$0x2] =	wrdreg s2  }
0xa9: {  	[dreg:$0x3] =	wrdreg s4  }
0xaa: {  	[dreg:$0x4] =	wrdreg $0xC0  }
0xab: {  	_ =	task [dreg:s6], $0x5FFFF  }
0xac: {  	[dreg:$0x1] =	wrdreg $0xFFFFFFFF  }
0xad: {  	[dreg:$0x0] =	wrdreg $0x60  }
0xae: {  	[dreg:$0x2] =	wrdreg s24  }
0xaf: {  	[dreg:$0x3] =	wrdreg $0x73B00  }
0xb0: {  	[dreg:$0x4] =	wrdreg $0x9  }
0xb1: {  	_ =	task.clear_ibuf [dreg:s6], $0x5FFFF;
	_ =	strace $0x90000049  }
0xb2: {  	s29 =	simm.s32 $0x9;
	_ =	strace $0x8000004B  }
0xb3: {  	_ =	swait.ge [sflag:s29], $0x1  }
0xb4: {  	[sflag:s29] =	ssyncadd.s32 $0xFFFFFFFF  }
0xb5: {  	_ =	strace $0x9000004B  }
0xb6: {  	_ =	sfence  }
0xb7: {  	s30 =	sld [smem:$0x0];
	_ =	sdelay $0x2  }
0xb8: {  	s31 =	sshll.u32 s1, $0xD;
	s1 =	sshrl.u32 s1, $0x2  }
0xb9: {  	s3 =	sand.u32 $0x4000, s31;
	s1 =	sadd.s32 s1, s30  }
0xba: {  	s0 =	sor.u32 s3, s0;
	s1 =	sshll.u32 s1, $0x11  }
0xbb: {  	s0 =	sor.u32 s1, s0  }
0xbc: {  	s0 =	sadd.s32 $0x8F2B, s0  }
0xbd: {  	[sflag:s0] =	ssyncadd.remote.s32 $0x1  }
0xbe: {  	_ =	sfence.sel $0xFFFF  }
0xbf: {  	[dreg:$0x0] =	wrdreg $0xFFFFFFFF;
	(pc) =	sbr.abs _section_cstart, $3  }
0xc0: {  	[dreg:$0x1] =	wrdreg $0xFFFFFFFF  }
0xc1: {  	_ =	task.clear_ibuf [dreg:s6], $0x2FFFF;
	_ =	strace $0x9FFFFFFF  }
0xc2: {  	(tm) =	ssettm $0x7FFFFFFF  }
0xc3: {  	_ =	shalt  }
tec
execute0_lowered:
.L_overlay_start_1:
0x0: {  	(tag) =	ssettag $0x1  }
0x1: {  	s0 =	rddreg [dreg:$0x0]  }
0x2: {  	s1 =	rddreg [dreg:$0x1];
	s3 =	simm.s32 $0x0;
	s2 =	srdreg.scid  }
0x3: {  	s14 =	stileid.u32;
	s30 =	simm.s32 $0x7;
	s31 =	simm.s32 $0x720  }
0x4: {  	[smem:$0x7FF] =	sst s3;
	s2 =	sand.u32 $0x1, s2;
	s9 =	smul.u32 $0x16800, s14  }
0x5: {  	s4 =	sadd.s32 $0x155600, s0;
	s5 =	sadd.s32 $0x61200, s0;
	s12 =	smul.u32 $0x5A000, s14  }
0x6: {  	s6 =	sadd.s32 $0x57200, s0;
	s7 =	sadd.s32 $0x5C200, s0;
	s11 =	smul.u32 $0x12, s2  }
0x7: {  	s8 =	sadd.s32 $0x7A00, s0;
	_ =	strace $0x8000004A;
	s12 =	sshrl.u32 s12, $0x2  }
0x8: {  	s11 =	sadd.s32 s11, s0;
	s29 =	sadd.s32 s12, s1;
	s12 =	sadd.s32 s9, s1  }
0x9: {  	s10 =	smul.u32 $0x168000, s2;
	s11 =	sadd.s32 $0x1F2200, s11;
	[dreg:$0x4] =	wrdreg s12  }
0xa: {  	s13 =	ssub.s32 $0x2, s2;
	s15 =	sadd.s32 $0x3600, s29;
	[dreg:$0x3] =	wrdreg s11  }
0xb: {  	s21 =	smul.u32 $0x2710, s2;
	s16 =	sadd.s32 $0x5100, s29;
	[dreg:$0x6] =	wrdreg s15  }
0xc: {  	s26 =	sshrl.u32 s13, $0x1;
	s17 =	sadd.s32 $0x6C00, s29;
	[dreg:$0x7] =	wrdreg s16  }
0xd: {  	s10 =	sadd.s32 s9, s10;
	s18 =	sadd.s32 $0x8700, s29;
	[dreg:$0x8] =	wrdreg s17  }
0xe: {  	s9 =	simm.s32 $0x30;
	s19 =	sadd.s32 $0xA200, s29;
	[dreg:$0x9] =	wrdreg s18  }
0xf: {  	v0 =	vmov s21;
	s21 =	simm.s32 $0x2;
	s20 =	sadd.s32 $0xBD00, s29;
	[dreg:$0xa] =	wrdreg s19  }
0x10: {  	s10 =	sshrl.u32 s10, $0x3;
	s22 =	sadd.s32 $0xD800, s29;
	[dreg:$0xb] =	wrdreg s20  }
0x11: {  	s23 =	sadd.s32 $0xF300, s29;
	s24 =	sadd.s32 $0x10E00, s29;
	[dreg:$0xc] =	wrdreg s22  }
0x12: {  	s25 =	sadd.s32 $0x12900, s29;
	s2 =	sadd.s32 $0x15F00, s29;
	[dreg:$0xd] =	wrdreg s23  }
0x13: {  	s0 =	sadd.s32 s10, s0;
	s10 =	ssub.s32 s13, s26;
	[dreg:$0xe] =	wrdreg s24  }
0x14: {  	s13 =	sadd.s32 $0x1B00, s29;
	[dreg:$0xf] =	wrdreg s25;
	s26 =	sadd.s32 $0x14400, s29  }
0x15: {  	s23 =	smul.u32 $0x27C0, s14;
	[dreg:$0x11] =	wrdreg s2;
	s2 =	simm.s32 $0x5  }
0x16: {  	s14 =	simm.s32 $0x420;
	s15 =	simm.s32 $0x6;
	s16 =	simm.s32 $0x2220  }
0x17: {  	s17 =	simm.s32 $0xF0;
	s18 =	simm.s32 $0x5820;
	s19 =	simm.s32 $0x1  }
0x18: {  	s20 =	simm.s32 $0x3;
	s22 =	simm.s32 $0x4;
	[dreg:$0x5] =	wrdreg s13  }
0x19: {  	s11 =	simm.s32 $0x0;
	[dreg:$0x10] =	wrdreg s26;
	s0 =	sadd.s32 $0xB9200, s0  }
0x1a: {  	s29 =	smax.u32 s10, $0x1;
	s13 =	simm.s32 $0x90;
	[dreg:$0x12] =	wrdreg s0  }
0x1b: {  	v1 =	vimm.f32 $0.0e+00;
	[dreg:$0x13] =	wrdreg s29;
	s28 =	sor.u32 $0x30, s23;
	s0 =	simm.s32 $0x60  }
.LBB2_1:
0x1c: {  	[dreg:$0x14] =	wrdreg s11  }
0x1d: {  	s10 =	rddreg [dreg:$0x3];
	s29 =	simm.s32 $0x7320  }
0x1e: {  	[tilespmem:s29], [sflag:$0x7] =	stream.linear.gather [hbm4b:s10+s3], $0x90, $0x38;
	[tilespmem:$0x1DBB0] =	vst v63  }
0x1f: {  	_ =	swait.ge [sflag:s30], $0x90  }
0x20: {  	[sflag:s30] =	ssyncset.done $0x0  }
0x21: {  	s11 =	simm.s32 $0x240;
	s10 =	simm.s32 $0x0;
	[sflag:s30] =	ssyncadd.s32 $0xFFFFFF70  }
.LBB2_2:
0x22: {  	p0 =	sne.s32 s11, $0x69C0;
	[tilespmem:s10+$0x7A0] =	vst v1  }
0x23: {  	[tilespmem:s10+$0x720] =	vst v1  }
0x24: {  	[tilespmem:s10+$0x730] =	vst v1  }
0x25: {  	[tilespmem:s10+$0x740] =	vst v1  }
.Ltmp0:
0x26: {  	[tilespmem:s10+$0x750] =	vst v1;
	(pc) =	sbr.rel @p0 .LBB2_2-.Ltmp0, $4  }
0x27: {  	[tilespmem:s10+$0x760] =	vst v1  }
0x28: {  	[tilespmem:s10+$0x770] =	vst v1  }
0x29: {  	[tilespmem:s10+$0x780] =	vst v1  }
0x2a: {  	[tilespmem:s10+$0x790] =	vst v1;
	s10 =	sshra.s32 s11, $0x2;
	s11 =	sadd.s32 $0x240, s11  }
0x2b: {  	[tilespmem:s10+$0x7A0] =	vst v1  }
0x2c: {  	[tilespmem:s10+$0x720] =	vst v1  }
0x2d: {  	[tilespmem:s10+$0x730] =	vst v1  }
0x2e: {  	[tilespmem:s10+$0x740] =	vst v1  }
0x2f: {  	[tilespmem:s10+$0x750] =	vst v1  }
0x30: {  	[tilespmem:s10+$0x760] =	vst v1  }
0x31: {  	[tilespmem:s10+$0x770] =	vst v1  }
0x32: {  	[tilespmem:s10+$0x780] =	vst v1  }
0x33: {  	[tilespmem:s10+$0x790] =	vst v1  }
0x34: {  	[spmem:s12] =	stream.linear.scatter [tilespmem:s31], [sflag:$0x7], $0x1B00, $0x38;
	[tilespmem:$0x1DBB0] =	vst v63  }
0x35: {  	_ =	swait.ge [sflag:s30], $0x1B00  }
0x36: {  	[sflag:s30] =	ssyncset.done $0x0  }
0x37: {  	s29 =	rddreg [dreg:$0x5];
	[sflag:s30] =	ssyncadd.s32 $0xFFFFE500  }
0x38: {  	[spmem:s29] =	stream.linear.scatter [tilespmem:s31], [sflag:$0x7], $0x1B00, $0x38;
	[tilespmem:$0x1DBB0] =	vst v63  }
0x39: {  	_ =	swait.ge [sflag:s30], $0x1B00  }
0x3a: {  	[sflag:s30] =	ssyncset.done $0x0  }
0x3b: {  	s11 =	rddreg [dreg:$0x6];
	[sflag:s30] =	ssyncadd.s32 $0xFFFFE500  }
0x3c: {  	[spmem:s11] =	stream.linear.scatter [tilespmem:s31], [sflag:$0x7], $0x1B00, $0x38;
	[tilespmem:$0x1DBB0] =	vst v63  }
0x3d: {  	_ =	swait.ge [sflag:s30], $0x1B00  }
0x3e: {  	[sflag:s30] =	ssyncset.done $0x0  }
0x3f: {  	s12 =	rddreg [dreg:$0x7];
	[sflag:s30] =	ssyncadd.s32 $0xFFFFE500  }
0x40: {  	[spmem:s12] =	stream.linear.scatter [tilespmem:s31], [sflag:$0x7], $0x1B00, $0x38;
	[tilespmem:$0x1DBB0] =	vst v63  }
0x41: {  	_ =	swait.ge [sflag:s30], $0x1B00  }
0x42: {  	[sflag:s30] =	ssyncset.done $0x0  }
0x43: {  	s24 =	rddreg [dreg:$0x8];
	[sflag:s30] =	ssyncadd.s32 $0xFFFFE500  }
0x44: {  	[spmem:s24] =	stream.linear.scatter [tilespmem:s31], [sflag:$0x7], $0x1B00, $0x38;
	[tilespmem:$0x1DBB0] =	vst v63  }
0x45: {  	_ =	swait.ge [sflag:s30], $0x1B00  }
0x46: {  	[sflag:s30] =	ssyncset.done $0x0  }
0x47: {  	s25 =	rddreg [dreg:$0x9];
	[sflag:s30] =	ssyncadd.s32 $0xFFFFE500  }
0x48: {  	[spmem:s25] =	stream.linear.scatter [tilespmem:s31], [sflag:$0x7], $0x1B00, $0x38;
	[tilespmem:$0x1DBB0] =	vst v63  }
0x49: {  	_ =	swait.ge [sflag:s30], $0x1B00  }
0x4a: {  	[sflag:s30] =	ssyncset.done $0x0  }
0x4b: {  	s26 =	rddreg [dreg:$0xa];
	[sflag:s30] =	ssyncadd.s32 $0xFFFFE500  }
0x4c: {  	[spmem:s26] =	stream.linear.scatter [tilespmem:s31], [sflag:$0x7], $0x1B00, $0x38;
	[tilespmem:$0x1DBB0] =	vst v63  }
0x4d: {  	_ =	swait.ge [sflag:s30], $0x1B00  }
0x4e: {  	[sflag:s30] =	ssyncset.done $0x0  }
0x4f: {  	s29 =	rddreg [dreg:$0xb];
	[sflag:s30] =	ssyncadd.s32 $0xFFFFE500  }
0x50: {  	[spmem:s29] =	stream.linear.scatter [tilespmem:s31], [sflag:$0x7], $0x1B00, $0x38;
	[tilespmem:$0x1DBB0] =	vst v63  }
0x51: {  	_ =	swait.ge [sflag:s30], $0x1B00  }
0x52: {  	[sflag:s30] =	ssyncset.done $0x0  }
0x53: {  	s11 =	rddreg [dreg:$0xc];
	[sflag:s30] =	ssyncadd.s32 $0xFFFFE500  }
0x54: {  	[spmem:s11] =	stream.linear.scatter [tilespmem:s31], [sflag:$0x7], $0x1B00, $0x38;
	[tilespmem:$0x1DBB0] =	vst v63  }
0x55: {  	_ =	swait.ge [sflag:s30], $0x1B00  }
0x56: {  	[sflag:s30] =	ssyncset.done $0x0  }
0x57: {  	s12 =	rddreg [dreg:$0xd];
	[sflag:s30] =	ssyncadd.s32 $0xFFFFE500  }
0x58: {  	[spmem:s12] =	stream.linear.scatter [tilespmem:s31], [sflag:$0x7], $0x1B00, $0x38;
	[tilespmem:$0x1DBB0] =	vst v63  }
0x59: {  	_ =	swait.ge [sflag:s30], $0x1B00  }
0x5a: {  	[sflag:s30] =	ssyncset.done $0x0  }
0x5b: {  	s24 =	rddreg [dreg:$0xe];
	[sflag:s30] =	ssyncadd.s32 $0xFFFFE500  }
0x5c: {  	[spmem:s24] =	stream.linear.scatter [tilespmem:s31], [sflag:$0x7], $0x1B00, $0x38;
	[tilespmem:$0x1DBB0] =	vst v63  }
0x5d: {  	_ =	swait.ge [sflag:s30], $0x1B00  }
0x5e: {  	[sflag:s30] =	ssyncset.done $0x0  }
0x5f: {  	s25 =	rddreg [dreg:$0xf];
	[sflag:s30] =	ssyncadd.s32 $0xFFFFE500  }
0x60: {  	[spmem:s25] =	stream.linear.scatter [tilespmem:s31], [sflag:$0x7], $0x1B00, $0x38;
	[tilespmem:$0x1DBB0] =	vst v63  }
0x61: {  	_ =	swait.ge [sflag:s30], $0x1B00  }
0x62: {  	[sflag:s30] =	ssyncset.done $0x0  }
0x63: {  	s26 =	rddreg [dreg:$0x10];
	[sflag:s30] =	ssyncadd.s32 $0xFFFFE500  }
0x64: {  	[spmem:s26] =	stream.linear.scatter [tilespmem:s31], [sflag:$0x7], $0x1B00, $0x38;
	[tilespmem:$0x1DBB0] =	vst v63  }
0x65: {  	_ =	swait.ge [sflag:s30], $0x1B00  }
0x66: {  	[sflag:s30] =	ssyncset.done $0x0  }
0x67: {  	s29 =	rddreg [dreg:$0x11];
	[sflag:s30] =	ssyncadd.s32 $0xFFFFE500  }
0x68: {  	[spmem:s29] =	stream.linear.scatter [tilespmem:s31], [sflag:$0x7], $0x900, $0x38;
	[tilespmem:$0x1DBB0] =	vst v63  }
0x69: {  	_ =	swait.ge [sflag:s30], $0x900  }
0x6a: {  	[sflag:s30] =	ssyncset.done $0x0  }
0x6b: {  	[sflag:s30] =	ssyncadd.s32 $0xFFFFF700  }
0x6c: {  	s25 =	simm.s32 $0x0;
	[bflag:$0x0] =	sbarrier.arrive $0xFFFF  }
.LBB2_4:
0x6d: {  	s10 =	smul.u32 $0x60, s25;
	_ =	sdelay $0x1  }
0x6e: {  	s11 =	sadd.s32 s23, s10  }
0x6f: {  	s12 =	sshrl.u32 s11, $0x3  }
0x70: {  	s24 =	sadd.s32 s6, s12  }
0x71: {  	[tilespmem:s3], [sflag:$0x5] =	stream.linear.gather [hbm4b:s24+s3], $0x30, $0x38;
	[tilespmem:$0x1DBB0] =	vst v63  }
0x72: {  	s11 =	sshll.u32 s11, $0x1;
	s12 =	sadd.s32 s7, s12  }
0x73: {  	[tilespmem:s0], [sflag:$0x5] =	stream.linear.gather [hbm4b:s12+s3], $0x30, $0x38;
	[tilespmem:$0x1DBB0] =	vst v63  }
0x74: {  	s26 =	simm.s32 $0x120;
	s11 =	sadd.s32 s8, s11  }
0x75: {  	[tilespmem:s26], [sflag:$0x5] =	stream.linear.gather [hbm4b:s11+s3], $0x300, $0x38;
	[tilespmem:$0x1DBB0] =	vst v63  }
0x76: {  	_ =	swait.ge [sflag:s2], $0x30  }
0x77: {  	[sflag:s2] =	ssyncset.done $0x0  }
0x78: {  	[sflag:s2] =	ssyncadd.s32 $0xFFFFFFD0  }
0x79: {  	_ =	swait.ge [sflag:s2], $0x30  }
0x7a: {  	[sflag:s2] =	ssyncset.done $0x0  }
0x7b: {  	[sflag:s2] =	ssyncadd.s32 $0xFFFFFFD0  }
0x7c: {  	_ =	swait.ge [sflag:s2], $0x300  }
0x7d: {  	[sflag:s2] =	ssyncset.done $0x0  }
0x7e: {  	[sflag:s2] =	ssyncadd.s32 $0xFFFFFD00  }
0x7f: {  	v2 =	vld [tilespmem:$0x0]  }
0x80: {  	v3 =	vld [tilespmem:$0x60]  }
0x81: {  	v4 =	vld [tilespmem:$0x10]  }
0x82: {  	v5 =	vld [tilespmem:$0x70]  }
0x83: {  	v6 =	vld [tilespmem:$0x20]  }
0x84: {  	v7 =	vld [tilespmem:$0x80];
	vm0 =	vlt.s32 v2, $0x270F  }
0x85: {  	vm5 =	vlt.s32 v3, $0x270F;
	v2 =	vnsel vm0, $0x270F, v2  }
0x86: {  	vm6 =	vlt.s32 v4, $0x270F;
	v3 =	vnsel vm5, $0x270F, v3;
	v2 =	vadd.s32 v0, v2  }
0x87: {  	vm7 =	vlt.s32 v5, $0x270F;
	[tilespmem:$0x0] =	vst v2;
	v2 =	vadd.s32 v0, v3;
	v3 =	vnsel vm6, $0x270F, v4  }
0x88: {  	vm8 =	vlt.s32 v6, $0x270F;
	[tilespmem:$0xC0] =	vst v2;
	v2 =	vadd.s32 v0, v3;
	v3 =	vnsel vm7, $0x270F, v5  }
0x89: {  	vm9 =	vlt.s32 v7, $0x270F;
	[tilespmem:$0x10] =	vst v2;
	v2 =	vadd.s32 v0, v3;
	v3 =	vnsel vm8, $0x270F, v6  }
0x8a: {  	[tilespmem:$0xD0] =	vst v2;
	v2 =	vadd.s32 v0, v3;
	v3 =	vnsel vm9, $0x270F, v7  }
0x8b: {  	[tilespmem:$0x20] =	vst v2;
	v2 =	vadd.s32 v0, v3  }
0x8c: {  	[tilespmem:$0xE0] =	vst v2  }
0x8d: {  	[tilespmem:s31], [sflag:$0x1] =	stream.indirect.gather [hbm4b:s4+s9], $0x90, s3, s9, $0xb8;
	[tilespmem:$0x1DBB0] =	vst v63  }
0x8e: {  	s10 =	sadd.s32 s10, s28;
	s24 =	simm.s32 $0xC0;
	s26 =	simm.s32 $0x3D20  }
0x8f: {  	[tilespmem:s26], [sflag:$0x3] =	stream.indirect.gather [hbm4b:s5+s9], $0x90, s24, s9, $0xb8;
	[tilespmem:$0x1DBB0] =	vst v63  }
0x90: {  	s24 =	sshrl.u32 s10, $0x3  }
0x91: {  	s26 =	sadd.s32 s6, s24  }
0x92: {  	[tilespmem:s9], [sflag:$0x6] =	stream.linear.gather [hbm4b:s26+s3], $0x30, $0x38;
	[tilespmem:$0x1DBB0] =	vst v63  }
0x93: {  	s10 =	sshll.u32 s10, $0x1;
	s11 =	sadd.s32 s7, s24  }
0x94: {  	[tilespmem:s13], [sflag:$0x6] =	stream.linear.gather [hbm4b:s11+s3], $0x30, $0x38;
	[tilespmem:$0x1DBB0] =	vst v63  }
0x95: {  	s10 =	sadd.s32 s8, s10  }
0x96: {  	[tilespmem:s14], [sflag:$0x6] =	stream.linear.gather [hbm4b:s10+s3], $0x300, $0x38;
	[tilespmem:$0x1DBB0] =	vst v63  }
0x97: {  	_ =	swait.ge [sflag:s15], $0x30  }
0x98: {  	[sflag:s15] =	ssyncset.done $0x0  }
0x99: {  	[sflag:s15] =	ssyncadd.s32 $0xFFFFFFD0  }
0x9a: {  	_ =	swait.ge [sflag:s15], $0x30  }
0x9b: {  	[sflag:s15] =	ssyncset.done $0x0  }
0x9c: {  	[sflag:s15] =	ssyncadd.s32 $0xFFFFFFD0  }
0x9d: {  	_ =	swait.ge [sflag:s15], $0x300  }
0x9e: {  	[sflag:s15] =	ssyncset.done $0x0  }
0x9f: {  	[sflag:s15] =	ssyncadd.s32 $0xFFFFFD00  }
0xa0: {  	v2 =	vld [tilespmem:$0x30]  }
0xa1: {  	v3 =	vld [tilespmem:$0x90]  }
0xa2: {  	v4 =	vld [tilespmem:$0x40]  }
0xa3: {  	v5 =	vld [tilespmem:$0xA0]  }
0xa4: {  	v6 =	vld [tilespmem:$0x50]  }
0xa5: {  	v7 =	vld [tilespmem:$0xB0];
	vm10 =	vlt.s32 v2, $0x270F  }
0xa6: {  	vm11 =	vlt.s32 v3, $0x270F;
	v2 =	vnsel vm10, $0x270F, v2  }
0xa7: {  	vm12 =	vlt.s32 v4, $0x270F;
	v3 =	vnsel vm11, $0x270F, v3;
	v2 =	vadd.s32 v0, v2  }
0xa8: {  	vm13 =	vlt.s32 v5, $0x270F;
	[tilespmem:$0x30] =	vst v2;
	v2 =	vadd.s32 v0, v3;
	v3 =	vnsel vm12, $0x270F, v4  }
0xa9: {  	vm14 =	vlt.s32 v6, $0x270F;
	[tilespmem:$0xF0] =	vst v2;
	v2 =	vadd.s32 v0, v3;
	v3 =	vnsel vm13, $0x270F, v5  }
0xaa: {  	vm15 =	vlt.s32 v7, $0x270F;
	[tilespmem:$0x40] =	vst v2;
	v2 =	vadd.s32 v0, v3;
	v3 =	vnsel vm14, $0x270F, v6  }
0xab: {  	[tilespmem:$0x100] =	vst v2;
	v2 =	vadd.s32 v0, v3;
	v3 =	vnsel vm15, $0x270F, v7  }
0xac: {  	[tilespmem:$0x50] =	vst v2;
	v2 =	vadd.s32 v0, v3  }
0xad: {  	[tilespmem:$0x110] =	vst v2  }
0xae: {  	[tilespmem:s16], [sflag:$0x2] =	stream.indirect.gather [hbm4b:s4+s9], $0x90, s9, s9, $0xb8;
	[tilespmem:$0x1DBB0] =	vst v63  }
0xaf: {  	_ = 	snop  }
0xb0: {  	[tilespmem:s18], [sflag:$0x4] =	stream.indirect.gather [hbm4b:s5+s9], $0x90, s17, s9, $0xb8;
	[tilespmem:$0x1DBB0] =	vst v63  }
0xb1: {  	_ =	swait.ge [sflag:s19], $0x1B00  }
0xb2: {  	[sflag:s19] =	ssyncset.done $0x0  }
0xb3: {  	[sflag:s19] =	ssyncadd.s32 $0xFFFFE500  }
0xb4: {  	_ =	swait.ge [sflag:s20], $0x1B00  }
0xb5: {  	[sflag:s20] =	ssyncset.done $0x0  }
0xb6: {  	[sflag:s20] =	ssyncadd.s32 $0xFFFFE500  }
0xb7: {  	s10 =	simm.s32 $0x140;
	v6 =	vld [tilespmem:$0x7320]  }
0xb8: {  	s26 =	simm.s32 $0x840;
	v5 =	vld [tilespmem:s10+$0x10]  }
0xb9: {  	s24 =	simm.s32 $0x3E40;
	v2 =	vld [tilespmem:s26+$0x90]  }
0xba: {  	v4 =	vld [tilespmem:s24+$0x90];
	_ =	sdelay $0x2  }
0xbb: {  	v3 =	vld [tilespmem:s10+$0xFFFFFFF0]  }
0xbc: {  	v8 =	vld [tilespmem:s26+$0xFFFFFF70]  }
0xbd: {  	v9 =	vld [tilespmem:s24+$0xFFFFFF70];
	v2 =	vadd.f32 v4, v2;
	v4 =	vmul.f32 v5, v6  }
0xbe: {  	v7 =	vld [tilespmem:s26+$0xFFFFFEE0]  }
0xbf: {  	v10 =	vld [tilespmem:s24+$0xFFFFFEE0];
	v4 =	vadd.f32 v2, v4  }
0xc0: {  	v14 =	vld [tilespmem:s26+$0x0]  }
0xc1: {  	v11 =	vmax.f32 v4, $0.0e+00;
	v4 =	vld [tilespmem:s10+$0xFFFFFFE0]  }
0xc2: {  	v12 =	vmul.f32 v3, v6;
	v8 =	vadd.f32 v9, v8;
	[tilespmem:s26+$0x90] =	vst v11;
	v11 =	vld [tilespmem:s26+$0xA0]  }
0xc3: {  	v9 =	vld [tilespmem:s24+$0xA0]  }
0xc4: {  	v8 =	vadd.f32 v8, v12;
	v13 =	vld [tilespmem:$0x7330]  }
0xc5: {  	v2 =	vld [tilespmem:s10+$0x0]  }
0xc6: {  	v7 =	vadd.f32 v10, v7;
	v12 =	vld [tilespmem:s24+$0x0];
	v8 =	vmax.f32 v8, $0.0e+00;
	v10 =	vmul.f32 v6, v4  }
0xc7: {  	v15 =	vld [tilespmem:s26+$0xFFFFFF80];
	[tilespmem:s26+$0xFFFFFF70] =	vst v8  }
0xc8: {  	v8 =	vld [tilespmem:s24+$0xFFFFFF80];
	v7 =	vadd.f32 v10, v7  }
0xc9: {  	v9 =	vadd.f32 v9, v11;
	v10 =	vmul.f32 v13, v5;
	v11 =	vld [tilespmem:$0x7330]  }
0xca: {  	v16 =	vld [tilespmem:s26+$0xFFFFFEF0];
	v7 =	vmax.f32 v7, $0.0e+00  }
0xcb: {  	v6 =	vmul.f32 v2, v6;
	v9 =	vadd.f32 v10, v9;
	v10 =	vld [tilespmem:s26+$0x10];
	[tilespmem:s26+$0xFFFFFEE0] =	vst v7;
	v7 =	vadd.f32 v12, v14  }
0xcc: {  	v12 =	vld [tilespmem:s24+$0xFFFFFEF0]  }
0xcd: {  	v9 =	vmax.f32 v9, $0.0e+00;
	v14 =	vld [tilespmem:$0x7330];
	v6 =	vadd.f32 v7, v6  }
0xce: {  	v8 =	vadd.f32 v8, v15;
	[tilespmem:s26+$0xA0] =	vst v9;
	v7 =	vld [tilespmem:s26+$0xB0];
	v9 =	vmul.f32 v11, v3  }
0xcf: {  	v11 =	vld [tilespmem:s24+$0xB0];
	v6 =	vmax.f32 v6, $0.0e+00  }
0xd0: {  	v15 =	vld [tilespmem:$0x7340];
	[tilespmem:s26+$0x0] =	vst v6;
	v6 =	vadd.f32 v9, v8  }
0xd1: {  	v8 =	vld [tilespmem:s24+$0x10]  }
0xd2: {  	v9 =	vadd.f32 v12, v16;
	v12 =	vmul.f32 v14, v4;
	v57 =	vld [tilespmem:$0x7330];
	v6 =	vmax.f32 v6, $0.0e+00  }
0xd3: {  	v14 =	vld [tilespmem:s26+$0xFFFFFF90];
	[tilespmem:s26+$0xFFFFFF80] =	vst v6  }
0xd4: {  	v6 =	vadd.f32 v12, v9;
	v9 =	vld [tilespmem:s24+$0xFFFFFF90]  }
0xd5: {  	v7 =	vadd.f32 v11, v7;
	v11 =	vmul.f32 v15, v5;
	v12 =	vld [tilespmem:$0x7340]  }
0xd6: {  	v58 =	vld [tilespmem:s26+$0x20];
	v6 =	vmax.f32 v6, $0.0e+00  }
0xd7: {  	v13 =	vld [tilespmem:s26+$0xFFFFFF00];
	v7 =	vadd.f32 v11, v7;
	[tilespmem:s26+$0xFFFFFEF0] =	vst v6;
	v8 =	vadd.f32 v8, v10;
	v10 =	vmul.f32 v57, v2  }
0xd8: {  	v6 =	vld [tilespmem:s24+$0xFFFFFF00]  }
0xd9: {  	v7 =	vmax.f32 v7, $0.0e+00;
	v11 =	vld [tilespmem:$0x7340];
	v8 =	vadd.f32 v10, v8  }
0xda: {  	[tilespmem:s26+$0xB0] =	vst v7;
	v7 =	vld [tilespmem:s26+$0xC0];
	v9 =	vadd.f32 v9, v14;
	v10 =	vmul.f32 v12, v3  }
0xdb: {  	v12 =	vld [tilespmem:s24+$0xC0];
	v8 =	vmax.f32 v8, $0.0e+00  }
0xdc: {  	v14 =	vld [tilespmem:$0x7350];
	v9 =	vadd.f32 v10, v9;
	[tilespmem:s26+$0x10] =	vst v8  }
0xdd: {  	v8 =	vld [tilespmem:s24+$0x20]  }
0xde: {  	v6 =	vadd.f32 v6, v13;
	v11 =	vmul.f32 v11, v4;
	v13 =	vld [tilespmem:$0x7340];
	v9 =	vmax.f32 v9, $0.0e+00  }
0xdf: {  	v10 =	vld [tilespmem:s26+$0xFFFFFFA0];
	[tilespmem:s26+$0xFFFFFF90] =	vst v9  }
0xe0: {  	v6 =	vadd.f32 v11, v6;
	v9 =	vld [tilespmem:s24+$0xFFFFFFA0]  }
0xe1: {  	v7 =	vadd.f32 v12, v7;
	v11 =	vmul.f32 v14, v5;
	v12 =	vld [tilespmem:$0x7350]  }
0xe2: {  	v59 =	vld [tilespmem:s26+$0x30];
	v6 =	vmax.f32 v6, $0.0e+00  }
0xe3: {  	v15 =	vld [tilespmem:s26+$0xFFFFFF10];
	v7 =	vadd.f32 v11, v7;
	[tilespmem:s26+$0xFFFFFF00] =	vst v6;
	v8 =	vadd.f32 v8, v58;
	v11 =	vmul.f32 v13, v2  }
0xe4: {  	v6 =	vld [tilespmem:s24+$0xFFFFFF10]  }
0xe5: {  	v7 =	vmax.f32 v7, $0.0e+00;
	v13 =	vld [tilespmem:$0x7350];
	v8 =	vadd.f32 v11, v8  }
0xe6: {  	[tilespmem:s26+$0xC0] =	vst v7;
	v7 =	vld [tilespmem:s26+$0xD0];
	v9 =	vadd.f32 v9, v10;
	v10 =	vmul.f32 v12, v3  }
0xe7: {  	v11 =	vld [tilespmem:s24+$0xD0];
	v8 =	vmax.f32 v8, $0.0e+00  }
0xe8: {  	v12 =	vld [tilespmem:$0x7360];
	v9 =	vadd.f32 v10, v9;
	[tilespmem:s26+$0x20] =	vst v8  }
0xe9: {  	v8 =	vld [tilespmem:s24+$0x30]  }
0xea: {  	v6 =	vadd.f32 v6, v15;
	v13 =	vmul.f32 v13, v4;
	v15 =	vld [tilespmem:$0x7350];
	v9 =	vmax.f32 v9, $0.0e+00  }
0xeb: {  	v10 =	vld [tilespmem:s26+$0xFFFFFFB0];
	[tilespmem:s26+$0xFFFFFFA0] =	vst v9  }
0xec: {  	v6 =	vadd.f32 v13, v6;
	v9 =	vld [tilespmem:s24+$0xFFFFFFB0]  }
0xed: {  	v7 =	vadd.f32 v11, v7;
	v11 =	vmul.f32 v12, v5;
	v12 =	vld [tilespmem:$0x7360]  }
0xee: {  	v60 =	vld [tilespmem:s26+$0x40];
	v6 =	vmax.f32 v6, $0.0e+00  }
0xef: {  	v14 =	vld [tilespmem:s26+$0xFFFFFF20];
	v7 =	vadd.f32 v11, v7;
	[tilespmem:s26+$0xFFFFFF10] =	vst v6;
	v8 =	vadd.f32 v8, v59;
	v11 =	vmul.f32 v15, v2  }
0xf0: {  	v6 =	vld [tilespmem:s24+$0xFFFFFF20]  }
0xf1: {  	v7 =	vmax.f32 v7, $0.0e+00;
	v15 =	vld [tilespmem:$0x7360];
	v8 =	vadd.f32 v11, v8  }
0xf2: {  	[tilespmem:s26+$0xD0] =	vst v7;
	v7 =	vld [tilespmem:s26+$0xE0];
	v9 =	vadd.f32 v9, v10;
	v10 =	vmul.f32 v12, v3  }
0xf3: {  	v11 =	vld [tilespmem:s24+$0xE0];
	v8 =	vmax.f32 v8, $0.0e+00  }
0xf4: {  	v12 =	vld [tilespmem:$0x7370];
	v9 =	vadd.f32 v10, v9;
	[tilespmem:s26+$0x30] =	vst v8  }
0xf5: {  	v8 =	vld [tilespmem:s24+$0x40]  }
0xf6: {  	v6 =	vadd.f32 v6, v14;
	v14 =	vmul.f32 v15, v4;
	v15 =	vld [tilespmem:$0x7360];
	v9 =	vmax.f32 v9, $0.0e+00  }
0xf7: {  	v10 =	vld [tilespmem:s26+$0xFFFFFFC0];
	[tilespmem:s26+$0xFFFFFFB0] =	vst v9  }
0xf8: {  	v6 =	vadd.f32 v14, v6;
	v9 =	vld [tilespmem:s24+$0xFFFFFFC0]  }
0xf9: {  	v7 =	vadd.f32 v11, v7;
	v11 =	vmul.f32 v12, v5;
	v12 =	vld [tilespmem:$0x7370]  }
0xfa: {  	v61 =	vld [tilespmem:s26+$0x50];
	v6 =	vmax.f32 v6, $0.0e+00  }
0xfb: {  	v13 =	vld [tilespmem:s26+$0xFFFFFF30];
	v7 =	vadd.f32 v11, v7;
	[tilespmem:s26+$0xFFFFFF20] =	vst v6;
	v8 =	vadd.f32 v8, v60;
	v11 =	vmul.f32 v15, v2  }
0xfc: {  	v6 =	vld [tilespmem:s24+$0xFFFFFF30]  }
0xfd: {  	v7 =	vmax.f32 v7, $0.0e+00;
	v15 =	vld [tilespmem:$0x7370];
	v8 =	vadd.f32 v11, v8  }
0xfe: {  	[tilespmem:s26+$0xE0] =	vst v7;
	v7 =	vld [tilespmem:s26+$0xF0];
	v9 =	vadd.f32 v9, v10;
	v10 =	vmul.f32 v12, v3  }
0xff: {  	v11 =	vld [tilespmem:s24+$0xF0];
	v8 =	vmax.f32 v8, $0.0e+00  }
0x100: {  	v12 =	vld [tilespmem:$0x7380];
	v9 =	vadd.f32 v10, v9;
	[tilespmem:s26+$0x40] =	vst v8  }
0x101: {  	v8 =	vld [tilespmem:s24+$0x50]  }
0x102: {  	v6 =	vadd.f32 v6, v13;
	v13 =	vmul.f32 v15, v4;
	v15 =	vld [tilespmem:$0x7370];
	v9 =	vmax.f32 v9, $0.0e+00  }
0x103: {  	v10 =	vld [tilespmem:s26+$0xFFFFFFD0];
	[tilespmem:s26+$0xFFFFFFC0] =	vst v9  }
0x104: {  	v6 =	vadd.f32 v13, v6;
	v9 =	vld [tilespmem:s24+$0xFFFFFFD0]  }
0x105: {  	v7 =	vadd.f32 v11, v7;
	v11 =	vmul.f32 v12, v5;
	v12 =	vld [tilespmem:$0x7380]  }
0x106: {  	v14 =	vld [tilespmem:s26+$0xFFFFFF40];
	v6 =	vmax.f32 v6, $0.0e+00  }
0x107: {  	v7 =	vadd.f32 v11, v7;
	v11 =	vld [tilespmem:s26+$0x60];
	[tilespmem:s26+$0xFFFFFF30] =	vst v6;
	v6 =	vadd.f32 v8, v61;
	v8 =	vmul.f32 v15, v2  }
0x108: {  	v15 =	vld [tilespmem:s24+$0xFFFFFF40]  }
0x109: {  	v7 =	vmax.f32 v7, $0.0e+00;
	v62 =	vld [tilespmem:$0x7380];
	v6 =	vadd.f32 v8, v6  }
0x10a: {  	[tilespmem:s26+$0xF0] =	vst v7;
	v7 =	vld [tilespmem:s26+$0x100];
	v8 =	vadd.f32 v9, v10;
	v9 =	vmul.f32 v12, v3  }
0x10b: {  	v10 =	vld [tilespmem:s24+$0x100];
	v6 =	vmax.f32 v6, $0.0e+00  }
0x10c: {  	v12 =	vld [tilespmem:$0x7390];
	v8 =	vadd.f32 v9, v8;
	[tilespmem:s26+$0x50] =	vst v6  }
0x10d: {  	v6 =	vld [tilespmem:s24+$0x60]  }
0x10e: {  	v9 =	vadd.f32 v15, v14;
	v14 =	vmul.f32 v62, v4;
	v15 =	vld [tilespmem:$0x7380];
	v8 =	vmax.f32 v8, $0.0e+00  }
0x10f: {  	v17 =	vld [tilespmem:s26+$0xFFFFFFE0];
	[tilespmem:s26+$0xFFFFFFD0] =	vst v8  }
0x110: {  	v8 =	vadd.f32 v14, v9;
	v9 =	vld [tilespmem:s24+$0xFFFFFFE0]  }
0x111: {  	v7 =	vadd.f32 v10, v7;
	v10 =	vmul.f32 v12, v5;
	v12 =	vld [tilespmem:$0x7390]  }
0x112: {  	v13 =	vld [tilespmem:s26+$0xFFFFFF50];
	v8 =	vmax.f32 v8, $0.0e+00  }
0x113: {  	v14 =	vld [tilespmem:s26+$0x70];
	v7 =	vadd.f32 v10, v7;
	v6 =	vadd.f32 v6, v11;
	[tilespmem:s26+$0xFFFFFF40] =	vst v8;
	v8 =	vmul.f32 v15, v2  }
0x114: {  	v10 =	vld [tilespmem:s24+$0xFFFFFF50]  }
0x115: {  	v7 =	vmax.f32 v7, $0.0e+00;
	v11 =	vld [tilespmem:$0x7390];
	v6 =	vadd.f32 v8, v6  }
0x116: {  	[tilespmem:s26+$0x100] =	vst v7;
	v7 =	vadd.f32 v9, v17;
	v8 =	vmul.f32 v12, v3;
	v12 =	vld [tilespmem:s26+$0x110]  }
0x117: {  	v15 =	vld [tilespmem:s24+$0x110];
	v6 =	vmax.f32 v6, $0.0e+00  }
0x118: {  	v7 =	vadd.f32 v8, v7;
	[tilespmem:s26+$0x60] =	vst v6;
	v6 =	vld [tilespmem:$0x73A0]  }
0x119: {  	v63 =	vld [tilespmem:s24+$0x70]  }
0x11a: {  	v8 =	vadd.f32 v10, v13;
	v9 =	vmul.f32 v11, v4;
	v11 =	vld [tilespmem:$0x7390];
	v10 =	vmax.f32 v7, $0.0e+00  }
0x11b: {  	v7 =	vld [tilespmem:s26+$0xFFFFFF60];
	[tilespmem:s26+$0xFFFFFFE0] =	vst v10  }
0x11c: {  	v10 =	vadd.f32 v9, v8;
	v8 =	vld [tilespmem:s24+$0xFFFFFFF0]  }
0x11d: {  	v12 =	vadd.f32 v15, v12;
	v9 =	vld [tilespmem:$0x73A0];
	v6 =	vmul.f32 v6, v5  }
0x11e: {  	v5 =	vmax.f32 v10, $0.0e+00;
	v10 =	vld [tilespmem:s26+$0xFFFFFFF0]  }
0x11f: {  	v13 =	vadd.f32 v63, v14;
	[tilespmem:s26+$0xFFFFFF50] =	vst v5;
	v14 =	vmul.f32 v11, v2;
	v5 =	vld [tilespmem:s26+$0x80];
	v6 =	vadd.f32 v6, v12  }
0x120: {  	v12 =	vld [tilespmem:s24+$0xFFFFFF60]  }
0x121: {  	s29 =	simm.s32 $0x840;
	s12 =	simm.s32 $0x3E40;
	s11 =	simm.s32 $0x0;
	v11 =	vld [tilespmem:$0x73A0];
	v13 =	vadd.f32 v14, v13;
	v6 =	vmax.f32 v6, $0.0e+00  }
.LBB2_5:
0x122: {  	v14 =	vld [tilespmem:$0x7320];
	v3 =	vmul.f32 v9, v3;
	[tilespmem:s26+$0x110] =	vst v6;
	s10 =	sadd.s32 $0x40, s10  }
0x123: {  	s26 =	sadd.s32 $0x240, s26;
	v6 =	vld [tilespmem:s10+$0x10];
	v8 =	vadd.f32 v8, v10;
	v9 =	vmax.f32 v13, $0.0e+00  }
0x124: {  	s24 =	sadd.s32 $0x240, s24;
	v10 =	vld [tilespmem:s26+$0x90];
	[tilespmem:s29+$0x70] =	vst v9  }
0x125: {  	v9 =	vld [tilespmem:s24+$0x90];
	v7 =	vadd.f32 v12, v7;
	v3 =	vadd.f32 v3, v8  }
0x126: {  	v8 =	vld [tilespmem:s26+$0xFFFFFEE0];
	v4 =	vmul.f32 v11, v4  }
0x127: {  	v11 =	vld [tilespmem:s24+$0xFFFFFEE0];
	v12 =	vmax.f32 v3, $0.0e+00  }
0x128: {  	v3 =	vld [tilespmem:s10+$0xFFFFFFF0];
	v4 =	vadd.f32 v4, v7;
	[tilespmem:s29+$0xFFFFFFF0] =	vst v12  }
0x129: {  	v12 =	vld [tilespmem:s26+$0xFFFFFF70]  }
0x12a: {  	v13 =	vld [tilespmem:s24+$0xFFFFFF70];
	v9 =	vadd.f32 v9, v10;
	v10 =	vmul.f32 v6, v14;
	v4 =	vmax.f32 v4, $0.0e+00  }
0x12b: {  	v7 =	vld [tilespmem:s10+$0x0];
	[tilespmem:s29+$0xFFFFFF60] =	vst v4  }
0x12c: {  	v8 =	vadd.f32 v11, v8;
	v11 =	vld [tilespmem:s26+$0x0];
	v9 =	vadd.f32 v9, v10  }
0x12d: {  	s11 =	sadd.s32 $0x4, s11;
	v10 =	vmul.f32 v3, v14;
	v15 =	vld [tilespmem:s24+$0x0]  }
0x12e: {  	p0 =	slt.u32 s11, $0x2C;
	v4 =	vld [tilespmem:s10+$0xFFFFFFE0];
	v9 =	vmax.f32 v9, $0.0e+00  }
0x12f: {  	v12 =	vadd.f32 v13, v12;
	[tilespmem:s26+$0x90] =	vst v9;
	v9 =	vld [tilespmem:s26+$0xA0]  }
0x130: {  	v13 =	vmul.f32 v7, v14;
	v16 =	vld [tilespmem:s24+$0xA0]  }
0x131: {  	v10 =	vadd.f32 v12, v10;
	v12 =	vld [tilespmem:$0x7330]  }
0x132: {  	v17 =	vld [tilespmem:s26+$0xFFFFFEF0];
	v11 =	vadd.f32 v15, v11  }
0x133: {  	v14 =	vmul.f32 v14, v4;
	v10 =	vmax.f32 v10, $0.0e+00;
	v15 =	vld [tilespmem:s26+$0xFFFFFF80]  }
0x134: {  	[tilespmem:s26+$0xFFFFFF70] =	vst v10;
	v10 =	vadd.f32 v11, v13;
	v11 =	vld [tilespmem:s26+$0x10]  }
0x135: {  	v8 =	vadd.f32 v14, v8;
	v13 =	vld [tilespmem:s24+$0xFFFFFF80]  }
0x136: {  	v9 =	vadd.f32 v16, v9;
	v14 =	vld [tilespmem:$0x7330];
	v10 =	vmax.f32 v10, $0.0e+00;
	v12 =	vmul.f32 v12, v6  }
0x137: {  	v8 =	vmax.f32 v8, $0.0e+00;
	v16 =	vld [tilespmem:s26+$0xFFFFFF00];
	[tilespmem:s26+$0x0] =	vst v10  }
0x138: {  	[tilespmem:s26+$0xFFFFFEE0] =	vst v8;
	v8 =	vld [tilespmem:s24+$0x10];
	v9 =	vadd.f32 v12, v9  }
0x139: {  	v10 =	vld [tilespmem:s24+$0xFFFFFEF0]  }
0x13a: {  	v12 =	vld [tilespmem:$0x7330];
	v13 =	vadd.f32 v13, v15;
	v9 =	vmax.f32 v9, $0.0e+00  }
0x13b: {  	v14 =	vmul.f32 v14, v3;
	[tilespmem:s26+$0xA0] =	vst v9;
	v9 =	vld [tilespmem:s26+$0xB0]  }
0x13c: {  	v15 =	vld [tilespmem:s24+$0xB0]  }
0x13d: {  	v13 =	vadd.f32 v14, v13;
	v8 =	vadd.f32 v8, v11;
	v11 =	vld [tilespmem:$0x7340]  }
0x13e: {  	v10 =	vadd.f32 v10, v17;
	v14 =	vld [tilespmem:$0x7330]  }
0x13f: {  	v12 =	vmul.f32 v12, v4;
	v13 =	vmax.f32 v13, $0.0e+00;
	v17 =	vld [tilespmem:s26+$0xFFFFFF90]  }
0x140: {  	[tilespmem:s26+$0xFFFFFF80] =	vst v13;
	v13 =	vld [tilespmem:s26+$0x20]  }
0x141: {  	v10 =	vadd.f32 v12, v10;
	v12 =	vld [tilespmem:s24+$0xFFFFFF90]  }
0x142: {  	v9 =	vadd.f32 v15, v9;
	v18 =	vld [tilespmem:$0x7340];
	v11 =	vmul.f32 v11, v6  }
0x143: {  	v10 =	vmax.f32 v10, $0.0e+00;
	v15 =	vld [tilespmem:s26+$0xFFFFFF10];
	v14 =	vmul.f32 v14, v7  }
0x144: {  	[tilespmem:s26+$0xFFFFFEF0] =	vst v10;
	v10 =	vld [tilespmem:s26+$0xFFFFFFA0];
	v9 =	vadd.f32 v11, v9  }
0x145: {  	v11 =	vld [tilespmem:s24+$0xFFFFFF00];
	v8 =	vadd.f32 v14, v8  }
0x146: {  	v14 =	vld [tilespmem:$0x7340];
	v12 =	vadd.f32 v12, v17;
	v9 =	vmax.f32 v9, $0.0e+00  }
0x147: {  	v17 =	vmul.f32 v18, v3;
	v8 =	vmax.f32 v8, $0.0e+00;
	[tilespmem:s26+$0xB0] =	vst v9;
	v9 =	vld [tilespmem:s26+$0xC0]  }
0x148: {  	[tilespmem:s26+$0x10] =	vst v8;
	v8 =	vld [tilespmem:s24+$0xC0]  }
0x149: {  	v12 =	vadd.f32 v17, v12;
	v17 =	vld [tilespmem:$0x7350]  }
0x14a: {  	v11 =	vadd.f32 v11, v16;
	v16 =	vld [tilespmem:s24+$0x20]  }
0x14b: {  	v14 =	vmul.f32 v14, v4;
	v12 =	vmax.f32 v12, $0.0e+00;
	v18 =	vld [tilespmem:$0x7340]  }
0x14c: {  	[tilespmem:s26+$0xFFFFFF90] =	vst v12;
	v12 =	vld [tilespmem:s26+$0x30]  }
0x14d: {  	v11 =	vadd.f32 v14, v11;
	v14 =	vld [tilespmem:s24+$0xFFFFFFA0]  }
0x14e: {  	v8 =	vadd.f32 v8, v9;
	v19 =	vld [tilespmem:$0x7350];
	v9 =	vmul.f32 v17, v6  }
0x14f: {  	v11 =	vmax.f32 v11, $0.0e+00;
	v17 =	vld [tilespmem:s26+$0xFFFFFF20];
	v13 =	vadd.f32 v16, v13  }
0x150: {  	[tilespmem:s26+$0xFFFFFF00] =	vst v11;
	v11 =	vld [tilespmem:s26+$0xFFFFFFB0];
	v16 =	vmul.f32 v18, v7;
	v8 =	vadd.f32 v9, v8  }
0x151: {  	v9 =	vld [tilespmem:s24+$0xFFFFFF10]  }
0x152: {  	v18 =	vld [tilespmem:$0x7350];
	v10 =	vadd.f32 v14, v10;
	v13 =	vadd.f32 v16, v13;
	v8 =	vmax.f32 v8, $0.0e+00  }
0x153: {  	v14 =	vmul.f32 v19, v3;
	[tilespmem:s26+$0xC0] =	vst v8;
	v8 =	vld [tilespmem:s26+$0xD0]  }
0x154: {  	v13 =	vmax.f32 v13, $0.0e+00;
	v16 =	vld [tilespmem:s24+$0xD0]  }
0x155: {  	v10 =	vadd.f32 v14, v10;
	[tilespmem:s26+$0x20] =	vst v13;
	v13 =	vld [tilespmem:$0x7360]  }
0x156: {  	v9 =	vadd.f32 v9, v15;
	v14 =	vld [tilespmem:s24+$0x30]  }
0x157: {  	v15 =	vmul.f32 v18, v4;
	v10 =	vmax.f32 v10, $0.0e+00;
	v18 =	vld [tilespmem:$0x7350]  }
0x158: {  	[tilespmem:s26+$0xFFFFFFA0] =	vst v10;
	v10 =	vld [tilespmem:s26+$0x40]  }
0x159: {  	v9 =	vadd.f32 v15, v9;
	v15 =	vld [tilespmem:s24+$0xFFFFFFB0]  }
0x15a: {  	v8 =	vadd.f32 v16, v8;
	v19 =	vld [tilespmem:$0x7360];
	v13 =	vmul.f32 v13, v6  }
0x15b: {  	v9 =	vmax.f32 v9, $0.0e+00;
	v16 =	vld [tilespmem:s26+$0xFFFFFF30];
	v12 =	vadd.f32 v14, v12  }
0x15c: {  	[tilespmem:s26+$0xFFFFFF10] =	vst v9;
	v9 =	vld [tilespmem:s26+$0xFFFFFFC0];
	v14 =	vmul.f32 v18, v7;
	v8 =	vadd.f32 v13, v8  }
0x15d: {  	v13 =	vld [tilespmem:s24+$0xFFFFFF20]  }
0x15e: {  	v18 =	vld [tilespmem:$0x7360];
	v11 =	vadd.f32 v15, v11;
	v12 =	vadd.f32 v14, v12;
	v8 =	vmax.f32 v8, $0.0e+00  }
0x15f: {  	v14 =	vmul.f32 v19, v3;
	[tilespmem:s26+$0xD0] =	vst v8;
	v8 =	vld [tilespmem:s26+$0xE0]  }
0x160: {  	v12 =	vmax.f32 v12, $0.0e+00;
	v15 =	vld [tilespmem:s24+$0xE0]  }
0x161: {  	v11 =	vadd.f32 v14, v11;
	[tilespmem:s26+$0x30] =	vst v12;
	v12 =	vld [tilespmem:$0x7370]  }
0x162: {  	v13 =	vadd.f32 v13, v17;
	v14 =	vld [tilespmem:s24+$0x40]  }
0x163: {  	v17 =	vmul.f32 v18, v4;
	v11 =	vmax.f32 v11, $0.0e+00;
	v18 =	vld [tilespmem:$0x7360]  }
0x164: {  	[tilespmem:s26+$0xFFFFFFB0] =	vst v11;
	v11 =	vld [tilespmem:s26+$0x50]  }
0x165: {  	v13 =	vadd.f32 v17, v13;
	v17 =	vld [tilespmem:s24+$0xFFFFFFC0]  }
0x166: {  	v8 =	vadd.f32 v15, v8;
	v19 =	vld [tilespmem:$0x7370];
	v12 =	vmul.f32 v12, v6  }
0x167: {  	v13 =	vmax.f32 v13, $0.0e+00;
	v15 =	vld [tilespmem:s26+$0xFFFFFF40];
	v10 =	vadd.f32 v14, v10  }
0x168: {  	[tilespmem:s26+$0xFFFFFF20] =	vst v13;
	v13 =	vld [tilespmem:s26+$0xFFFFFFD0];
	v14 =	vmul.f32 v18, v7;
	v8 =	vadd.f32 v12, v8  }
0x169: {  	v12 =	vld [tilespmem:s24+$0xFFFFFF30]  }
0x16a: {  	v18 =	vld [tilespmem:$0x7370];
	v9 =	vadd.f32 v17, v9;
	v10 =	vadd.f32 v14, v10;
	v8 =	vmax.f32 v8, $0.0e+00  }
0x16b: {  	v14 =	vmul.f32 v19, v3;
	[tilespmem:s26+$0xE0] =	vst v8;
	v8 =	vld [tilespmem:s26+$0xF0]  }
0x16c: {  	v10 =	vmax.f32 v10, $0.0e+00;
	v17 =	vld [tilespmem:s24+$0xF0]  }
0x16d: {  	v9 =	vadd.f32 v14, v9;
	[tilespmem:s26+$0x40] =	vst v10;
	v10 =	vld [tilespmem:$0x7380]  }
0x16e: {  	v12 =	vadd.f32 v12, v16;
	v14 =	vld [tilespmem:s24+$0x50]  }
0x16f: {  	v16 =	vmul.f32 v18, v4;
	v9 =	vmax.f32 v9, $0.0e+00;
	v18 =	vld [tilespmem:$0x7370]  }
0x170: {  	[tilespmem:s26+$0xFFFFFFC0] =	vst v9;
	v9 =	vld [tilespmem:s26+$0x60]  }
0x171: {  	v12 =	vadd.f32 v16, v12;
	v16 =	vld [tilespmem:s24+$0xFFFFFFD0]  }
0x172: {  	v8 =	vadd.f32 v17, v8;
	v19 =	vld [tilespmem:$0x7380];
	v10 =	vmul.f32 v10, v6  }
0x173: {  	v12 =	vmax.f32 v12, $0.0e+00;
	v17 =	vld [tilespmem:s26+$0xFFFFFF50];
	v11 =	vadd.f32 v14, v11  }
0x174: {  	[tilespmem:s26+$0xFFFFFF30] =	vst v12;
	v12 =	vld [tilespmem:s26+$0xFFFFFFE0];
	v14 =	vmul.f32 v18, v7;
	v8 =	vadd.f32 v10, v8  }
0x175: {  	v10 =	vld [tilespmem:s24+$0xFFFFFF40]  }
0x176: {  	v18 =	vld [tilespmem:$0x7380];
	v13 =	vadd.f32 v16, v13;
	v11 =	vadd.f32 v14, v11;
	v8 =	vmax.f32 v8, $0.0e+00  }
0x177: {  	v14 =	vmul.f32 v19, v3;
	[tilespmem:s26+$0xF0] =	vst v8;
	v8 =	vld [tilespmem:s26+$0x100]  }
0x178: {  	v11 =	vmax.f32 v11, $0.0e+00;
	v16 =	vld [tilespmem:s24+$0x100]  }
0x179: {  	v13 =	vadd.f32 v14, v13;
	[tilespmem:s26+$0x50] =	vst v11;
	v11 =	vld [tilespmem:$0x7390]  }
0x17a: {  	v10 =	vadd.f32 v10, v15;
	v14 =	vld [tilespmem:s24+$0x60]  }
0x17b: {  	v15 =	vmul.f32 v18, v4;
	v13 =	vmax.f32 v13, $0.0e+00;
	v18 =	vld [tilespmem:$0x7380]  }
0x17c: {  	[tilespmem:s26+$0xFFFFFFD0] =	vst v13;
	v13 =	vld [tilespmem:s26+$0x70]  }
0x17d: {  	v10 =	vadd.f32 v15, v10;
	v15 =	vld [tilespmem:s24+$0xFFFFFFE0]  }
0x17e: {  	v8 =	vadd.f32 v16, v8;
	v19 =	vld [tilespmem:$0x7390];
	v11 =	vmul.f32 v11, v6  }
0x17f: {  	v10 =	vmax.f32 v10, $0.0e+00;
	v9 =	vadd.f32 v14, v9;
	v14 =	vld [tilespmem:s12+$0x80];
	s12 =	smov.u32 s24  }
0x180: {  	[tilespmem:s26+$0xFFFFFF40] =	vst v10;
	v10 =	vmul.f32 v18, v7;
	v8 =	vadd.f32 v11, v8;
	v11 =	vld [tilespmem:$0x73A0]  }
0x181: {  	v16 =	vld [tilespmem:s24+$0xFFFFFF50]  }
0x182: {  	v18 =	vld [tilespmem:$0x7390];
	v12 =	vadd.f32 v15, v12;
	v9 =	vadd.f32 v10, v9;
	v8 =	vmax.f32 v8, $0.0e+00  }
0x183: {  	v10 =	vmul.f32 v19, v3;
	[tilespmem:s26+$0x100] =	vst v8;
	v15 =	vld [tilespmem:s26+$0x110]  }
0x184: {  	v8 =	vmax.f32 v9, $0.0e+00;
	v19 =	vld [tilespmem:s24+$0x110];
	v5 =	vadd.f32 v14, v5  }
0x185: {  	v9 =	vadd.f32 v10, v12;
	[tilespmem:s26+$0x60] =	vst v8;
	v10 =	vld [tilespmem:$0x73A0];
	v8 =	vmul.f32 v11, v2;
	v2 =	vmov v7  }
0x186: {  	v11 =	vadd.f32 v16, v17;
	v12 =	vld [tilespmem:s24+$0x70]  }
0x187: {  	v14 =	vmul.f32 v18, v4;
	v9 =	vmax.f32 v9, $0.0e+00;
	v16 =	vld [tilespmem:$0x7390];
	v5 =	vadd.f32 v8, v5  }
0x188: {  	v7 =	vld [tilespmem:s26+$0xFFFFFF60];
	[tilespmem:s26+$0xFFFFFFE0] =	vst v9  }
0x189: {  	v11 =	vadd.f32 v14, v11;
	v8 =	vld [tilespmem:s24+$0xFFFFFFF0];
	v5 =	vmax.f32 v5, $0.0e+00  }
.Ltmp1:
0x18a: {  	v14 =	vadd.f32 v19, v15;
	v9 =	vld [tilespmem:$0x73A0];
	v6 =	vmul.f32 v10, v6;
	[tilespmem:s29+$0x80] =	vst v5;
	s29 =	smov.u32 s26;
	(pc) =	sbr.rel @p0 .LBB2_5-.Ltmp1, $4  }
0x18b: {  	v5 =	vmax.f32 v11, $0.0e+00;
	v10 =	vld [tilespmem:s26+$0xFFFFFFF0];
	v13 =	vadd.f32 v12, v13  }
0x18c: {  	[tilespmem:s26+$0xFFFFFF50] =	vst v5;
	v15 =	vmul.f32 v16, v2;
	v5 =	vld [tilespmem:s26+$0x80];
	v6 =	vadd.f32 v6, v14  }
0x18d: {  	v12 =	vld [tilespmem:s24+$0xFFFFFF60]  }
0x18e: {  	v11 =	vld [tilespmem:$0x73A0];
	v13 =	vadd.f32 v15, v13;
	v6 =	vmax.f32 v6, $0.0e+00  }
0x18f: {  	_ = 	snop  }
0x190: {  	v13 =	vmax.f32 v13, $0.0e+00  }
0x191: {  	[tilespmem:s29+$0x70] =	vst v13  }
0x192: {  	v13 =	vld [tilespmem:s12+$0x80]  }
0x193: {  	v14 =	vld [tilespmem:$0x73A0];
	_ =	sdelay $0x2  }
0x194: {  	v3 =	vmul.f32 v9, v3;
	v8 =	vadd.f32 v8, v10  }
0x195: {  	v7 =	vadd.f32 v12, v7;
	v4 =	vmul.f32 v11, v4  }
0x196: {  	v3 =	vadd.f32 v3, v8;
	v5 =	vadd.f32 v13, v5;
	v2 =	vmul.f32 v14, v2  }
0x197: {  	v4 =	vadd.f32 v4, v7  }
0x198: {  	[tilespmem:s26+$0x110] =	vst v6;
	v3 =	vmax.f32 v3, $0.0e+00;
	v2 =	vadd.f32 v2, v5  }
0x199: {  	[tilespmem:s29+$0xFFFFFFF0] =	vst v3;
	v3 =	vmax.f32 v4, $0.0e+00  }
0x19a: {  	[tilespmem:s29+$0xFFFFFF60] =	vst v3;
	v2 =	vmax.f32 v2, $0.0e+00  }
0x19b: {  	[tilespmem:s29+$0x80] =	vst v2  }
0x19c: {  	[spmem:s1] =	stream.indirect.scatter.add.f32 [tilespmem:s31], [sflag:$0x7], $0x90, s0, s9, $0xb8;
	[tilespmem:$0x1DBB0] =	vst v63  }
0x19d: {  	_ =	swait.ge [sflag:s30], $0x1B00  }
0x19e: {  	[sflag:s30] =	ssyncset.done $0x0  }
0x19f: {  	[sflag:s30] =	ssyncadd.s32 $0xFFFFE500  }
0x1a0: {  	_ =	swait.ge [sflag:s21], $0x1B00  }
0x1a1: {  	[sflag:s21] =	ssyncset.done $0x0  }
0x1a2: {  	[sflag:s21] =	ssyncadd.s32 $0xFFFFE500  }
0x1a3: {  	_ =	swait.ge [sflag:s22], $0x1B00  }
0x1a4: {  	[sflag:s22] =	ssyncset.done $0x0  }
0x1a5: {  	[sflag:s22] =	ssyncadd.s32 $0xFFFFE500  }
0x1a6: {  	s10 =	simm.s32 $0x440;
	v6 =	vld [tilespmem:$0x7320]  }
0x1a7: {  	s26 =	simm.s32 $0x2340;
	v5 =	vld [tilespmem:s10+$0x10]  }
0x1a8: {  	s24 =	simm.s32 $0x5940;
	v2 =	vld [tilespmem:s26+$0x90]  }
0x1a9: {  	v4 =	vld [tilespmem:s24+$0x90];
	_ =	sdelay $0x2  }
0x1aa: {  	v3 =	vld [tilespmem:s10+$0xFFFFFFF0]  }
0x1ab: {  	v8 =	vld [tilespmem:s26+$0xFFFFFF70]  }
0x1ac: {  	v9 =	vld [tilespmem:s24+$0xFFFFFF70];
	v2 =	vadd.f32 v4, v2;
	v4 =	vmul.f32 v5, v6  }
0x1ad: {  	v7 =	vld [tilespmem:s26+$0xFFFFFEE0]  }
0x1ae: {  	v10 =	vld [tilespmem:s24+$0xFFFFFEE0];
	v4 =	vadd.f32 v2, v4  }
0x1af: {  	v14 =	vld [tilespmem:s26+$0x0]  }
0x1b0: {  	v11 =	vmax.f32 v4, $0.0e+00;
	v4 =	vld [tilespmem:s10+$0xFFFFFFE0]  }
0x1b1: {  	v12 =	vmul.f32 v3, v6;
	v8 =	vadd.f32 v9, v8;
	[tilespmem:s26+$0x90] =	vst v11;
	v11 =	vld [tilespmem:s26+$0xA0]  }
0x1b2: {  	v9 =	vld [tilespmem:s24+$0xA0]  }
0x1b3: {  	v8 =	vadd.f32 v8, v12;
	v13 =	vld [tilespmem:$0x7330]  }
0x1b4: {  	v2 =	vld [tilespmem:s10+$0x0]  }
0x1b5: {  	v7 =	vadd.f32 v10, v7;
	v12 =	vld [tilespmem:s24+$0x0];
	v8 =	vmax.f32 v8, $0.0e+00;
	v10 =	vmul.f32 v6, v4  }
0x1b6: {  	v15 =	vld [tilespmem:s26+$0xFFFFFF80];
	[tilespmem:s26+$0xFFFFFF70] =	vst v8  }
0x1b7: {  	v8 =	vld [tilespmem:s24+$0xFFFFFF80];
	v7 =	vadd.f32 v10, v7  }
0x1b8: {  	v9 =	vadd.f32 v9, v11;
	v10 =	vmul.f32 v13, v5;
	v11 =	vld [tilespmem:$0x7330]  }
0x1b9: {  	v16 =	vld [tilespmem:s26+$0xFFFFFEF0];
	v7 =	vmax.f32 v7, $0.0e+00  }
0x1ba: {  	v6 =	vmul.f32 v2, v6;
	v9 =	vadd.f32 v10, v9;
	v10 =	vld [tilespmem:s26+$0x10];
	[tilespmem:s26+$0xFFFFFEE0] =	vst v7;
	v7 =	vadd.f32 v12, v14  }
0x1bb: {  	v12 =	vld [tilespmem:s24+$0xFFFFFEF0]  }
0x1bc: {  	v9 =	vmax.f32 v9, $0.0e+00;
	v14 =	vld [tilespmem:$0x7330];
	v6 =	vadd.f32 v7, v6  }
0x1bd: {  	v8 =	vadd.f32 v8, v15;
	[tilespmem:s26+$0xA0] =	vst v9;
	v7 =	vld [tilespmem:s26+$0xB0];
	v9 =	vmul.f32 v11, v3  }
0x1be: {  	v11 =	vld [tilespmem:s24+$0xB0];
	v6 =	vmax.f32 v6, $0.0e+00  }
0x1bf: {  	v15 =	vld [tilespmem:$0x7340];
	[tilespmem:s26+$0x0] =	vst v6;
	v6 =	vadd.f32 v9, v8  }
0x1c0: {  	v8 =	vld [tilespmem:s24+$0x10]  }
0x1c1: {  	v9 =	vadd.f32 v12, v16;
	v12 =	vmul.f32 v14, v4;
	v57 =	vld [tilespmem:$0x7330];
	v6 =	vmax.f32 v6, $0.0e+00  }
0x1c2: {  	v14 =	vld [tilespmem:s26+$0xFFFFFF90];
	[tilespmem:s26+$0xFFFFFF80] =	vst v6  }
0x1c3: {  	v6 =	vadd.f32 v12, v9;
	v9 =	vld [tilespmem:s24+$0xFFFFFF90]  }
0x1c4: {  	v7 =	vadd.f32 v11, v7;
	v11 =	vmul.f32 v15, v5;
	v12 =	vld [tilespmem:$0x7340]  }
0x1c5: {  	v58 =	vld [tilespmem:s26+$0x20];
	v6 =	vmax.f32 v6, $0.0e+00  }
0x1c6: {  	v13 =	vld [tilespmem:s26+$0xFFFFFF00];
	v7 =	vadd.f32 v11, v7;
	[tilespmem:s26+$0xFFFFFEF0] =	vst v6;
	v8 =	vadd.f32 v8, v10;
	v10 =	vmul.f32 v57, v2  }
0x1c7: {  	v6 =	vld [tilespmem:s24+$0xFFFFFF00]  }
0x1c8: {  	v7 =	vmax.f32 v7, $0.0e+00;
	v11 =	vld [tilespmem:$0x7340];
	v8 =	vadd.f32 v10, v8  }
0x1c9: {  	[tilespmem:s26+$0xB0] =	vst v7;
	v7 =	vld [tilespmem:s26+$0xC0];
	v9 =	vadd.f32 v9, v14;
	v10 =	vmul.f32 v12, v3  }
0x1ca: {  	v12 =	vld [tilespmem:s24+$0xC0];
	v8 =	vmax.f32 v8, $0.0e+00  }
0x1cb: {  	v14 =	vld [tilespmem:$0x7350];
	v9 =	vadd.f32 v10, v9;
	[tilespmem:s26+$0x10] =	vst v8  }
0x1cc: {  	v8 =	vld [tilespmem:s24+$0x20]  }
0x1cd: {  	v6 =	vadd.f32 v6, v13;
	v11 =	vmul.f32 v11, v4;
	v13 =	vld [tilespmem:$0x7340];
	v9 =	vmax.f32 v9, $0.0e+00  }
0x1ce: {  	v10 =	vld [tilespmem:s26+$0xFFFFFFA0];
	[tilespmem:s26+$0xFFFFFF90] =	vst v9  }
0x1cf: {  	v6 =	vadd.f32 v11, v6;
	v9 =	vld [tilespmem:s24+$0xFFFFFFA0]  }
0x1d0: {  	v7 =	vadd.f32 v12, v7;
	v11 =	vmul.f32 v14, v5;
	v12 =	vld [tilespmem:$0x7350]  }
0x1d1: {  	v59 =	vld [tilespmem:s26+$0x30];
	v6 =	vmax.f32 v6, $0.0e+00  }
0x1d2: {  	v15 =	vld [tilespmem:s26+$0xFFFFFF10];
	v7 =	vadd.f32 v11, v7;
	[tilespmem:s26+$0xFFFFFF00] =	vst v6;
	v8 =	vadd.f32 v8, v58;
	v11 =	vmul.f32 v13, v2  }
0x1d3: {  	v6 =	vld [tilespmem:s24+$0xFFFFFF10]  }
0x1d4: {  	v7 =	vmax.f32 v7, $0.0e+00;
	v13 =	vld [tilespmem:$0x7350];
	v8 =	vadd.f32 v11, v8  }
0x1d5: {  	[tilespmem:s26+$0xC0] =	vst v7;
	v7 =	vld [tilespmem:s26+$0xD0];
	v9 =	vadd.f32 v9, v10;
	v10 =	vmul.f32 v12, v3  }
0x1d6: {  	v11 =	vld [tilespmem:s24+$0xD0];
	v8 =	vmax.f32 v8, $0.0e+00  }
0x1d7: {  	v12 =	vld [tilespmem:$0x7360];
	v9 =	vadd.f32 v10, v9;
	[tilespmem:s26+$0x20] =	vst v8  }
0x1d8: {  	v8 =	vld [tilespmem:s24+$0x30]  }
0x1d9: {  	v6 =	vadd.f32 v6, v15;
	v13 =	vmul.f32 v13, v4;
	v15 =	vld [tilespmem:$0x7350];
	v9 =	vmax.f32 v9, $0.0e+00  }
0x1da: {  	v10 =	vld [tilespmem:s26+$0xFFFFFFB0];
	[tilespmem:s26+$0xFFFFFFA0] =	vst v9  }
0x1db: {  	v6 =	vadd.f32 v13, v6;
	v9 =	vld [tilespmem:s24+$0xFFFFFFB0]  }
0x1dc: {  	v7 =	vadd.f32 v11, v7;
	v11 =	vmul.f32 v12, v5;
	v12 =	vld [tilespmem:$0x7360]  }
0x1dd: {  	v60 =	vld [tilespmem:s26+$0x40];
	v6 =	vmax.f32 v6, $0.0e+00  }
0x1de: {  	v14 =	vld [tilespmem:s26+$0xFFFFFF20];
	v7 =	vadd.f32 v11, v7;
	[tilespmem:s26+$0xFFFFFF10] =	vst v6;
	v8 =	vadd.f32 v8, v59;
	v11 =	vmul.f32 v15, v2  }
0x1df: {  	v6 =	vld [tilespmem:s24+$0xFFFFFF20]  }
0x1e0: {  	v7 =	vmax.f32 v7, $0.0e+00;
	v15 =	vld [tilespmem:$0x7360];
	v8 =	vadd.f32 v11, v8  }
0x1e1: {  	[tilespmem:s26+$0xD0] =	vst v7;
	v7 =	vld [tilespmem:s26+$0xE0];
	v9 =	vadd.f32 v9, v10;
	v10 =	vmul.f32 v12, v3  }
0x1e2: {  	v11 =	vld [tilespmem:s24+$0xE0];
	v8 =	vmax.f32 v8, $0.0e+00  }
0x1e3: {  	v12 =	vld [tilespmem:$0x7370];
	v9 =	vadd.f32 v10, v9;
	[tilespmem:s26+$0x30] =	vst v8  }
0x1e4: {  	v8 =	vld [tilespmem:s24+$0x40]  }
0x1e5: {  	v6 =	vadd.f32 v6, v14;
	v14 =	vmul.f32 v15, v4;
	v15 =	vld [tilespmem:$0x7360];
	v9 =	vmax.f32 v9, $0.0e+00  }
0x1e6: {  	v10 =	vld [tilespmem:s26+$0xFFFFFFC0];
	[tilespmem:s26+$0xFFFFFFB0] =	vst v9  }
0x1e7: {  	v6 =	vadd.f32 v14, v6;
	v9 =	vld [tilespmem:s24+$0xFFFFFFC0]  }
0x1e8: {  	v7 =	vadd.f32 v11, v7;
	v11 =	vmul.f32 v12, v5;
	v12 =	vld [tilespmem:$0x7370]  }
0x1e9: {  	v61 =	vld [tilespmem:s26+$0x50];
	v6 =	vmax.f32 v6, $0.0e+00  }
0x1ea: {  	v13 =	vld [tilespmem:s26+$0xFFFFFF30];
	v7 =	vadd.f32 v11, v7;
	[tilespmem:s26+$0xFFFFFF20] =	vst v6;
	v8 =	vadd.f32 v8, v60;
	v11 =	vmul.f32 v15, v2  }
0x1eb: {  	v6 =	vld [tilespmem:s24+$0xFFFFFF30]  }
0x1ec: {  	v7 =	vmax.f32 v7, $0.0e+00;
	v15 =	vld [tilespmem:$0x7370];
	v8 =	vadd.f32 v11, v8  }
0x1ed: {  	[tilespmem:s26+$0xE0] =	vst v7;
	v7 =	vld [tilespmem:s26+$0xF0];
	v9 =	vadd.f32 v9, v10;
	v10 =	vmul.f32 v12, v3  }
0x1ee: {  	v11 =	vld [tilespmem:s24+$0xF0];
	v8 =	vmax.f32 v8, $0.0e+00  }
0x1ef: {  	v12 =	vld [tilespmem:$0x7380];
	v9 =	vadd.f32 v10, v9;
	[tilespmem:s26+$0x40] =	vst v8  }
0x1f0: {  	v8 =	vld [tilespmem:s24+$0x50]  }
0x1f1: {  	v6 =	vadd.f32 v6, v13;
	v13 =	vmul.f32 v15, v4;
	v15 =	vld [tilespmem:$0x7370];
	v9 =	vmax.f32 v9, $0.0e+00  }
0x1f2: {  	v10 =	vld [tilespmem:s26+$0xFFFFFFD0];
	[tilespmem:s26+$0xFFFFFFC0] =	vst v9  }
0x1f3: {  	v6 =	vadd.f32 v13, v6;
	v9 =	vld [tilespmem:s24+$0xFFFFFFD0]  }
0x1f4: {  	v7 =	vadd.f32 v11, v7;
	v11 =	vmul.f32 v12, v5;
	v12 =	vld [tilespmem:$0x7380]  }
0x1f5: {  	v14 =	vld [tilespmem:s26+$0xFFFFFF40];
	v6 =	vmax.f32 v6, $0.0e+00  }
0x1f6: {  	v7 =	vadd.f32 v11, v7;
	v11 =	vld [tilespmem:s26+$0x60];
	[tilespmem:s26+$0xFFFFFF30] =	vst v6;
	v6 =	vadd.f32 v8, v61;
	v8 =	vmul.f32 v15, v2  }
0x1f7: {  	v15 =	vld [tilespmem:s24+$0xFFFFFF40]  }
0x1f8: {  	v7 =	vmax.f32 v7, $0.0e+00;
	v62 =	vld [tilespmem:$0x7380];
	v6 =	vadd.f32 v8, v6  }
0x1f9: {  	[tilespmem:s26+$0xF0] =	vst v7;
	v7 =	vld [tilespmem:s26+$0x100];
	v8 =	vadd.f32 v9, v10;
	v9 =	vmul.f32 v12, v3  }
0x1fa: {  	v10 =	vld [tilespmem:s24+$0x100];
	v6 =	vmax.f32 v6, $0.0e+00  }
0x1fb: {  	v12 =	vld [tilespmem:$0x7390];
	v8 =	vadd.f32 v9, v8;
	[tilespmem:s26+$0x50] =	vst v6  }
0x1fc: {  	v6 =	vld [tilespmem:s24+$0x60]  }
0x1fd: {  	v9 =	vadd.f32 v15, v14;
	v14 =	vmul.f32 v62, v4;
	v15 =	vld [tilespmem:$0x7380];
	v8 =	vmax.f32 v8, $0.0e+00  }
0x1fe: {  	v17 =	vld [tilespmem:s26+$0xFFFFFFE0];
	[tilespmem:s26+$0xFFFFFFD0] =	vst v8  }
0x1ff: {  	v8 =	vadd.f32 v14, v9;
	v9 =	vld [tilespmem:s24+$0xFFFFFFE0]  }
0x200: {  	v7 =	vadd.f32 v10, v7;
	v10 =	vmul.f32 v12, v5;
	v12 =	vld [tilespmem:$0x7390]  }
0x201: {  	v13 =	vld [tilespmem:s26+$0xFFFFFF50];
	v8 =	vmax.f32 v8, $0.0e+00  }
0x202: {  	v14 =	vld [tilespmem:s26+$0x70];
	v7 =	vadd.f32 v10, v7;
	v6 =	vadd.f32 v6, v11;
	[tilespmem:s26+$0xFFFFFF40] =	vst v8;
	v8 =	vmul.f32 v15, v2  }
0x203: {  	v10 =	vld [tilespmem:s24+$0xFFFFFF50]  }
0x204: {  	v7 =	vmax.f32 v7, $0.0e+00;
	v11 =	vld [tilespmem:$0x7390];
	v6 =	vadd.f32 v8, v6  }
0x205: {  	[tilespmem:s26+$0x100] =	vst v7;
	v7 =	vadd.f32 v9, v17;
	v8 =	vmul.f32 v12, v3;
	v12 =	vld [tilespmem:s26+$0x110]  }
0x206: {  	v15 =	vld [tilespmem:s24+$0x110];
	v6 =	vmax.f32 v6, $0.0e+00  }
0x207: {  	v7 =	vadd.f32 v8, v7;
	[tilespmem:s26+$0x60] =	vst v6;
	v6 =	vld [tilespmem:$0x73A0]  }
0x208: {  	v63 =	vld [tilespmem:s24+$0x70]  }
0x209: {  	v8 =	vadd.f32 v10, v13;
	v9 =	vmul.f32 v11, v4;
	v11 =	vld [tilespmem:$0x7390];
	v10 =	vmax.f32 v7, $0.0e+00  }
0x20a: {  	v7 =	vld [tilespmem:s26+$0xFFFFFF60];
	[tilespmem:s26+$0xFFFFFFE0] =	vst v10  }
0x20b: {  	v10 =	vadd.f32 v9, v8;
	v8 =	vld [tilespmem:s24+$0xFFFFFFF0]  }
0x20c: {  	v12 =	vadd.f32 v15, v12;
	v9 =	vld [tilespmem:$0x73A0];
	v6 =	vmul.f32 v6, v5  }
0x20d: {  	v5 =	vmax.f32 v10, $0.0e+00;
	v10 =	vld [tilespmem:s26+$0xFFFFFFF0]  }
0x20e: {  	v13 =	vadd.f32 v63, v14;
	[tilespmem:s26+$0xFFFFFF50] =	vst v5;
	v14 =	vmul.f32 v11, v2;
	v5 =	vld [tilespmem:s26+$0x80];
	v6 =	vadd.f32 v6, v12  }
0x20f: {  	v12 =	vld [tilespmem:s24+$0xFFFFFF60]  }
0x210: {  	s11 =	simm.s32 $0x0;
	s12 =	simm.s32 $0x5940;
	s29 =	simm.s32 $0x2340;
	v11 =	vld [tilespmem:$0x73A0];
	v13 =	vadd.f32 v14, v13;
	v6 =	vmax.f32 v6, $0.0e+00  }
.LBB2_7:
0x211: {  	v14 =	vld [tilespmem:$0x7320];
	v3 =	vmul.f32 v9, v3;
	[tilespmem:s26+$0x110] =	vst v6;
	s10 =	sadd.s32 $0x40, s10  }
0x212: {  	s26 =	sadd.s32 $0x240, s26;
	v6 =	vld [tilespmem:s10+$0x10];
	v8 =	vadd.f32 v8, v10;
	v9 =	vmax.f32 v13, $0.0e+00  }
0x213: {  	s24 =	sadd.s32 $0x240, s24;
	v10 =	vld [tilespmem:s26+$0x90];
	[tilespmem:s29+$0x70] =	vst v9  }
0x214: {  	v9 =	vld [tilespmem:s24+$0x90];
	v7 =	vadd.f32 v12, v7;
	v3 =	vadd.f32 v3, v8  }
0x215: {  	v8 =	vld [tilespmem:s26+$0xFFFFFEE0];
	v4 =	vmul.f32 v11, v4  }
0x216: {  	v11 =	vld [tilespmem:s24+$0xFFFFFEE0];
	v12 =	vmax.f32 v3, $0.0e+00  }
0x217: {  	v3 =	vld [tilespmem:s10+$0xFFFFFFF0];
	v4 =	vadd.f32 v4, v7;
	[tilespmem:s29+$0xFFFFFFF0] =	vst v12  }
0x218: {  	v12 =	vld [tilespmem:s26+$0xFFFFFF70]  }
0x219: {  	v13 =	vld [tilespmem:s24+$0xFFFFFF70];
	v9 =	vadd.f32 v9, v10;
	v10 =	vmul.f32 v6, v14;
	v4 =	vmax.f32 v4, $0.0e+00  }
0x21a: {  	v7 =	vld [tilespmem:s10+$0x0];
	[tilespmem:s29+$0xFFFFFF60] =	vst v4  }
0x21b: {  	v8 =	vadd.f32 v11, v8;
	v11 =	vld [tilespmem:s26+$0x0];
	v9 =	vadd.f32 v9, v10  }
0x21c: {  	s11 =	sadd.s32 $0x4, s11;
	v10 =	vmul.f32 v3, v14;
	v15 =	vld [tilespmem:s24+$0x0]  }
0x21d: {  	p0 =	slt.u32 s11, $0x2C;
	v4 =	vld [tilespmem:s10+$0xFFFFFFE0];
	v9 =	vmax.f32 v9, $0.0e+00  }
0x21e: {  	v12 =	vadd.f32 v13, v12;
	[tilespmem:s26+$0x90] =	vst v9;
	v9 =	vld [tilespmem:s26+$0xA0]  }
0x21f: {  	v13 =	vmul.f32 v7, v14;
	v16 =	vld [tilespmem:s24+$0xA0]  }
0x220: {  	v10 =	vadd.f32 v12, v10;
	v12 =	vld [tilespmem:$0x7330]  }
0x221: {  	v17 =	vld [tilespmem:s26+$0xFFFFFEF0];
	v11 =	vadd.f32 v15, v11  }
0x222: {  	v14 =	vmul.f32 v14, v4;
	v10 =	vmax.f32 v10, $0.0e+00;
	v15 =	vld [tilespmem:s26+$0xFFFFFF80]  }
0x223: {  	[tilespmem:s26+$0xFFFFFF70] =	vst v10;
	v10 =	vadd.f32 v11, v13;
	v11 =	vld [tilespmem:s26+$0x10]  }
0x224: {  	v8 =	vadd.f32 v14, v8;
	v13 =	vld [tilespmem:s24+$0xFFFFFF80]  }
0x225: {  	v9 =	vadd.f32 v16, v9;
	v14 =	vld [tilespmem:$0x7330];
	v10 =	vmax.f32 v10, $0.0e+00;
	v12 =	vmul.f32 v12, v6  }
0x226: {  	v8 =	vmax.f32 v8, $0.0e+00;
	v16 =	vld [tilespmem:s26+$0xFFFFFF00];
	[tilespmem:s26+$0x0] =	vst v10  }
0x227: {  	[tilespmem:s26+$0xFFFFFEE0] =	vst v8;
	v8 =	vld [tilespmem:s24+$0x10];
	v9 =	vadd.f32 v12, v9  }
0x228: {  	v10 =	vld [tilespmem:s24+$0xFFFFFEF0]  }
0x229: {  	v12 =	vld [tilespmem:$0x7330];
	v13 =	vadd.f32 v13, v15;
	v9 =	vmax.f32 v9, $0.0e+00  }
0x22a: {  	v14 =	vmul.f32 v14, v3;
	[tilespmem:s26+$0xA0] =	vst v9;
	v9 =	vld [tilespmem:s26+$0xB0]  }
0x22b: {  	v15 =	vld [tilespmem:s24+$0xB0]  }
0x22c: {  	v13 =	vadd.f32 v14, v13;
	v8 =	vadd.f32 v8, v11;
	v11 =	vld [tilespmem:$0x7340]  }
0x22d: {  	v10 =	vadd.f32 v10, v17;
	v14 =	vld [tilespmem:$0x7330]  }
0x22e: {  	v12 =	vmul.f32 v12, v4;
	v13 =	vmax.f32 v13, $0.0e+00;
	v17 =	vld [tilespmem:s26+$0xFFFFFF90]  }
0x22f: {  	[tilespmem:s26+$0xFFFFFF80] =	vst v13;
	v13 =	vld [tilespmem:s26+$0x20]  }
0x230: {  	v10 =	vadd.f32 v12, v10;
	v12 =	vld [tilespmem:s24+$0xFFFFFF90]  }
0x231: {  	v9 =	vadd.f32 v15, v9;
	v18 =	vld [tilespmem:$0x7340];
	v11 =	vmul.f32 v11, v6  }
0x232: {  	v10 =	vmax.f32 v10, $0.0e+00;
	v15 =	vld [tilespmem:s26+$0xFFFFFF10];
	v14 =	vmul.f32 v14, v7  }
0x233: {  	[tilespmem:s26+$0xFFFFFEF0] =	vst v10;
	v10 =	vld [tilespmem:s26+$0xFFFFFFA0];
	v9 =	vadd.f32 v11, v9  }
0x234: {  	v11 =	vld [tilespmem:s24+$0xFFFFFF00];
	v8 =	vadd.f32 v14, v8  }
0x235: {  	v14 =	vld [tilespmem:$0x7340];
	v12 =	vadd.f32 v12, v17;
	v9 =	vmax.f32 v9, $0.0e+00  }
0x236: {  	v17 =	vmul.f32 v18, v3;
	v8 =	vmax.f32 v8, $0.0e+00;
	[tilespmem:s26+$0xB0] =	vst v9;
	v9 =	vld [tilespmem:s26+$0xC0]  }
0x237: {  	[tilespmem:s26+$0x10] =	vst v8;
	v8 =	vld [tilespmem:s24+$0xC0]  }
0x238: {  	v12 =	vadd.f32 v17, v12;
	v17 =	vld [tilespmem:$0x7350]  }
0x239: {  	v11 =	vadd.f32 v11, v16;
	v16 =	vld [tilespmem:s24+$0x20]  }
0x23a: {  	v14 =	vmul.f32 v14, v4;
	v12 =	vmax.f32 v12, $0.0e+00;
	v18 =	vld [tilespmem:$0x7340]  }
0x23b: {  	[tilespmem:s26+$0xFFFFFF90] =	vst v12;
	v12 =	vld [tilespmem:s26+$0x30]  }
0x23c: {  	v11 =	vadd.f32 v14, v11;
	v14 =	vld [tilespmem:s24+$0xFFFFFFA0]  }
0x23d: {  	v8 =	vadd.f32 v8, v9;
	v19 =	vld [tilespmem:$0x7350];
	v9 =	vmul.f32 v17, v6  }
0x23e: {  	v11 =	vmax.f32 v11, $0.0e+00;
	v17 =	vld [tilespmem:s26+$0xFFFFFF20];
	v13 =	vadd.f32 v16, v13  }
0x23f: {  	[tilespmem:s26+$0xFFFFFF00] =	vst v11;
	v11 =	vld [tilespmem:s26+$0xFFFFFFB0];
	v16 =	vmul.f32 v18, v7;
	v8 =	vadd.f32 v9, v8  }
0x240: {  	v9 =	vld [tilespmem:s24+$0xFFFFFF10]  }
0x241: {  	v18 =	vld [tilespmem:$0x7350];
	v10 =	vadd.f32 v14, v10;
	v13 =	vadd.f32 v16, v13;
	v8 =	vmax.f32 v8, $0.0e+00  }
0x242: {  	v14 =	vmul.f32 v19, v3;
	[tilespmem:s26+$0xC0] =	vst v8;
	v8 =	vld [tilespmem:s26+$0xD0]  }
0x243: {  	v13 =	vmax.f32 v13, $0.0e+00;
	v16 =	vld [tilespmem:s24+$0xD0]  }
0x244: {  	v10 =	vadd.f32 v14, v10;
	[tilespmem:s26+$0x20] =	vst v13;
	v13 =	vld [tilespmem:$0x7360]  }
0x245: {  	v9 =	vadd.f32 v9, v15;
	v14 =	vld [tilespmem:s24+$0x30]  }
0x246: {  	v15 =	vmul.f32 v18, v4;
	v10 =	vmax.f32 v10, $0.0e+00;
	v18 =	vld [tilespmem:$0x7350]  }
0x247: {  	[tilespmem:s26+$0xFFFFFFA0] =	vst v10;
	v10 =	vld [tilespmem:s26+$0x40]  }
0x248: {  	v9 =	vadd.f32 v15, v9;
	v15 =	vld [tilespmem:s24+$0xFFFFFFB0]  }
0x249: {  	v8 =	vadd.f32 v16, v8;
	v19 =	vld [tilespmem:$0x7360];
	v13 =	vmul.f32 v13, v6  }
0x24a: {  	v9 =	vmax.f32 v9, $0.0e+00;
	v16 =	vld [tilespmem:s26+$0xFFFFFF30];
	v12 =	vadd.f32 v14, v12  }
0x24b: {  	[tilespmem:s26+$0xFFFFFF10] =	vst v9;
	v9 =	vld [tilespmem:s26+$0xFFFFFFC0];
	v14 =	vmul.f32 v18, v7;
	v8 =	vadd.f32 v13, v8  }
0x24c: {  	v13 =	vld [tilespmem:s24+$0xFFFFFF20]  }
0x24d: {  	v18 =	vld [tilespmem:$0x7360];
	v11 =	vadd.f32 v15, v11;
	v12 =	vadd.f32 v14, v12;
	v8 =	vmax.f32 v8, $0.0e+00  }
0x24e: {  	v14 =	vmul.f32 v19, v3;
	[tilespmem:s26+$0xD0] =	vst v8;
	v8 =	vld [tilespmem:s26+$0xE0]  }
0x24f: {  	v12 =	vmax.f32 v12, $0.0e+00;
	v15 =	vld [tilespmem:s24+$0xE0]  }
0x250: {  	v11 =	vadd.f32 v14, v11;
	[tilespmem:s26+$0x30] =	vst v12;
	v12 =	vld [tilespmem:$0x7370]  }
0x251: {  	v13 =	vadd.f32 v13, v17;
	v14 =	vld [tilespmem:s24+$0x40]  }
0x252: {  	v17 =	vmul.f32 v18, v4;
	v11 =	vmax.f32 v11, $0.0e+00;
	v18 =	vld [tilespmem:$0x7360]  }
0x253: {  	[tilespmem:s26+$0xFFFFFFB0] =	vst v11;
	v11 =	vld [tilespmem:s26+$0x50]  }
0x254: {  	v13 =	vadd.f32 v17, v13;
	v17 =	vld [tilespmem:s24+$0xFFFFFFC0]  }
0x255: {  	v8 =	vadd.f32 v15, v8;
	v19 =	vld [tilespmem:$0x7370];
	v12 =	vmul.f32 v12, v6  }
0x256: {  	v13 =	vmax.f32 v13, $0.0e+00;
	v15 =	vld [tilespmem:s26+$0xFFFFFF40];
	v10 =	vadd.f32 v14, v10  }
0x257: {  	[tilespmem:s26+$0xFFFFFF20] =	vst v13;
	v13 =	vld [tilespmem:s26+$0xFFFFFFD0];
	v14 =	vmul.f32 v18, v7;
	v8 =	vadd.f32 v12, v8  }
0x258: {  	v12 =	vld [tilespmem:s24+$0xFFFFFF30]  }
0x259: {  	v18 =	vld [tilespmem:$0x7370];
	v9 =	vadd.f32 v17, v9;
	v10 =	vadd.f32 v14, v10;
	v8 =	vmax.f32 v8, $0.0e+00  }
0x25a: {  	v14 =	vmul.f32 v19, v3;
	[tilespmem:s26+$0xE0] =	vst v8;
	v8 =	vld [tilespmem:s26+$0xF0]  }
0x25b: {  	v10 =	vmax.f32 v10, $0.0e+00;
	v17 =	vld [tilespmem:s24+$0xF0]  }
0x25c: {  	v9 =	vadd.f32 v14, v9;
	[tilespmem:s26+$0x40] =	vst v10;
	v10 =	vld [tilespmem:$0x7380]  }
0x25d: {  	v12 =	vadd.f32 v12, v16;
	v14 =	vld [tilespmem:s24+$0x50]  }
0x25e: {  	v16 =	vmul.f32 v18, v4;
	v9 =	vmax.f32 v9, $0.0e+00;
	v18 =	vld [tilespmem:$0x7370]  }
0x25f: {  	[tilespmem:s26+$0xFFFFFFC0] =	vst v9;
	v9 =	vld [tilespmem:s26+$0x60]  }
0x260: {  	v12 =	vadd.f32 v16, v12;
	v16 =	vld [tilespmem:s24+$0xFFFFFFD0]  }
0x261: {  	v8 =	vadd.f32 v17, v8;
	v19 =	vld [tilespmem:$0x7380];
	v10 =	vmul.f32 v10, v6  }
0x262: {  	v12 =	vmax.f32 v12, $0.0e+00;
	v17 =	vld [tilespmem:s26+$0xFFFFFF50];
	v11 =	vadd.f32 v14, v11  }
0x263: {  	[tilespmem:s26+$0xFFFFFF30] =	vst v12;
	v12 =	vld [tilespmem:s26+$0xFFFFFFE0];
	v14 =	vmul.f32 v18, v7;
	v8 =	vadd.f32 v10, v8  }
0x264: {  	v10 =	vld [tilespmem:s24+$0xFFFFFF40]  }
0x265: {  	v18 =	vld [tilespmem:$0x7380];
	v13 =	vadd.f32 v16, v13;
	v11 =	vadd.f32 v14, v11;
	v8 =	vmax.f32 v8, $0.0e+00  }
0x266: {  	v14 =	vmul.f32 v19, v3;
	[tilespmem:s26+$0xF0] =	vst v8;
	v8 =	vld [tilespmem:s26+$0x100]  }
0x267: {  	v11 =	vmax.f32 v11, $0.0e+00;
	v16 =	vld [tilespmem:s24+$0x100]  }
0x268: {  	v13 =	vadd.f32 v14, v13;
	[tilespmem:s26+$0x50] =	vst v11;
	v11 =	vld [tilespmem:$0x7390]  }
0x269: {  	v10 =	vadd.f32 v10, v15;
	v14 =	vld [tilespmem:s24+$0x60]  }
0x26a: {  	v15 =	vmul.f32 v18, v4;
	v13 =	vmax.f32 v13, $0.0e+00;
	v18 =	vld [tilespmem:$0x7380]  }
0x26b: {  	[tilespmem:s26+$0xFFFFFFD0] =	vst v13;
	v13 =	vld [tilespmem:s26+$0x70]  }
0x26c: {  	v10 =	vadd.f32 v15, v10;
	v15 =	vld [tilespmem:s24+$0xFFFFFFE0]  }
0x26d: {  	v8 =	vadd.f32 v16, v8;
	v19 =	vld [tilespmem:$0x7390];
	v11 =	vmul.f32 v11, v6  }
0x26e: {  	v10 =	vmax.f32 v10, $0.0e+00;
	v9 =	vadd.f32 v14, v9;
	v14 =	vld [tilespmem:s12+$0x80];
	s12 =	smov.u32 s24  }
0x26f: {  	[tilespmem:s26+$0xFFFFFF40] =	vst v10;
	v10 =	vmul.f32 v18, v7;
	v8 =	vadd.f32 v11, v8;
	v11 =	vld [tilespmem:$0x73A0]  }
0x270: {  	v16 =	vld [tilespmem:s24+$0xFFFFFF50]  }
0x271: {  	v18 =	vld [tilespmem:$0x7390];
	v12 =	vadd.f32 v15, v12;
	v9 =	vadd.f32 v10, v9;
	v8 =	vmax.f32 v8, $0.0e+00  }
0x272: {  	v10 =	vmul.f32 v19, v3;
	[tilespmem:s26+$0x100] =	vst v8;
	v15 =	vld [tilespmem:s26+$0x110]  }
0x273: {  	v8 =	vmax.f32 v9, $0.0e+00;
	v19 =	vld [tilespmem:s24+$0x110];
	v5 =	vadd.f32 v14, v5  }
0x274: {  	v9 =	vadd.f32 v10, v12;
	[tilespmem:s26+$0x60] =	vst v8;
	v10 =	vld [tilespmem:$0x73A0];
	v8 =	vmul.f32 v11, v2;
	v2 =	vmov v7  }
0x275: {  	v11 =	vadd.f32 v16, v17;
	v12 =	vld [tilespmem:s24+$0x70]  }
0x276: {  	v14 =	vmul.f32 v18, v4;
	v9 =	vmax.f32 v9, $0.0e+00;
	v16 =	vld [tilespmem:$0x7390];
	v5 =	vadd.f32 v8, v5  }
0x277: {  	v7 =	vld [tilespmem:s26+$0xFFFFFF60];
	[tilespmem:s26+$0xFFFFFFE0] =	vst v9  }
0x278: {  	v11 =	vadd.f32 v14, v11;
	v8 =	vld [tilespmem:s24+$0xFFFFFFF0];
	v5 =	vmax.f32 v5, $0.0e+00  }
.Ltmp2:
0x279: {  	v14 =	vadd.f32 v19, v15;
	v9 =	vld [tilespmem:$0x73A0];
	v6 =	vmul.f32 v10, v6;
	[tilespmem:s29+$0x80] =	vst v5;
	s29 =	smov.u32 s26;
	(pc) =	sbr.rel @p0 .LBB2_7-.Ltmp2, $4  }
0x27a: {  	v5 =	vmax.f32 v11, $0.0e+00;
	v10 =	vld [tilespmem:s26+$0xFFFFFFF0];
	v13 =	vadd.f32 v12, v13  }
0x27b: {  	[tilespmem:s26+$0xFFFFFF50] =	vst v5;
	v15 =	vmul.f32 v16, v2;
	v5 =	vld [tilespmem:s26+$0x80];
	v6 =	vadd.f32 v6, v14  }
0x27c: {  	v12 =	vld [tilespmem:s24+$0xFFFFFF60]  }
0x27d: {  	v11 =	vld [tilespmem:$0x73A0];
	v13 =	vadd.f32 v15, v13;
	v6 =	vmax.f32 v6, $0.0e+00  }
0x27e: {  	_ = 	snop  }
0x27f: {  	v13 =	vmax.f32 v13, $0.0e+00  }
0x280: {  	[tilespmem:s29+$0x70] =	vst v13  }
0x281: {  	v13 =	vld [tilespmem:s12+$0x80]  }
0x282: {  	v14 =	vld [tilespmem:$0x73A0];
	_ =	sdelay $0x2  }
0x283: {  	v3 =	vmul.f32 v9, v3;
	v8 =	vadd.f32 v8, v10  }
0x284: {  	v7 =	vadd.f32 v12, v7;
	v4 =	vmul.f32 v11, v4  }
0x285: {  	v3 =	vadd.f32 v3, v8;
	v5 =	vadd.f32 v13, v5;
	v2 =	vmul.f32 v14, v2  }
0x286: {  	v4 =	vadd.f32 v4, v7  }
0x287: {  	[tilespmem:s26+$0x110] =	vst v6;
	v3 =	vmax.f32 v3, $0.0e+00;
	v2 =	vadd.f32 v2, v5  }
0x288: {  	s25 =	sadd.s32 $0x1, s25;
	[tilespmem:s29+$0xFFFFFFF0] =	vst v3;
	v3 =	vmax.f32 v4, $0.0e+00  }
0x289: {  	p0 =	sne.s32 s25, $0x6A;
	[tilespmem:s29+$0xFFFFFF60] =	vst v3;
	v2 =	vmax.f32 v2, $0.0e+00  }
.Ltmp3:
0x28a: {  	[tilespmem:s29+$0x80] =	vst v2;
	(pc) =	sbr.rel @p0 .LBB2_4-.Ltmp3, $4  }
0x28b: {  	[spmem:s1] =	stream.indirect.scatter.add.f32 [tilespmem:s16], [sflag:$0x7], $0x90, s13, s9, $0xb8;
	[tilespmem:$0x1DBB0] =	vst v63  }
0x28c: {  	_ =	swait.ge [sflag:s30], $0x1B00  }
0x28d: {  	[sflag:s30] =	ssyncset.done $0x0  }
0x28e: {  	[sflag:s30] =	ssyncadd.s32 $0xFFFFE500  }
0x28f: {  	s10 =	stileid.u32;
	[bflag:$0x0] =	sbarrier.arrive $0xFFFF  }
0x290: {  	s10 =	sshll.u32 s10, $0x6;
	s12 =	rddreg [dreg:$0x4]  }
0x291: {  	s24 =	rddreg [dreg:$0x12];
	s10 =	sor.u32 $0x1C07, s10;
	s11 =	sshrl.u32 s12, $0x3  }
0x292: {  	[hbm:s24], [sflag:s10] =	dma.local [spmem:s11], $0x2D00  }
0x293: {  	_ =	swait.ge [sflag:s30], $0x2D00  }
0x294: {  	s26 =	rddreg [dreg:$0x14]  }
0x295: {  	s29 =	rddreg [dreg:$0x13];
	s11 =	sadd.s32 $0x1, s26  }
0x296: {  	p0 =	sne.s32 s11, s29  }
.Ltmp4:
0x297: {  	_ = 	snop;
	(pc) =	sbr.rel @p0 .LBB2_1-.Ltmp4, $3  }
0x298: {  	_ =	sdelay $0x1  }
0x299: {  	[sflag:s30] =	ssyncset.done $0x0  }
0x29a: {  	[sflag:s30] =	ssyncadd.s32 $0xFFFFD300  }
0x29b: {  	_ =	sfence.sel $0x180000  }
0x29c: {  	[bflag:$0x0] =	sbarrier.arrive $0xFFFF  }
0x29d: {  	_ =	strace $0x9000004A  }
0x29e: {  	s0 =	stileid.u32;
	[bflag:$0x2] =	sbarrier.arrive $0xFFFF  }
0x29f: {  	p0 =	sne.s32 s0, $0x0;
	s0 =	rddreg [dreg:$0x2]  }
0x2a0: {  	s0 =	sadd.s32 @!p0 $0x100000, s0  }
0x2a1: {  	[sflag:s0] =	ssyncadd.tile.s32 @!p0 $0x1;
	_ =	shalt  }
.Lfunc_end2:
_tile_overlayer_lowered:
.L_overlay_start_2:
0x2a2: {  	(tag) =	ssettag $0x2  }
0x2a3: {  	s0 =	rddreg [dreg:$0x0];
	s2 =	stileid.u32  }
0x2a4: {  	s1 =	rddreg [dreg:$0x1];
	p0 =	sne.s32 s2, $0x0  }
0x2a5: {  	s3 =	rddreg [dreg:$0x2];
	[bflag:$0x3] =	sbarrier.arrive $0xFFFF;
	s2 =	simm.s32 @!p0 $0x1C07  }
0x2a6: {  	[timem:s3], [sflag:s2] =	dma.local @!p0 [hbm:s0], s1  }
0x2a7: {  	s0 =	simm.s32 @!p0 $0x7  }
0x2a8: {  	_ =	swait.ge @!p0 [sflag:s0], s1  }
0x2a9: {  	s1 =	ssub.s32 @!p0 $0x0, s1;
	[sflag:s0] =	ssyncset.done @!p0 $0x0  }
0x2aa: {  	[sflag:s0] =	ssyncadd.s32 @!p0 s1  }
0x2ab: {  	[bflag:$0x3] =	sbarrier.arrive $0xFFFF  }
0x2ac: {  	_ =	shalt  }

</sc_bundles>
